<compile_context>
chip_gen: v7x
topology: tpu7x:2x2x1
jax: 0.10.2.dev20260603
libtpu: 0.0.44.dev20260713+nightly
codegen_flags: <defaults>
</compile_context>

<pallas_src>
import functools

import jax
import jax.numpy as jnp
from jax import lax
from jax.experimental import pallas as pl
from jax.experimental.pallas import tpu as pltpu
from jax.experimental.pallas import tpu_sc as plsc

NC, NS, L = 2, 16, 16
NW = NC * NS
N = 10000
NPAD = 10240
SLICE = NPAD // NS
E = 320000
EPT = 10240
EP = NW * EPT
D = 128
CH = 64
NB = 40
NBLK = EPT // (NB * CH)
NBUF = 4

_mesh = plsc.VectorSubcoreMesh(core_axis_name="c", subcore_axis_name="s")


@functools.partial(
    pl.kernel,
    out_type=jax.ShapeDtypeStruct((NC, NPAD), jnp.float32),
    mesh=_mesh,
    scratch_types=[
        pltpu.VMEM((NB, CH), jnp.int32),
        pltpu.VMEM((NB, CH), jnp.int32),
        pltpu.VMEM((CH,), jnp.float32),
        pltpu.VMEM_SHARED((NPAD,), jnp.float32),
        pltpu.SemaphoreType.DMA,
        pltpu.SemaphoreType.DMA,
    ],
)
def _degree_kernel(dst_hbm, deg_out, dst_b0, dst_b1, ones_v, deg_sp,
                   sem0, sem1):
    c = lax.axis_index("c")
    s = lax.axis_index("s")
    wid = c * NS + s

    def fill(i, val):
        ones_v[pl.ds(i * L, L)] = jnp.full((L,), val, jnp.float32)
        return val
    lax.fori_loop(0, CH // L, fill, 0.0)
    for k in range(SLICE // CH):
        pltpu.sync_copy(ones_v, deg_sp.at[pl.ds(s * SLICE + k * CH, CH)])
    plsc.subcore_barrier()
    lax.fori_loop(0, CH // L, fill, 1.0)

    bufs = (dst_b0, dst_b1)
    sems = (sem0, sem1)

    def fire(buf, sem):
        def one(i, _):
            pltpu.async_copy(ones_v, deg_sp.at[buf.at[i]], sem, add=True)
            return 0
        lax.fori_loop(0, NB, one, 0)

    def drain(buf, sem):
        def one(i, _):
            pltpu.make_async_copy(ones_v, deg_sp.at[buf.at[0]], sem).wait()
            return 0
        lax.fori_loop(0, NB, one, 0)

    for blk in range(NBLK):
        p = blk % 2
        if blk >= 2:
            drain(bufs[p], sems[p])
        pltpu.sync_copy(dst_hbm.at[wid, blk], bufs[p])
        fire(bufs[p], sems[p])
    for blk in range(NBLK - 2, NBLK):
        p = blk % 2
        drain(bufs[p], sems[p])

    plsc.subcore_barrier()
    pltpu.sync_copy(deg_sp.at[pl.ds(s * SLICE, SLICE)],
                    deg_out.at[c, pl.ds(s * SLICE, SLICE)])


@functools.partial(
    pl.kernel,
    out_type=jax.ShapeDtypeStruct((NC, NPAD, D), jnp.float32),
    mesh=_mesh,
    scratch_types=[
        pltpu.VMEM((NB, CH), jnp.int32),
        pltpu.VMEM((NB, CH), jnp.int32),
        pltpu.VMEM((CH, D), jnp.float32),
        pltpu.VMEM((CH, D), jnp.float32),
        pltpu.VMEM((CH, D), jnp.float32),
        pltpu.VMEM((CH, D), jnp.float32),
        pltpu.VMEM_SHARED((NPAD, D), jnp.float32),
        pltpu.SemaphoreType.DMA,
        pltpu.SemaphoreType.DMA,
        pltpu.SemaphoreType.DMA,
        pltpu.SemaphoreType.DMA,
        pltpu.SemaphoreType.DMA,
        pltpu.SemaphoreType.DMA,
        pltpu.SemaphoreType.DMA,
        pltpu.SemaphoreType.DMA,
    ],
)
def _scatter_kernel(src_hbm, dst_hbm, xs_hbm, s_out,
                    src_blk, dst_blk, r0, r1, r2, r3, agg_sp,
                    g0, g1, g2, g3, s0, s1, s2, s3):
    c = lax.axis_index("c")
    s = lax.axis_index("s")
    wid = c * NS + s
    rows = (r0, r1, r2, r3)
    gsem = (g0, g1, g2, g3)
    ssem = (s0, s1, s2, s3)

    def zr(r, _):
        for j in range(D // L):
            r0[r, pl.ds(j * L, L)] = jnp.zeros((L,), jnp.float32)
        return 0
    lax.fori_loop(0, CH, zr, 0)
    for k in range(SLICE // CH):
        pltpu.sync_copy(r0, agg_sp.at[pl.ds(s * SLICE + k * CH, CH)])
    plsc.subcore_barrier()

    def gstart(i, k):
        pltpu.async_copy(xs_hbm.at[src_blk.at[i]], rows[k], gsem[k])

    def gwait(k):
        pltpu.make_async_copy(xs_hbm.at[src_blk.at[0]], rows[k],
                              gsem[k]).wait()

    def sstart(i, k):
        pltpu.async_copy(rows[k], agg_sp.at[dst_blk.at[i]], ssem[k],
                         add=True)

    def swait(k):
        pltpu.make_async_copy(rows[k], agg_sp.at[dst_blk.at[0]],
                              ssem[k]).wait()

    for blk in range(NBLK):
        pltpu.sync_copy(src_hbm.at[wid, blk], src_blk)
        pltpu.sync_copy(dst_hbm.at[wid, blk], dst_blk)
        for k in range(NBUF):
            gstart(k, k)

        def quad(j, _):
            for k in range(NBUF):
                i = NBUF * j + k
                gwait(k)
                sstart(i, k)
                swait(k)
                gstart(i + NBUF, k)
            return 0
        lax.fori_loop(0, (NB - NBUF) // NBUF, quad, 0)

        for k in range(NBUF):
            gwait(k)
            sstart(NB - NBUF + k, k)
        for k in range(NBUF):
            swait(k)

    plsc.subcore_barrier()
    pltpu.sync_copy(agg_sp.at[pl.ds(s * SLICE, SLICE)],
                    s_out.at[c, pl.ds(s * SLICE, SLICE)])


def _prescale_body(deg_ref, x_ref, adj_ref, xs_ref, dis_ref):
    deg = deg_ref[0] + deg_ref[1] + 1.0 + adj_ref[0, 0]
    dis = lax.rsqrt(deg)
    dis_ref[...] = dis
    xs_ref[...] = x_ref[...] * dis


def _prescale(deg2, x, adj):
    pb = 2000
    return pl.pallas_call(
        _prescale_body,
        grid=(N // pb,),
        in_specs=[
            pl.BlockSpec((NC, pb, 1), lambda i: (0, i, 0)),
            pl.BlockSpec((pb, D), lambda i: (i, 0)),
            pl.BlockSpec((1, 1), lambda i: (0, 0)),
        ],
        out_specs=[
            pl.BlockSpec((pb, D), lambda i: (i, 0)),
            pl.BlockSpec((pb, 1), lambda i: (i, 0)),
        ],
        out_shape=[
            jax.ShapeDtypeStruct((N, D), jnp.float32),
            jax.ShapeDtypeStruct((N, 1), jnp.float32),
        ],
    )(deg2, x, adj)


def _combine_body(s_ref, xs_ref, dis_ref, wt_ref, out_ref):
    agg = s_ref[0] + s_ref[1] + xs_ref[...]
    a = agg * dis_ref[...]
    out_ref[...] = jnp.dot(a, wt_ref[...], preferred_element_type=jnp.float32)


def _combine(s2, xs, dis, wt):
    rb = 5000
    grid = N // rb
    return pl.pallas_call(
        _combine_body,
        grid=(grid,),
        in_specs=[
            pl.BlockSpec((NC, rb, D), lambda i: (0, i, 0)),
            pl.BlockSpec((rb, D), lambda i: (i, 0)),
            pl.BlockSpec((rb, 1), lambda i: (i, 0)),
            pl.BlockSpec((D, D), lambda i: (0, 0)),
        ],
        out_specs=pl.BlockSpec((rb, D), lambda i: (i, 0)),
        out_shape=jax.ShapeDtypeStruct((N, D), jnp.float32),
    )(s2, xs, dis, wt)


def kernel(x, edge_index, num_nodes, W):
    pad = jnp.arange(EP - E, dtype=jnp.int32)
    srcp = jnp.concatenate([edge_index[0].astype(jnp.int32), pad % N])
    dstp = jnp.concatenate(
        [edge_index[1].astype(jnp.int32), N + pad % (NPAD - N)])
    src4 = srcp.reshape(NW, NBLK, NB, CH)
    dst4 = dstp.reshape(NW, NBLK, NB, CH)
    adj = (jnp.asarray(num_nodes, jnp.float32) - x.shape[0]).reshape(1, 1)

    deg_p = _degree_kernel(dst4)
    xs, dis = _prescale(deg_p.reshape(NC, NPAD, 1), x, adj)
    s_p = _scatter_kernel(src4, dst4, xs)
    return _combine(s_p, xs, dis, W.T)

# --- scband reference (transcript-rebuilt; emitter-appended) ---
"""Pipeline reference for scband-gcnlayer-31473520345935 (READ-ONLY COPY).

The authoritative reference and input builder live on the scoring server;
editing this copy changes nothing except your own understanding.
"""

import jax, jax.numpy as jnp
import numpy as np

NUM_NODES = 10000
NUM_EDGES = 320000
D_IN = 128
D_OUT = 128


def setup_inputs(seed: int = 0) -> dict:
    key = jax.random.key(seed)
    k1, k2, k3 = jax.random.split(key, 3)
    x = jax.random.normal(k1, (NUM_NODES, D_IN), dtype=jnp.float32)
    edge_index = jax.random.randint(k2, (2, NUM_EDGES), 0, NUM_NODES, dtype=jnp.int64)
    # Linear weight (out_features, in_features), Kaiming-uniform-like init
    bound = 1.0 / np.sqrt(D_IN)
    W = jax.random.uniform(k3, (D_OUT, D_IN), dtype=jnp.float32, minval=-bound, maxval=bound)
    return {"x": x, "edge_index": edge_index, "num_nodes": NUM_NODES, "W": W}


def reference(x, edge_index, num_nodes, W):
    src = edge_index[0]
    dst = edge_index[1]
    n = x.shape[0]
    num_nodes_residual = (jnp.asarray(num_nodes) - n).astype(x.dtype)
    # in-degree + self loop
    deg = jnp.zeros((n,), dtype=x.dtype).at[dst].add(jnp.ones((dst.shape[0],), dtype=x.dtype))
    deg = deg + 1.0 + num_nodes_residual
    deg_inv_sqrt = jnp.power(deg, -0.5)
    # gather source features, scale by deg_inv_sqrt[src]
    src_feat = x[src] * deg_inv_sqrt[src][:, None]
    # scatter-add into destination nodes
    agg = jnp.zeros_like(x).at[dst].add(src_feat)
    # self-loop contribution and destination-side normalization
    agg = agg + x * deg_inv_sqrt[:, None]
    agg = agg * deg_inv_sqrt[:, None]
    # linear (no bias): agg @ W.T
    return agg @ W.T

if __name__ == "__main__":
    import jax
    _d = setup_inputs()
    print(jax.jit(kernel)(*tuple(_d.values())))

</pallas_src>

<mosaic_0001>
#map = affine_map<(d0, d1) -> (0, 0, 0, 0)>
#map1 = affine_map<(d0, d1) -> (0, 0)>
module attributes {stable_mosaic.version = 14 : i64} {
  func.func @_degree_kernel(%arg0: i32, %arg1: i32, %arg2: memref<32x4x40x64xi32, #tpu.memory_space<hbm>>, %arg3: memref<2x10240xf32, #tpu.memory_space<hbm>>, %arg4: memref<40x64xi32, #tpu.memory_space<vmem>>, %arg5: memref<40x64xi32, #tpu.memory_space<vmem>>, %arg6: memref<64xf32, #tpu.memory_space<vmem>>, %arg7: memref<10240xf32, #tpu.memory_space<vmem_shared>>, %arg8: memref<!tpu.dma_semaphore, #tpu.memory_space<semaphore_mem>>, %arg9: memref<!tpu.dma_semaphore, #tpu.memory_space<semaphore_mem>>) attributes {dimension_semantics = [#tpu.dimension_semantics<core_parallel>, #tpu.dimension_semantics<subcore_parallel>], iteration_bounds = array<i64: 2, 16>, scalar_prefetch = 0 : i64, scratch_operands = 6 : i64, tpu.core_type = #tpu.core_type<sc_vector_subcore>, window_params = [{transform_indices = #map}, {transform_indices = #map1}]} {
    %mul3A = arith.constant 16 : i32
    %mul3A_0 = arith.muli %arg0, %mul3A : i32
    %add3A = arith.addi %mul3A_0, %arg1 : i32
    %scan3A = arith.constant 0.000000e+00 : f32
    %scan3A_1 = arith.constant 0 : i32
    %scan3A_2 = arith.constant 4 : i32
    %scan3A_3 = arith.addi %scan3A_1, %scan3A_2 : i32
    %scan3A_4 = arith.constant 1 : i32
    scf.for %scan3A_116 = %scan3A_1 to %scan3A_3 step %scan3A_4  : i32 {
      %broadcast_in_dim3A = vector.broadcast %scan3A : f32 to vector<16xf32>
      %mul3A_117 = arith.constant 16 : i32
      %mul3A_118 = arith.muli %scan3A_116, %mul3A_117 : i32
      %swap3A = arith.index_cast %mul3A_118 : i32 to index
      %swap3A_119 = tpu.vector_load %arg6[%swap3A] {strides = array<i32>} : memref<64xf32, #tpu.memory_space<vmem>>, vector<16xf32>,
      %swap3A_120 = vector.shape_cast %swap3A_119 : vector<16xf32> to vector<16xf32>
      %swap3A_121 = vector.shape_cast %broadcast_in_dim3A : vector<16xf32> to vector<16xf32>
      tpu.vector_store %arg6[%swap3A], %swap3A_121 {strides = array<i32>} : memref<64xf32, #tpu.memory_space<vmem>>, vector<16xf32>,
    }
    %scan3A_5 = arith.constant 4 : i32
    %mul3A_6 = arith.constant 640 : i32
    %mul3A_7 = arith.muli %arg1, %mul3A_6 : i32
    %add3A_8 = arith.constant 0 : i32
    %add3A_9 = arith.addi %mul3A_7, %add3A_8 : i32
    "tpu.region"() ({
      %run_scoped3A_116 = tpu.sem_alloc : memref<!tpu.dma_semaphore, #tpu.memory_space<semaphore_mem>>
      %dma_start3A = tpu.memref_slice %arg7[%add3A_9] : memref<10240xf32, #tpu.memory_space<vmem_shared>> -> memref<64xf32, #tpu.memory_space<vmem_shared>>
      %dma_start3A_117 = tpu.memref_slice %arg7[%add3A_9] : memref<10240xf32, #tpu.memory_space<vmem_shared>> -> memref<64xf32, #tpu.memory_space<vmem_shared>>
      tpu.enqueue_dma source(%arg6 : memref<64xf32, #tpu.memory_space<vmem>>) target(%dma_start3A_117 : memref<64xf32, #tpu.memory_space<vmem_shared>>) target_semaphore(%run_scoped3A_116 : memref<!tpu.dma_semaphore, #tpu.memory_space<semaphore_mem>>)
      %dma_wait3A = tpu.memref_slice %arg7[%add3A_9] : memref<10240xf32, #tpu.memory_space<vmem_shared>> -> memref<64xf32, #tpu.memory_space<vmem_shared>>
      %dma_wait3A_118 = tpu.memref_slice %arg7[%add3A_9] : memref<10240xf32, #tpu.memory_space<vmem_shared>> -> memref<64xf32, #tpu.memory_space<vmem_shared>>
      tpu.wait_dma2 semaphore(%run_scoped3A_116 : memref<!tpu.dma_semaphore, #tpu.memory_space<semaphore_mem>>) src(%arg6 : memref<64xf32, #tpu.memory_space<vmem>>) dst(%dma_wait3A_118 : memref<64xf32, #tpu.memory_space<vmem_shared>>)
      tpu.yield
    }) : () -> ()
    %mul3A_10 = arith.constant 640 : i32
    %mul3A_11 = arith.muli %arg1, %mul3A_10 : i32
    %add3A_12 = arith.constant 64 : i32
    %add3A_13 = arith.addi %mul3A_11, %add3A_12 : i32
    "tpu.region"() ({
      %run_scoped3A_116 = tpu.sem_alloc : memref<!tpu.dma_semaphore, #tpu.memory_space<semaphore_mem>>
      %dma_start3A = tpu.memref_slice %arg7[%add3A_13] : memref<10240xf32, #tpu.memory_space<vmem_shared>> -> memref<64xf32, #tpu.memory_space<vmem_shared>>
      %dma_start3A_117 = tpu.memref_slice %arg7[%add3A_13] : memref<10240xf32, #tpu.memory_space<vmem_shared>> -> memref<64xf32, #tpu.memory_space<vmem_shared>>
      tpu.enqueue_dma source(%arg6 : memref<64xf32, #tpu.memory_space<vmem>>) target(%dma_start3A_117 : memref<64xf32, #tpu.memory_space<vmem_shared>>) target_semaphore(%run_scoped3A_116 : memref<!tpu.dma_semaphore, #tpu.memory_space<semaphore_mem>>)
      %dma_wait3A = tpu.memref_slice %arg7[%add3A_13] : memref<10240xf32, #tpu.memory_space<vmem_shared>> -> memref<64xf32, #tpu.memory_space<vmem_shared>>
      %dma_wait3A_118 = tpu.memref_slice %arg7[%add3A_13] : memref<10240xf32, #tpu.memory_space<vmem_shared>> -> memref<64xf32, #tpu.memory_space<vmem_shared>>
      tpu.wait_dma2 semaphore(%run_scoped3A_116 : memref<!tpu.dma_semaphore, #tpu.memory_space<semaphore_mem>>) src(%arg6 : memref<64xf32, #tpu.memory_space<vmem>>) dst(%dma_wait3A_118 : memref<64xf32, #tpu.memory_space<vmem_shared>>)
      tpu.yield
    }) : () -> ()
    %mul3A_14 = arith.constant 640 : i32
    %mul3A_15 = arith.muli %arg1, %mul3A_14 : i32
    %add3A_16 = arith.constant 128 : i32
    %add3A_17 = arith.addi %mul3A_15, %add3A_16 : i32
    "tpu.region"() ({
      %run_scoped3A_116 = tpu.sem_alloc : memref<!tpu.dma_semaphore, #tpu.memory_space<semaphore_mem>>
      %dma_start3A = tpu.memref_slice %arg7[%add3A_17] : memref<10240xf32, #tpu.memory_space<vmem_shared>> -> memref<64xf32, #tpu.memory_space<vmem_shared>>
      %dma_start3A_117 = tpu.memref_slice %arg7[%add3A_17] : memref<10240xf32, #tpu.memory_space<vmem_shared>> -> memref<64xf32, #tpu.memory_space<vmem_shared>>
      tpu.enqueue_dma source(%arg6 : memref<64xf32, #tpu.memory_space<vmem>>) target(%dma_start3A_117 : memref<64xf32, #tpu.memory_space<vmem_shared>>) target_semaphore(%run_scoped3A_116 : memref<!tpu.dma_semaphore, #tpu.memory_space<semaphore_mem>>)
      %dma_wait3A = tpu.memref_slice %arg7[%add3A_17] : memref<10240xf32, #tpu.memory_space<vmem_shared>> -> memref<64xf32, #tpu.memory_space<vmem_shared>>
      %dma_wait3A_118 = tpu.memref_slice %arg7[%add3A_17] : memref<10240xf32, #tpu.memory_space<vmem_shared>> -> memref<64xf32, #tpu.memory_space<vmem_shared>>
      tpu.wait_dma2 semaphore(%run_scoped3A_116 : memref<!tpu.dma_semaphore, #tpu.memory_space<semaphore_mem>>) src(%arg6 : memref<64xf32, #tpu.memory_space<vmem>>) dst(%dma_wait3A_118 : memref<64xf32, #tpu.memory_space<vmem_shared>>)
      tpu.yield
    }) : () -> ()
    %mul3A_18 = arith.constant 640 : i32
    %mul3A_19 = arith.muli %arg1, %mul3A_18 : i32
    %add3A_20 = arith.constant 192 : i32
    %add3A_21 = arith.addi %mul3A_19, %add3A_20 : i32
    "tpu.region"() ({
      %run_scoped3A_116 = tpu.sem_alloc : memref<!tpu.dma_semaphore, #tpu.memory_space<semaphore_mem>>
      %dma_start3A = tpu.memref_slice %arg7[%add3A_21] : memref<10240xf32, #tpu.memory_space<vmem_shared>> -> memref<64xf32, #tpu.memory_space<vmem_shared>>
      %dma_start3A_117 = tpu.memref_slice %arg7[%add3A_21] : memref<10240xf32, #tpu.memory_space<vmem_shared>> -> memref<64xf32, #tpu.memory_space<vmem_shared>>
      tpu.enqueue_dma source(%arg6 : memref<64xf32, #tpu.memory_space<vmem>>) target(%dma_start3A_117 : memref<64xf32, #tpu.memory_space<vmem_shared>>) target_semaphore(%run_scoped3A_116 : memref<!tpu.dma_semaphore, #tpu.memory_space<semaphore_mem>>)
      %dma_wait3A = tpu.memref_slice %arg7[%add3A_21] : memref<10240xf32, #tpu.memory_space<vmem_shared>> -> memref<64xf32, #tpu.memory_space<vmem_shared>>
      %dma_wait3A_118 = tpu.memref_slice %arg7[%add3A_21] : memref<10240xf32, #tpu.memory_space<vmem_shared>> -> memref<64xf32, #tpu.memory_space<vmem_shared>>
      tpu.wait_dma2 semaphore(%run_scoped3A_116 : memref<!tpu.dma_semaphore, #tpu.memory_space<semaphore_mem>>) src(%arg6 : memref<64xf32, #tpu.memory_space<vmem>>) dst(%dma_wait3A_118 : memref<64xf32, #tpu.memory_space<vmem_shared>>)
      tpu.yield
    }) : () -> ()
    %mul3A_22 = arith.constant 640 : i32
    %mul3A_23 = arith.muli %arg1, %mul3A_22 : i32
    %add3A_24 = arith.constant 256 : i32
    %add3A_25 = arith.addi %mul3A_23, %add3A_24 : i32
    "tpu.region"() ({
      %run_scoped3A_116 = tpu.sem_alloc : memref<!tpu.dma_semaphore, #tpu.memory_space<semaphore_mem>>
      %dma_start3A = tpu.memref_slice %arg7[%add3A_25] : memref<10240xf32, #tpu.memory_space<vmem_shared>> -> memref<64xf32, #tpu.memory_space<vmem_shared>>
      %dma_start3A_117 = tpu.memref_slice %arg7[%add3A_25] : memref<10240xf32, #tpu.memory_space<vmem_shared>> -> memref<64xf32, #tpu.memory_space<vmem_shared>>
      tpu.enqueue_dma source(%arg6 : memref<64xf32, #tpu.memory_space<vmem>>) target(%dma_start3A_117 : memref<64xf32, #tpu.memory_space<vmem_shared>>) target_semaphore(%run_scoped3A_116 : memref<!tpu.dma_semaphore, #tpu.memory_space<semaphore_mem>>)
      %dma_wait3A = tpu.memref_slice %arg7[%add3A_25] : memref<10240xf32, #tpu.memory_space<vmem_shared>> -> memref<64xf32, #tpu.memory_space<vmem_shared>>
      %dma_wait3A_118 = tpu.memref_slice %arg7[%add3A_25] : memref<10240xf32, #tpu.memory_space<vmem_shared>> -> memref<64xf32, #tpu.memory_space<vmem_shared>>
      tpu.wait_dma2 semaphore(%run_scoped3A_116 : memref<!tpu.dma_semaphore, #tpu.memory_space<semaphore_mem>>) src(%arg6 : memref<64xf32, #tpu.memory_space<vmem>>) dst(%dma_wait3A_118 : memref<64xf32, #tpu.memory_space<vmem_shared>>)
      tpu.yield
    }) : () -> ()
    %mul3A_26 = arith.constant 640 : i32
    %mul3A_27 = arith.muli %arg1, %mul3A_26 : i32
    %add3A_28 = arith.constant 320 : i32
    %add3A_29 = arith.addi %mul3A_27, %add3A_28 : i32
    "tpu.region"() ({
      %run_scoped3A_116 = tpu.sem_alloc : memref<!tpu.dma_semaphore, #tpu.memory_space<semaphore_mem>>
      %dma_start3A = tpu.memref_slice %arg7[%add3A_29] : memref<10240xf32, #tpu.memory_space<vmem_shared>> -> memref<64xf32, #tpu.memory_space<vmem_shared>>
      %dma_start3A_117 = tpu.memref_slice %arg7[%add3A_29] : memref<10240xf32, #tpu.memory_space<vmem_shared>> -> memref<64xf32, #tpu.memory_space<vmem_shared>>
      tpu.enqueue_dma source(%arg6 : memref<64xf32, #tpu.memory_space<vmem>>) target(%dma_start3A_117 : memref<64xf32, #tpu.memory_space<vmem_shared>>) target_semaphore(%run_scoped3A_116 : memref<!tpu.dma_semaphore, #tpu.memory_space<semaphore_mem>>)
      %dma_wait3A = tpu.memref_slice %arg7[%add3A_29] : memref<10240xf32, #tpu.memory_space<vmem_shared>> -> memref<64xf32, #tpu.memory_space<vmem_shared>>
      %dma_wait3A_118 = tpu.memref_slice %arg7[%add3A_29] : memref<10240xf32, #tpu.memory_space<vmem_shared>> -> memref<64xf32, #tpu.memory_space<vmem_shared>>
      tpu.wait_dma2 semaphore(%run_scoped3A_116 : memref<!tpu.dma_semaphore, #tpu.memory_space<semaphore_mem>>) src(%arg6 : memref<64xf32, #tpu.memory_space<vmem>>) dst(%dma_wait3A_118 : memref<64xf32, #tpu.memory_space<vmem_shared>>)
      tpu.yield
    }) : () -> ()
    %mul3A_30 = arith.constant 640 : i32
    %mul3A_31 = arith.muli %arg1, %mul3A_30 : i32
    %add3A_32 = arith.constant 384 : i32
    %add3A_33 = arith.addi %mul3A_31, %add3A_32 : i32
    "tpu.region"() ({
      %run_scoped3A_116 = tpu.sem_alloc : memref<!tpu.dma_semaphore, #tpu.memory_space<semaphore_mem>>
      %dma_start3A = tpu.memref_slice %arg7[%add3A_33] : memref<10240xf32, #tpu.memory_space<vmem_shared>> -> memref<64xf32, #tpu.memory_space<vmem_shared>>
      %dma_start3A_117 = tpu.memref_slice %arg7[%add3A_33] : memref<10240xf32, #tpu.memory_space<vmem_shared>> -> memref<64xf32, #tpu.memory_space<vmem_shared>>
      tpu.enqueue_dma source(%arg6 : memref<64xf32, #tpu.memory_space<vmem>>) target(%dma_start3A_117 : memref<64xf32, #tpu.memory_space<vmem_shared>>) target_semaphore(%run_scoped3A_116 : memref<!tpu.dma_semaphore, #tpu.memory_space<semaphore_mem>>)
      %dma_wait3A = tpu.memref_slice %arg7[%add3A_33] : memref<10240xf32, #tpu.memory_space<vmem_shared>> -> memref<64xf32, #tpu.memory_space<vmem_shared>>
      %dma_wait3A_118 = tpu.memref_slice %arg7[%add3A_33] : memref<10240xf32, #tpu.memory_space<vmem_shared>> -> memref<64xf32, #tpu.memory_space<vmem_shared>>
      tpu.wait_dma2 semaphore(%run_scoped3A_116 : memref<!tpu.dma_semaphore, #tpu.memory_space<semaphore_mem>>) src(%arg6 : memref<64xf32, #tpu.memory_space<vmem>>) dst(%dma_wait3A_118 : memref<64xf32, #tpu.memory_space<vmem_shared>>)
      tpu.yield
    }) : () -> ()
    %mul3A_34 = arith.constant 640 : i32
    %mul3A_35 = arith.muli %arg1, %mul3A_34 : i32
    %add3A_36 = arith.constant 448 : i32
    %add3A_37 = arith.addi %mul3A_35, %add3A_36 : i32
    "tpu.region"() ({
      %run_scoped3A_116 = tpu.sem_alloc : memref<!tpu.dma_semaphore, #tpu.memory_space<semaphore_mem>>
      %dma_start3A = tpu.memref_slice %arg7[%add3A_37] : memref<10240xf32, #tpu.memory_space<vmem_shared>> -> memref<64xf32, #tpu.memory_space<vmem_shared>>
      %dma_start3A_117 = tpu.memref_slice %arg7[%add3A_37] : memref<10240xf32, #tpu.memory_space<vmem_shared>> -> memref<64xf32, #tpu.memory_space<vmem_shared>>
      tpu.enqueue_dma source(%arg6 : memref<64xf32, #tpu.memory_space<vmem>>) target(%dma_start3A_117 : memref<64xf32, #tpu.memory_space<vmem_shared>>) target_semaphore(%run_scoped3A_116 : memref<!tpu.dma_semaphore, #tpu.memory_space<semaphore_mem>>)
      %dma_wait3A = tpu.memref_slice %arg7[%add3A_37] : memref<10240xf32, #tpu.memory_space<vmem_shared>> -> memref<64xf32, #tpu.memory_space<vmem_shared>>
      %dma_wait3A_118 = tpu.memref_slice %arg7[%add3A_37] : memref<10240xf32, #tpu.memory_space<vmem_shared>> -> memref<64xf32, #tpu.memory_space<vmem_shared>>
      tpu.wait_dma2 semaphore(%run_scoped3A_116 : memref<!tpu.dma_semaphore, #tpu.memory_space<semaphore_mem>>) src(%arg6 : memref<64xf32, #tpu.memory_space<vmem>>) dst(%dma_wait3A_118 : memref<64xf32, #tpu.memory_space<vmem_shared>>)
      tpu.yield
    }) : () -> ()
    %mul3A_38 = arith.constant 640 : i32
    %mul3A_39 = arith.muli %arg1, %mul3A_38 : i32
    %add3A_40 = arith.constant 512 : i32
    %add3A_41 = arith.addi %mul3A_39, %add3A_40 : i32
    "tpu.region"() ({
      %run_scoped3A_116 = tpu.sem_alloc : memref<!tpu.dma_semaphore, #tpu.memory_space<semaphore_mem>>
      %dma_start3A = tpu.memref_slice %arg7[%add3A_41] : memref<10240xf32, #tpu.memory_space<vmem_shared>> -> memref<64xf32, #tpu.memory_space<vmem_shared>>
      %dma_start3A_117 = tpu.memref_slice %arg7[%add3A_41] : memref<10240xf32, #tpu.memory_space<vmem_shared>> -> memref<64xf32, #tpu.memory_space<vmem_shared>>
      tpu.enqueue_dma source(%arg6 : memref<64xf32, #tpu.memory_space<vmem>>) target(%dma_start3A_117 : memref<64xf32, #tpu.memory_space<vmem_shared>>) target_semaphore(%run_scoped3A_116 : memref<!tpu.dma_semaphore, #tpu.memory_space<semaphore_mem>>)
      %dma_wait3A = tpu.memref_slice %arg7[%add3A_41] : memref<10240xf32, #tpu.memory_space<vmem_shared>> -> memref<64xf32, #tpu.memory_space<vmem_shared>>
      %dma_wait3A_118 = tpu.memref_slice %arg7[%add3A_41] : memref<10240xf32, #tpu.memory_space<vmem_shared>> -> memref<64xf32, #tpu.memory_space<vmem_shared>>
      tpu.wait_dma2 semaphore(%run_scoped3A_116 : memref<!tpu.dma_semaphore, #tpu.memory_space<semaphore_mem>>) src(%arg6 : memref<64xf32, #tpu.memory_space<vmem>>) dst(%dma_wait3A_118 : memref<64xf32, #tpu.memory_space<vmem_shared>>)
      tpu.yield
    }) : () -> ()
    %mul3A_42 = arith.constant 640 : i32
    %mul3A_43 = arith.muli %arg1, %mul3A_42 : i32
    %add3A_44 = arith.constant 576 : i32
    %add3A_45 = arith.addi %mul3A_43, %add3A_44 : i32
    "tpu.region"() ({
      %run_scoped3A_116 = tpu.sem_alloc : memref<!tpu.dma_semaphore, #tpu.memory_space<semaphore_mem>>
      %dma_start3A = tpu.memref_slice %arg7[%add3A_45] : memref<10240xf32, #tpu.memory_space<vmem_shared>> -> memref<64xf32, #tpu.memory_space<vmem_shared>>
      %dma_start3A_117 = tpu.memref_slice %arg7[%add3A_45] : memref<10240xf32, #tpu.memory_space<vmem_shared>> -> memref<64xf32, #tpu.memory_space<vmem_shared>>
      tpu.enqueue_dma source(%arg6 : memref<64xf32, #tpu.memory_space<vmem>>) target(%dma_start3A_117 : memref<64xf32, #tpu.memory_space<vmem_shared>>) target_semaphore(%run_scoped3A_116 : memref<!tpu.dma_semaphore, #tpu.memory_space<semaphore_mem>>)
      %dma_wait3A = tpu.memref_slice %arg7[%add3A_45] : memref<10240xf32, #tpu.memory_space<vmem_shared>> -> memref<64xf32, #tpu.memory_space<vmem_shared>>
      %dma_wait3A_118 = tpu.memref_slice %arg7[%add3A_45] : memref<10240xf32, #tpu.memory_space<vmem_shared>> -> memref<64xf32, #tpu.memory_space<vmem_shared>>
      tpu.wait_dma2 semaphore(%run_scoped3A_116 : memref<!tpu.dma_semaphore, #tpu.memory_space<semaphore_mem>>) src(%arg6 : memref<64xf32, #tpu.memory_space<vmem>>) dst(%dma_wait3A_118 : memref<64xf32, #tpu.memory_space<vmem_shared>>)
      tpu.yield
    }) : () -> ()
    %barrier3A = arith.constant 0 : index
    tpu.barrier barrier_id(%barrier3A)
    %scan3A_46 = arith.constant 1.000000e+00 : f32
    %scan3A_47 = arith.constant 0 : i32
    %scan3A_48 = arith.constant 4 : i32
    %scan3A_49 = arith.addi %scan3A_47, %scan3A_48 : i32
    %scan3A_50 = arith.constant 1 : i32
    scf.for %scan3A_116 = %scan3A_47 to %scan3A_49 step %scan3A_50  : i32 {
      %broadcast_in_dim3A = vector.broadcast %scan3A_46 : f32 to vector<16xf32>
      %mul3A_117 = arith.constant 16 : i32
      %mul3A_118 = arith.muli %scan3A_116, %mul3A_117 : i32
      %swap3A = arith.index_cast %mul3A_118 : i32 to index
      %swap3A_119 = tpu.vector_load %arg6[%swap3A] {strides = array<i32>} : memref<64xf32, #tpu.memory_space<vmem>>, vector<16xf32>,
      %swap3A_120 = vector.shape_cast %swap3A_119 : vector<16xf32> to vector<16xf32>
      %swap3A_121 = vector.shape_cast %broadcast_in_dim3A : vector<16xf32> to vector<16xf32>
      tpu.vector_store %arg6[%swap3A], %swap3A_121 {strides = array<i32>} : memref<64xf32, #tpu.memory_space<vmem>>, vector<16xf32>,
    }
    %scan3A_51 = arith.constant 4 : i32
    %run_scoped3A = arith.constant 0 : i32
    "tpu.region"() ({
      %run_scoped3A_116 = tpu.sem_alloc : memref<!tpu.dma_semaphore, #tpu.memory_space<semaphore_mem>>
      %dma_start3A = arith.constant 0 : i32
      %dma_start3A_117 = arith.constant 0 : i32
      %dma_start3A_118 = tpu.memref_slice %arg2[%add3A, %run_scoped3A, %dma_start3A, %dma_start3A_117] : memref<32x4x40x64xi32, #tpu.memory_space<hbm>> -> memref<1x1x40x64xi32, #tpu.memory_space<hbm>>
      %dma_start3A_119 = tpu.memref_squeeze %dma_start3A_118 : memref<1x1x40x64xi32, #tpu.memory_space<hbm>> -> memref<40x64xi32, #tpu.memory_space<hbm>>
      %dma_start3A_120 = arith.constant 0 : i32
      %dma_start3A_121 = arith.constant 0 : i32
      %dma_start3A_122 = tpu.memref_slice %arg2[%add3A, %run_scoped3A, %dma_start3A_120, %dma_start3A_121] : memref<32x4x40x64xi32, #tpu.memory_space<hbm>> -> memref<1x1x40x64xi32, #tpu.memory_space<hbm>>
      %dma_start3A_123 = tpu.memref_squeeze %dma_start3A_122 : memref<1x1x40x64xi32, #tpu.memory_space<hbm>> -> memref<40x64xi32, #tpu.memory_space<hbm>>
      tpu.enqueue_dma source(%dma_start3A_123 : memref<40x64xi32, #tpu.memory_space<hbm>>) target(%arg4 : memref<40x64xi32, #tpu.memory_space<vmem>>) target_semaphore(%run_scoped3A_116 : memref<!tpu.dma_semaphore, #tpu.memory_space<semaphore_mem>>)
      %dma_wait3A = arith.constant 0 : i32
      %dma_wait3A_124 = arith.constant 0 : i32
      %dma_wait3A_125 = tpu.memref_slice %arg2[%add3A, %run_scoped3A, %dma_wait3A, %dma_wait3A_124] : memref<32x4x40x64xi32, #tpu.memory_space<hbm>> -> memref<1x1x40x64xi32, #tpu.memory_space<hbm>>
      %dma_wait3A_126 = tpu.memref_squeeze %dma_wait3A_125 : memref<1x1x40x64xi32, #tpu.memory_space<hbm>> -> memref<40x64xi32, #tpu.memory_space<hbm>>
      %dma_wait3A_127 = arith.constant 0 : i32
      %dma_wait3A_128 = arith.constant 0 : i32
      %dma_wait3A_129 = tpu.memref_slice %arg2[%add3A, %run_scoped3A, %dma_wait3A_127, %dma_wait3A_128] : memref<32x4x40x64xi32, #tpu.memory_space<hbm>> -> memref<1x1x40x64xi32, #tpu.memory_space<hbm>>
      %dma_wait3A_130 = tpu.memref_squeeze %dma_wait3A_129 : memref<1x1x40x64xi32, #tpu.memory_space<hbm>> -> memref<40x64xi32, #tpu.memory_space<hbm>>
      tpu.wait_dma2 semaphore(%run_scoped3A_116 : memref<!tpu.dma_semaphore, #tpu.memory_space<semaphore_mem>>) src(%dma_wait3A_130 : memref<40x64xi32, #tpu.memory_space<hbm>>) dst(%arg4 : memref<40x64xi32, #tpu.memory_space<vmem>>)
      tpu.yield
    }) : () -> ()
    %scan3A_52 = arith.constant 0 : i32
    %scan3A_53 = arith.constant 0 : i32
    %scan3A_54 = arith.constant 40 : i32
    %scan3A_55 = arith.addi %scan3A_53, %scan3A_54 : i32
    %scan3A_56 = arith.constant 1 : i32
    %scan3A_57 = scf.for %scan3A_116 = %scan3A_53 to %scan3A_55 step %scan3A_56 iter_args(%scan3A_117 = %scan3A_52) -> (i32)  : i32 {
      %dma_start3A = arith.constant 0 : i32
      %dma_start3A_118 = tpu.memref_slice %arg4[%scan3A_116, %dma_start3A] : memref<40x64xi32, #tpu.memory_space<vmem>> -> memref<1x64xi32, #tpu.memory_space<vmem>>
      %dma_start3A_119 = tpu.memref_squeeze %dma_start3A_118 : memref<1x64xi32, #tpu.memory_space<vmem>> -> memref<64xi32, #tpu.memory_space<vmem>>
      %dma_start3A_120 = arith.constant 0 : i32
      %dma_start3A_121 = tpu.memref_slice %arg7[%dma_start3A_120] : memref<10240xf32, #tpu.memory_space<vmem_shared>> -> memref<10240xf32, #tpu.memory_space<vmem_shared>>
      tpu.enqueue_indirect_dma source(%arg6 : memref<64xf32, #tpu.memory_space<vmem>>) target(%dma_start3A_121 : memref<10240xf32, #tpu.memory_space<vmem_shared>>) offsets(%dma_start3A_119 : memref<64xi32, #tpu.memory_space<vmem>>) semaphore(%arg8 : memref<!tpu.dma_semaphore, #tpu.memory_space<semaphore_mem>>) {add = true}
      %scan3A_122 = arith.constant 0 : i32
      scf.yield %scan3A_122 : i32
    }
    %scan3A_58 = arith.constant 40 : i32
    %run_scoped3A_59 = arith.constant 1 : i32
    "tpu.region"() ({
      %run_scoped3A_116 = tpu.sem_alloc : memref<!tpu.dma_semaphore, #tpu.memory_space<semaphore_mem>>
      %dma_start3A = arith.constant 0 : i32
      %dma_start3A_117 = arith.constant 0 : i32
      %dma_start3A_118 = tpu.memref_slice %arg2[%add3A, %run_scoped3A_59, %dma_start3A, %dma_start3A_117] : memref<32x4x40x64xi32, #tpu.memory_space<hbm>> -> memref<1x1x40x64xi32, #tpu.memory_space<hbm>>
      %dma_start3A_119 = tpu.memref_squeeze %dma_start3A_118 : memref<1x1x40x64xi32, #tpu.memory_space<hbm>> -> memref<40x64xi32, #tpu.memory_space<hbm>>
      %dma_start3A_120 = arith.constant 0 : i32
      %dma_start3A_121 = arith.constant 0 : i32
      %dma_start3A_122 = tpu.memref_slice %arg2[%add3A, %run_scoped3A_59, %dma_start3A_120, %dma_start3A_121] : memref<32x4x40x64xi32, #tpu.memory_space<hbm>> -> memref<1x1x40x64xi32, #tpu.memory_space<hbm>>
      %dma_start3A_123 = tpu.memref_squeeze %dma_start3A_122 : memref<1x1x40x64xi32, #tpu.memory_space<hbm>> -> memref<40x64xi32, #tpu.memory_space<hbm>>
      tpu.enqueue_dma source(%dma_start3A_123 : memref<40x64xi32, #tpu.memory_space<hbm>>) target(%arg5 : memref<40x64xi32, #tpu.memory_space<vmem>>) target_semaphore(%run_scoped3A_116 : memref<!tpu.dma_semaphore, #tpu.memory_space<semaphore_mem>>)
      %dma_wait3A = arith.constant 0 : i32
      %dma_wait3A_124 = arith.constant 0 : i32
      %dma_wait3A_125 = tpu.memref_slice %arg2[%add3A, %run_scoped3A_59, %dma_wait3A, %dma_wait3A_124] : memref<32x4x40x64xi32, #tpu.memory_space<hbm>> -> memref<1x1x40x64xi32, #tpu.memory_space<hbm>>
      %dma_wait3A_126 = tpu.memref_squeeze %dma_wait3A_125 : memref<1x1x40x64xi32, #tpu.memory_space<hbm>> -> memref<40x64xi32, #tpu.memory_space<hbm>>
      %dma_wait3A_127 = arith.constant 0 : i32
      %dma_wait3A_128 = arith.constant 0 : i32
      %dma_wait3A_129 = tpu.memref_slice %arg2[%add3A, %run_scoped3A_59, %dma_wait3A_127, %dma_wait3A_128] : memref<32x4x40x64xi32, #tpu.memory_space<hbm>> -> memref<1x1x40x64xi32, #tpu.memory_space<hbm>>
      %dma_wait3A_130 = tpu.memref_squeeze %dma_wait3A_129 : memref<1x1x40x64xi32, #tpu.memory_space<hbm>> -> memref<40x64xi32, #tpu.memory_space<hbm>>
      tpu.wait_dma2 semaphore(%run_scoped3A_116 : memref<!tpu.dma_semaphore, #tpu.memory_space<semaphore_mem>>) src(%dma_wait3A_130 : memref<40x64xi32, #tpu.memory_space<hbm>>) dst(%arg5 : memref<40x64xi32, #tpu.memory_space<vmem>>)
      tpu.yield
    }) : () -> ()
    %scan3A_60 = arith.constant 0 : i32
    %scan3A_61 = arith.constant 0 : i32
    %scan3A_62 = arith.constant 40 : i32
    %scan3A_63 = arith.addi %scan3A_61, %scan3A_62 : i32
    %scan3A_64 = arith.constant 1 : i32
    %scan3A_65 = scf.for %scan3A_116 = %scan3A_61 to %scan3A_63 step %scan3A_64 iter_args(%scan3A_117 = %scan3A_60) -> (i32)  : i32 {
      %dma_start3A = arith.constant 0 : i32
      %dma_start3A_118 = tpu.memref_slice %arg5[%scan3A_116, %dma_start3A] : memref<40x64xi32, #tpu.memory_space<vmem>> -> memref<1x64xi32, #tpu.memory_space<vmem>>
      %dma_start3A_119 = tpu.memref_squeeze %dma_start3A_118 : memref<1x64xi32, #tpu.memory_space<vmem>> -> memref<64xi32, #tpu.memory_space<vmem>>
      %dma_start3A_120 = arith.constant 0 : i32
      %dma_start3A_121 = tpu.memref_slice %arg7[%dma_start3A_120] : memref<10240xf32, #tpu.memory_space<vmem_shared>> -> memref<10240xf32, #tpu.memory_space<vmem_shared>>
      tpu.enqueue_indirect_dma source(%arg6 : memref<64xf32, #tpu.memory_space<vmem>>) target(%dma_start3A_121 : memref<10240xf32, #tpu.memory_space<vmem_shared>>) offsets(%dma_start3A_119 : memref<64xi32, #tpu.memory_space<vmem>>) semaphore(%arg9 : memref<!tpu.dma_semaphore, #tpu.memory_space<semaphore_mem>>) {add = true}
      %scan3A_122 = arith.constant 0 : i32
      scf.yield %scan3A_122 : i32
    }
    %scan3A_66 = arith.constant 40 : i32
    %scan3A_67 = arith.constant 0 : i32
    %scan3A_68 = arith.constant 0 : i32
    %scan3A_69 = arith.constant 40 : i32
    %scan3A_70 = arith.addi %scan3A_68, %scan3A_69 : i32
    %scan3A_71 = arith.constant 1 : i32
    %scan3A_72 = scf.for %scan3A_116 = %scan3A_68 to %scan3A_70 step %scan3A_71 iter_args(%scan3A_117 = %scan3A_67) -> (i32)  : i32 {
      %dma_wait3A = arith.constant 0 : i32
      %dma_wait3A_118 = arith.constant 0 : i32
      %dma_wait3A_119 = tpu.memref_slice %arg4[%dma_wait3A, %dma_wait3A_118] : memref<40x64xi32, #tpu.memory_space<vmem>> -> memref<1x64xi32, #tpu.memory_space<vmem>>
      %dma_wait3A_120 = tpu.memref_squeeze %dma_wait3A_119 : memref<1x64xi32, #tpu.memory_space<vmem>> -> memref<64xi32, #tpu.memory_space<vmem>>
      %dma_wait3A_121 = arith.constant 0 : i32
      %dma_wait3A_122 = tpu.memref_slice %arg7[%dma_wait3A_121] : memref<10240xf32, #tpu.memory_space<vmem_shared>> -> memref<10240xf32, #tpu.memory_space<vmem_shared>>
      tpu.wait_indirect_dma semaphore(%arg8 : memref<!tpu.dma_semaphore, #tpu.memory_space<semaphore_mem>>) src(%arg6 : memref<64xf32, #tpu.memory_space<vmem>>) dst(%dma_wait3A_122 : memref<10240xf32, #tpu.memory_space<vmem_shared>>)
      %scan3A_123 = arith.constant 0 : i32
      scf.yield %scan3A_123 : i32
    }
    %scan3A_73 = arith.constant 40 : i32
    %run_scoped3A_74 = arith.constant 2 : i32
    "tpu.region"() ({
      %run_scoped3A_116 = tpu.sem_alloc : memref<!tpu.dma_semaphore, #tpu.memory_space<semaphore_mem>>
      %dma_start3A = arith.constant 0 : i32
      %dma_start3A_117 = arith.constant 0 : i32
      %dma_start3A_118 = tpu.memref_slice %arg2[%add3A, %run_scoped3A_74, %dma_start3A, %dma_start3A_117] : memref<32x4x40x64xi32, #tpu.memory_space<hbm>> -> memref<1x1x40x64xi32, #tpu.memory_space<hbm>>
      %dma_start3A_119 = tpu.memref_squeeze %dma_start3A_118 : memref<1x1x40x64xi32, #tpu.memory_space<hbm>> -> memref<40x64xi32, #tpu.memory_space<hbm>>
      %dma_start3A_120 = arith.constant 0 : i32
      %dma_start3A_121 = arith.constant 0 : i32
      %dma_start3A_122 = tpu.memref_slice %arg2[%add3A, %run_scoped3A_74, %dma_start3A_120, %dma_start3A_121] : memref<32x4x40x64xi32, #tpu.memory_space<hbm>> -> memref<1x1x40x64xi32, #tpu.memory_space<hbm>>
      %dma_start3A_123 = tpu.memref_squeeze %dma_start3A_122 : memref<1x1x40x64xi32, #tpu.memory_space<hbm>> -> memref<40x64xi32, #tpu.memory_space<hbm>>
      tpu.enqueue_dma source(%dma_start3A_123 : memref<40x64xi32, #tpu.memory_space<hbm>>) target(%arg4 : memref<40x64xi32, #tpu.memory_space<vmem>>) target_semaphore(%run_scoped3A_116 : memref<!tpu.dma_semaphore, #tpu.memory_space<semaphore_mem>>)
      %dma_wait3A = arith.constant 0 : i32
      %dma_wait3A_124 = arith.constant 0 : i32
      %dma_wait3A_125 = tpu.memref_slice %arg2[%add3A, %run_scoped3A_74, %dma_wait3A, %dma_wait3A_124] : memref<32x4x40x64xi32, #tpu.memory_space<hbm>> -> memref<1x1x40x64xi32, #tpu.memory_space<hbm>>
      %dma_wait3A_126 = tpu.memref_squeeze %dma_wait3A_125 : memref<1x1x40x64xi32, #tpu.memory_space<hbm>> -> memref<40x64xi32, #tpu.memory_space<hbm>>
      %dma_wait3A_127 = arith.constant 0 : i32
      %dma_wait3A_128 = arith.constant 0 : i32
      %dma_wait3A_129 = tpu.memref_slice %arg2[%add3A, %run_scoped3A_74, %dma_wait3A_127, %dma_wait3A_128] : memref<32x4x40x64xi32, #tpu.memory_space<hbm>> -> memref<1x1x40x64xi32, #tpu.memory_space<hbm>>
      %dma_wait3A_130 = tpu.memref_squeeze %dma_wait3A_129 : memref<1x1x40x64xi32, #tpu.memory_space<hbm>> -> memref<40x64xi32, #tpu.memory_space<hbm>>
      tpu.wait_dma2 semaphore(%run_scoped3A_116 : memref<!tpu.dma_semaphore, #tpu.memory_space<semaphore_mem>>) src(%dma_wait3A_130 : memref<40x64xi32, #tpu.memory_space<hbm>>) dst(%arg4 : memref<40x64xi32, #tpu.memory_space<vmem>>)
      tpu.yield
    }) : () -> ()
    %scan3A_75 = arith.constant 0 : i32
    %scan3A_76 = arith.constant 0 : i32
    %scan3A_77 = arith.constant 40 : i32
    %scan3A_78 = arith.addi %scan3A_76, %scan3A_77 : i32
    %scan3A_79 = arith.constant 1 : i32
    %scan3A_80 = scf.for %scan3A_116 = %scan3A_76 to %scan3A_78 step %scan3A_79 iter_args(%scan3A_117 = %scan3A_75) -> (i32)  : i32 {
      %dma_start3A = arith.constant 0 : i32
      %dma_start3A_118 = tpu.memref_slice %arg4[%scan3A_116, %dma_start3A] : memref<40x64xi32, #tpu.memory_space<vmem>> -> memref<1x64xi32, #tpu.memory_space<vmem>>
      %dma_start3A_119 = tpu.memref_squeeze %dma_start3A_118 : memref<1x64xi32, #tpu.memory_space<vmem>> -> memref<64xi32, #tpu.memory_space<vmem>>
      %dma_start3A_120 = arith.constant 0 : i32
      %dma_start3A_121 = tpu.memref_slice %arg7[%dma_start3A_120] : memref<10240xf32, #tpu.memory_space<vmem_shared>> -> memref<10240xf32, #tpu.memory_space<vmem_shared>>
      tpu.enqueue_indirect_dma source(%arg6 : memref<64xf32, #tpu.memory_space<vmem>>) target(%dma_start3A_121 : memref<10240xf32, #tpu.memory_space<vmem_shared>>) offsets(%dma_start3A_119 : memref<64xi32, #tpu.memory_space<vmem>>) semaphore(%arg8 : memref<!tpu.dma_semaphore, #tpu.memory_space<semaphore_mem>>) {add = true}
      %scan3A_122 = arith.constant 0 : i32
      scf.yield %scan3A_122 : i32
    }
    %scan3A_81 = arith.constant 40 : i32
    %scan3A_82 = arith.constant 0 : i32
    %scan3A_83 = arith.constant 0 : i32
    %scan3A_84 = arith.constant 40 : i32
    %scan3A_85 = arith.addi %scan3A_83, %scan3A_84 : i32
    %scan3A_86 = arith.constant 1 : i32
    %scan3A_87 = scf.for %scan3A_116 = %scan3A_83 to %scan3A_85 step %scan3A_86 iter_args(%scan3A_117 = %scan3A_82) -> (i32)  : i32 {
      %dma_wait3A = arith.constant 0 : i32
      %dma_wait3A_118 = arith.constant 0 : i32
      %dma_wait3A_119 = tpu.memref_slice %arg5[%dma_wait3A, %dma_wait3A_118] : memref<40x64xi32, #tpu.memory_space<vmem>> -> memref<1x64xi32, #tpu.memory_space<vmem>>
      %dma_wait3A_120 = tpu.memref_squeeze %dma_wait3A_119 : memref<1x64xi32, #tpu.memory_space<vmem>> -> memref<64xi32, #tpu.memory_space<vmem>>
      %dma_wait3A_121 = arith.constant 0 : i32
      %dma_wait3A_122 = tpu.memref_slice %arg7[%dma_wait3A_121] : memref<10240xf32, #tpu.memory_space<vmem_shared>> -> memref<10240xf32, #tpu.memory_space<vmem_shared>>
      tpu.wait_indirect_dma semaphore(%arg9 : memref<!tpu.dma_semaphore, #tpu.memory_space<semaphore_mem>>) src(%arg6 : memref<64xf32, #tpu.memory_space<vmem>>) dst(%dma_wait3A_122 : memref<10240xf32, #tpu.memory_space<vmem_shared>>)
      %scan3A_123 = arith.constant 0 : i32
      scf.yield %scan3A_123 : i32
    }
    %scan3A_88 = arith.constant 40 : i32
    %run_scoped3A_89 = arith.constant 3 : i32
    "tpu.region"() ({
      %run_scoped3A_116 = tpu.sem_alloc : memref<!tpu.dma_semaphore, #tpu.memory_space<semaphore_mem>>
      %dma_start3A = arith.constant 0 : i32
      %dma_start3A_117 = arith.constant 0 : i32
      %dma_start3A_118 = tpu.memref_slice %arg2[%add3A, %run_scoped3A_89, %dma_start3A, %dma_start3A_117] : memref<32x4x40x64xi32, #tpu.memory_space<hbm>> -> memref<1x1x40x64xi32, #tpu.memory_space<hbm>>
      %dma_start3A_119 = tpu.memref_squeeze %dma_start3A_118 : memref<1x1x40x64xi32, #tpu.memory_space<hbm>> -> memref<40x64xi32, #tpu.memory_space<hbm>>
      %dma_start3A_120 = arith.constant 0 : i32
      %dma_start3A_121 = arith.constant 0 : i32
      %dma_start3A_122 = tpu.memref_slice %arg2[%add3A, %run_scoped3A_89, %dma_start3A_120, %dma_start3A_121] : memref<32x4x40x64xi32, #tpu.memory_space<hbm>> -> memref<1x1x40x64xi32, #tpu.memory_space<hbm>>
      %dma_start3A_123 = tpu.memref_squeeze %dma_start3A_122 : memref<1x1x40x64xi32, #tpu.memory_space<hbm>> -> memref<40x64xi32, #tpu.memory_space<hbm>>
      tpu.enqueue_dma source(%dma_start3A_123 : memref<40x64xi32, #tpu.memory_space<hbm>>) target(%arg5 : memref<40x64xi32, #tpu.memory_space<vmem>>) target_semaphore(%run_scoped3A_116 : memref<!tpu.dma_semaphore, #tpu.memory_space<semaphore_mem>>)
      %dma_wait3A = arith.constant 0 : i32
      %dma_wait3A_124 = arith.constant 0 : i32
      %dma_wait3A_125 = tpu.memref_slice %arg2[%add3A, %run_scoped3A_89, %dma_wait3A, %dma_wait3A_124] : memref<32x4x40x64xi32, #tpu.memory_space<hbm>> -> memref<1x1x40x64xi32, #tpu.memory_space<hbm>>
      %dma_wait3A_126 = tpu.memref_squeeze %dma_wait3A_125 : memref<1x1x40x64xi32, #tpu.memory_space<hbm>> -> memref<40x64xi32, #tpu.memory_space<hbm>>
      %dma_wait3A_127 = arith.constant 0 : i32
      %dma_wait3A_128 = arith.constant 0 : i32
      %dma_wait3A_129 = tpu.memref_slice %arg2[%add3A, %run_scoped3A_89, %dma_wait3A_127, %dma_wait3A_128] : memref<32x4x40x64xi32, #tpu.memory_space<hbm>> -> memref<1x1x40x64xi32, #tpu.memory_space<hbm>>
      %dma_wait3A_130 = tpu.memref_squeeze %dma_wait3A_129 : memref<1x1x40x64xi32, #tpu.memory_space<hbm>> -> memref<40x64xi32, #tpu.memory_space<hbm>>
      tpu.wait_dma2 semaphore(%run_scoped3A_116 : memref<!tpu.dma_semaphore, #tpu.memory_space<semaphore_mem>>) src(%dma_wait3A_130 : memref<40x64xi32, #tpu.memory_space<hbm>>) dst(%arg5 : memref<40x64xi32, #tpu.memory_space<vmem>>)
      tpu.yield
    }) : () -> ()
    %scan3A_90 = arith.constant 0 : i32
    %scan3A_91 = arith.constant 0 : i32
    %scan3A_92 = arith.constant 40 : i32
    %scan3A_93 = arith.addi %scan3A_91, %scan3A_92 : i32
    %scan3A_94 = arith.constant 1 : i32
    %scan3A_95 = scf.for %scan3A_116 = %scan3A_91 to %scan3A_93 step %scan3A_94 iter_args(%scan3A_117 = %scan3A_90) -> (i32)  : i32 {
      %dma_start3A = arith.constant 0 : i32
      %dma_start3A_118 = tpu.memref_slice %arg5[%scan3A_116, %dma_start3A] : memref<40x64xi32, #tpu.memory_space<vmem>> -> memref<1x64xi32, #tpu.memory_space<vmem>>
      %dma_start3A_119 = tpu.memref_squeeze %dma_start3A_118 : memref<1x64xi32, #tpu.memory_space<vmem>> -> memref<64xi32, #tpu.memory_space<vmem>>
      %dma_start3A_120 = arith.constant 0 : i32
      %dma_start3A_121 = tpu.memref_slice %arg7[%dma_start3A_120] : memref<10240xf32, #tpu.memory_space<vmem_shared>> -> memref<10240xf32, #tpu.memory_space<vmem_shared>>
      tpu.enqueue_indirect_dma source(%arg6 : memref<64xf32, #tpu.memory_space<vmem>>) target(%dma_start3A_121 : memref<10240xf32, #tpu.memory_space<vmem_shared>>) offsets(%dma_start3A_119 : memref<64xi32, #tpu.memory_space<vmem>>) semaphore(%arg9 : memref<!tpu.dma_semaphore, #tpu.memory_space<semaphore_mem>>) {add = true}
      %scan3A_122 = arith.constant 0 : i32
      scf.yield %scan3A_122 : i32
    }
    %scan3A_96 = arith.constant 40 : i32
    %scan3A_97 = arith.constant 0 : i32
    %scan3A_98 = arith.constant 0 : i32
    %scan3A_99 = arith.constant 40 : i32
    %scan3A_100 = arith.addi %scan3A_98, %scan3A_99 : i32
    %scan3A_101 = arith.constant 1 : i32
    %scan3A_102 = scf.for %scan3A_116 = %scan3A_98 to %scan3A_100 step %scan3A_101 iter_args(%scan3A_117 = %scan3A_97) -> (i32)  : i32 {
      %dma_wait3A = arith.constant 0 : i32
      %dma_wait3A_118 = arith.constant 0 : i32
      %dma_wait3A_119 = tpu.memref_slice %arg4[%dma_wait3A, %dma_wait3A_118] : memref<40x64xi32, #tpu.memory_space<vmem>> -> memref<1x64xi32, #tpu.memory_space<vmem>>
      %dma_wait3A_120 = tpu.memref_squeeze %dma_wait3A_119 : memref<1x64xi32, #tpu.memory_space<vmem>> -> memref<64xi32, #tpu.memory_space<vmem>>
      %dma_wait3A_121 = arith.constant 0 : i32
      %dma_wait3A_122 = tpu.memref_slice %arg7[%dma_wait3A_121] : memref<10240xf32, #tpu.memory_space<vmem_shared>> -> memref<10240xf32, #tpu.memory_space<vmem_shared>>
      tpu.wait_indirect_dma semaphore(%arg8 : memref<!tpu.dma_semaphore, #tpu.memory_space<semaphore_mem>>) src(%arg6 : memref<64xf32, #tpu.memory_space<vmem>>) dst(%dma_wait3A_122 : memref<10240xf32, #tpu.memory_space<vmem_shared>>)
      %scan3A_123 = arith.constant 0 : i32
      scf.yield %scan3A_123 : i32
    }
    %scan3A_103 = arith.constant 40 : i32
    %scan3A_104 = arith.constant 0 : i32
    %scan3A_105 = arith.constant 0 : i32
    %scan3A_106 = arith.constant 40 : i32
    %scan3A_107 = arith.addi %scan3A_105, %scan3A_106 : i32
    %scan3A_108 = arith.constant 1 : i32
    %scan3A_109 = scf.for %scan3A_116 = %scan3A_105 to %scan3A_107 step %scan3A_108 iter_args(%scan3A_117 = %scan3A_104) -> (i32)  : i32 {
      %dma_wait3A = arith.constant 0 : i32
      %dma_wait3A_118 = arith.constant 0 : i32
      %dma_wait3A_119 = tpu.memref_slice %arg5[%dma_wait3A, %dma_wait3A_118] : memref<40x64xi32, #tpu.memory_space<vmem>> -> memref<1x64xi32, #tpu.memory_space<vmem>>
      %dma_wait3A_120 = tpu.memref_squeeze %dma_wait3A_119 : memref<1x64xi32, #tpu.memory_space<vmem>> -> memref<64xi32, #tpu.memory_space<vmem>>
      %dma_wait3A_121 = arith.constant 0 : i32
      %dma_wait3A_122 = tpu.memref_slice %arg7[%dma_wait3A_121] : memref<10240xf32, #tpu.memory_space<vmem_shared>> -> memref<10240xf32, #tpu.memory_space<vmem_shared>>
      tpu.wait_indirect_dma semaphore(%arg9 : memref<!tpu.dma_semaphore, #tpu.memory_space<semaphore_mem>>) src(%arg6 : memref<64xf32, #tpu.memory_space<vmem>>) dst(%dma_wait3A_122 : memref<10240xf32, #tpu.memory_space<vmem_shared>>)
      %scan3A_123 = arith.constant 0 : i32
      scf.yield %scan3A_123 : i32
    }
    %scan3A_110 = arith.constant 40 : i32
    %barrier3A_111 = arith.constant 0 : index
    tpu.barrier barrier_id(%barrier3A_111)
    %mul3A_112 = arith.constant 640 : i32
    %mul3A_113 = arith.muli %arg1, %mul3A_112 : i32
    %mul3A_114 = arith.constant 640 : i32
    %mul3A_115 = arith.muli %arg1, %mul3A_114 : i32
    "tpu.region"() ({
      %run_scoped3A_116 = tpu.sem_alloc : memref<!tpu.dma_semaphore, #tpu.memory_space<semaphore_mem>>
      %dma_start3A = tpu.memref_slice %arg3[%arg0, %mul3A_115] : memref<2x10240xf32, #tpu.memory_space<hbm>> -> memref<1x640xf32, #tpu.memory_space<hbm>>
      %dma_start3A_117 = tpu.memref_squeeze %dma_start3A : memref<1x640xf32, #tpu.memory_space<hbm>> -> memref<640xf32, #tpu.memory_space<hbm>>
      %dma_start3A_118 = tpu.memref_slice %arg7[%mul3A_113] : memref<10240xf32, #tpu.memory_space<vmem_shared>> -> memref<640xf32, #tpu.memory_space<vmem_shared>>
      tpu.enqueue_dma source(%dma_start3A_118 : memref<640xf32, #tpu.memory_space<vmem_shared>>) target(%dma_start3A_117 : memref<640xf32, #tpu.memory_space<hbm>>) target_semaphore(%run_scoped3A_116 : memref<!tpu.dma_semaphore, #tpu.memory_space<semaphore_mem>>)
      %dma_wait3A = tpu.memref_slice %arg3[%arg0, %mul3A_115] : memref<2x10240xf32, #tpu.memory_space<hbm>> -> memref<1x640xf32, #tpu.memory_space<hbm>>
      %dma_wait3A_119 = tpu.memref_squeeze %dma_wait3A : memref<1x640xf32, #tpu.memory_space<hbm>> -> memref<640xf32, #tpu.memory_space<hbm>>
      %dma_wait3A_120 = tpu.memref_slice %arg7[%mul3A_113] : memref<10240xf32, #tpu.memory_space<vmem_shared>> -> memref<640xf32, #tpu.memory_space<vmem_shared>>
      tpu.wait_dma2 semaphore(%run_scoped3A_116 : memref<!tpu.dma_semaphore, #tpu.memory_space<semaphore_mem>>) src(%dma_wait3A_120 : memref<640xf32, #tpu.memory_space<vmem_shared>>) dst(%dma_wait3A_119 : memref<640xf32, #tpu.memory_space<hbm>>)
      tpu.yield
    }) : () -> ()
    return
  }
}

#map = affine_map<(d0, d1) -> (0, 0, 0, 0)>
#map1 = affine_map<(d0, d1) -> (0, 0)>
#map2 = affine_map<(d0, d1) -> (0, 0, 0)>
module attributes {stable_mosaic.version = 14 : i64} {
  func.func @_scatter_kernel(%arg0: i32, %arg1: i32, %arg2: memref<32x4x40x64xi32, #tpu.memory_space<hbm>>, %arg3: memref<32x4x40x64xi32, #tpu.memory_space<hbm>>, %arg4: memref<10000x128xf32, #tpu.memory_space<hbm>>, %arg5: memref<2x10240x128xf32, #tpu.memory_space<hbm>>, %arg6: memref<40x64xi32, #tpu.memory_space<vmem>>, %arg7: memref<40x64xi32, #tpu.memory_space<vmem>>, %arg8: memref<64x128xf32, #tpu.memory_space<vmem>>, %arg9: memref<64x128xf32, #tpu.memory_space<vmem>>, %arg10: memref<64x128xf32, #tpu.memory_space<vmem>>, %arg11: memref<64x128xf32, #tpu.memory_space<vmem>>, %arg12: memref<10240x128xf32, #tpu.memory_space<vmem_shared>>, %arg13: memref<!tpu.dma_semaphore, #tpu.memory_space<semaphore_mem>>, %arg14: memref<!tpu.dma_semaphore, #tpu.memory_space<semaphore_mem>>, %arg15: memref<!tpu.dma_semaphore, #tpu.memory_space<semaphore_mem>>, %arg16: memref<!tpu.dma_semaphore, #tpu.memory_space<semaphore_mem>>, %arg17: memref<!tpu.dma_semaphore, #tpu.memory_space<semaphore_mem>>, %arg18: memref<!tpu.dma_semaphore, #tpu.memory_space<semaphore_mem>>, %arg19: memref<!tpu.dma_semaphore, #tpu.memory_space<semaphore_mem>>, %arg20: memref<!tpu.dma_semaphore, #tpu.memory_space<semaphore_mem>>) attributes {dimension_semantics = [#tpu.dimension_semantics<core_parallel>, #tpu.dimension_semantics<subcore_parallel>], iteration_bounds = array<i64: 2, 16>, scalar_prefetch = 0 : i64, scratch_operands = 15 : i64, tpu.core_type = #tpu.core_type<sc_vector_subcore>, window_params = [{transform_indices = #map}, {transform_indices = #map}, {transform_indices = #map1}, {transform_indices = #map2}]} {
    %mul3A = arith.constant 16 : i32
    %mul3A_0 = arith.muli %arg0, %mul3A : i32
    %add3A = arith.addi %mul3A_0, %arg1 : i32
    %scan3A = arith.constant 0 : i32
    %scan3A_1 = arith.constant 0 : i32
    %scan3A_2 = arith.constant 64 : i32
    %scan3A_3 = arith.addi %scan3A_1, %scan3A_2 : i32
    %scan3A_4 = arith.constant 1 : i32
    %scan3A_5 = scf.for %scan3A_533 = %scan3A_1 to %scan3A_3 step %scan3A_4 iter_args(%scan3A_534 = %scan3A) -> (i32)  : i32 {
      %broadcast_in_dim3A = arith.constant 0.000000e+00 : f32
      %broadcast_in_dim3A_535 = vector.broadcast %broadcast_in_dim3A : f32 to vector<16xf32>
      %swap3A = arith.index_cast %scan3A_533 : i32 to index
      %swap3A_536 = arith.constant 0 : index
      %swap3A_537 = tpu.vector_load %arg8[%swap3A, %swap3A_536] {strides = array<i32>} : memref<64x128xf32, #tpu.memory_space<vmem>>, vector<1x16xf32>,
      %swap3A_538 = vector.shape_cast %swap3A_537 : vector<1x16xf32> to vector<16xf32>
      %swap3A_539 = vector.shape_cast %broadcast_in_dim3A_535 : vector<16xf32> to vector<1x16xf32>
      tpu.vector_store %arg8[%swap3A, %swap3A_536], %swap3A_539 {strides = array<i32>} : memref<64x128xf32, #tpu.memory_space<vmem>>, vector<1x16xf32>,
      %broadcast_in_dim3A_540 = arith.constant 0.000000e+00 : f32
      %broadcast_in_dim3A_541 = vector.broadcast %broadcast_in_dim3A_540 : f32 to vector<16xf32>
      %swap3A_542 = arith.index_cast %scan3A_533 : i32 to index
      %swap3A_543 = arith.constant 16 : index
      %swap3A_544 = tpu.vector_load %arg8[%swap3A_542, %swap3A_543] {strides = array<i32>} : memref<64x128xf32, #tpu.memory_space<vmem>>, vector<1x16xf32>,
      %swap3A_545 = vector.shape_cast %swap3A_544 : vector<1x16xf32> to vector<16xf32>
      %swap3A_546 = vector.shape_cast %broadcast_in_dim3A_541 : vector<16xf32> to vector<1x16xf32>
      tpu.vector_store %arg8[%swap3A_542, %swap3A_543], %swap3A_546 {strides = array<i32>} : memref<64x128xf32, #tpu.memory_space<vmem>>, vector<1x16xf32>,
      %broadcast_in_dim3A_547 = arith.constant 0.000000e+00 : f32
      %broadcast_in_dim3A_548 = vector.broadcast %broadcast_in_dim3A_547 : f32 to vector<16xf32>
      %swap3A_549 = arith.index_cast %scan3A_533 : i32 to index
      %swap3A_550 = arith.constant 32 : index
      %swap3A_551 = tpu.vector_load %arg8[%swap3A_549, %swap3A_550] {strides = array<i32>} : memref<64x128xf32, #tpu.memory_space<vmem>>, vector<1x16xf32>,
      %swap3A_552 = vector.shape_cast %swap3A_551 : vector<1x16xf32> to vector<16xf32>
      %swap3A_553 = vector.shape_cast %broadcast_in_dim3A_548 : vector<16xf32> to vector<1x16xf32>
      tpu.vector_store %arg8[%swap3A_549, %swap3A_550], %swap3A_553 {strides = array<i32>} : memref<64x128xf32, #tpu.memory_space<vmem>>, vector<1x16xf32>,
      %broadcast_in_dim3A_554 = arith.constant 0.000000e+00 : f32
      %broadcast_in_dim3A_555 = vector.broadcast %broadcast_in_dim3A_554 : f32 to vector<16xf32>
      %swap3A_556 = arith.index_cast %scan3A_533 : i32 to index
      %swap3A_557 = arith.constant 48 : index
      %swap3A_558 = tpu.vector_load %arg8[%swap3A_556, %swap3A_557] {strides = array<i32>} : memref<64x128xf32, #tpu.memory_space<vmem>>, vector<1x16xf32>,
      %swap3A_559 = vector.shape_cast %swap3A_558 : vector<1x16xf32> to vector<16xf32>
      %swap3A_560 = vector.shape_cast %broadcast_in_dim3A_555 : vector<16xf32> to vector<1x16xf32>
      tpu.vector_store %arg8[%swap3A_556, %swap3A_557], %swap3A_560 {strides = array<i32>} : memref<64x128xf32, #tpu.memory_space<vmem>>, vector<1x16xf32>,
      %broadcast_in_dim3A_561 = arith.constant 0.000000e+00 : f32
      %broadcast_in_dim3A_562 = vector.broadcast %broadcast_in_dim3A_561 : f32 to vector<16xf32>
      %swap3A_563 = arith.index_cast %scan3A_533 : i32 to index
      %swap3A_564 = arith.constant 64 : index
      %swap3A_565 = tpu.vector_load %arg8[%swap3A_563, %swap3A_564] {strides = array<i32>} : memref<64x128xf32, #tpu.memory_space<vmem>>, vector<1x16xf32>,
      %swap3A_566 = vector.shape_cast %swap3A_565 : vector<1x16xf32> to vector<16xf32>
      %swap3A_567 = vector.shape_cast %broadcast_in_dim3A_562 : vector<16xf32> to vector<1x16xf32>
      tpu.vector_store %arg8[%swap3A_563, %swap3A_564], %swap3A_567 {strides = array<i32>} : memref<64x128xf32, #tpu.memory_space<vmem>>, vector<1x16xf32>,
      %broadcast_in_dim3A_568 = arith.constant 0.000000e+00 : f32
      %broadcast_in_dim3A_569 = vector.broadcast %broadcast_in_dim3A_568 : f32 to vector<16xf32>
      %swap3A_570 = arith.index_cast %scan3A_533 : i32 to index
      %swap3A_571 = arith.constant 80 : index
      %swap3A_572 = tpu.vector_load %arg8[%swap3A_570, %swap3A_571] {strides = array<i32>} : memref<64x128xf32, #tpu.memory_space<vmem>>, vector<1x16xf32>,
      %swap3A_573 = vector.shape_cast %swap3A_572 : vector<1x16xf32> to vector<16xf32>
      %swap3A_574 = vector.shape_cast %broadcast_in_dim3A_569 : vector<16xf32> to vector<1x16xf32>
      tpu.vector_store %arg8[%swap3A_570, %swap3A_571], %swap3A_574 {strides = array<i32>} : memref<64x128xf32, #tpu.memory_space<vmem>>, vector<1x16xf32>,
      %broadcast_in_dim3A_575 = arith.constant 0.000000e+00 : f32
      %broadcast_in_dim3A_576 = vector.broadcast %broadcast_in_dim3A_575 : f32 to vector<16xf32>
      %swap3A_577 = arith.index_cast %scan3A_533 : i32 to index
      %swap3A_578 = arith.constant 96 : index
      %swap3A_579 = tpu.vector_load %arg8[%swap3A_577, %swap3A_578] {strides = array<i32>} : memref<64x128xf32, #tpu.memory_space<vmem>>, vector<1x16xf32>,
      %swap3A_580 = vector.shape_cast %swap3A_579 : vector<1x16xf32> to vector<16xf32>
      %swap3A_581 = vector.shape_cast %broadcast_in_dim3A_576 : vector<16xf32> to vector<1x16xf32>
      tpu.vector_store %arg8[%swap3A_577, %swap3A_578], %swap3A_581 {strides = array<i32>} : memref<64x128xf32, #tpu.memory_space<vmem>>, vector<1x16xf32>,
      %broadcast_in_dim3A_582 = arith.constant 0.000000e+00 : f32
      %broadcast_in_dim3A_583 = vector.broadcast %broadcast_in_dim3A_582 : f32 to vector<16xf32>
      %swap3A_584 = arith.index_cast %scan3A_533 : i32 to index
      %swap3A_585 = arith.constant 112 : index
      %swap3A_586 = tpu.vector_load %arg8[%swap3A_584, %swap3A_585] {strides = array<i32>} : memref<64x128xf32, #tpu.memory_space<vmem>>, vector<1x16xf32>,
      %swap3A_587 = vector.shape_cast %swap3A_586 : vector<1x16xf32> to vector<16xf32>
      %swap3A_588 = vector.shape_cast %broadcast_in_dim3A_583 : vector<16xf32> to vector<1x16xf32>
      tpu.vector_store %arg8[%swap3A_584, %swap3A_585], %swap3A_588 {strides = array<i32>} : memref<64x128xf32, #tpu.memory_space<vmem>>, vector<1x16xf32>,
      %scan3A_589 = arith.constant 0 : i32
      scf.yield %scan3A_589 : i32
    }
    %scan3A_6 = arith.constant 64 : i32
    %mul3A_7 = arith.constant 640 : i32
    %mul3A_8 = arith.muli %arg1, %mul3A_7 : i32
    %add3A_9 = arith.constant 0 : i32
    %add3A_10 = arith.addi %mul3A_8, %add3A_9 : i32
    "tpu.region"() ({
      %run_scoped3A_533 = tpu.sem_alloc : memref<!tpu.dma_semaphore, #tpu.memory_space<semaphore_mem>>
      %dma_start3A_534 = arith.constant 0 : i32
      %dma_start3A_535 = tpu.memref_slice %arg12[%add3A_10, %dma_start3A_534] : memref<10240x128xf32, #tpu.memory_space<vmem_shared>> -> memref<64x128xf32, #tpu.memory_space<vmem_shared>>
      %dma_start3A_536 = arith.constant 0 : i32
      %dma_start3A_537 = tpu.memref_slice %arg12[%add3A_10, %dma_start3A_536] : memref<10240x128xf32, #tpu.memory_space<vmem_shared>> -> memref<64x128xf32, #tpu.memory_space<vmem_shared>>
      tpu.enqueue_dma source(%arg8 : memref<64x128xf32, #tpu.memory_space<vmem>>) target(%dma_start3A_537 : memref<64x128xf32, #tpu.memory_space<vmem_shared>>) target_semaphore(%run_scoped3A_533 : memref<!tpu.dma_semaphore, #tpu.memory_space<semaphore_mem>>)
      %dma_wait3A_538 = arith.constant 0 : i32
      %dma_wait3A_539 = tpu.memref_slice %arg12[%add3A_10, %dma_wait3A_538] : memref<10240x128xf32, #tpu.memory_space<vmem_shared>> -> memref<64x128xf32, #tpu.memory_space<vmem_shared>>
      %dma_wait3A_540 = arith.constant 0 : i32
      %dma_wait3A_541 = tpu.memref_slice %arg12[%add3A_10, %dma_wait3A_540] : memref<10240x128xf32, #tpu.memory_space<vmem_shared>> -> memref<64x128xf32, #tpu.memory_space<vmem_shared>>
      tpu.wait_dma2 semaphore(%run_scoped3A_533 : memref<!tpu.dma_semaphore, #tpu.memory_space<semaphore_mem>>) src(%arg8 : memref<64x128xf32, #tpu.memory_space<vmem>>) dst(%dma_wait3A_541 : memref<64x128xf32, #tpu.memory_space<vmem_shared>>)
      tpu.yield
    }) : () -> ()
    %mul3A_11 = arith.constant 640 : i32
    %mul3A_12 = arith.muli %arg1, %mul3A_11 : i32
    %add3A_13 = arith.constant 64 : i32
    %add3A_14 = arith.addi %mul3A_12, %add3A_13 : i32
    "tpu.region"() ({
      %run_scoped3A_533 = tpu.sem_alloc : memref<!tpu.dma_semaphore, #tpu.memory_space<semaphore_mem>>
      %dma_start3A_534 = arith.constant 0 : i32
      %dma_start3A_535 = tpu.memref_slice %arg12[%add3A_14, %dma_start3A_534] : memref<10240x128xf32, #tpu.memory_space<vmem_shared>> -> memref<64x128xf32, #tpu.memory_space<vmem_shared>>
      %dma_start3A_536 = arith.constant 0 : i32
      %dma_start3A_537 = tpu.memref_slice %arg12[%add3A_14, %dma_start3A_536] : memref<10240x128xf32, #tpu.memory_space<vmem_shared>> -> memref<64x128xf32, #tpu.memory_space<vmem_shared>>
      tpu.enqueue_dma source(%arg8 : memref<64x128xf32, #tpu.memory_space<vmem>>) target(%dma_start3A_537 : memref<64x128xf32, #tpu.memory_space<vmem_shared>>) target_semaphore(%run_scoped3A_533 : memref<!tpu.dma_semaphore, #tpu.memory_space<semaphore_mem>>)
      %dma_wait3A_538 = arith.constant 0 : i32
      %dma_wait3A_539 = tpu.memref_slice %arg12[%add3A_14, %dma_wait3A_538] : memref<10240x128xf32, #tpu.memory_space<vmem_shared>> -> memref<64x128xf32, #tpu.memory_space<vmem_shared>>
      %dma_wait3A_540 = arith.constant 0 : i32
      %dma_wait3A_541 = tpu.memref_slice %arg12[%add3A_14, %dma_wait3A_540] : memref<10240x128xf32, #tpu.memory_space<vmem_shared>> -> memref<64x128xf32, #tpu.memory_space<vmem_shared>>
      tpu.wait_dma2 semaphore(%run_scoped3A_533 : memref<!tpu.dma_semaphore, #tpu.memory_space<semaphore_mem>>) src(%arg8 : memref<64x128xf32, #tpu.memory_space<vmem>>) dst(%dma_wait3A_541 : memref<64x128xf32, #tpu.memory_space<vmem_shared>>)
      tpu.yield
    }) : () -> ()
    %mul3A_15 = arith.constant 640 : i32
    %mul3A_16 = arith.muli %arg1, %mul3A_15 : i32
    %add3A_17 = arith.constant 128 : i32
    %add3A_18 = arith.addi %mul3A_16, %add3A_17 : i32
    "tpu.region"() ({
      %run_scoped3A_533 = tpu.sem_alloc : memref<!tpu.dma_semaphore, #tpu.memory_space<semaphore_mem>>
      %dma_start3A_534 = arith.constant 0 : i32
      %dma_start3A_535 = tpu.memref_slice %arg12[%add3A_18, %dma_start3A_534] : memref<10240x128xf32, #tpu.memory_space<vmem_shared>> -> memref<64x128xf32, #tpu.memory_space<vmem_shared>>
      %dma_start3A_536 = arith.constant 0 : i32
      %dma_start3A_537 = tpu.memref_slice %arg12[%add3A_18, %dma_start3A_536] : memref<10240x128xf32, #tpu.memory_space<vmem_shared>> -> memref<64x128xf32, #tpu.memory_space<vmem_shared>>
      tpu.enqueue_dma source(%arg8 : memref<64x128xf32, #tpu.memory_space<vmem>>) target(%dma_start3A_537 : memref<64x128xf32, #tpu.memory_space<vmem_shared>>) target_semaphore(%run_scoped3A_533 : memref<!tpu.dma_semaphore, #tpu.memory_space<semaphore_mem>>)
      %dma_wait3A_538 = arith.constant 0 : i32
      %dma_wait3A_539 = tpu.memref_slice %arg12[%add3A_18, %dma_wait3A_538] : memref<10240x128xf32, #tpu.memory_space<vmem_shared>> -> memref<64x128xf32, #tpu.memory_space<vmem_shared>>
      %dma_wait3A_540 = arith.constant 0 : i32
      %dma_wait3A_541 = tpu.memref_slice %arg12[%add3A_18, %dma_wait3A_540] : memref<10240x128xf32, #tpu.memory_space<vmem_shared>> -> memref<64x128xf32, #tpu.memory_space<vmem_shared>>
      tpu.wait_dma2 semaphore(%run_scoped3A_533 : memref<!tpu.dma_semaphore, #tpu.memory_space<semaphore_mem>>) src(%arg8 : memref<64x128xf32, #tpu.memory_space<vmem>>) dst(%dma_wait3A_541 : memref<64x128xf32, #tpu.memory_space<vmem_shared>>)
      tpu.yield
    }) : () -> ()
    %mul3A_19 = arith.constant 640 : i32
    %mul3A_20 = arith.muli %arg1, %mul3A_19 : i32
    %add3A_21 = arith.constant 192 : i32
    %add3A_22 = arith.addi %mul3A_20, %add3A_21 : i32
    "tpu.region"() ({
      %run_scoped3A_533 = tpu.sem_alloc : memref<!tpu.dma_semaphore, #tpu.memory_space<semaphore_mem>>
      %dma_start3A_534 = arith.constant 0 : i32
      %dma_start3A_535 = tpu.memref_slice %arg12[%add3A_22, %dma_start3A_534] : memref<10240x128xf32, #tpu.memory_space<vmem_shared>> -> memref<64x128xf32, #tpu.memory_space<vmem_shared>>
      %dma_start3A_536 = arith.constant 0 : i32
      %dma_start3A_537 = tpu.memref_slice %arg12[%add3A_22, %dma_start3A_536] : memref<10240x128xf32, #tpu.memory_space<vmem_shared>> -> memref<64x128xf32, #tpu.memory_space<vmem_shared>>
      tpu.enqueue_dma source(%arg8 : memref<64x128xf32, #tpu.memory_space<vmem>>) target(%dma_start3A_537 : memref<64x128xf32, #tpu.memory_space<vmem_shared>>) target_semaphore(%run_scoped3A_533 : memref<!tpu.dma_semaphore, #tpu.memory_space<semaphore_mem>>)
      %dma_wait3A_538 = arith.constant 0 : i32
      %dma_wait3A_539 = tpu.memref_slice %arg12[%add3A_22, %dma_wait3A_538] : memref<10240x128xf32, #tpu.memory_space<vmem_shared>> -> memref<64x128xf32, #tpu.memory_space<vmem_shared>>
      %dma_wait3A_540 = arith.constant 0 : i32
      %dma_wait3A_541 = tpu.memref_slice %arg12[%add3A_22, %dma_wait3A_540] : memref<10240x128xf32, #tpu.memory_space<vmem_shared>> -> memref<64x128xf32, #tpu.memory_space<vmem_shared>>
      tpu.wait_dma2 semaphore(%run_scoped3A_533 : memref<!tpu.dma_semaphore, #tpu.memory_space<semaphore_mem>>) src(%arg8 : memref<64x128xf32, #tpu.memory_space<vmem>>) dst(%dma_wait3A_541 : memref<64x128xf32, #tpu.memory_space<vmem_shared>>)
      tpu.yield
    }) : () -> ()
    %mul3A_23 = arith.constant 640 : i32
    %mul3A_24 = arith.muli %arg1, %mul3A_23 : i32
    %add3A_25 = arith.constant 256 : i32
    %add3A_26 = arith.addi %mul3A_24, %add3A_25 : i32
    "tpu.region"() ({
      %run_scoped3A_533 = tpu.sem_alloc : memref<!tpu.dma_semaphore, #tpu.memory_space<semaphore_mem>>
      %dma_start3A_534 = arith.constant 0 : i32
      %dma_start3A_535 = tpu.memref_slice %arg12[%add3A_26, %dma_start3A_534] : memref<10240x128xf32, #tpu.memory_space<vmem_shared>> -> memref<64x128xf32, #tpu.memory_space<vmem_shared>>
      %dma_start3A_536 = arith.constant 0 : i32
      %dma_start3A_537 = tpu.memref_slice %arg12[%add3A_26, %dma_start3A_536] : memref<10240x128xf32, #tpu.memory_space<vmem_shared>> -> memref<64x128xf32, #tpu.memory_space<vmem_shared>>
      tpu.enqueue_dma source(%arg8 : memref<64x128xf32, #tpu.memory_space<vmem>>) target(%dma_start3A_537 : memref<64x128xf32, #tpu.memory_space<vmem_shared>>) target_semaphore(%run_scoped3A_533 : memref<!tpu.dma_semaphore, #tpu.memory_space<semaphore_mem>>)
      %dma_wait3A_538 = arith.constant 0 : i32
      %dma_wait3A_539 = tpu.memref_slice %arg12[%add3A_26, %dma_wait3A_538] : memref<10240x128xf32, #tpu.memory_space<vmem_shared>> -> memref<64x128xf32, #tpu.memory_space<vmem_shared>>
      %dma_wait3A_540 = arith.constant 0 : i32
      %dma_wait3A_541 = tpu.memref_slice %arg12[%add3A_26, %dma_wait3A_540] : memref<10240x128xf32, #tpu.memory_space<vmem_shared>> -> memref<64x128xf32, #tpu.memory_space<vmem_shared>>
      tpu.wait_dma2 semaphore(%run_scoped3A_533 : memref<!tpu.dma_semaphore, #tpu.memory_space<semaphore_mem>>) src(%arg8 : memref<64x128xf32, #tpu.memory_space<vmem>>) dst(%dma_wait3A_541 : memref<64x128xf32, #tpu.memory_space<vmem_shared>>)
      tpu.yield
    }) : () -> ()
    %mul3A_27 = arith.constant 640 : i32
    %mul3A_28 = arith.muli %arg1, %mul3A_27 : i32
    %add3A_29 = arith.constant 320 : i32
    %add3A_30 = arith.addi %mul3A_28, %add3A_29 : i32
    "tpu.region"() ({
      %run_scoped3A_533 = tpu.sem_alloc : memref<!tpu.dma_semaphore, #tpu.memory_space<semaphore_mem>>
      %dma_start3A_534 = arith.constant 0 : i32
      %dma_start3A_535 = tpu.memref_slice %arg12[%add3A_30, %dma_start3A_534] : memref<10240x128xf32, #tpu.memory_space<vmem_shared>> -> memref<64x128xf32, #tpu.memory_space<vmem_shared>>
      %dma_start3A_536 = arith.constant 0 : i32
      %dma_start3A_537 = tpu.memref_slice %arg12[%add3A_30, %dma_start3A_536] : memref<10240x128xf32, #tpu.memory_space<vmem_shared>> -> memref<64x128xf32, #tpu.memory_space<vmem_shared>>
      tpu.enqueue_dma source(%arg8 : memref<64x128xf32, #tpu.memory_space<vmem>>) target(%dma_start3A_537 : memref<64x128xf32, #tpu.memory_space<vmem_shared>>) target_semaphore(%run_scoped3A_533 : memref<!tpu.dma_semaphore, #tpu.memory_space<semaphore_mem>>)
      %dma_wait3A_538 = arith.constant 0 : i32
      %dma_wait3A_539 = tpu.memref_slice %arg12[%add3A_30, %dma_wait3A_538] : memref<10240x128xf32, #tpu.memory_space<vmem_shared>> -> memref<64x128xf32, #tpu.memory_space<vmem_shared>>
      %dma_wait3A_540 = arith.constant 0 : i32
      %dma_wait3A_541 = tpu.memref_slice %arg12[%add3A_30, %dma_wait3A_540] : memref<10240x128xf32, #tpu.memory_space<vmem_shared>> -> memref<64x128xf32, #tpu.memory_space<vmem_shared>>
      tpu.wait_dma2 semaphore(%run_scoped3A_533 : memref<!tpu.dma_semaphore, #tpu.memory_space<semaphore_mem>>) src(%arg8 : memref<64x128xf32, #tpu.memory_space<vmem>>) dst(%dma_wait3A_541 : memref<64x128xf32, #tpu.memory_space<vmem_shared>>)
      tpu.yield
    }) : () -> ()
    %mul3A_31 = arith.constant 640 : i32
    %mul3A_32 = arith.muli %arg1, %mul3A_31 : i32
    %add3A_33 = arith.constant 384 : i32
    %add3A_34 = arith.addi %mul3A_32, %add3A_33 : i32
    "tpu.region"() ({
      %run_scoped3A_533 = tpu.sem_alloc : memref<!tpu.dma_semaphore, #tpu.memory_space<semaphore_mem>>
      %dma_start3A_534 = arith.constant 0 : i32
      %dma_start3A_535 = tpu.memref_slice %arg12[%add3A_34, %dma_start3A_534] : memref<10240x128xf32, #tpu.memory_space<vmem_shared>> -> memref<64x128xf32, #tpu.memory_space<vmem_shared>>
      %dma_start3A_536 = arith.constant 0 : i32
      %dma_start3A_537 = tpu.memref_slice %arg12[%add3A_34, %dma_start3A_536] : memref<10240x128xf32, #tpu.memory_space<vmem_shared>> -> memref<64x128xf32, #tpu.memory_space<vmem_shared>>
      tpu.enqueue_dma source(%arg8 : memref<64x128xf32, #tpu.memory_space<vmem>>) target(%dma_start3A_537 : memref<64x128xf32, #tpu.memory_space<vmem_shared>>) target_semaphore(%run_scoped3A_533 : memref<!tpu.dma_semaphore, #tpu.memory_space<semaphore_mem>>)
      %dma_wait3A_538 = arith.constant 0 : i32
      %dma_wait3A_539 = tpu.memref_slice %arg12[%add3A_34, %dma_wait3A_538] : memref<10240x128xf32, #tpu.memory_space<vmem_shared>> -> memref<64x128xf32, #tpu.memory_space<vmem_shared>>
      %dma_wait3A_540 = arith.constant 0 : i32
      %dma_wait3A_541 = tpu.memref_slice %arg12[%add3A_34, %dma_wait3A_540] : memref<10240x128xf32, #tpu.memory_space<vmem_shared>> -> memref<64x128xf32, #tpu.memory_space<vmem_shared>>
      tpu.wait_dma2 semaphore(%run_scoped3A_533 : memref<!tpu.dma_semaphore, #tpu.memory_space<semaphore_mem>>) src(%arg8 : memref<64x128xf32, #tpu.memory_space<vmem>>) dst(%dma_wait3A_541 : memref<64x128xf32, #tpu.memory_space<vmem_shared>>)
      tpu.yield
    }) : () -> ()
    %mul3A_35 = arith.constant 640 : i32
    %mul3A_36 = arith.muli %arg1, %mul3A_35 : i32
    %add3A_37 = arith.constant 448 : i32
    %add3A_38 = arith.addi %mul3A_36, %add3A_37 : i32
    "tpu.region"() ({
      %run_scoped3A_533 = tpu.sem_alloc : memref<!tpu.dma_semaphore, #tpu.memory_space<semaphore_mem>>
      %dma_start3A_534 = arith.constant 0 : i32
      %dma_start3A_535 = tpu.memref_slice %arg12[%add3A_38, %dma_start3A_534] : memref<10240x128xf32, #tpu.memory_space<vmem_shared>> -> memref<64x128xf32, #tpu.memory_space<vmem_shared>>
      %dma_start3A_536 = arith.constant 0 : i32
      %dma_start3A_537 = tpu.memref_slice %arg12[%add3A_38, %dma_start3A_536] : memref<10240x128xf32, #tpu.memory_space<vmem_shared>> -> memref<64x128xf32, #tpu.memory_space<vmem_shared>>
      tpu.enqueue_dma source(%arg8 : memref<64x128xf32, #tpu.memory_space<vmem>>) target(%dma_start3A_537 : memref<64x128xf32, #tpu.memory_space<vmem_shared>>) target_semaphore(%run_scoped3A_533 : memref<!tpu.dma_semaphore, #tpu.memory_space<semaphore_mem>>)
      %dma_wait3A_538 = arith.constant 0 : i32
      %dma_wait3A_539 = tpu.memref_slice %arg12[%add3A_38, %dma_wait3A_538] : memref<10240x128xf32, #tpu.memory_space<vmem_shared>> -> memref<64x128xf32, #tpu.memory_space<vmem_shared>>
      %dma_wait3A_540 = arith.constant 0 : i32
      %dma_wait3A_541 = tpu.memref_slice %arg12[%add3A_38, %dma_wait3A_540] : memref<10240x128xf32, #tpu.memory_space<vmem_shared>> -> memref<64x128xf32, #tpu.memory_space<vmem_shared>>
      tpu.wait_dma2 semaphore(%run_scoped3A_533 : memref<!tpu.dma_semaphore, #tpu.memory_space<semaphore_mem>>) src(%arg8 : memref<64x128xf32, #tpu.memory_space<vmem>>) dst(%dma_wait3A_541 : memref<64x128xf32, #tpu.memory_space<vmem_shared>>)
      tpu.yield
    }) : () -> ()
    %mul3A_39 = arith.constant 640 : i32
    %mul3A_40 = arith.muli %arg1, %mul3A_39 : i32
    %add3A_41 = arith.constant 512 : i32
    %add3A_42 = arith.addi %mul3A_40, %add3A_41 : i32
    "tpu.region"() ({
      %run_scoped3A_533 = tpu.sem_alloc : memref<!tpu.dma_semaphore, #tpu.memory_space<semaphore_mem>>
      %dma_start3A_534 = arith.constant 0 : i32
      %dma_start3A_535 = tpu.memref_slice %arg12[%add3A_42, %dma_start3A_534] : memref<10240x128xf32, #tpu.memory_space<vmem_shared>> -> memref<64x128xf32, #tpu.memory_space<vmem_shared>>
      %dma_start3A_536 = arith.constant 0 : i32
      %dma_start3A_537 = tpu.memref_slice %arg12[%add3A_42, %dma_start3A_536] : memref<10240x128xf32, #tpu.memory_space<vmem_shared>> -> memref<64x128xf32, #tpu.memory_space<vmem_shared>>
      tpu.enqueue_dma source(%arg8 : memref<64x128xf32, #tpu.memory_space<vmem>>) target(%dma_start3A_537 : memref<64x128xf32, #tpu.memory_space<vmem_shared>>) target_semaphore(%run_scoped3A_533 : memref<!tpu.dma_semaphore, #tpu.memory_space<semaphore_mem>>)
      %dma_wait3A_538 = arith.constant 0 : i32
      %dma_wait3A_539 = tpu.memref_slice %arg12[%add3A_42, %dma_wait3A_538] : memref<10240x128xf32, #tpu.memory_space<vmem_shared>> -> memref<64x128xf32, #tpu.memory_space<vmem_shared>>
      %dma_wait3A_540 = arith.constant 0 : i32
      %dma_wait3A_541 = tpu.memref_slice %arg12[%add3A_42, %dma_wait3A_540] : memref<10240x128xf32, #tpu.memory_space<vmem_shared>> -> memref<64x128xf32, #tpu.memory_space<vmem_shared>>
      tpu.wait_dma2 semaphore(%run_scoped3A_533 : memref<!tpu.dma_semaphore, #tpu.memory_space<semaphore_mem>>) src(%arg8 : memref<64x128xf32, #tpu.memory_space<vmem>>) dst(%dma_wait3A_541 : memref<64x128xf32, #tpu.memory_space<vmem_shared>>)
      tpu.yield
    }) : () -> ()
    %mul3A_43 = arith.constant 640 : i32
    %mul3A_44 = arith.muli %arg1, %mul3A_43 : i32
    %add3A_45 = arith.constant 576 : i32
    %add3A_46 = arith.addi %mul3A_44, %add3A_45 : i32
    "tpu.region"() ({
      %run_scoped3A_533 = tpu.sem_alloc : memref<!tpu.dma_semaphore, #tpu.memory_space<semaphore_mem>>
      %dma_start3A_534 = arith.constant 0 : i32
      %dma_start3A_535 = tpu.memref_slice %arg12[%add3A_46, %dma_start3A_534] : memref<10240x128xf32, #tpu.memory_space<vmem_shared>> -> memref<64x128xf32, #tpu.memory_space<vmem_shared>>
      %dma_start3A_536 = arith.constant 0 : i32
      %dma_start3A_537 = tpu.memref_slice %arg12[%add3A_46, %dma_start3A_536] : memref<10240x128xf32, #tpu.memory_space<vmem_shared>> -> memref<64x128xf32, #tpu.memory_space<vmem_shared>>
      tpu.enqueue_dma source(%arg8 : memref<64x128xf32, #tpu.memory_space<vmem>>) target(%dma_start3A_537 : memref<64x128xf32, #tpu.memory_space<vmem_shared>>) target_semaphore(%run_scoped3A_533 : memref<!tpu.dma_semaphore, #tpu.memory_space<semaphore_mem>>)
      %dma_wait3A_538 = arith.constant 0 : i32
      %dma_wait3A_539 = tpu.memref_slice %arg12[%add3A_46, %dma_wait3A_538] : memref<10240x128xf32, #tpu.memory_space<vmem_shared>> -> memref<64x128xf32, #tpu.memory_space<vmem_shared>>
      %dma_wait3A_540 = arith.constant 0 : i32
      %dma_wait3A_541 = tpu.memref_slice %arg12[%add3A_46, %dma_wait3A_540] : memref<10240x128xf32, #tpu.memory_space<vmem_shared>> -> memref<64x128xf32, #tpu.memory_space<vmem_shared>>
      tpu.wait_dma2 semaphore(%run_scoped3A_533 : memref<!tpu.dma_semaphore, #tpu.memory_space<semaphore_mem>>) src(%arg8 : memref<64x128xf32, #tpu.memory_space<vmem>>) dst(%dma_wait3A_541 : memref<64x128xf32, #tpu.memory_space<vmem_shared>>)
      tpu.yield
    }) : () -> ()
    %barrier3A = arith.constant 0 : index
    tpu.barrier barrier_id(%barrier3A)
    %run_scoped3A = arith.constant 0 : i32
    "tpu.region"() ({
      %run_scoped3A_533 = tpu.sem_alloc : memref<!tpu.dma_semaphore, #tpu.memory_space<semaphore_mem>>
      %dma_start3A_534 = arith.constant 0 : i32
      %dma_start3A_535 = arith.constant 0 : i32
      %dma_start3A_536 = tpu.memref_slice %arg2[%add3A, %run_scoped3A, %dma_start3A_534, %dma_start3A_535] : memref<32x4x40x64xi32, #tpu.memory_space<hbm>> -> memref<1x1x40x64xi32, #tpu.memory_space<hbm>>
      %dma_start3A_537 = tpu.memref_squeeze %dma_start3A_536 : memref<1x1x40x64xi32, #tpu.memory_space<hbm>> -> memref<40x64xi32, #tpu.memory_space<hbm>>
      %dma_start3A_538 = arith.constant 0 : i32
      %dma_start3A_539 = arith.constant 0 : i32
      %dma_start3A_540 = tpu.memref_slice %arg2[%add3A, %run_scoped3A, %dma_start3A_538, %dma_start3A_539] : memref<32x4x40x64xi32, #tpu.memory_space<hbm>> -> memref<1x1x40x64xi32, #tpu.memory_space<hbm>>
      %dma_start3A_541 = tpu.memref_squeeze %dma_start3A_540 : memref<1x1x40x64xi32, #tpu.memory_space<hbm>> -> memref<40x64xi32, #tpu.memory_space<hbm>>
      tpu.enqueue_dma source(%dma_start3A_541 : memref<40x64xi32, #tpu.memory_space<hbm>>) target(%arg6 : memref<40x64xi32, #tpu.memory_space<vmem>>) target_semaphore(%run_scoped3A_533 : memref<!tpu.dma_semaphore, #tpu.memory_space<semaphore_mem>>)
      %dma_wait3A_542 = arith.constant 0 : i32
      %dma_wait3A_543 = arith.constant 0 : i32
      %dma_wait3A_544 = tpu.memref_slice %arg2[%add3A, %run_scoped3A, %dma_wait3A_542, %dma_wait3A_543] : memref<32x4x40x64xi32, #tpu.memory_space<hbm>> -> memref<1x1x40x64xi32, #tpu.memory_space<hbm>>
      %dma_wait3A_545 = tpu.memref_squeeze %dma_wait3A_544 : memref<1x1x40x64xi32, #tpu.memory_space<hbm>> -> memref<40x64xi32, #tpu.memory_space<hbm>>
      %dma_wait3A_546 = arith.constant 0 : i32
      %dma_wait3A_547 = arith.constant 0 : i32
      %dma_wait3A_548 = tpu.memref_slice %arg2[%add3A, %run_scoped3A, %dma_wait3A_546, %dma_wait3A_547] : memref<32x4x40x64xi32, #tpu.memory_space<hbm>> -> memref<1x1x40x64xi32, #tpu.memory_space<hbm>>
      %dma_wait3A_549 = tpu.memref_squeeze %dma_wait3A_548 : memref<1x1x40x64xi32, #tpu.memory_space<hbm>> -> memref<40x64xi32, #tpu.memory_space<hbm>>
      tpu.wait_dma2 semaphore(%run_scoped3A_533 : memref<!tpu.dma_semaphore, #tpu.memory_space<semaphore_mem>>) src(%dma_wait3A_549 : memref<40x64xi32, #tpu.memory_space<hbm>>) dst(%arg6 : memref<40x64xi32, #tpu.memory_space<vmem>>)
      tpu.yield
    }) : () -> ()
    %run_scoped3A_47 = arith.constant 0 : i32
    "tpu.region"() ({
      %run_scoped3A_533 = tpu.sem_alloc : memref<!tpu.dma_semaphore, #tpu.memory_space<semaphore_mem>>
      %dma_start3A_534 = arith.constant 0 : i32
      %dma_start3A_535 = arith.constant 0 : i32
      %dma_start3A_536 = tpu.memref_slice %arg3[%add3A, %run_scoped3A_47, %dma_start3A_534, %dma_start3A_535] : memref<32x4x40x64xi32, #tpu.memory_space<hbm>> -> memref<1x1x40x64xi32, #tpu.memory_space<hbm>>
      %dma_start3A_537 = tpu.memref_squeeze %dma_start3A_536 : memref<1x1x40x64xi32, #tpu.memory_space<hbm>> -> memref<40x64xi32, #tpu.memory_space<hbm>>
      %dma_start3A_538 = arith.constant 0 : i32
      %dma_start3A_539 = arith.constant 0 : i32
      %dma_start3A_540 = tpu.memref_slice %arg3[%add3A, %run_scoped3A_47, %dma_start3A_538, %dma_start3A_539] : memref<32x4x40x64xi32, #tpu.memory_space<hbm>> -> memref<1x1x40x64xi32, #tpu.memory_space<hbm>>
      %dma_start3A_541 = tpu.memref_squeeze %dma_start3A_540 : memref<1x1x40x64xi32, #tpu.memory_space<hbm>> -> memref<40x64xi32, #tpu.memory_space<hbm>>
      tpu.enqueue_dma source(%dma_start3A_541 : memref<40x64xi32, #tpu.memory_space<hbm>>) target(%arg7 : memref<40x64xi32, #tpu.memory_space<vmem>>) target_semaphore(%run_scoped3A_533 : memref<!tpu.dma_semaphore, #tpu.memory_space<semaphore_mem>>)
      %dma_wait3A_542 = arith.constant 0 : i32
      %dma_wait3A_543 = arith.constant 0 : i32
      %dma_wait3A_544 = tpu.memref_slice %arg3[%add3A, %run_scoped3A_47, %dma_wait3A_542, %dma_wait3A_543] : memref<32x4x40x64xi32, #tpu.memory_space<hbm>> -> memref<1x1x40x64xi32, #tpu.memory_space<hbm>>
      %dma_wait3A_545 = tpu.memref_squeeze %dma_wait3A_544 : memref<1x1x40x64xi32, #tpu.memory_space<hbm>> -> memref<40x64xi32, #tpu.memory_space<hbm>>
      %dma_wait3A_546 = arith.constant 0 : i32
      %dma_wait3A_547 = arith.constant 0 : i32
      %dma_wait3A_548 = tpu.memref_slice %arg3[%add3A, %run_scoped3A_47, %dma_wait3A_546, %dma_wait3A_547] : memref<32x4x40x64xi32, #tpu.memory_space<hbm>> -> memref<1x1x40x64xi32, #tpu.memory_space<hbm>>
      %dma_wait3A_549 = tpu.memref_squeeze %dma_wait3A_548 : memref<1x1x40x64xi32, #tpu.memory_space<hbm>> -> memref<40x64xi32, #tpu.memory_space<hbm>>
      tpu.wait_dma2 semaphore(%run_scoped3A_533 : memref<!tpu.dma_semaphore, #tpu.memory_space<semaphore_mem>>) src(%dma_wait3A_549 : memref<40x64xi32, #tpu.memory_space<hbm>>) dst(%arg7 : memref<40x64xi32, #tpu.memory_space<vmem>>)
      tpu.yield
    }) : () -> ()
    %dma_start3A = arith.constant 0 : i32
    %dma_start3A_48 = arith.constant 0 : i32
    %dma_start3A_49 = tpu.memref_slice %arg6[%dma_start3A, %dma_start3A_48] : memref<40x64xi32, #tpu.memory_space<vmem>> -> memref<1x64xi32, #tpu.memory_space<vmem>>
    %dma_start3A_50 = tpu.memref_squeeze %dma_start3A_49 : memref<1x64xi32, #tpu.memory_space<vmem>> -> memref<64xi32, #tpu.memory_space<vmem>>
    %dma_start3A_51 = arith.constant 0 : i32
    %dma_start3A_52 = arith.constant 0 : i32
    %dma_start3A_53 = tpu.memref_slice %arg4[%dma_start3A_51, %dma_start3A_52] : memref<10000x128xf32, #tpu.memory_space<hbm>> -> memref<10000x128xf32, #tpu.memory_space<hbm>>
    tpu.enqueue_indirect_dma source(%dma_start3A_53 : memref<10000x128xf32, #tpu.memory_space<hbm>>) target(%arg8 : memref<64x128xf32, #tpu.memory_space<vmem>>) offsets(%dma_start3A_50 : memref<64xi32, #tpu.memory_space<vmem>>) semaphore(%arg13 : memref<!tpu.dma_semaphore, #tpu.memory_space<semaphore_mem>>)
    %dma_start3A_54 = arith.constant 1 : i32
    %dma_start3A_55 = arith.constant 0 : i32
    %dma_start3A_56 = tpu.memref_slice %arg6[%dma_start3A_54, %dma_start3A_55] : memref<40x64xi32, #tpu.memory_space<vmem>> -> memref<1x64xi32, #tpu.memory_space<vmem>>
    %dma_start3A_57 = tpu.memref_squeeze %dma_start3A_56 : memref<1x64xi32, #tpu.memory_space<vmem>> -> memref<64xi32, #tpu.memory_space<vmem>>
    %dma_start3A_58 = arith.constant 0 : i32
    %dma_start3A_59 = arith.constant 0 : i32
    %dma_start3A_60 = tpu.memref_slice %arg4[%dma_start3A_58, %dma_start3A_59] : memref<10000x128xf32, #tpu.memory_space<hbm>> -> memref<10000x128xf32, #tpu.memory_space<hbm>>
    tpu.enqueue_indirect_dma source(%dma_start3A_60 : memref<10000x128xf32, #tpu.memory_space<hbm>>) target(%arg9 : memref<64x128xf32, #tpu.memory_space<vmem>>) offsets(%dma_start3A_57 : memref<64xi32, #tpu.memory_space<vmem>>) semaphore(%arg14 : memref<!tpu.dma_semaphore, #tpu.memory_space<semaphore_mem>>)
    %dma_start3A_61 = arith.constant 2 : i32
    %dma_start3A_62 = arith.constant 0 : i32
    %dma_start3A_63 = tpu.memref_slice %arg6[%dma_start3A_61, %dma_start3A_62] : memref<40x64xi32, #tpu.memory_space<vmem>> -> memref<1x64xi32, #tpu.memory_space<vmem>>
    %dma_start3A_64 = tpu.memref_squeeze %dma_start3A_63 : memref<1x64xi32, #tpu.memory_space<vmem>> -> memref<64xi32, #tpu.memory_space<vmem>>
    %dma_start3A_65 = arith.constant 0 : i32
    %dma_start3A_66 = arith.constant 0 : i32
    %dma_start3A_67 = tpu.memref_slice %arg4[%dma_start3A_65, %dma_start3A_66] : memref<10000x128xf32, #tpu.memory_space<hbm>> -> memref<10000x128xf32, #tpu.memory_space<hbm>>
    tpu.enqueue_indirect_dma source(%dma_start3A_67 : memref<10000x128xf32, #tpu.memory_space<hbm>>) target(%arg10 : memref<64x128xf32, #tpu.memory_space<vmem>>) offsets(%dma_start3A_64 : memref<64xi32, #tpu.memory_space<vmem>>) semaphore(%arg15 : memref<!tpu.dma_semaphore, #tpu.memory_space<semaphore_mem>>)
    %dma_start3A_68 = arith.constant 3 : i32
    %dma_start3A_69 = arith.constant 0 : i32
    %dma_start3A_70 = tpu.memref_slice %arg6[%dma_start3A_68, %dma_start3A_69] : memref<40x64xi32, #tpu.memory_space<vmem>> -> memref<1x64xi32, #tpu.memory_space<vmem>>
    %dma_start3A_71 = tpu.memref_squeeze %dma_start3A_70 : memref<1x64xi32, #tpu.memory_space<vmem>> -> memref<64xi32, #tpu.memory_space<vmem>>
    %dma_start3A_72 = arith.constant 0 : i32
    %dma_start3A_73 = arith.constant 0 : i32
    %dma_start3A_74 = tpu.memref_slice %arg4[%dma_start3A_72, %dma_start3A_73] : memref<10000x128xf32, #tpu.memory_space<hbm>> -> memref<10000x128xf32, #tpu.memory_space<hbm>>
    tpu.enqueue_indirect_dma source(%dma_start3A_74 : memref<10000x128xf32, #tpu.memory_space<hbm>>) target(%arg11 : memref<64x128xf32, #tpu.memory_space<vmem>>) offsets(%dma_start3A_71 : memref<64xi32, #tpu.memory_space<vmem>>) semaphore(%arg16 : memref<!tpu.dma_semaphore, #tpu.memory_space<semaphore_mem>>)
    %scan3A_75 = arith.constant 0 : i32
    %scan3A_76 = arith.constant 0 : i32
    %scan3A_77 = arith.constant 9 : i32
    %scan3A_78 = arith.addi %scan3A_76, %scan3A_77 : i32
    %scan3A_79 = arith.constant 1 : i32
    %scan3A_80 = scf.for %scan3A_533 = %scan3A_76 to %scan3A_78 step %scan3A_79 iter_args(%scan3A_534 = %scan3A_75) -> (i32)  : i32 {
      %mul3A_535 = arith.constant 4 : i32
      %mul3A_536 = arith.muli %mul3A_535, %scan3A_533 : i32
      %add3A_537 = arith.constant 0 : i32
      %add3A_538 = arith.addi %mul3A_536, %add3A_537 : i32
      %dma_wait3A_539 = arith.constant 0 : i32
      %dma_wait3A_540 = arith.constant 0 : i32
      %dma_wait3A_541 = tpu.memref_slice %arg6[%dma_wait3A_539, %dma_wait3A_540] : memref<40x64xi32, #tpu.memory_space<vmem>> -> memref<1x64xi32, #tpu.memory_space<vmem>>
      %dma_wait3A_542 = tpu.memref_squeeze %dma_wait3A_541 : memref<1x64xi32, #tpu.memory_space<vmem>> -> memref<64xi32, #tpu.memory_space<vmem>>
      %dma_wait3A_543 = arith.constant 0 : i32
      %dma_wait3A_544 = arith.constant 0 : i32
      %dma_wait3A_545 = tpu.memref_slice %arg4[%dma_wait3A_543, %dma_wait3A_544] : memref<10000x128xf32, #tpu.memory_space<hbm>> -> memref<10000x128xf32, #tpu.memory_space<hbm>>
      tpu.wait_indirect_dma semaphore(%arg13 : memref<!tpu.dma_semaphore, #tpu.memory_space<semaphore_mem>>) src(%dma_wait3A_545 : memref<10000x128xf32, #tpu.memory_space<hbm>>) dst(%arg8 : memref<64x128xf32, #tpu.memory_space<vmem>>)
      %dma_start3A_546 = arith.constant 0 : i32
      %dma_start3A_547 = tpu.memref_slice %arg7[%add3A_538, %dma_start3A_546] : memref<40x64xi32, #tpu.memory_space<vmem>> -> memref<1x64xi32, #tpu.memory_space<vmem>>
      %dma_start3A_548 = tpu.memref_squeeze %dma_start3A_547 : memref<1x64xi32, #tpu.memory_space<vmem>> -> memref<64xi32, #tpu.memory_space<vmem>>
      %dma_start3A_549 = arith.constant 0 : i32
      %dma_start3A_550 = arith.constant 0 : i32
      %dma_start3A_551 = tpu.memref_slice %arg12[%dma_start3A_549, %dma_start3A_550] : memref<10240x128xf32, #tpu.memory_space<vmem_shared>> -> memref<10240x128xf32, #tpu.memory_space<vmem_shared>>
      tpu.enqueue_indirect_dma source(%arg8 : memref<64x128xf32, #tpu.memory_space<vmem>>) target(%dma_start3A_551 : memref<10240x128xf32, #tpu.memory_space<vmem_shared>>) offsets(%dma_start3A_548 : memref<64xi32, #tpu.memory_space<vmem>>) semaphore(%arg17 : memref<!tpu.dma_semaphore, #tpu.memory_space<semaphore_mem>>) {add = true}
      %dma_wait3A_552 = arith.constant 0 : i32
      %dma_wait3A_553 = arith.constant 0 : i32
      %dma_wait3A_554 = tpu.memref_slice %arg7[%dma_wait3A_552, %dma_wait3A_553] : memref<40x64xi32, #tpu.memory_space<vmem>> -> memref<1x64xi32, #tpu.memory_space<vmem>>
      %dma_wait3A_555 = tpu.memref_squeeze %dma_wait3A_554 : memref<1x64xi32, #tpu.memory_space<vmem>> -> memref<64xi32, #tpu.memory_space<vmem>>
      %dma_wait3A_556 = arith.constant 0 : i32
      %dma_wait3A_557 = arith.constant 0 : i32
      %dma_wait3A_558 = tpu.memref_slice %arg12[%dma_wait3A_556, %dma_wait3A_557] : memref<10240x128xf32, #tpu.memory_space<vmem_shared>> -> memref<10240x128xf32, #tpu.memory_space<vmem_shared>>
      tpu.wait_indirect_dma semaphore(%arg17 : memref<!tpu.dma_semaphore, #tpu.memory_space<semaphore_mem>>) src(%arg8 : memref<64x128xf32, #tpu.memory_space<vmem>>) dst(%dma_wait3A_558 : memref<10240x128xf32, #tpu.memory_space<vmem_shared>>)
      %add3A_559 = arith.constant 4 : i32
      %add3A_560 = arith.addi %add3A_538, %add3A_559 : i32
      %dma_start3A_561 = arith.constant 0 : i32
      %dma_start3A_562 = tpu.memref_slice %arg6[%add3A_560, %dma_start3A_561] : memref<40x64xi32, #tpu.memory_space<vmem>> -> memref<1x64xi32, #tpu.memory_space<vmem>>
      %dma_start3A_563 = tpu.memref_squeeze %dma_start3A_562 : memref<1x64xi32, #tpu.memory_space<vmem>> -> memref<64xi32, #tpu.memory_space<vmem>>
      %dma_start3A_564 = arith.constant 0 : i32
      %dma_start3A_565 = arith.constant 0 : i32
      %dma_start3A_566 = tpu.memref_slice %arg4[%dma_start3A_564, %dma_start3A_565] : memref<10000x128xf32, #tpu.memory_space<hbm>> -> memref<10000x128xf32, #tpu.memory_space<hbm>>
      tpu.enqueue_indirect_dma source(%dma_start3A_566 : memref<10000x128xf32, #tpu.memory_space<hbm>>) target(%arg8 : memref<64x128xf32, #tpu.memory_space<vmem>>) offsets(%dma_start3A_563 : memref<64xi32, #tpu.memory_space<vmem>>) semaphore(%arg13 : memref<!tpu.dma_semaphore, #tpu.memory_space<semaphore_mem>>)
      %mul3A_567 = arith.constant 4 : i32
      %mul3A_568 = arith.muli %mul3A_567, %scan3A_533 : i32
      %add3A_569 = arith.constant 1 : i32
      %add3A_570 = arith.addi %mul3A_568, %add3A_569 : i32
      %dma_wait3A_571 = arith.constant 0 : i32
      %dma_wait3A_572 = arith.constant 0 : i32
      %dma_wait3A_573 = tpu.memref_slice %arg6[%dma_wait3A_571, %dma_wait3A_572] : memref<40x64xi32, #tpu.memory_space<vmem>> -> memref<1x64xi32, #tpu.memory_space<vmem>>
      %dma_wait3A_574 = tpu.memref_squeeze %dma_wait3A_573 : memref<1x64xi32, #tpu.memory_space<vmem>> -> memref<64xi32, #tpu.memory_space<vmem>>
      %dma_wait3A_575 = arith.constant 0 : i32
      %dma_wait3A_576 = arith.constant 0 : i32
      %dma_wait3A_577 = tpu.memref_slice %arg4[%dma_wait3A_575, %dma_wait3A_576] : memref<10000x128xf32, #tpu.memory_space<hbm>> -> memref<10000x128xf32, #tpu.memory_space<hbm>>
      tpu.wait_indirect_dma semaphore(%arg14 : memref<!tpu.dma_semaphore, #tpu.memory_space<semaphore_mem>>) src(%dma_wait3A_577 : memref<10000x128xf32, #tpu.memory_space<hbm>>) dst(%arg9 : memref<64x128xf32, #tpu.memory_space<vmem>>)
      %dma_start3A_578 = arith.constant 0 : i32
      %dma_start3A_579 = tpu.memref_slice %arg7[%add3A_570, %dma_start3A_578] : memref<40x64xi32, #tpu.memory_space<vmem>> -> memref<1x64xi32, #tpu.memory_space<vmem>>
      %dma_start3A_580 = tpu.memref_squeeze %dma_start3A_579 : memref<1x64xi32, #tpu.memory_space<vmem>> -> memref<64xi32, #tpu.memory_space<vmem>>
      %dma_start3A_581 = arith.constant 0 : i32
      %dma_start3A_582 = arith.constant 0 : i32
      %dma_start3A_583 = tpu.memref_slice %arg12[%dma_start3A_581, %dma_start3A_582] : memref<10240x128xf32, #tpu.memory_space<vmem_shared>> -> memref<10240x128xf32, #tpu.memory_space<vmem_shared>>
      tpu.enqueue_indirect_dma source(%arg9 : memref<64x128xf32, #tpu.memory_space<vmem>>) target(%dma_start3A_583 : memref<10240x128xf32, #tpu.memory_space<vmem_shared>>) offsets(%dma_start3A_580 : memref<64xi32, #tpu.memory_space<vmem>>) semaphore(%arg18 : memref<!tpu.dma_semaphore, #tpu.memory_space<semaphore_mem>>) {add = true}
      %dma_wait3A_584 = arith.constant 0 : i32
      %dma_wait3A_585 = arith.constant 0 : i32
      %dma_wait3A_586 = tpu.memref_slice %arg7[%dma_wait3A_584, %dma_wait3A_585] : memref<40x64xi32, #tpu.memory_space<vmem>> -> memref<1x64xi32, #tpu.memory_space<vmem>>
      %dma_wait3A_587 = tpu.memref_squeeze %dma_wait3A_586 : memref<1x64xi32, #tpu.memory_space<vmem>> -> memref<64xi32, #tpu.memory_space<vmem>>
      %dma_wait3A_588 = arith.constant 0 : i32
      %dma_wait3A_589 = arith.constant 0 : i32
      %dma_wait3A_590 = tpu.memref_slice %arg12[%dma_wait3A_588, %dma_wait3A_589] : memref<10240x128xf32, #tpu.memory_space<vmem_shared>> -> memref<10240x128xf32, #tpu.memory_space<vmem_shared>>
      tpu.wait_indirect_dma semaphore(%arg18 : memref<!tpu.dma_semaphore, #tpu.memory_space<semaphore_mem>>) src(%arg9 : memref<64x128xf32, #tpu.memory_space<vmem>>) dst(%dma_wait3A_590 : memref<10240x128xf32, #tpu.memory_space<vmem_shared>>)
      %add3A_591 = arith.constant 4 : i32
      %add3A_592 = arith.addi %add3A_570, %add3A_591 : i32
      %dma_start3A_593 = arith.constant 0 : i32
      %dma_start3A_594 = tpu.memref_slice %arg6[%add3A_592, %dma_start3A_593] : memref<40x64xi32, #tpu.memory_space<vmem>> -> memref<1x64xi32, #tpu.memory_space<vmem>>
      %dma_start3A_595 = tpu.memref_squeeze %dma_start3A_594 : memref<1x64xi32, #tpu.memory_space<vmem>> -> memref<64xi32, #tpu.memory_space<vmem>>
      %dma_start3A_596 = arith.constant 0 : i32
      %dma_start3A_597 = arith.constant 0 : i32
      %dma_start3A_598 = tpu.memref_slice %arg4[%dma_start3A_596, %dma_start3A_597] : memref<10000x128xf32, #tpu.memory_space<hbm>> -> memref<10000x128xf32, #tpu.memory_space<hbm>>
      tpu.enqueue_indirect_dma source(%dma_start3A_598 : memref<10000x128xf32, #tpu.memory_space<hbm>>) target(%arg9 : memref<64x128xf32, #tpu.memory_space<vmem>>) offsets(%dma_start3A_595 : memref<64xi32, #tpu.memory_space<vmem>>) semaphore(%arg14 : memref<!tpu.dma_semaphore, #tpu.memory_space<semaphore_mem>>)
      %mul3A_599 = arith.constant 4 : i32
      %mul3A_600 = arith.muli %mul3A_599, %scan3A_533 : i32
      %add3A_601 = arith.constant 2 : i32
      %add3A_602 = arith.addi %mul3A_600, %add3A_601 : i32
      %dma_wait3A_603 = arith.constant 0 : i32
      %dma_wait3A_604 = arith.constant 0 : i32
      %dma_wait3A_605 = tpu.memref_slice %arg6[%dma_wait3A_603, %dma_wait3A_604] : memref<40x64xi32, #tpu.memory_space<vmem>> -> memref<1x64xi32, #tpu.memory_space<vmem>>
      %dma_wait3A_606 = tpu.memref_squeeze %dma_wait3A_605 : memref<1x64xi32, #tpu.memory_space<vmem>> -> memref<64xi32, #tpu.memory_space<vmem>>
      %dma_wait3A_607 = arith.constant 0 : i32
      %dma_wait3A_608 = arith.constant 0 : i32
      %dma_wait3A_609 = tpu.memref_slice %arg4[%dma_wait3A_607, %dma_wait3A_608] : memref<10000x128xf32, #tpu.memory_space<hbm>> -> memref<10000x128xf32, #tpu.memory_space<hbm>>
      tpu.wait_indirect_dma semaphore(%arg15 : memref<!tpu.dma_semaphore, #tpu.memory_space<semaphore_mem>>) src(%dma_wait3A_609 : memref<10000x128xf32, #tpu.memory_space<hbm>>) dst(%arg10 : memref<64x128xf32, #tpu.memory_space<vmem>>)
      %dma_start3A_610 = arith.constant 0 : i32
      %dma_start3A_611 = tpu.memref_slice %arg7[%add3A_602, %dma_start3A_610] : memref<40x64xi32, #tpu.memory_space<vmem>> -> memref<1x64xi32, #tpu.memory_space<vmem>>
      %dma_start3A_612 = tpu.memref_squeeze %dma_start3A_611 : memref<1x64xi32, #tpu.memory_space<vmem>> -> memref<64xi32, #tpu.memory_space<vmem>>
      %dma_start3A_613 = arith.constant 0 : i32
      %dma_start3A_614 = arith.constant 0 : i32
      %dma_start3A_615 = tpu.memref_slice %arg12[%dma_start3A_613, %dma_start3A_614] : memref<10240x128xf32, #tpu.memory_space<vmem_shared>> -> memref<10240x128xf32, #tpu.memory_space<vmem_shared>>
      tpu.enqueue_indirect_dma source(%arg10 : memref<64x128xf32, #tpu.memory_space<vmem>>) target(%dma_start3A_615 : memref<10240x128xf32, #tpu.memory_space<vmem_shared>>) offsets(%dma_start3A_612 : memref<64xi32, #tpu.memory_space<vmem>>) semaphore(%arg19 : memref<!tpu.dma_semaphore, #tpu.memory_space<semaphore_mem>>) {add = true}
      %dma_wait3A_616 = arith.constant 0 : i32
      %dma_wait3A_617 = arith.constant 0 : i32
      %dma_wait3A_618 = tpu.memref_slice %arg7[%dma_wait3A_616, %dma_wait3A_617] : memref<40x64xi32, #tpu.memory_space<vmem>> -> memref<1x64xi32, #tpu.memory_space<vmem>>
      %dma_wait3A_619 = tpu.memref_squeeze %dma_wait3A_618 : memref<1x64xi32, #tpu.memory_space<vmem>> -> memref<64xi32, #tpu.memory_space<vmem>>
      %dma_wait3A_620 = arith.constant 0 : i32
      %dma_wait3A_621 = arith.constant 0 : i32
      %dma_wait3A_622 = tpu.memref_slice %arg12[%dma_wait3A_620, %dma_wait3A_621] : memref<10240x128xf32, #tpu.memory_space<vmem_shared>> -> memref<10240x128xf32, #tpu.memory_space<vmem_shared>>
      tpu.wait_indirect_dma semaphore(%arg19 : memref<!tpu.dma_semaphore, #tpu.memory_space<semaphore_mem>>) src(%arg10 : memref<64x128xf32, #tpu.memory_space<vmem>>) dst(%dma_wait3A_622 : memref<10240x128xf32, #tpu.memory_space<vmem_shared>>)
      %add3A_623 = arith.constant 4 : i32
      %add3A_624 = arith.addi %add3A_602, %add3A_623 : i32
      %dma_start3A_625 = arith.constant 0 : i32
      %dma_start3A_626 = tpu.memref_slice %arg6[%add3A_624, %dma_start3A_625] : memref<40x64xi32, #tpu.memory_space<vmem>> -> memref<1x64xi32, #tpu.memory_space<vmem>>
      %dma_start3A_627 = tpu.memref_squeeze %dma_start3A_626 : memref<1x64xi32, #tpu.memory_space<vmem>> -> memref<64xi32, #tpu.memory_space<vmem>>
      %dma_start3A_628 = arith.constant 0 : i32
      %dma_start3A_629 = arith.constant 0 : i32
      %dma_start3A_630 = tpu.memref_slice %arg4[%dma_start3A_628, %dma_start3A_629] : memref<10000x128xf32, #tpu.memory_space<hbm>> -> memref<10000x128xf32, #tpu.memory_space<hbm>>
      tpu.enqueue_indirect_dma source(%dma_start3A_630 : memref<10000x128xf32, #tpu.memory_space<hbm>>) target(%arg10 : memref<64x128xf32, #tpu.memory_space<vmem>>) offsets(%dma_start3A_627 : memref<64xi32, #tpu.memory_space<vmem>>) semaphore(%arg15 : memref<!tpu.dma_semaphore, #tpu.memory_space<semaphore_mem>>)
      %mul3A_631 = arith.constant 4 : i32
      %mul3A_632 = arith.muli %mul3A_631, %scan3A_533 : i32
      %add3A_633 = arith.constant 3 : i32
      %add3A_634 = arith.addi %mul3A_632, %add3A_633 : i32
      %dma_wait3A_635 = arith.constant 0 : i32
      %dma_wait3A_636 = arith.constant 0 : i32
      %dma_wait3A_637 = tpu.memref_slice %arg6[%dma_wait3A_635, %dma_wait3A_636] : memref<40x64xi32, #tpu.memory_space<vmem>> -> memref<1x64xi32, #tpu.memory_space<vmem>>
      %dma_wait3A_638 = tpu.memref_squeeze %dma_wait3A_637 : memref<1x64xi32, #tpu.memory_space<vmem>> -> memref<64xi32, #tpu.memory_space<vmem>>
      %dma_wait3A_639 = arith.constant 0 : i32
      %dma_wait3A_640 = arith.constant 0 : i32
      %dma_wait3A_641 = tpu.memref_slice %arg4[%dma_wait3A_639, %dma_wait3A_640] : memref<10000x128xf32, #tpu.memory_space<hbm>> -> memref<10000x128xf32, #tpu.memory_space<hbm>>
      tpu.wait_indirect_dma semaphore(%arg16 : memref<!tpu.dma_semaphore, #tpu.memory_space<semaphore_mem>>) src(%dma_wait3A_641 : memref<10000x128xf32, #tpu.memory_space<hbm>>) dst(%arg11 : memref<64x128xf32, #tpu.memory_space<vmem>>)
      %dma_start3A_642 = arith.constant 0 : i32
      %dma_start3A_643 = tpu.memref_slice %arg7[%add3A_634, %dma_start3A_642] : memref<40x64xi32, #tpu.memory_space<vmem>> -> memref<1x64xi32, #tpu.memory_space<vmem>>
      %dma_start3A_644 = tpu.memref_squeeze %dma_start3A_643 : memref<1x64xi32, #tpu.memory_space<vmem>> -> memref<64xi32, #tpu.memory_space<vmem>>
      %dma_start3A_645 = arith.constant 0 : i32
      %dma_start3A_646 = arith.constant 0 : i32
      %dma_start3A_647 = tpu.memref_slice %arg12[%dma_start3A_645, %dma_start3A_646] : memref<10240x128xf32, #tpu.memory_space<vmem_shared>> -> memref<10240x128xf32, #tpu.memory_space<vmem_shared>>
      tpu.enqueue_indirect_dma source(%arg11 : memref<64x128xf32, #tpu.memory_space<vmem>>) target(%dma_start3A_647 : memref<10240x128xf32, #tpu.memory_space<vmem_shared>>) offsets(%dma_start3A_644 : memref<64xi32, #tpu.memory_space<vmem>>) semaphore(%arg20 : memref<!tpu.dma_semaphore, #tpu.memory_space<semaphore_mem>>) {add = true}
      %dma_wait3A_648 = arith.constant 0 : i32
      %dma_wait3A_649 = arith.constant 0 : i32
      %dma_wait3A_650 = tpu.memref_slice %arg7[%dma_wait3A_648, %dma_wait3A_649] : memref<40x64xi32, #tpu.memory_space<vmem>> -> memref<1x64xi32, #tpu.memory_space<vmem>>
      %dma_wait3A_651 = tpu.memref_squeeze %dma_wait3A_650 : memref<1x64xi32, #tpu.memory_space<vmem>> -> memref<64xi32, #tpu.memory_space<vmem>>
      %dma_wait3A_652 = arith.constant 0 : i32
      %dma_wait3A_653 = arith.constant 0 : i32
      %dma_wait3A_654 = tpu.memref_slice %arg12[%dma_wait3A_652, %dma_wait3A_653] : memref<10240x128xf32, #tpu.memory_space<vmem_shared>> -> memref<10240x128xf32, #tpu.memory_space<vmem_shared>>
      tpu.wait_indirect_dma semaphore(%arg20 : memref<!tpu.dma_semaphore, #tpu.memory_space<semaphore_mem>>) src(%arg11 : memref<64x128xf32, #tpu.memory_space<vmem>>) dst(%dma_wait3A_654 : memref<10240x128xf32, #tpu.memory_space<vmem_shared>>)
      %add3A_655 = arith.constant 4 : i32
      %add3A_656 = arith.addi %add3A_634, %add3A_655 : i32
      %dma_start3A_657 = arith.constant 0 : i32
      %dma_start3A_658 = tpu.memref_slice %arg6[%add3A_656, %dma_start3A_657] : memref<40x64xi32, #tpu.memory_space<vmem>> -> memref<1x64xi32, #tpu.memory_space<vmem>>
      %dma_start3A_659 = tpu.memref_squeeze %dma_start3A_658 : memref<1x64xi32, #tpu.memory_space<vmem>> -> memref<64xi32, #tpu.memory_space<vmem>>
      %dma_start3A_660 = arith.constant 0 : i32
      %dma_start3A_661 = arith.constant 0 : i32
      %dma_start3A_662 = tpu.memref_slice %arg4[%dma_start3A_660, %dma_start3A_661] : memref<10000x128xf32, #tpu.memory_space<hbm>> -> memref<10000x128xf32, #tpu.memory_space<hbm>>
      tpu.enqueue_indirect_dma source(%dma_start3A_662 : memref<10000x128xf32, #tpu.memory_space<hbm>>) target(%arg11 : memref<64x128xf32, #tpu.memory_space<vmem>>) offsets(%dma_start3A_659 : memref<64xi32, #tpu.memory_space<vmem>>) semaphore(%arg16 : memref<!tpu.dma_semaphore, #tpu.memory_space<semaphore_mem>>)
      %scan3A_663 = arith.constant 0 : i32
      scf.yield %scan3A_663 : i32
    }
    %scan3A_81 = arith.constant 9 : i32
    %dma_wait3A = arith.constant 0 : i32
    %dma_wait3A_82 = arith.constant 0 : i32
    %dma_wait3A_83 = tpu.memref_slice %arg6[%dma_wait3A, %dma_wait3A_82] : memref<40x64xi32, #tpu.memory_space<vmem>> -> memref<1x64xi32, #tpu.memory_space<vmem>>
    %dma_wait3A_84 = tpu.memref_squeeze %dma_wait3A_83 : memref<1x64xi32, #tpu.memory_space<vmem>> -> memref<64xi32, #tpu.memory_space<vmem>>
    %dma_wait3A_85 = arith.constant 0 : i32
    %dma_wait3A_86 = arith.constant 0 : i32
    %dma_wait3A_87 = tpu.memref_slice %arg4[%dma_wait3A_85, %dma_wait3A_86] : memref<10000x128xf32, #tpu.memory_space<hbm>> -> memref<10000x128xf32, #tpu.memory_space<hbm>>
    tpu.wait_indirect_dma semaphore(%arg13 : memref<!tpu.dma_semaphore, #tpu.memory_space<semaphore_mem>>) src(%dma_wait3A_87 : memref<10000x128xf32, #tpu.memory_space<hbm>>) dst(%arg8 : memref<64x128xf32, #tpu.memory_space<vmem>>)
    %dma_start3A_88 = arith.constant 36 : i32
    %dma_start3A_89 = arith.constant 0 : i32
    %dma_start3A_90 = tpu.memref_slice %arg7[%dma_start3A_88, %dma_start3A_89] : memref<40x64xi32, #tpu.memory_space<vmem>> -> memref<1x64xi32, #tpu.memory_space<vmem>>
    %dma_start3A_91 = tpu.memref_squeeze %dma_start3A_90 : memref<1x64xi32, #tpu.memory_space<vmem>> -> memref<64xi32, #tpu.memory_space<vmem>>
    %dma_start3A_92 = arith.constant 0 : i32
    %dma_start3A_93 = arith.constant 0 : i32
    %dma_start3A_94 = tpu.memref_slice %arg12[%dma_start3A_92, %dma_start3A_93] : memref<10240x128xf32, #tpu.memory_space<vmem_shared>> -> memref<10240x128xf32, #tpu.memory_space<vmem_shared>>
    tpu.enqueue_indirect_dma source(%arg8 : memref<64x128xf32, #tpu.memory_space<vmem>>) target(%dma_start3A_94 : memref<10240x128xf32, #tpu.memory_space<vmem_shared>>) offsets(%dma_start3A_91 : memref<64xi32, #tpu.memory_space<vmem>>) semaphore(%arg17 : memref<!tpu.dma_semaphore, #tpu.memory_space<semaphore_mem>>) {add = true}
    %dma_wait3A_95 = arith.constant 0 : i32
    %dma_wait3A_96 = arith.constant 0 : i32
    %dma_wait3A_97 = tpu.memref_slice %arg6[%dma_wait3A_95, %dma_wait3A_96] : memref<40x64xi32, #tpu.memory_space<vmem>> -> memref<1x64xi32, #tpu.memory_space<vmem>>
    %dma_wait3A_98 = tpu.memref_squeeze %dma_wait3A_97 : memref<1x64xi32, #tpu.memory_space<vmem>> -> memref<64xi32, #tpu.memory_space<vmem>>
    %dma_wait3A_99 = arith.constant 0 : i32
    %dma_wait3A_100 = arith.constant 0 : i32
    %dma_wait3A_101 = tpu.memref_slice %arg4[%dma_wait3A_99, %dma_wait3A_100] : memref<10000x128xf32, #tpu.memory_space<hbm>> -> memref<10000x128xf32, #tpu.memory_space<hbm>>
    tpu.wait_indirect_dma semaphore(%arg14 : memref<!tpu.dma_semaphore, #tpu.memory_space<semaphore_mem>>) src(%dma_wait3A_101 : memref<10000x128xf32, #tpu.memory_space<hbm>>) dst(%arg9 : memref<64x128xf32, #tpu.memory_space<vmem>>)
    %dma_start3A_102 = arith.constant 37 : i32
    %dma_start3A_103 = arith.constant 0 : i32
    %dma_start3A_104 = tpu.memref_slice %arg7[%dma_start3A_102, %dma_start3A_103] : memref<40x64xi32, #tpu.memory_space<vmem>> -> memref<1x64xi32, #tpu.memory_space<vmem>>
    %dma_start3A_105 = tpu.memref_squeeze %dma_start3A_104 : memref<1x64xi32, #tpu.memory_space<vmem>> -> memref<64xi32, #tpu.memory_space<vmem>>
    %dma_start3A_106 = arith.constant 0 : i32
    %dma_start3A_107 = arith.constant 0 : i32
    %dma_start3A_108 = tpu.memref_slice %arg12[%dma_start3A_106, %dma_start3A_107] : memref<10240x128xf32, #tpu.memory_space<vmem_shared>> -> memref<10240x128xf32, #tpu.memory_space<vmem_shared>>
    tpu.enqueue_indirect_dma source(%arg9 : memref<64x128xf32, #tpu.memory_space<vmem>>) target(%dma_start3A_108 : memref<10240x128xf32, #tpu.memory_space<vmem_shared>>) offsets(%dma_start3A_105 : memref<64xi32, #tpu.memory_space<vmem>>) semaphore(%arg18 : memref<!tpu.dma_semaphore, #tpu.memory_space<semaphore_mem>>) {add = true}
    %dma_wait3A_109 = arith.constant 0 : i32
    %dma_wait3A_110 = arith.constant 0 : i32
    %dma_wait3A_111 = tpu.memref_slice %arg6[%dma_wait3A_109, %dma_wait3A_110] : memref<40x64xi32, #tpu.memory_space<vmem>> -> memref<1x64xi32, #tpu.memory_space<vmem>>
    %dma_wait3A_112 = tpu.memref_squeeze %dma_wait3A_111 : memref<1x64xi32, #tpu.memory_space<vmem>> -> memref<64xi32, #tpu.memory_space<vmem>>
    %dma_wait3A_113 = arith.constant 0 : i32
    %dma_wait3A_114 = arith.constant 0 : i32
    %dma_wait3A_115 = tpu.memref_slice %arg4[%dma_wait3A_113, %dma_wait3A_114] : memref<10000x128xf32, #tpu.memory_space<hbm>> -> memref<10000x128xf32, #tpu.memory_space<hbm>>
    tpu.wait_indirect_dma semaphore(%arg15 : memref<!tpu.dma_semaphore, #tpu.memory_space<semaphore_mem>>) src(%dma_wait3A_115 : memref<10000x128xf32, #tpu.memory_space<hbm>>) dst(%arg10 : memref<64x128xf32, #tpu.memory_space<vmem>>)
    %dma_start3A_116 = arith.constant 38 : i32
    %dma_start3A_117 = arith.constant 0 : i32
    %dma_start3A_118 = tpu.memref_slice %arg7[%dma_start3A_116, %dma_start3A_117] : memref<40x64xi32, #tpu.memory_space<vmem>> -> memref<1x64xi32, #tpu.memory_space<vmem>>
    %dma_start3A_119 = tpu.memref_squeeze %dma_start3A_118 : memref<1x64xi32, #tpu.memory_space<vmem>> -> memref<64xi32, #tpu.memory_space<vmem>>
    %dma_start3A_120 = arith.constant 0 : i32
    %dma_start3A_121 = arith.constant 0 : i32
    %dma_start3A_122 = tpu.memref_slice %arg12[%dma_start3A_120, %dma_start3A_121] : memref<10240x128xf32, #tpu.memory_space<vmem_shared>> -> memref<10240x128xf32, #tpu.memory_space<vmem_shared>>
    tpu.enqueue_indirect_dma source(%arg10 : memref<64x128xf32, #tpu.memory_space<vmem>>) target(%dma_start3A_122 : memref<10240x128xf32, #tpu.memory_space<vmem_shared>>) offsets(%dma_start3A_119 : memref<64xi32, #tpu.memory_space<vmem>>) semaphore(%arg19 : memref<!tpu.dma_semaphore, #tpu.memory_space<semaphore_mem>>) {add = true}
    %dma_wait3A_123 = arith.constant 0 : i32
    %dma_wait3A_124 = arith.constant 0 : i32
    %dma_wait3A_125 = tpu.memref_slice %arg6[%dma_wait3A_123, %dma_wait3A_124] : memref<40x64xi32, #tpu.memory_space<vmem>> -> memref<1x64xi32, #tpu.memory_space<vmem>>
    %dma_wait3A_126 = tpu.memref_squeeze %dma_wait3A_125 : memref<1x64xi32, #tpu.memory_space<vmem>> -> memref<64xi32, #tpu.memory_space<vmem>>
    %dma_wait3A_127 = arith.constant 0 : i32
    %dma_wait3A_128 = arith.constant 0 : i32
    %dma_wait3A_129 = tpu.memref_slice %arg4[%dma_wait3A_127, %dma_wait3A_128] : memref<10000x128xf32, #tpu.memory_space<hbm>> -> memref<10000x128xf32, #tpu.memory_space<hbm>>
    tpu.wait_indirect_dma semaphore(%arg16 : memref<!tpu.dma_semaphore, #tpu.memory_space<semaphore_mem>>) src(%dma_wait3A_129 : memref<10000x128xf32, #tpu.memory_space<hbm>>) dst(%arg11 : memref<64x128xf32, #tpu.memory_space<vmem>>)
    %dma_start3A_130 = arith.constant 39 : i32
    %dma_start3A_131 = arith.constant 0 : i32
    %dma_start3A_132 = tpu.memref_slice %arg7[%dma_start3A_130, %dma_start3A_131] : memref<40x64xi32, #tpu.memory_space<vmem>> -> memref<1x64xi32, #tpu.memory_space<vmem>>
    %dma_start3A_133 = tpu.memref_squeeze %dma_start3A_132 : memref<1x64xi32, #tpu.memory_space<vmem>> -> memref<64xi32, #tpu.memory_space<vmem>>
    %dma_start3A_134 = arith.constant 0 : i32
    %dma_start3A_135 = arith.constant 0 : i32
    %dma_start3A_136 = tpu.memref_slice %arg12[%dma_start3A_134, %dma_start3A_135] : memref<10240x128xf32, #tpu.memory_space<vmem_shared>> -> memref<10240x128xf32, #tpu.memory_space<vmem_shared>>
    tpu.enqueue_indirect_dma source(%arg11 : memref<64x128xf32, #tpu.memory_space<vmem>>) target(%dma_start3A_136 : memref<10240x128xf32, #tpu.memory_space<vmem_shared>>) offsets(%dma_start3A_133 : memref<64xi32, #tpu.memory_space<vmem>>) semaphore(%arg20 : memref<!tpu.dma_semaphore, #tpu.memory_space<semaphore_mem>>) {add = true}
    %dma_wait3A_137 = arith.constant 0 : i32
    %dma_wait3A_138 = arith.constant 0 : i32
    %dma_wait3A_139 = tpu.memref_slice %arg7[%dma_wait3A_137, %dma_wait3A_138] : memref<40x64xi32, #tpu.memory_space<vmem>> -> memref<1x64xi32, #tpu.memory_space<vmem>>
    %dma_wait3A_140 = tpu.memref_squeeze %dma_wait3A_139 : memref<1x64xi32, #tpu.memory_space<vmem>> -> memref<64xi32, #tpu.memory_space<vmem>>
    %dma_wait3A_141 = arith.constant 0 : i32
    %dma_wait3A_142 = arith.constant 0 : i32
    %dma_wait3A_143 = tpu.memref_slice %arg12[%dma_wait3A_141, %dma_wait3A_142] : memref<10240x128xf32, #tpu.memory_space<vmem_shared>> -> memref<10240x128xf32, #tpu.memory_space<vmem_shared>>
    tpu.wait_indirect_dma semaphore(%arg17 : memref<!tpu.dma_semaphore, #tpu.memory_space<semaphore_mem>>) src(%arg8 : memref<64x128xf32, #tpu.memory_space<vmem>>) dst(%dma_wait3A_143 : memref<10240x128xf32, #tpu.memory_space<vmem_shared>>)
    %dma_wait3A_144 = arith.constant 0 : i32
    %dma_wait3A_145 = arith.constant 0 : i32
    %dma_wait3A_146 = tpu.memref_slice %arg7[%dma_wait3A_144, %dma_wait3A_145] : memref<40x64xi32, #tpu.memory_space<vmem>> -> memref<1x64xi32, #tpu.memory_space<vmem>>
    %dma_wait3A_147 = tpu.memref_squeeze %dma_wait3A_146 : memref<1x64xi32, #tpu.memory_space<vmem>> -> memref<64xi32, #tpu.memory_space<vmem>>
    %dma_wait3A_148 = arith.constant 0 : i32
    %dma_wait3A_149 = arith.constant 0 : i32
    %dma_wait3A_150 = tpu.memref_slice %arg12[%dma_wait3A_148, %dma_wait3A_149] : memref<10240x128xf32, #tpu.memory_space<vmem_shared>> -> memref<10240x128xf32, #tpu.memory_space<vmem_shared>>
    tpu.wait_indirect_dma semaphore(%arg18 : memref<!tpu.dma_semaphore, #tpu.memory_space<semaphore_mem>>) src(%arg9 : memref<64x128xf32, #tpu.memory_space<vmem>>) dst(%dma_wait3A_150 : memref<10240x128xf32, #tpu.memory_space<vmem_shared>>)
    %dma_wait3A_151 = arith.constant 0 : i32
    %dma_wait3A_152 = arith.constant 0 : i32
    %dma_wait3A_153 = tpu.memref_slice %arg7[%dma_wait3A_151, %dma_wait3A_152] : memref<40x64xi32, #tpu.memory_space<vmem>> -> memref<1x64xi32, #tpu.memory_space<vmem>>
    %dma_wait3A_154 = tpu.memref_squeeze %dma_wait3A_153 : memref<1x64xi32, #tpu.memory_space<vmem>> -> memref<64xi32, #tpu.memory_space<vmem>>
    %dma_wait3A_155 = arith.constant 0 : i32
    %dma_wait3A_156 = arith.constant 0 : i32
    %dma_wait3A_157 = tpu.memref_slice %arg12[%dma_wait3A_155, %dma_wait3A_156] : memref<10240x128xf32, #tpu.memory_space<vmem_shared>> -> memref<10240x128xf32, #tpu.memory_space<vmem_shared>>
    tpu.wait_indirect_dma semaphore(%arg19 : memref<!tpu.dma_semaphore, #tpu.memory_space<semaphore_mem>>) src(%arg10 : memref<64x128xf32, #tpu.memory_space<vmem>>) dst(%dma_wait3A_157 : memref<10240x128xf32, #tpu.memory_space<vmem_shared>>)
    %dma_wait3A_158 = arith.constant 0 : i32
    %dma_wait3A_159 = arith.constant 0 : i32
    %dma_wait3A_160 = tpu.memref_slice %arg7[%dma_wait3A_158, %dma_wait3A_159] : memref<40x64xi32, #tpu.memory_space<vmem>> -> memref<1x64xi32, #tpu.memory_space<vmem>>
    %dma_wait3A_161 = tpu.memref_squeeze %dma_wait3A_160 : memref<1x64xi32, #tpu.memory_space<vmem>> -> memref<64xi32, #tpu.memory_space<vmem>>
    %dma_wait3A_162 = arith.constant 0 : i32
    %dma_wait3A_163 = arith.constant 0 : i32
    %dma_wait3A_164 = tpu.memref_slice %arg12[%dma_wait3A_162, %dma_wait3A_163] : memref<10240x128xf32, #tpu.memory_space<vmem_shared>> -> memref<10240x128xf32, #tpu.memory_space<vmem_shared>>
    tpu.wait_indirect_dma semaphore(%arg20 : memref<!tpu.dma_semaphore, #tpu.memory_space<semaphore_mem>>) src(%arg11 : memref<64x128xf32, #tpu.memory_space<vmem>>) dst(%dma_wait3A_164 : memref<10240x128xf32, #tpu.memory_space<vmem_shared>>)
    %run_scoped3A_165 = arith.constant 1 : i32
    "tpu.region"() ({
      %run_scoped3A_533 = tpu.sem_alloc : memref<!tpu.dma_semaphore, #tpu.memory_space<semaphore_mem>>
      %dma_start3A_534 = arith.constant 0 : i32
      %dma_start3A_535 = arith.constant 0 : i32
      %dma_start3A_536 = tpu.memref_slice %arg2[%add3A, %run_scoped3A_165, %dma_start3A_534, %dma_start3A_535] : memref<32x4x40x64xi32, #tpu.memory_space<hbm>> -> memref<1x1x40x64xi32, #tpu.memory_space<hbm>>
      %dma_start3A_537 = tpu.memref_squeeze %dma_start3A_536 : memref<1x1x40x64xi32, #tpu.memory_space<hbm>> -> memref<40x64xi32, #tpu.memory_space<hbm>>
      %dma_start3A_538 = arith.constant 0 : i32
      %dma_start3A_539 = arith.constant 0 : i32
      %dma_start3A_540 = tpu.memref_slice %arg2[%add3A, %run_scoped3A_165, %dma_start3A_538, %dma_start3A_539] : memref<32x4x40x64xi32, #tpu.memory_space<hbm>> -> memref<1x1x40x64xi32, #tpu.memory_space<hbm>>
      %dma_start3A_541 = tpu.memref_squeeze %dma_start3A_540 : memref<1x1x40x64xi32, #tpu.memory_space<hbm>> -> memref<40x64xi32, #tpu.memory_space<hbm>>
      tpu.enqueue_dma source(%dma_start3A_541 : memref<40x64xi32, #tpu.memory_space<hbm>>) target(%arg6 : memref<40x64xi32, #tpu.memory_space<vmem>>) target_semaphore(%run_scoped3A_533 : memref<!tpu.dma_semaphore, #tpu.memory_space<semaphore_mem>>)
      %dma_wait3A_542 = arith.constant 0 : i32
      %dma_wait3A_543 = arith.constant 0 : i32
      %dma_wait3A_544 = tpu.memref_slice %arg2[%add3A, %run_scoped3A_165, %dma_wait3A_542, %dma_wait3A_543] : memref<32x4x40x64xi32, #tpu.memory_space<hbm>> -> memref<1x1x40x64xi32, #tpu.memory_space<hbm>>
      %dma_wait3A_545 = tpu.memref_squeeze %dma_wait3A_544 : memref<1x1x40x64xi32, #tpu.memory_space<hbm>> -> memref<40x64xi32, #tpu.memory_space<hbm>>
      %dma_wait3A_546 = arith.constant 0 : i32
      %dma_wait3A_547 = arith.constant 0 : i32
      %dma_wait3A_548 = tpu.memref_slice %arg2[%add3A, %run_scoped3A_165, %dma_wait3A_546, %dma_wait3A_547] : memref<32x4x40x64xi32, #tpu.memory_space<hbm>> -> memref<1x1x40x64xi32, #tpu.memory_space<hbm>>
      %dma_wait3A_549 = tpu.memref_squeeze %dma_wait3A_548 : memref<1x1x40x64xi32, #tpu.memory_space<hbm>> -> memref<40x64xi32, #tpu.memory_space<hbm>>
      tpu.wait_dma2 semaphore(%run_scoped3A_533 : memref<!tpu.dma_semaphore, #tpu.memory_space<semaphore_mem>>) src(%dma_wait3A_549 : memref<40x64xi32, #tpu.memory_space<hbm>>) dst(%arg6 : memref<40x64xi32, #tpu.memory_space<vmem>>)
      tpu.yield
    }) : () -> ()
    %run_scoped3A_166 = arith.constant 1 : i32
    "tpu.region"() ({
      %run_scoped3A_533 = tpu.sem_alloc : memref<!tpu.dma_semaphore, #tpu.memory_space<semaphore_mem>>
      %dma_start3A_534 = arith.constant 0 : i32
      %dma_start3A_535 = arith.constant 0 : i32
      %dma_start3A_536 = tpu.memref_slice %arg3[%add3A, %run_scoped3A_166, %dma_start3A_534, %dma_start3A_535] : memref<32x4x40x64xi32, #tpu.memory_space<hbm>> -> memref<1x1x40x64xi32, #tpu.memory_space<hbm>>
      %dma_start3A_537 = tpu.memref_squeeze %dma_start3A_536 : memref<1x1x40x64xi32, #tpu.memory_space<hbm>> -> memref<40x64xi32, #tpu.memory_space<hbm>>
      %dma_start3A_538 = arith.constant 0 : i32
      %dma_start3A_539 = arith.constant 0 : i32
      %dma_start3A_540 = tpu.memref_slice %arg3[%add3A, %run_scoped3A_166, %dma_start3A_538, %dma_start3A_539] : memref<32x4x40x64xi32, #tpu.memory_space<hbm>> -> memref<1x1x40x64xi32, #tpu.memory_space<hbm>>
      %dma_start3A_541 = tpu.memref_squeeze %dma_start3A_540 : memref<1x1x40x64xi32, #tpu.memory_space<hbm>> -> memref<40x64xi32, #tpu.memory_space<hbm>>
      tpu.enqueue_dma source(%dma_start3A_541 : memref<40x64xi32, #tpu.memory_space<hbm>>) target(%arg7 : memref<40x64xi32, #tpu.memory_space<vmem>>) target_semaphore(%run_scoped3A_533 : memref<!tpu.dma_semaphore, #tpu.memory_space<semaphore_mem>>)
      %dma_wait3A_542 = arith.constant 0 : i32
      %dma_wait3A_543 = arith.constant 0 : i32
      %dma_wait3A_544 = tpu.memref_slice %arg3[%add3A, %run_scoped3A_166, %dma_wait3A_542, %dma_wait3A_543] : memref<32x4x40x64xi32, #tpu.memory_space<hbm>> -> memref<1x1x40x64xi32, #tpu.memory_space<hbm>>
      %dma_wait3A_545 = tpu.memref_squeeze %dma_wait3A_544 : memref<1x1x40x64xi32, #tpu.memory_space<hbm>> -> memref<40x64xi32, #tpu.memory_space<hbm>>
      %dma_wait3A_546 = arith.constant 0 : i32
      %dma_wait3A_547 = arith.constant 0 : i32
      %dma_wait3A_548 = tpu.memref_slice %arg3[%add3A, %run_scoped3A_166, %dma_wait3A_546, %dma_wait3A_547] : memref<32x4x40x64xi32, #tpu.memory_space<hbm>> -> memref<1x1x40x64xi32, #tpu.memory_space<hbm>>
      %dma_wait3A_549 = tpu.memref_squeeze %dma_wait3A_548 : memref<1x1x40x64xi32, #tpu.memory_space<hbm>> -> memref<40x64xi32, #tpu.memory_space<hbm>>
      tpu.wait_dma2 semaphore(%run_scoped3A_533 : memref<!tpu.dma_semaphore, #tpu.memory_space<semaphore_mem>>) src(%dma_wait3A_549 : memref<40x64xi32, #tpu.memory_space<hbm>>) dst(%arg7 : memref<40x64xi32, #tpu.memory_space<vmem>>)
      tpu.yield
    }) : () -> ()
    %dma_start3A_167 = arith.constant 0 : i32
    %dma_start3A_168 = arith.constant 0 : i32
    %dma_start3A_169 = tpu.memref_slice %arg6[%dma_start3A_167, %dma_start3A_168] : memref<40x64xi32, #tpu.memory_space<vmem>> -> memref<1x64xi32, #tpu.memory_space<vmem>>
    %dma_start3A_170 = tpu.memref_squeeze %dma_start3A_169 : memref<1x64xi32, #tpu.memory_space<vmem>> -> memref<64xi32, #tpu.memory_space<vmem>>
    %dma_start3A_171 = arith.constant 0 : i32
    %dma_start3A_172 = arith.constant 0 : i32
    %dma_start3A_173 = tpu.memref_slice %arg4[%dma_start3A_171, %dma_start3A_172] : memref<10000x128xf32, #tpu.memory_space<hbm>> -> memref<10000x128xf32, #tpu.memory_space<hbm>>
    tpu.enqueue_indirect_dma source(%dma_start3A_173 : memref<10000x128xf32, #tpu.memory_space<hbm>>) target(%arg8 : memref<64x128xf32, #tpu.memory_space<vmem>>) offsets(%dma_start3A_170 : memref<64xi32, #tpu.memory_space<vmem>>) semaphore(%arg13 : memref<!tpu.dma_semaphore, #tpu.memory_space<semaphore_mem>>)
    %dma_start3A_174 = arith.constant 1 : i32
    %dma_start3A_175 = arith.constant 0 : i32
    %dma_start3A_176 = tpu.memref_slice %arg6[%dma_start3A_174, %dma_start3A_175] : memref<40x64xi32, #tpu.memory_space<vmem>> -> memref<1x64xi32, #tpu.memory_space<vmem>>
    %dma_start3A_177 = tpu.memref_squeeze %dma_start3A_176 : memref<1x64xi32, #tpu.memory_space<vmem>> -> memref<64xi32, #tpu.memory_space<vmem>>
    %dma_start3A_178 = arith.constant 0 : i32
    %dma_start3A_179 = arith.constant 0 : i32
    %dma_start3A_180 = tpu.memref_slice %arg4[%dma_start3A_178, %dma_start3A_179] : memref<10000x128xf32, #tpu.memory_space<hbm>> -> memref<10000x128xf32, #tpu.memory_space<hbm>>
    tpu.enqueue_indirect_dma source(%dma_start3A_180 : memref<10000x128xf32, #tpu.memory_space<hbm>>) target(%arg9 : memref<64x128xf32, #tpu.memory_space<vmem>>) offsets(%dma_start3A_177 : memref<64xi32, #tpu.memory_space<vmem>>) semaphore(%arg14 : memref<!tpu.dma_semaphore, #tpu.memory_space<semaphore_mem>>)
    %dma_start3A_181 = arith.constant 2 : i32
    %dma_start3A_182 = arith.constant 0 : i32
    %dma_start3A_183 = tpu.memref_slice %arg6[%dma_start3A_181, %dma_start3A_182] : memref<40x64xi32, #tpu.memory_space<vmem>> -> memref<1x64xi32, #tpu.memory_space<vmem>>
    %dma_start3A_184 = tpu.memref_squeeze %dma_start3A_183 : memref<1x64xi32, #tpu.memory_space<vmem>> -> memref<64xi32, #tpu.memory_space<vmem>>
    %dma_start3A_185 = arith.constant 0 : i32
    %dma_start3A_186 = arith.constant 0 : i32
    %dma_start3A_187 = tpu.memref_slice %arg4[%dma_start3A_185, %dma_start3A_186] : memref<10000x128xf32, #tpu.memory_space<hbm>> -> memref<10000x128xf32, #tpu.memory_space<hbm>>
    tpu.enqueue_indirect_dma source(%dma_start3A_187 : memref<10000x128xf32, #tpu.memory_space<hbm>>) target(%arg10 : memref<64x128xf32, #tpu.memory_space<vmem>>) offsets(%dma_start3A_184 : memref<64xi32, #tpu.memory_space<vmem>>) semaphore(%arg15 : memref<!tpu.dma_semaphore, #tpu.memory_space<semaphore_mem>>)
    %dma_start3A_188 = arith.constant 3 : i32
    %dma_start3A_189 = arith.constant 0 : i32
    %dma_start3A_190 = tpu.memref_slice %arg6[%dma_start3A_188, %dma_start3A_189] : memref<40x64xi32, #tpu.memory_space<vmem>> -> memref<1x64xi32, #tpu.memory_space<vmem>>
    %dma_start3A_191 = tpu.memref_squeeze %dma_start3A_190 : memref<1x64xi32, #tpu.memory_space<vmem>> -> memref<64xi32, #tpu.memory_space<vmem>>
    %dma_start3A_192 = arith.constant 0 : i32
    %dma_start3A_193 = arith.constant 0 : i32
    %dma_start3A_194 = tpu.memref_slice %arg4[%dma_start3A_192, %dma_start3A_193] : memref<10000x128xf32, #tpu.memory_space<hbm>> -> memref<10000x128xf32, #tpu.memory_space<hbm>>
    tpu.enqueue_indirect_dma source(%dma_start3A_194 : memref<10000x128xf32, #tpu.memory_space<hbm>>) target(%arg11 : memref<64x128xf32, #tpu.memory_space<vmem>>) offsets(%dma_start3A_191 : memref<64xi32, #tpu.memory_space<vmem>>) semaphore(%arg16 : memref<!tpu.dma_semaphore, #tpu.memory_space<semaphore_mem>>)
    %scan3A_195 = arith.constant 0 : i32
    %scan3A_196 = arith.constant 0 : i32
    %scan3A_197 = arith.constant 9 : i32
    %scan3A_198 = arith.addi %scan3A_196, %scan3A_197 : i32
    %scan3A_199 = arith.constant 1 : i32
    %scan3A_200 = scf.for %scan3A_533 = %scan3A_196 to %scan3A_198 step %scan3A_199 iter_args(%scan3A_534 = %scan3A_195) -> (i32)  : i32 {
      %mul3A_535 = arith.constant 4 : i32
      %mul3A_536 = arith.muli %mul3A_535, %scan3A_533 : i32
      %add3A_537 = arith.constant 0 : i32
      %add3A_538 = arith.addi %mul3A_536, %add3A_537 : i32
      %dma_wait3A_539 = arith.constant 0 : i32
      %dma_wait3A_540 = arith.constant 0 : i32
      %dma_wait3A_541 = tpu.memref_slice %arg6[%dma_wait3A_539, %dma_wait3A_540] : memref<40x64xi32, #tpu.memory_space<vmem>> -> memref<1x64xi32, #tpu.memory_space<vmem>>
      %dma_wait3A_542 = tpu.memref_squeeze %dma_wait3A_541 : memref<1x64xi32, #tpu.memory_space<vmem>> -> memref<64xi32, #tpu.memory_space<vmem>>
      %dma_wait3A_543 = arith.constant 0 : i32
      %dma_wait3A_544 = arith.constant 0 : i32
      %dma_wait3A_545 = tpu.memref_slice %arg4[%dma_wait3A_543, %dma_wait3A_544] : memref<10000x128xf32, #tpu.memory_space<hbm>> -> memref<10000x128xf32, #tpu.memory_space<hbm>>
      tpu.wait_indirect_dma semaphore(%arg13 : memref<!tpu.dma_semaphore, #tpu.memory_space<semaphore_mem>>) src(%dma_wait3A_545 : memref<10000x128xf32, #tpu.memory_space<hbm>>) dst(%arg8 : memref<64x128xf32, #tpu.memory_space<vmem>>)
      %dma_start3A_546 = arith.constant 0 : i32
      %dma_start3A_547 = tpu.memref_slice %arg7[%add3A_538, %dma_start3A_546] : memref<40x64xi32, #tpu.memory_space<vmem>> -> memref<1x64xi32, #tpu.memory_space<vmem>>
      %dma_start3A_548 = tpu.memref_squeeze %dma_start3A_547 : memref<1x64xi32, #tpu.memory_space<vmem>> -> memref<64xi32, #tpu.memory_space<vmem>>
      %dma_start3A_549 = arith.constant 0 : i32
      %dma_start3A_550 = arith.constant 0 : i32
      %dma_start3A_551 = tpu.memref_slice %arg12[%dma_start3A_549, %dma_start3A_550] : memref<10240x128xf32, #tpu.memory_space<vmem_shared>> -> memref<10240x128xf32, #tpu.memory_space<vmem_shared>>
      tpu.enqueue_indirect_dma source(%arg8 : memref<64x128xf32, #tpu.memory_space<vmem>>) target(%dma_start3A_551 : memref<10240x128xf32, #tpu.memory_space<vmem_shared>>) offsets(%dma_start3A_548 : memref<64xi32, #tpu.memory_space<vmem>>) semaphore(%arg17 : memref<!tpu.dma_semaphore, #tpu.memory_space<semaphore_mem>>) {add = true}
      %dma_wait3A_552 = arith.constant 0 : i32
      %dma_wait3A_553 = arith.constant 0 : i32
      %dma_wait3A_554 = tpu.memref_slice %arg7[%dma_wait3A_552, %dma_wait3A_553] : memref<40x64xi32, #tpu.memory_space<vmem>> -> memref<1x64xi32, #tpu.memory_space<vmem>>
      %dma_wait3A_555 = tpu.memref_squeeze %dma_wait3A_554 : memref<1x64xi32, #tpu.memory_space<vmem>> -> memref<64xi32, #tpu.memory_space<vmem>>
      %dma_wait3A_556 = arith.constant 0 : i32
      %dma_wait3A_557 = arith.constant 0 : i32
      %dma_wait3A_558 = tpu.memref_slice %arg12[%dma_wait3A_556, %dma_wait3A_557] : memref<10240x128xf32, #tpu.memory_space<vmem_shared>> -> memref<10240x128xf32, #tpu.memory_space<vmem_shared>>
      tpu.wait_indirect_dma semaphore(%arg17 : memref<!tpu.dma_semaphore, #tpu.memory_space<semaphore_mem>>) src(%arg8 : memref<64x128xf32, #tpu.memory_space<vmem>>) dst(%dma_wait3A_558 : memref<10240x128xf32, #tpu.memory_space<vmem_shared>>)
      %add3A_559 = arith.constant 4 : i32
      %add3A_560 = arith.addi %add3A_538, %add3A_559 : i32
      %dma_start3A_561 = arith.constant 0 : i32
      %dma_start3A_562 = tpu.memref_slice %arg6[%add3A_560, %dma_start3A_561] : memref<40x64xi32, #tpu.memory_space<vmem>> -> memref<1x64xi32, #tpu.memory_space<vmem>>
      %dma_start3A_563 = tpu.memref_squeeze %dma_start3A_562 : memref<1x64xi32, #tpu.memory_space<vmem>> -> memref<64xi32, #tpu.memory_space<vmem>>
      %dma_start3A_564 = arith.constant 0 : i32
      %dma_start3A_565 = arith.constant 0 : i32
      %dma_start3A_566 = tpu.memref_slice %arg4[%dma_start3A_564, %dma_start3A_565] : memref<10000x128xf32, #tpu.memory_space<hbm>> -> memref<10000x128xf32, #tpu.memory_space<hbm>>
      tpu.enqueue_indirect_dma source(%dma_start3A_566 : memref<10000x128xf32, #tpu.memory_space<hbm>>) target(%arg8 : memref<64x128xf32, #tpu.memory_space<vmem>>) offsets(%dma_start3A_563 : memref<64xi32, #tpu.memory_space<vmem>>) semaphore(%arg13 : memref<!tpu.dma_semaphore, #tpu.memory_space<semaphore_mem>>)
      %mul3A_567 = arith.constant 4 : i32
      %mul3A_568 = arith.muli %mul3A_567, %scan3A_533 : i32
      %add3A_569 = arith.constant 1 : i32
      %add3A_570 = arith.addi %mul3A_568, %add3A_569 : i32
      %dma_wait3A_571 = arith.constant 0 : i32
      %dma_wait3A_572 = arith.constant 0 : i32
      %dma_wait3A_573 = tpu.memref_slice %arg6[%dma_wait3A_571, %dma_wait3A_572] : memref<40x64xi32, #tpu.memory_space<vmem>> -> memref<1x64xi32, #tpu.memory_space<vmem>>
      %dma_wait3A_574 = tpu.memref_squeeze %dma_wait3A_573 : memref<1x64xi32, #tpu.memory_space<vmem>> -> memref<64xi32, #tpu.memory_space<vmem>>
      %dma_wait3A_575 = arith.constant 0 : i32
      %dma_wait3A_576 = arith.constant 0 : i32
      %dma_wait3A_577 = tpu.memref_slice %arg4[%dma_wait3A_575, %dma_wait3A_576] : memref<10000x128xf32, #tpu.memory_space<hbm>> -> memref<10000x128xf32, #tpu.memory_space<hbm>>
      tpu.wait_indirect_dma semaphore(%arg14 : memref<!tpu.dma_semaphore, #tpu.memory_space<semaphore_mem>>) src(%dma_wait3A_577 : memref<10000x128xf32, #tpu.memory_space<hbm>>) dst(%arg9 : memref<64x128xf32, #tpu.memory_space<vmem>>)
      %dma_start3A_578 = arith.constant 0 : i32
      %dma_start3A_579 = tpu.memref_slice %arg7[%add3A_570, %dma_start3A_578] : memref<40x64xi32, #tpu.memory_space<vmem>> -> memref<1x64xi32, #tpu.memory_space<vmem>>
      %dma_start3A_580 = tpu.memref_squeeze %dma_start3A_579 : memref<1x64xi32, #tpu.memory_space<vmem>> -> memref<64xi32, #tpu.memory_space<vmem>>
      %dma_start3A_581 = arith.constant 0 : i32
      %dma_start3A_582 = arith.constant 0 : i32
      %dma_start3A_583 = tpu.memref_slice %arg12[%dma_start3A_581, %dma_start3A_582] : memref<10240x128xf32, #tpu.memory_space<vmem_shared>> -> memref<10240x128xf32, #tpu.memory_space<vmem_shared>>
      tpu.enqueue_indirect_dma source(%arg9 : memref<64x128xf32, #tpu.memory_space<vmem>>) target(%dma_start3A_583 : memref<10240x128xf32, #tpu.memory_space<vmem_shared>>) offsets(%dma_start3A_580 : memref<64xi32, #tpu.memory_space<vmem>>) semaphore(%arg18 : memref<!tpu.dma_semaphore, #tpu.memory_space<semaphore_mem>>) {add = true}
      %dma_wait3A_584 = arith.constant 0 : i32
      %dma_wait3A_585 = arith.constant 0 : i32
      %dma_wait3A_586 = tpu.memref_slice %arg7[%dma_wait3A_584, %dma_wait3A_585] : memref<40x64xi32, #tpu.memory_space<vmem>> -> memref<1x64xi32, #tpu.memory_space<vmem>>
      %dma_wait3A_587 = tpu.memref_squeeze %dma_wait3A_586 : memref<1x64xi32, #tpu.memory_space<vmem>> -> memref<64xi32, #tpu.memory_space<vmem>>
      %dma_wait3A_588 = arith.constant 0 : i32
      %dma_wait3A_589 = arith.constant 0 : i32
      %dma_wait3A_590 = tpu.memref_slice %arg12[%dma_wait3A_588, %dma_wait3A_589] : memref<10240x128xf32, #tpu.memory_space<vmem_shared>> -> memref<10240x128xf32, #tpu.memory_space<vmem_shared>>
      tpu.wait_indirect_dma semaphore(%arg18 : memref<!tpu.dma_semaphore, #tpu.memory_space<semaphore_mem>>) src(%arg9 : memref<64x128xf32, #tpu.memory_space<vmem>>) dst(%dma_wait3A_590 : memref<10240x128xf32, #tpu.memory_space<vmem_shared>>)
      %add3A_591 = arith.constant 4 : i32
      %add3A_592 = arith.addi %add3A_570, %add3A_591 : i32
      %dma_start3A_593 = arith.constant 0 : i32
      %dma_start3A_594 = tpu.memref_slice %arg6[%add3A_592, %dma_start3A_593] : memref<40x64xi32, #tpu.memory_space<vmem>> -> memref<1x64xi32, #tpu.memory_space<vmem>>
      %dma_start3A_595 = tpu.memref_squeeze %dma_start3A_594 : memref<1x64xi32, #tpu.memory_space<vmem>> -> memref<64xi32, #tpu.memory_space<vmem>>
      %dma_start3A_596 = arith.constant 0 : i32
      %dma_start3A_597 = arith.constant 0 : i32
      %dma_start3A_598 = tpu.memref_slice %arg4[%dma_start3A_596, %dma_start3A_597] : memref<10000x128xf32, #tpu.memory_space<hbm>> -> memref<10000x128xf32, #tpu.memory_space<hbm>>
      tpu.enqueue_indirect_dma source(%dma_start3A_598 : memref<10000x128xf32, #tpu.memory_space<hbm>>) target(%arg9 : memref<64x128xf32, #tpu.memory_space<vmem>>) offsets(%dma_start3A_595 : memref<64xi32, #tpu.memory_space<vmem>>) semaphore(%arg14 : memref<!tpu.dma_semaphore, #tpu.memory_space<semaphore_mem>>)
      %mul3A_599 = arith.constant 4 : i32
      %mul3A_600 = arith.muli %mul3A_599, %scan3A_533 : i32
      %add3A_601 = arith.constant 2 : i32
      %add3A_602 = arith.addi %mul3A_600, %add3A_601 : i32
      %dma_wait3A_603 = arith.constant 0 : i32
      %dma_wait3A_604 = arith.constant 0 : i32
      %dma_wait3A_605 = tpu.memref_slice %arg6[%dma_wait3A_603, %dma_wait3A_604] : memref<40x64xi32, #tpu.memory_space<vmem>> -> memref<1x64xi32, #tpu.memory_space<vmem>>
      %dma_wait3A_606 = tpu.memref_squeeze %dma_wait3A_605 : memref<1x64xi32, #tpu.memory_space<vmem>> -> memref<64xi32, #tpu.memory_space<vmem>>
      %dma_wait3A_607 = arith.constant 0 : i32
      %dma_wait3A_608 = arith.constant 0 : i32
      %dma_wait3A_609 = tpu.memref_slice %arg4[%dma_wait3A_607, %dma_wait3A_608] : memref<10000x128xf32, #tpu.memory_space<hbm>> -> memref<10000x128xf32, #tpu.memory_space<hbm>>
      tpu.wait_indirect_dma semaphore(%arg15 : memref<!tpu.dma_semaphore, #tpu.memory_space<semaphore_mem>>) src(%dma_wait3A_609 : memref<10000x128xf32, #tpu.memory_space<hbm>>) dst(%arg10 : memref<64x128xf32, #tpu.memory_space<vmem>>)
      %dma_start3A_610 = arith.constant 0 : i32
      %dma_start3A_611 = tpu.memref_slice %arg7[%add3A_602, %dma_start3A_610] : memref<40x64xi32, #tpu.memory_space<vmem>> -> memref<1x64xi32, #tpu.memory_space<vmem>>
      %dma_start3A_612 = tpu.memref_squeeze %dma_start3A_611 : memref<1x64xi32, #tpu.memory_space<vmem>> -> memref<64xi32, #tpu.memory_space<vmem>>
      %dma_start3A_613 = arith.constant 0 : i32
      %dma_start3A_614 = arith.constant 0 : i32
      %dma_start3A_615 = tpu.memref_slice %arg12[%dma_start3A_613, %dma_start3A_614] : memref<10240x128xf32, #tpu.memory_space<vmem_shared>> -> memref<10240x128xf32, #tpu.memory_space<vmem_shared>>
      tpu.enqueue_indirect_dma source(%arg10 : memref<64x128xf32, #tpu.memory_space<vmem>>) target(%dma_start3A_615 : memref<10240x128xf32, #tpu.memory_space<vmem_shared>>) offsets(%dma_start3A_612 : memref<64xi32, #tpu.memory_space<vmem>>) semaphore(%arg19 : memref<!tpu.dma_semaphore, #tpu.memory_space<semaphore_mem>>) {add = true}
      %dma_wait3A_616 = arith.constant 0 : i32
      %dma_wait3A_617 = arith.constant 0 : i32
      %dma_wait3A_618 = tpu.memref_slice %arg7[%dma_wait3A_616, %dma_wait3A_617] : memref<40x64xi32, #tpu.memory_space<vmem>> -> memref<1x64xi32, #tpu.memory_space<vmem>>
      %dma_wait3A_619 = tpu.memref_squeeze %dma_wait3A_618 : memref<1x64xi32, #tpu.memory_space<vmem>> -> memref<64xi32, #tpu.memory_space<vmem>>
      %dma_wait3A_620 = arith.constant 0 : i32
      %dma_wait3A_621 = arith.constant 0 : i32
      %dma_wait3A_622 = tpu.memref_slice %arg12[%dma_wait3A_620, %dma_wait3A_621] : memref<10240x128xf32, #tpu.memory_space<vmem_shared>> -> memref<10240x128xf32, #tpu.memory_space<vmem_shared>>
      tpu.wait_indirect_dma semaphore(%arg19 : memref<!tpu.dma_semaphore, #tpu.memory_space<semaphore_mem>>) src(%arg10 : memref<64x128xf32, #tpu.memory_space<vmem>>) dst(%dma_wait3A_622 : memref<10240x128xf32, #tpu.memory_space<vmem_shared>>)
      %add3A_623 = arith.constant 4 : i32
      %add3A_624 = arith.addi %add3A_602, %add3A_623 : i32
      %dma_start3A_625 = arith.constant 0 : i32
      %dma_start3A_626 = tpu.memref_slice %arg6[%add3A_624, %dma_start3A_625] : memref<40x64xi32, #tpu.memory_space<vmem>> -> memref<1x64xi32, #tpu.memory_space<vmem>>
      %dma_start3A_627 = tpu.memref_squeeze %dma_start3A_626 : memref<1x64xi32, #tpu.memory_space<vmem>> -> memref<64xi32, #tpu.memory_space<vmem>>
      %dma_start3A_628 = arith.constant 0 : i32
      %dma_start3A_629 = arith.constant 0 : i32
      %dma_start3A_630 = tpu.memref_slice %arg4[%dma_start3A_628, %dma_start3A_629] : memref<10000x128xf32, #tpu.memory_space<hbm>> -> memref<10000x128xf32, #tpu.memory_space<hbm>>
      tpu.enqueue_indirect_dma source(%dma_start3A_630 : memref<10000x128xf32, #tpu.memory_space<hbm>>) target(%arg10 : memref<64x128xf32, #tpu.memory_space<vmem>>) offsets(%dma_start3A_627 : memref<64xi32, #tpu.memory_space<vmem>>) semaphore(%arg15 : memref<!tpu.dma_semaphore, #tpu.memory_space<semaphore_mem>>)
      %mul3A_631 = arith.constant 4 : i32
      %mul3A_632 = arith.muli %mul3A_631, %scan3A_533 : i32
      %add3A_633 = arith.constant 3 : i32
      %add3A_634 = arith.addi %mul3A_632, %add3A_633 : i32
      %dma_wait3A_635 = arith.constant 0 : i32
      %dma_wait3A_636 = arith.constant 0 : i32
      %dma_wait3A_637 = tpu.memref_slice %arg6[%dma_wait3A_635, %dma_wait3A_636] : memref<40x64xi32, #tpu.memory_space<vmem>> -> memref<1x64xi32, #tpu.memory_space<vmem>>
      %dma_wait3A_638 = tpu.memref_squeeze %dma_wait3A_637 : memref<1x64xi32, #tpu.memory_space<vmem>> -> memref<64xi32, #tpu.memory_space<vmem>>
      %dma_wait3A_639 = arith.constant 0 : i32
      %dma_wait3A_640 = arith.constant 0 : i32
      %dma_wait3A_641 = tpu.memref_slice %arg4[%dma_wait3A_639, %dma_wait3A_640] : memref<10000x128xf32, #tpu.memory_space<hbm>> -> memref<10000x128xf32, #tpu.memory_space<hbm>>
      tpu.wait_indirect_dma semaphore(%arg16 : memref<!tpu.dma_semaphore, #tpu.memory_space<semaphore_mem>>) src(%dma_wait3A_641 : memref<10000x128xf32, #tpu.memory_space<hbm>>) dst(%arg11 : memref<64x128xf32, #tpu.memory_space<vmem>>)
      %dma_start3A_642 = arith.constant 0 : i32
      %dma_start3A_643 = tpu.memref_slice %arg7[%add3A_634, %dma_start3A_642] : memref<40x64xi32, #tpu.memory_space<vmem>> -> memref<1x64xi32, #tpu.memory_space<vmem>>
      %dma_start3A_644 = tpu.memref_squeeze %dma_start3A_643 : memref<1x64xi32, #tpu.memory_space<vmem>> -> memref<64xi32, #tpu.memory_space<vmem>>
      %dma_start3A_645 = arith.constant 0 : i32
      %dma_start3A_646 = arith.constant 0 : i32
      %dma_start3A_647 = tpu.memref_slice %arg12[%dma_start3A_645, %dma_start3A_646] : memref<10240x128xf32, #tpu.memory_space<vmem_shared>> -> memref<10240x128xf32, #tpu.memory_space<vmem_shared>>
      tpu.enqueue_indirect_dma source(%arg11 : memref<64x128xf32, #tpu.memory_space<vmem>>) target(%dma_start3A_647 : memref<10240x128xf32, #tpu.memory_space<vmem_shared>>) offsets(%dma_start3A_644 : memref<64xi32, #tpu.memory_space<vmem>>) semaphore(%arg20 : memref<!tpu.dma_semaphore, #tpu.memory_space<semaphore_mem>>) {add = true}
      %dma_wait3A_648 = arith.constant 0 : i32
      %dma_wait3A_649 = arith.constant 0 : i32
      %dma_wait3A_650 = tpu.memref_slice %arg7[%dma_wait3A_648, %dma_wait3A_649] : memref<40x64xi32, #tpu.memory_space<vmem>> -> memref<1x64xi32, #tpu.memory_space<vmem>>
      %dma_wait3A_651 = tpu.memref_squeeze %dma_wait3A_650 : memref<1x64xi32, #tpu.memory_space<vmem>> -> memref<64xi32, #tpu.memory_space<vmem>>
      %dma_wait3A_652 = arith.constant 0 : i32
      %dma_wait3A_653 = arith.constant 0 : i32
      %dma_wait3A_654 = tpu.memref_slice %arg12[%dma_wait3A_652, %dma_wait3A_653] : memref<10240x128xf32, #tpu.memory_space<vmem_shared>> -> memref<10240x128xf32, #tpu.memory_space<vmem_shared>>
      tpu.wait_indirect_dma semaphore(%arg20 : memref<!tpu.dma_semaphore, #tpu.memory_space<semaphore_mem>>) src(%arg11 : memref<64x128xf32, #tpu.memory_space<vmem>>) dst(%dma_wait3A_654 : memref<10240x128xf32, #tpu.memory_space<vmem_shared>>)
      %add3A_655 = arith.constant 4 : i32
      %add3A_656 = arith.addi %add3A_634, %add3A_655 : i32
      %dma_start3A_657 = arith.constant 0 : i32
      %dma_start3A_658 = tpu.memref_slice %arg6[%add3A_656, %dma_start3A_657] : memref<40x64xi32, #tpu.memory_space<vmem>> -> memref<1x64xi32, #tpu.memory_space<vmem>>
      %dma_start3A_659 = tpu.memref_squeeze %dma_start3A_658 : memref<1x64xi32, #tpu.memory_space<vmem>> -> memref<64xi32, #tpu.memory_space<vmem>>
      %dma_start3A_660 = arith.constant 0 : i32
      %dma_start3A_661 = arith.constant 0 : i32
      %dma_start3A_662 = tpu.memref_slice %arg4[%dma_start3A_660, %dma_start3A_661] : memref<10000x128xf32, #tpu.memory_space<hbm>> -> memref<10000x128xf32, #tpu.memory_space<hbm>>
      tpu.enqueue_indirect_dma source(%dma_start3A_662 : memref<10000x128xf32, #tpu.memory_space<hbm>>) target(%arg11 : memref<64x128xf32, #tpu.memory_space<vmem>>) offsets(%dma_start3A_659 : memref<64xi32, #tpu.memory_space<vmem>>) semaphore(%arg16 : memref<!tpu.dma_semaphore, #tpu.memory_space<semaphore_mem>>)
      %scan3A_663 = arith.constant 0 : i32
      scf.yield %scan3A_663 : i32
    }
    %scan3A_201 = arith.constant 9 : i32
    %dma_wait3A_202 = arith.constant 0 : i32
    %dma_wait3A_203 = arith.constant 0 : i32
    %dma_wait3A_204 = tpu.memref_slice %arg6[%dma_wait3A_202, %dma_wait3A_203] : memref<40x64xi32, #tpu.memory_space<vmem>> -> memref<1x64xi32, #tpu.memory_space<vmem>>
    %dma_wait3A_205 = tpu.memref_squeeze %dma_wait3A_204 : memref<1x64xi32, #tpu.memory_space<vmem>> -> memref<64xi32, #tpu.memory_space<vmem>>
    %dma_wait3A_206 = arith.constant 0 : i32
    %dma_wait3A_207 = arith.constant 0 : i32
    %dma_wait3A_208 = tpu.memref_slice %arg4[%dma_wait3A_206, %dma_wait3A_207] : memref<10000x128xf32, #tpu.memory_space<hbm>> -> memref<10000x128xf32, #tpu.memory_space<hbm>>
    tpu.wait_indirect_dma semaphore(%arg13 : memref<!tpu.dma_semaphore, #tpu.memory_space<semaphore_mem>>) src(%dma_wait3A_208 : memref<10000x128xf32, #tpu.memory_space<hbm>>) dst(%arg8 : memref<64x128xf32, #tpu.memory_space<vmem>>)
    %dma_start3A_209 = arith.constant 36 : i32
    %dma_start3A_210 = arith.constant 0 : i32
    %dma_start3A_211 = tpu.memref_slice %arg7[%dma_start3A_209, %dma_start3A_210] : memref<40x64xi32, #tpu.memory_space<vmem>> -> memref<1x64xi32, #tpu.memory_space<vmem>>
    %dma_start3A_212 = tpu.memref_squeeze %dma_start3A_211 : memref<1x64xi32, #tpu.memory_space<vmem>> -> memref<64xi32, #tpu.memory_space<vmem>>
    %dma_start3A_213 = arith.constant 0 : i32
    %dma_start3A_214 = arith.constant 0 : i32
    %dma_start3A_215 = tpu.memref_slice %arg12[%dma_start3A_213, %dma_start3A_214] : memref<10240x128xf32, #tpu.memory_space<vmem_shared>> -> memref<10240x128xf32, #tpu.memory_space<vmem_shared>>
    tpu.enqueue_indirect_dma source(%arg8 : memref<64x128xf32, #tpu.memory_space<vmem>>) target(%dma_start3A_215 : memref<10240x128xf32, #tpu.memory_space<vmem_shared>>) offsets(%dma_start3A_212 : memref<64xi32, #tpu.memory_space<vmem>>) semaphore(%arg17 : memref<!tpu.dma_semaphore, #tpu.memory_space<semaphore_mem>>) {add = true}
    %dma_wait3A_216 = arith.constant 0 : i32
    %dma_wait3A_217 = arith.constant 0 : i32
    %dma_wait3A_218 = tpu.memref_slice %arg6[%dma_wait3A_216, %dma_wait3A_217] : memref<40x64xi32, #tpu.memory_space<vmem>> -> memref<1x64xi32, #tpu.memory_space<vmem>>
    %dma_wait3A_219 = tpu.memref_squeeze %dma_wait3A_218 : memref<1x64xi32, #tpu.memory_space<vmem>> -> memref<64xi32, #tpu.memory_space<vmem>>
    %dma_wait3A_220 = arith.constant 0 : i32
    %dma_wait3A_221 = arith.constant 0 : i32
    %dma_wait3A_222 = tpu.memref_slice %arg4[%dma_wait3A_220, %dma_wait3A_221] : memref<10000x128xf32, #tpu.memory_space<hbm>> -> memref<10000x128xf32, #tpu.memory_space<hbm>>
    tpu.wait_indirect_dma semaphore(%arg14 : memref<!tpu.dma_semaphore, #tpu.memory_space<semaphore_mem>>) src(%dma_wait3A_222 : memref<10000x128xf32, #tpu.memory_space<hbm>>) dst(%arg9 : memref<64x128xf32, #tpu.memory_space<vmem>>)
    %dma_start3A_223 = arith.constant 37 : i32
    %dma_start3A_224 = arith.constant 0 : i32
    %dma_start3A_225 = tpu.memref_slice %arg7[%dma_start3A_223, %dma_start3A_224] : memref<40x64xi32, #tpu.memory_space<vmem>> -> memref<1x64xi32, #tpu.memory_space<vmem>>
    %dma_start3A_226 = tpu.memref_squeeze %dma_start3A_225 : memref<1x64xi32, #tpu.memory_space<vmem>> -> memref<64xi32, #tpu.memory_space<vmem>>
    %dma_start3A_227 = arith.constant 0 : i32
    %dma_start3A_228 = arith.constant 0 : i32
    %dma_start3A_229 = tpu.memref_slice %arg12[%dma_start3A_227, %dma_start3A_228] : memref<10240x128xf32, #tpu.memory_space<vmem_shared>> -> memref<10240x128xf32, #tpu.memory_space<vmem_shared>>
    tpu.enqueue_indirect_dma source(%arg9 : memref<64x128xf32, #tpu.memory_space<vmem>>) target(%dma_start3A_229 : memref<10240x128xf32, #tpu.memory_space<vmem_shared>>) offsets(%dma_start3A_226 : memref<64xi32, #tpu.memory_space<vmem>>) semaphore(%arg18 : memref<!tpu.dma_semaphore, #tpu.memory_space<semaphore_mem>>) {add = true}
    %dma_wait3A_230 = arith.constant 0 : i32
    %dma_wait3A_231 = arith.constant 0 : i32
    %dma_wait3A_232 = tpu.memref_slice %arg6[%dma_wait3A_230, %dma_wait3A_231] : memref<40x64xi32, #tpu.memory_space<vmem>> -> memref<1x64xi32, #tpu.memory_space<vmem>>
    %dma_wait3A_233 = tpu.memref_squeeze %dma_wait3A_232 : memref<1x64xi32, #tpu.memory_space<vmem>> -> memref<64xi32, #tpu.memory_space<vmem>>
    %dma_wait3A_234 = arith.constant 0 : i32
    %dma_wait3A_235 = arith.constant 0 : i32
    %dma_wait3A_236 = tpu.memref_slice %arg4[%dma_wait3A_234, %dma_wait3A_235] : memref<10000x128xf32, #tpu.memory_space<hbm>> -> memref<10000x128xf32, #tpu.memory_space<hbm>>
    tpu.wait_indirect_dma semaphore(%arg15 : memref<!tpu.dma_semaphore, #tpu.memory_space<semaphore_mem>>) src(%dma_wait3A_236 : memref<10000x128xf32, #tpu.memory_space<hbm>>) dst(%arg10 : memref<64x128xf32, #tpu.memory_space<vmem>>)
    %dma_start3A_237 = arith.constant 38 : i32
    %dma_start3A_238 = arith.constant 0 : i32
    %dma_start3A_239 = tpu.memref_slice %arg7[%dma_start3A_237, %dma_start3A_238] : memref<40x64xi32, #tpu.memory_space<vmem>> -> memref<1x64xi32, #tpu.memory_space<vmem>>
    %dma_start3A_240 = tpu.memref_squeeze %dma_start3A_239 : memref<1x64xi32, #tpu.memory_space<vmem>> -> memref<64xi32, #tpu.memory_space<vmem>>
    %dma_start3A_241 = arith.constant 0 : i32
    %dma_start3A_242 = arith.constant 0 : i32
    %dma_start3A_243 = tpu.memref_slice %arg12[%dma_start3A_241, %dma_start3A_242] : memref<10240x128xf32, #tpu.memory_space<vmem_shared>> -> memref<10240x128xf32, #tpu.memory_space<vmem_shared>>
    tpu.enqueue_indirect_dma source(%arg10 : memref<64x128xf32, #tpu.memory_space<vmem>>) target(%dma_start3A_243 : memref<10240x128xf32, #tpu.memory_space<vmem_shared>>) offsets(%dma_start3A_240 : memref<64xi32, #tpu.memory_space<vmem>>) semaphore(%arg19 : memref<!tpu.dma_semaphore, #tpu.memory_space<semaphore_mem>>) {add = true}
    %dma_wait3A_244 = arith.constant 0 : i32
    %dma_wait3A_245 = arith.constant 0 : i32
    %dma_wait3A_246 = tpu.memref_slice %arg6[%dma_wait3A_244, %dma_wait3A_245] : memref<40x64xi32, #tpu.memory_space<vmem>> -> memref<1x64xi32, #tpu.memory_space<vmem>>
    %dma_wait3A_247 = tpu.memref_squeeze %dma_wait3A_246 : memref<1x64xi32, #tpu.memory_space<vmem>> -> memref<64xi32, #tpu.memory_space<vmem>>
    %dma_wait3A_248 = arith.constant 0 : i32
    %dma_wait3A_249 = arith.constant 0 : i32
    %dma_wait3A_250 = tpu.memref_slice %arg4[%dma_wait3A_248, %dma_wait3A_249] : memref<10000x128xf32, #tpu.memory_space<hbm>> -> memref<10000x128xf32, #tpu.memory_space<hbm>>
    tpu.wait_indirect_dma semaphore(%arg16 : memref<!tpu.dma_semaphore, #tpu.memory_space<semaphore_mem>>) src(%dma_wait3A_250 : memref<10000x128xf32, #tpu.memory_space<hbm>>) dst(%arg11 : memref<64x128xf32, #tpu.memory_space<vmem>>)
    %dma_start3A_251 = arith.constant 39 : i32
    %dma_start3A_252 = arith.constant 0 : i32
    %dma_start3A_253 = tpu.memref_slice %arg7[%dma_start3A_251, %dma_start3A_252] : memref<40x64xi32, #tpu.memory_space<vmem>> -> memref<1x64xi32, #tpu.memory_space<vmem>>
    %dma_start3A_254 = tpu.memref_squeeze %dma_start3A_253 : memref<1x64xi32, #tpu.memory_space<vmem>> -> memref<64xi32, #tpu.memory_space<vmem>>
    %dma_start3A_255 = arith.constant 0 : i32
    %dma_start3A_256 = arith.constant 0 : i32
    %dma_start3A_257 = tpu.memref_slice %arg12[%dma_start3A_255, %dma_start3A_256] : memref<10240x128xf32, #tpu.memory_space<vmem_shared>> -> memref<10240x128xf32, #tpu.memory_space<vmem_shared>>
    tpu.enqueue_indirect_dma source(%arg11 : memref<64x128xf32, #tpu.memory_space<vmem>>) target(%dma_start3A_257 : memref<10240x128xf32, #tpu.memory_space<vmem_shared>>) offsets(%dma_start3A_254 : memref<64xi32, #tpu.memory_space<vmem>>) semaphore(%arg20 : memref<!tpu.dma_semaphore, #tpu.memory_space<semaphore_mem>>) {add = true}
    %dma_wait3A_258 = arith.constant 0 : i32
    %dma_wait3A_259 = arith.constant 0 : i32
    %dma_wait3A_260 = tpu.memref_slice %arg7[%dma_wait3A_258, %dma_wait3A_259] : memref<40x64xi32, #tpu.memory_space<vmem>> -> memref<1x64xi32, #tpu.memory_space<vmem>>
    %dma_wait3A_261 = tpu.memref_squeeze %dma_wait3A_260 : memref<1x64xi32, #tpu.memory_space<vmem>> -> memref<64xi32, #tpu.memory_space<vmem>>
    %dma_wait3A_262 = arith.constant 0 : i32
    %dma_wait3A_263 = arith.constant 0 : i32
    %dma_wait3A_264 = tpu.memref_slice %arg12[%dma_wait3A_262, %dma_wait3A_263] : memref<10240x128xf32, #tpu.memory_space<vmem_shared>> -> memref<10240x128xf32, #tpu.memory_space<vmem_shared>>
    tpu.wait_indirect_dma semaphore(%arg17 : memref<!tpu.dma_semaphore, #tpu.memory_space<semaphore_mem>>) src(%arg8 : memref<64x128xf32, #tpu.memory_space<vmem>>) dst(%dma_wait3A_264 : memref<10240x128xf32, #tpu.memory_space<vmem_shared>>)
    %dma_wait3A_265 = arith.constant 0 : i32
    %dma_wait3A_266 = arith.constant 0 : i32
    %dma_wait3A_267 = tpu.memref_slice %arg7[%dma_wait3A_265, %dma_wait3A_266] : memref<40x64xi32, #tpu.memory_space<vmem>> -> memref<1x64xi32, #tpu.memory_space<vmem>>
    %dma_wait3A_268 = tpu.memref_squeeze %dma_wait3A_267 : memref<1x64xi32, #tpu.memory_space<vmem>> -> memref<64xi32, #tpu.memory_space<vmem>>
    %dma_wait3A_269 = arith.constant 0 : i32
    %dma_wait3A_270 = arith.constant 0 : i32
    %dma_wait3A_271 = tpu.memref_slice %arg12[%dma_wait3A_269, %dma_wait3A_270] : memref<10240x128xf32, #tpu.memory_space<vmem_shared>> -> memref<10240x128xf32, #tpu.memory_space<vmem_shared>>
    tpu.wait_indirect_dma semaphore(%arg18 : memref<!tpu.dma_semaphore, #tpu.memory_space<semaphore_mem>>) src(%arg9 : memref<64x128xf32, #tpu.memory_space<vmem>>) dst(%dma_wait3A_271 : memref<10240x128xf32, #tpu.memory_space<vmem_shared>>)
    %dma_wait3A_272 = arith.constant 0 : i32
    %dma_wait3A_273 = arith.constant 0 : i32
    %dma_wait3A_274 = tpu.memref_slice %arg7[%dma_wait3A_272, %dma_wait3A_273] : memref<40x64xi32, #tpu.memory_space<vmem>> -> memref<1x64xi32, #tpu.memory_space<vmem>>
    %dma_wait3A_275 = tpu.memref_squeeze %dma_wait3A_274 : memref<1x64xi32, #tpu.memory_space<vmem>> -> memref<64xi32, #tpu.memory_space<vmem>>
    %dma_wait3A_276 = arith.constant 0 : i32
    %dma_wait3A_277 = arith.constant 0 : i32
    %dma_wait3A_278 = tpu.memref_slice %arg12[%dma_wait3A_276, %dma_wait3A_277] : memref<10240x128xf32, #tpu.memory_space<vmem_shared>> -> memref<10240x128xf32, #tpu.memory_space<vmem_shared>>
    tpu.wait_indirect_dma semaphore(%arg19 : memref<!tpu.dma_semaphore, #tpu.memory_space<semaphore_mem>>) src(%arg10 : memref<64x128xf32, #tpu.memory_space<vmem>>) dst(%dma_wait3A_278 : memref<10240x128xf32, #tpu.memory_space<vmem_shared>>)
    %dma_wait3A_279 = arith.constant 0 : i32
    %dma_wait3A_280 = arith.constant 0 : i32
    %dma_wait3A_281 = tpu.memref_slice %arg7[%dma_wait3A_279, %dma_wait3A_280] : memref<40x64xi32, #tpu.memory_space<vmem>> -> memref<1x64xi32, #tpu.memory_space<vmem>>
    %dma_wait3A_282 = tpu.memref_squeeze %dma_wait3A_281 : memref<1x64xi32, #tpu.memory_space<vmem>> -> memref<64xi32, #tpu.memory_space<vmem>>
    %dma_wait3A_283 = arith.constant 0 : i32
    %dma_wait3A_284 = arith.constant 0 : i32
    %dma_wait3A_285 = tpu.memref_slice %arg12[%dma_wait3A_283, %dma_wait3A_284] : memref<10240x128xf32, #tpu.memory_space<vmem_shared>> -> memref<10240x128xf32, #tpu.memory_space<vmem_shared>>
    tpu.wait_indirect_dma semaphore(%arg20 : memref<!tpu.dma_semaphore, #tpu.memory_space<semaphore_mem>>) src(%arg11 : memref<64x128xf32, #tpu.memory_space<vmem>>) dst(%dma_wait3A_285 : memref<10240x128xf32, #tpu.memory_space<vmem_shared>>)
    %run_scoped3A_286 = arith.constant 2 : i32
    "tpu.region"() ({
      %run_scoped3A_533 = tpu.sem_alloc : memref<!tpu.dma_semaphore, #tpu.memory_space<semaphore_mem>>
      %dma_start3A_534 = arith.constant 0 : i32
      %dma_start3A_535 = arith.constant 0 : i32
      %dma_start3A_536 = tpu.memref_slice %arg2[%add3A, %run_scoped3A_286, %dma_start3A_534, %dma_start3A_535] : memref<32x4x40x64xi32, #tpu.memory_space<hbm>> -> memref<1x1x40x64xi32, #tpu.memory_space<hbm>>
      %dma_start3A_537 = tpu.memref_squeeze %dma_start3A_536 : memref<1x1x40x64xi32, #tpu.memory_space<hbm>> -> memref<40x64xi32, #tpu.memory_space<hbm>>
      %dma_start3A_538 = arith.constant 0 : i32
      %dma_start3A_539 = arith.constant 0 : i32
      %dma_start3A_540 = tpu.memref_slice %arg2[%add3A, %run_scoped3A_286, %dma_start3A_538, %dma_start3A_539] : memref<32x4x40x64xi32, #tpu.memory_space<hbm>> -> memref<1x1x40x64xi32, #tpu.memory_space<hbm>>
      %dma_start3A_541 = tpu.memref_squeeze %dma_start3A_540 : memref<1x1x40x64xi32, #tpu.memory_space<hbm>> -> memref<40x64xi32, #tpu.memory_space<hbm>>
      tpu.enqueue_dma source(%dma_start3A_541 : memref<40x64xi32, #tpu.memory_space<hbm>>) target(%arg6 : memref<40x64xi32, #tpu.memory_space<vmem>>) target_semaphore(%run_scoped3A_533 : memref<!tpu.dma_semaphore, #tpu.memory_space<semaphore_mem>>)
      %dma_wait3A_542 = arith.constant 0 : i32
      %dma_wait3A_543 = arith.constant 0 : i32
      %dma_wait3A_544 = tpu.memref_slice %arg2[%add3A, %run_scoped3A_286, %dma_wait3A_542, %dma_wait3A_543] : memref<32x4x40x64xi32, #tpu.memory_space<hbm>> -> memref<1x1x40x64xi32, #tpu.memory_space<hbm>>
      %dma_wait3A_545 = tpu.memref_squeeze %dma_wait3A_544 : memref<1x1x40x64xi32, #tpu.memory_space<hbm>> -> memref<40x64xi32, #tpu.memory_space<hbm>>
      %dma_wait3A_546 = arith.constant 0 : i32
      %dma_wait3A_547 = arith.constant 0 : i32
      %dma_wait3A_548 = tpu.memref_slice %arg2[%add3A, %run_scoped3A_286, %dma_wait3A_546, %dma_wait3A_547] : memref<32x4x40x64xi32, #tpu.memory_space<hbm>> -> memref<1x1x40x64xi32, #tpu.memory_space<hbm>>
      %dma_wait3A_549 = tpu.memref_squeeze %dma_wait3A_548 : memref<1x1x40x64xi32, #tpu.memory_space<hbm>> -> memref<40x64xi32, #tpu.memory_space<hbm>>
      tpu.wait_dma2 semaphore(%run_scoped3A_533 : memref<!tpu.dma_semaphore, #tpu.memory_space<semaphore_mem>>) src(%dma_wait3A_549 : memref<40x64xi32, #tpu.memory_space<hbm>>) dst(%arg6 : memref<40x64xi32, #tpu.memory_space<vmem>>)
      tpu.yield
    }) : () -> ()
    %run_scoped3A_287 = arith.constant 2 : i32
    "tpu.region"() ({
      %run_scoped3A_533 = tpu.sem_alloc : memref<!tpu.dma_semaphore, #tpu.memory_space<semaphore_mem>>
      %dma_start3A_534 = arith.constant 0 : i32
      %dma_start3A_535 = arith.constant 0 : i32
      %dma_start3A_536 = tpu.memref_slice %arg3[%add3A, %run_scoped3A_287, %dma_start3A_534, %dma_start3A_535] : memref<32x4x40x64xi32, #tpu.memory_space<hbm>> -> memref<1x1x40x64xi32, #tpu.memory_space<hbm>>
      %dma_start3A_537 = tpu.memref_squeeze %dma_start3A_536 : memref<1x1x40x64xi32, #tpu.memory_space<hbm>> -> memref<40x64xi32, #tpu.memory_space<hbm>>
      %dma_start3A_538 = arith.constant 0 : i32
      %dma_start3A_539 = arith.constant 0 : i32
      %dma_start3A_540 = tpu.memref_slice %arg3[%add3A, %run_scoped3A_287, %dma_start3A_538, %dma_start3A_539] : memref<32x4x40x64xi32, #tpu.memory_space<hbm>> -> memref<1x1x40x64xi32, #tpu.memory_space<hbm>>
      %dma_start3A_541 = tpu.memref_squeeze %dma_start3A_540 : memref<1x1x40x64xi32, #tpu.memory_space<hbm>> -> memref<40x64xi32, #tpu.memory_space<hbm>>
      tpu.enqueue_dma source(%dma_start3A_541 : memref<40x64xi32, #tpu.memory_space<hbm>>) target(%arg7 : memref<40x64xi32, #tpu.memory_space<vmem>>) target_semaphore(%run_scoped3A_533 : memref<!tpu.dma_semaphore, #tpu.memory_space<semaphore_mem>>)
      %dma_wait3A_542 = arith.constant 0 : i32
      %dma_wait3A_543 = arith.constant 0 : i32
      %dma_wait3A_544 = tpu.memref_slice %arg3[%add3A, %run_scoped3A_287, %dma_wait3A_542, %dma_wait3A_543] : memref<32x4x40x64xi32, #tpu.memory_space<hbm>> -> memref<1x1x40x64xi32, #tpu.memory_space<hbm>>
      %dma_wait3A_545 = tpu.memref_squeeze %dma_wait3A_544 : memref<1x1x40x64xi32, #tpu.memory_space<hbm>> -> memref<40x64xi32, #tpu.memory_space<hbm>>
      %dma_wait3A_546 = arith.constant 0 : i32
      %dma_wait3A_547 = arith.constant 0 : i32
      %dma_wait3A_548 = tpu.memref_slice %arg3[%add3A, %run_scoped3A_287, %dma_wait3A_546, %dma_wait3A_547] : memref<32x4x40x64xi32, #tpu.memory_space<hbm>> -> memref<1x1x40x64xi32, #tpu.memory_space<hbm>>
      %dma_wait3A_549 = tpu.memref_squeeze %dma_wait3A_548 : memref<1x1x40x64xi32, #tpu.memory_space<hbm>> -> memref<40x64xi32, #tpu.memory_space<hbm>>
      tpu.wait_dma2 semaphore(%run_scoped3A_533 : memref<!tpu.dma_semaphore, #tpu.memory_space<semaphore_mem>>) src(%dma_wait3A_549 : memref<40x64xi32, #tpu.memory_space<hbm>>) dst(%arg7 : memref<40x64xi32, #tpu.memory_space<vmem>>)
      tpu.yield
    }) : () -> ()
    %dma_start3A_288 = arith.constant 0 : i32
    %dma_start3A_289 = arith.constant 0 : i32
    %dma_start3A_290 = tpu.memref_slice %arg6[%dma_start3A_288, %dma_start3A_289] : memref<40x64xi32, #tpu.memory_space<vmem>> -> memref<1x64xi32, #tpu.memory_space<vmem>>
    %dma_start3A_291 = tpu.memref_squeeze %dma_start3A_290 : memref<1x64xi32, #tpu.memory_space<vmem>> -> memref<64xi32, #tpu.memory_space<vmem>>
    %dma_start3A_292 = arith.constant 0 : i32
    %dma_start3A_293 = arith.constant 0 : i32
    %dma_start3A_294 = tpu.memref_slice %arg4[%dma_start3A_292, %dma_start3A_293] : memref<10000x128xf32, #tpu.memory_space<hbm>> -> memref<10000x128xf32, #tpu.memory_space<hbm>>
    tpu.enqueue_indirect_dma source(%dma_start3A_294 : memref<10000x128xf32, #tpu.memory_space<hbm>>) target(%arg8 : memref<64x128xf32, #tpu.memory_space<vmem>>) offsets(%dma_start3A_291 : memref<64xi32, #tpu.memory_space<vmem>>) semaphore(%arg13 : memref<!tpu.dma_semaphore, #tpu.memory_space<semaphore_mem>>)
    %dma_start3A_295 = arith.constant 1 : i32
    %dma_start3A_296 = arith.constant 0 : i32
    %dma_start3A_297 = tpu.memref_slice %arg6[%dma_start3A_295, %dma_start3A_296] : memref<40x64xi32, #tpu.memory_space<vmem>> -> memref<1x64xi32, #tpu.memory_space<vmem>>
    %dma_start3A_298 = tpu.memref_squeeze %dma_start3A_297 : memref<1x64xi32, #tpu.memory_space<vmem>> -> memref<64xi32, #tpu.memory_space<vmem>>
    %dma_start3A_299 = arith.constant 0 : i32
    %dma_start3A_300 = arith.constant 0 : i32
    %dma_start3A_301 = tpu.memref_slice %arg4[%dma_start3A_299, %dma_start3A_300] : memref<10000x128xf32, #tpu.memory_space<hbm>> -> memref<10000x128xf32, #tpu.memory_space<hbm>>
    tpu.enqueue_indirect_dma source(%dma_start3A_301 : memref<10000x128xf32, #tpu.memory_space<hbm>>) target(%arg9 : memref<64x128xf32, #tpu.memory_space<vmem>>) offsets(%dma_start3A_298 : memref<64xi32, #tpu.memory_space<vmem>>) semaphore(%arg14 : memref<!tpu.dma_semaphore, #tpu.memory_space<semaphore_mem>>)
    %dma_start3A_302 = arith.constant 2 : i32
    %dma_start3A_303 = arith.constant 0 : i32
    %dma_start3A_304 = tpu.memref_slice %arg6[%dma_start3A_302, %dma_start3A_303] : memref<40x64xi32, #tpu.memory_space<vmem>> -> memref<1x64xi32, #tpu.memory_space<vmem>>
    %dma_start3A_305 = tpu.memref_squeeze %dma_start3A_304 : memref<1x64xi32, #tpu.memory_space<vmem>> -> memref<64xi32, #tpu.memory_space<vmem>>
    %dma_start3A_306 = arith.constant 0 : i32
    %dma_start3A_307 = arith.constant 0 : i32
    %dma_start3A_308 = tpu.memref_slice %arg4[%dma_start3A_306, %dma_start3A_307] : memref<10000x128xf32, #tpu.memory_space<hbm>> -> memref<10000x128xf32, #tpu.memory_space<hbm>>
    tpu.enqueue_indirect_dma source(%dma_start3A_308 : memref<10000x128xf32, #tpu.memory_space<hbm>>) target(%arg10 : memref<64x128xf32, #tpu.memory_space<vmem>>) offsets(%dma_start3A_305 : memref<64xi32, #tpu.memory_space<vmem>>) semaphore(%arg15 : memref<!tpu.dma_semaphore, #tpu.memory_space<semaphore_mem>>)
    %dma_start3A_309 = arith.constant 3 : i32
    %dma_start3A_310 = arith.constant 0 : i32
    %dma_start3A_311 = tpu.memref_slice %arg6[%dma_start3A_309, %dma_start3A_310] : memref<40x64xi32, #tpu.memory_space<vmem>> -> memref<1x64xi32, #tpu.memory_space<vmem>>
    %dma_start3A_312 = tpu.memref_squeeze %dma_start3A_311 : memref<1x64xi32, #tpu.memory_space<vmem>> -> memref<64xi32, #tpu.memory_space<vmem>>
    %dma_start3A_313 = arith.constant 0 : i32
    %dma_start3A_314 = arith.constant 0 : i32
    %dma_start3A_315 = tpu.memref_slice %arg4[%dma_start3A_313, %dma_start3A_314] : memref<10000x128xf32, #tpu.memory_space<hbm>> -> memref<10000x128xf32, #tpu.memory_space<hbm>>
    tpu.enqueue_indirect_dma source(%dma_start3A_315 : memref<10000x128xf32, #tpu.memory_space<hbm>>) target(%arg11 : memref<64x128xf32, #tpu.memory_space<vmem>>) offsets(%dma_start3A_312 : memref<64xi32, #tpu.memory_space<vmem>>) semaphore(%arg16 : memref<!tpu.dma_semaphore, #tpu.memory_space<semaphore_mem>>)
    %scan3A_316 = arith.constant 0 : i32
    %scan3A_317 = arith.constant 0 : i32
    %scan3A_318 = arith.constant 9 : i32
    %scan3A_319 = arith.addi %scan3A_317, %scan3A_318 : i32
    %scan3A_320 = arith.constant 1 : i32
    %scan3A_321 = scf.for %scan3A_533 = %scan3A_317 to %scan3A_319 step %scan3A_320 iter_args(%scan3A_534 = %scan3A_316) -> (i32)  : i32 {
      %mul3A_535 = arith.constant 4 : i32
      %mul3A_536 = arith.muli %mul3A_535, %scan3A_533 : i32
      %add3A_537 = arith.constant 0 : i32
      %add3A_538 = arith.addi %mul3A_536, %add3A_537 : i32
      %dma_wait3A_539 = arith.constant 0 : i32
      %dma_wait3A_540 = arith.constant 0 : i32
      %dma_wait3A_541 = tpu.memref_slice %arg6[%dma_wait3A_539, %dma_wait3A_540] : memref<40x64xi32, #tpu.memory_space<vmem>> -> memref<1x64xi32, #tpu.memory_space<vmem>>
      %dma_wait3A_542 = tpu.memref_squeeze %dma_wait3A_541 : memref<1x64xi32, #tpu.memory_space<vmem>> -> memref<64xi32, #tpu.memory_space<vmem>>
      %dma_wait3A_543 = arith.constant 0 : i32
      %dma_wait3A_544 = arith.constant 0 : i32
      %dma_wait3A_545 = tpu.memref_slice %arg4[%dma_wait3A_543, %dma_wait3A_544] : memref<10000x128xf32, #tpu.memory_space<hbm>> -> memref<10000x128xf32, #tpu.memory_space<hbm>>
      tpu.wait_indirect_dma semaphore(%arg13 : memref<!tpu.dma_semaphore, #tpu.memory_space<semaphore_mem>>) src(%dma_wait3A_545 : memref<10000x128xf32, #tpu.memory_space<hbm>>) dst(%arg8 : memref<64x128xf32, #tpu.memory_space<vmem>>)
      %dma_start3A_546 = arith.constant 0 : i32
      %dma_start3A_547 = tpu.memref_slice %arg7[%add3A_538, %dma_start3A_546] : memref<40x64xi32, #tpu.memory_space<vmem>> -> memref<1x64xi32, #tpu.memory_space<vmem>>
      %dma_start3A_548 = tpu.memref_squeeze %dma_start3A_547 : memref<1x64xi32, #tpu.memory_space<vmem>> -> memref<64xi32, #tpu.memory_space<vmem>>
      %dma_start3A_549 = arith.constant 0 : i32
      %dma_start3A_550 = arith.constant 0 : i32
      %dma_start3A_551 = tpu.memref_slice %arg12[%dma_start3A_549, %dma_start3A_550] : memref<10240x128xf32, #tpu.memory_space<vmem_shared>> -> memref<10240x128xf32, #tpu.memory_space<vmem_shared>>
      tpu.enqueue_indirect_dma source(%arg8 : memref<64x128xf32, #tpu.memory_space<vmem>>) target(%dma_start3A_551 : memref<10240x128xf32, #tpu.memory_space<vmem_shared>>) offsets(%dma_start3A_548 : memref<64xi32, #tpu.memory_space<vmem>>) semaphore(%arg17 : memref<!tpu.dma_semaphore, #tpu.memory_space<semaphore_mem>>) {add = true}
      %dma_wait3A_552 = arith.constant 0 : i32
      %dma_wait3A_553 = arith.constant 0 : i32
      %dma_wait3A_554 = tpu.memref_slice %arg7[%dma_wait3A_552, %dma_wait3A_553] : memref<40x64xi32, #tpu.memory_space<vmem>> -> memref<1x64xi32, #tpu.memory_space<vmem>>
      %dma_wait3A_555 = tpu.memref_squeeze %dma_wait3A_554 : memref<1x64xi32, #tpu.memory_space<vmem>> -> memref<64xi32, #tpu.memory_space<vmem>>
      %dma_wait3A_556 = arith.constant 0 : i32
      %dma_wait3A_557 = arith.constant 0 : i32
      %dma_wait3A_558 = tpu.memref_slice %arg12[%dma_wait3A_556, %dma_wait3A_557] : memref<10240x128xf32, #tpu.memory_space<vmem_shared>> -> memref<10240x128xf32, #tpu.memory_space<vmem_shared>>
      tpu.wait_indirect_dma semaphore(%arg17 : memref<!tpu.dma_semaphore, #tpu.memory_space<semaphore_mem>>) src(%arg8 : memref<64x128xf32, #tpu.memory_space<vmem>>) dst(%dma_wait3A_558 : memref<10240x128xf32, #tpu.memory_space<vmem_shared>>)
      %add3A_559 = arith.constant 4 : i32
      %add3A_560 = arith.addi %add3A_538, %add3A_559 : i32
      %dma_start3A_561 = arith.constant 0 : i32
      %dma_start3A_562 = tpu.memref_slice %arg6[%add3A_560, %dma_start3A_561] : memref<40x64xi32, #tpu.memory_space<vmem>> -> memref<1x64xi32, #tpu.memory_space<vmem>>
      %dma_start3A_563 = tpu.memref_squeeze %dma_start3A_562 : memref<1x64xi32, #tpu.memory_space<vmem>> -> memref<64xi32, #tpu.memory_space<vmem>>
      %dma_start3A_564 = arith.constant 0 : i32
      %dma_start3A_565 = arith.constant 0 : i32
      %dma_start3A_566 = tpu.memref_slice %arg4[%dma_start3A_564, %dma_start3A_565] : memref<10000x128xf32, #tpu.memory_space<hbm>> -> memref<10000x128xf32, #tpu.memory_space<hbm>>
      tpu.enqueue_indirect_dma source(%dma_start3A_566 : memref<10000x128xf32, #tpu.memory_space<hbm>>) target(%arg8 : memref<64x128xf32, #tpu.memory_space<vmem>>) offsets(%dma_start3A_563 : memref<64xi32, #tpu.memory_space<vmem>>) semaphore(%arg13 : memref<!tpu.dma_semaphore, #tpu.memory_space<semaphore_mem>>)
      %mul3A_567 = arith.constant 4 : i32
      %mul3A_568 = arith.muli %mul3A_567, %scan3A_533 : i32
      %add3A_569 = arith.constant 1 : i32
      %add3A_570 = arith.addi %mul3A_568, %add3A_569 : i32
      %dma_wait3A_571 = arith.constant 0 : i32
      %dma_wait3A_572 = arith.constant 0 : i32
      %dma_wait3A_573 = tpu.memref_slice %arg6[%dma_wait3A_571, %dma_wait3A_572] : memref<40x64xi32, #tpu.memory_space<vmem>> -> memref<1x64xi32, #tpu.memory_space<vmem>>
      %dma_wait3A_574 = tpu.memref_squeeze %dma_wait3A_573 : memref<1x64xi32, #tpu.memory_space<vmem>> -> memref<64xi32, #tpu.memory_space<vmem>>
      %dma_wait3A_575 = arith.constant 0 : i32
      %dma_wait3A_576 = arith.constant 0 : i32
      %dma_wait3A_577 = tpu.memref_slice %arg4[%dma_wait3A_575, %dma_wait3A_576] : memref<10000x128xf32, #tpu.memory_space<hbm>> -> memref<10000x128xf32, #tpu.memory_space<hbm>>
      tpu.wait_indirect_dma semaphore(%arg14 : memref<!tpu.dma_semaphore, #tpu.memory_space<semaphore_mem>>) src(%dma_wait3A_577 : memref<10000x128xf32, #tpu.memory_space<hbm>>) dst(%arg9 : memref<64x128xf32, #tpu.memory_space<vmem>>)
      %dma_start3A_578 = arith.constant 0 : i32
      %dma_start3A_579 = tpu.memref_slice %arg7[%add3A_570, %dma_start3A_578] : memref<40x64xi32, #tpu.memory_space<vmem>> -> memref<1x64xi32, #tpu.memory_space<vmem>>
      %dma_start3A_580 = tpu.memref_squeeze %dma_start3A_579 : memref<1x64xi32, #tpu.memory_space<vmem>> -> memref<64xi32, #tpu.memory_space<vmem>>
      %dma_start3A_581 = arith.constant 0 : i32
      %dma_start3A_582 = arith.constant 0 : i32
      %dma_start3A_583 = tpu.memref_slice %arg12[%dma_start3A_581, %dma_start3A_582] : memref<10240x128xf32, #tpu.memory_space<vmem_shared>> -> memref<10240x128xf32, #tpu.memory_space<vmem_shared>>
      tpu.enqueue_indirect_dma source(%arg9 : memref<64x128xf32, #tpu.memory_space<vmem>>) target(%dma_start3A_583 : memref<10240x128xf32, #tpu.memory_space<vmem_shared>>) offsets(%dma_start3A_580 : memref<64xi32, #tpu.memory_space<vmem>>) semaphore(%arg18 : memref<!tpu.dma_semaphore, #tpu.memory_space<semaphore_mem>>) {add = true}
      %dma_wait3A_584 = arith.constant 0 : i32
      %dma_wait3A_585 = arith.constant 0 : i32
      %dma_wait3A_586 = tpu.memref_slice %arg7[%dma_wait3A_584, %dma_wait3A_585] : memref<40x64xi32, #tpu.memory_space<vmem>> -> memref<1x64xi32, #tpu.memory_space<vmem>>
      %dma_wait3A_587 = tpu.memref_squeeze %dma_wait3A_586 : memref<1x64xi32, #tpu.memory_space<vmem>> -> memref<64xi32, #tpu.memory_space<vmem>>
      %dma_wait3A_588 = arith.constant 0 : i32
      %dma_wait3A_589 = arith.constant 0 : i32
      %dma_wait3A_590 = tpu.memref_slice %arg12[%dma_wait3A_588, %dma_wait3A_589] : memref<10240x128xf32, #tpu.memory_space<vmem_shared>> -> memref<10240x128xf32, #tpu.memory_space<vmem_shared>>
      tpu.wait_indirect_dma semaphore(%arg18 : memref<!tpu.dma_semaphore, #tpu.memory_space<semaphore_mem>>) src(%arg9 : memref<64x128xf32, #tpu.memory_space<vmem>>) dst(%dma_wait3A_590 : memref<10240x128xf32, #tpu.memory_space<vmem_shared>>)
      %add3A_591 = arith.constant 4 : i32
      %add3A_592 = arith.addi %add3A_570, %add3A_591 : i32
      %dma_start3A_593 = arith.constant 0 : i32
      %dma_start3A_594 = tpu.memref_slice %arg6[%add3A_592, %dma_start3A_593] : memref<40x64xi32, #tpu.memory_space<vmem>> -> memref<1x64xi32, #tpu.memory_space<vmem>>
      %dma_start3A_595 = tpu.memref_squeeze %dma_start3A_594 : memref<1x64xi32, #tpu.memory_space<vmem>> -> memref<64xi32, #tpu.memory_space<vmem>>
      %dma_start3A_596 = arith.constant 0 : i32
      %dma_start3A_597 = arith.constant 0 : i32
      %dma_start3A_598 = tpu.memref_slice %arg4[%dma_start3A_596, %dma_start3A_597] : memref<10000x128xf32, #tpu.memory_space<hbm>> -> memref<10000x128xf32, #tpu.memory_space<hbm>>
      tpu.enqueue_indirect_dma source(%dma_start3A_598 : memref<10000x128xf32, #tpu.memory_space<hbm>>) target(%arg9 : memref<64x128xf32, #tpu.memory_space<vmem>>) offsets(%dma_start3A_595 : memref<64xi32, #tpu.memory_space<vmem>>) semaphore(%arg14 : memref<!tpu.dma_semaphore, #tpu.memory_space<semaphore_mem>>)
      %mul3A_599 = arith.constant 4 : i32
      %mul3A_600 = arith.muli %mul3A_599, %scan3A_533 : i32
      %add3A_601 = arith.constant 2 : i32
      %add3A_602 = arith.addi %mul3A_600, %add3A_601 : i32
      %dma_wait3A_603 = arith.constant 0 : i32
      %dma_wait3A_604 = arith.constant 0 : i32
      %dma_wait3A_605 = tpu.memref_slice %arg6[%dma_wait3A_603, %dma_wait3A_604] : memref<40x64xi32, #tpu.memory_space<vmem>> -> memref<1x64xi32, #tpu.memory_space<vmem>>
      %dma_wait3A_606 = tpu.memref_squeeze %dma_wait3A_605 : memref<1x64xi32, #tpu.memory_space<vmem>> -> memref<64xi32, #tpu.memory_space<vmem>>
      %dma_wait3A_607 = arith.constant 0 : i32
      %dma_wait3A_608 = arith.constant 0 : i32
      %dma_wait3A_609 = tpu.memref_slice %arg4[%dma_wait3A_607, %dma_wait3A_608] : memref<10000x128xf32, #tpu.memory_space<hbm>> -> memref<10000x128xf32, #tpu.memory_space<hbm>>
      tpu.wait_indirect_dma semaphore(%arg15 : memref<!tpu.dma_semaphore, #tpu.memory_space<semaphore_mem>>) src(%dma_wait3A_609 : memref<10000x128xf32, #tpu.memory_space<hbm>>) dst(%arg10 : memref<64x128xf32, #tpu.memory_space<vmem>>)
      %dma_start3A_610 = arith.constant 0 : i32
      %dma_start3A_611 = tpu.memref_slice %arg7[%add3A_602, %dma_start3A_610] : memref<40x64xi32, #tpu.memory_space<vmem>> -> memref<1x64xi32, #tpu.memory_space<vmem>>
      %dma_start3A_612 = tpu.memref_squeeze %dma_start3A_611 : memref<1x64xi32, #tpu.memory_space<vmem>> -> memref<64xi32, #tpu.memory_space<vmem>>
      %dma_start3A_613 = arith.constant 0 : i32
      %dma_start3A_614 = arith.constant 0 : i32
      %dma_start3A_615 = tpu.memref_slice %arg12[%dma_start3A_613, %dma_start3A_614] : memref<10240x128xf32, #tpu.memory_space<vmem_shared>> -> memref<10240x128xf32, #tpu.memory_space<vmem_shared>>
      tpu.enqueue_indirect_dma source(%arg10 : memref<64x128xf32, #tpu.memory_space<vmem>>) target(%dma_start3A_615 : memref<10240x128xf32, #tpu.memory_space<vmem_shared>>) offsets(%dma_start3A_612 : memref<64xi32, #tpu.memory_space<vmem>>) semaphore(%arg19 : memref<!tpu.dma_semaphore, #tpu.memory_space<semaphore_mem>>) {add = true}
      %dma_wait3A_616 = arith.constant 0 : i32
      %dma_wait3A_617 = arith.constant 0 : i32
      %dma_wait3A_618 = tpu.memref_slice %arg7[%dma_wait3A_616, %dma_wait3A_617] : memref<40x64xi32, #tpu.memory_space<vmem>> -> memref<1x64xi32, #tpu.memory_space<vmem>>
      %dma_wait3A_619 = tpu.memref_squeeze %dma_wait3A_618 : memref<1x64xi32, #tpu.memory_space<vmem>> -> memref<64xi32, #tpu.memory_space<vmem>>
      %dma_wait3A_620 = arith.constant 0 : i32
      %dma_wait3A_621 = arith.constant 0 : i32
      %dma_wait3A_622 = tpu.memref_slice %arg12[%dma_wait3A_620, %dma_wait3A_621] : memref<10240x128xf32, #tpu.memory_space<vmem_shared>> -> memref<10240x128xf32, #tpu.memory_space<vmem_shared>>
      tpu.wait_indirect_dma semaphore(%arg19 : memref<!tpu.dma_semaphore, #tpu.memory_space<semaphore_mem>>) src(%arg10 : memref<64x128xf32, #tpu.memory_space<vmem>>) dst(%dma_wait3A_622 : memref<10240x128xf32, #tpu.memory_space<vmem_shared>>)
      %add3A_623 = arith.constant 4 : i32
      %add3A_624 = arith.addi %add3A_602, %add3A_623 : i32
      %dma_start3A_625 = arith.constant 0 : i32
      %dma_start3A_626 = tpu.memref_slice %arg6[%add3A_624, %dma_start3A_625] : memref<40x64xi32, #tpu.memory_space<vmem>> -> memref<1x64xi32, #tpu.memory_space<vmem>>
      %dma_start3A_627 = tpu.memref_squeeze %dma_start3A_626 : memref<1x64xi32, #tpu.memory_space<vmem>> -> memref<64xi32, #tpu.memory_space<vmem>>
      %dma_start3A_628 = arith.constant 0 : i32
      %dma_start3A_629 = arith.constant 0 : i32
      %dma_start3A_630 = tpu.memref_slice %arg4[%dma_start3A_628, %dma_start3A_629] : memref<10000x128xf32, #tpu.memory_space<hbm>> -> memref<10000x128xf32, #tpu.memory_space<hbm>>
      tpu.enqueue_indirect_dma source(%dma_start3A_630 : memref<10000x128xf32, #tpu.memory_space<hbm>>) target(%arg10 : memref<64x128xf32, #tpu.memory_space<vmem>>) offsets(%dma_start3A_627 : memref<64xi32, #tpu.memory_space<vmem>>) semaphore(%arg15 : memref<!tpu.dma_semaphore, #tpu.memory_space<semaphore_mem>>)
      %mul3A_631 = arith.constant 4 : i32
      %mul3A_632 = arith.muli %mul3A_631, %scan3A_533 : i32
      %add3A_633 = arith.constant 3 : i32
      %add3A_634 = arith.addi %mul3A_632, %add3A_633 : i32
      %dma_wait3A_635 = arith.constant 0 : i32
      %dma_wait3A_636 = arith.constant 0 : i32
      %dma_wait3A_637 = tpu.memref_slice %arg6[%dma_wait3A_635, %dma_wait3A_636] : memref<40x64xi32, #tpu.memory_space<vmem>> -> memref<1x64xi32, #tpu.memory_space<vmem>>
      %dma_wait3A_638 = tpu.memref_squeeze %dma_wait3A_637 : memref<1x64xi32, #tpu.memory_space<vmem>> -> memref<64xi32, #tpu.memory_space<vmem>>
      %dma_wait3A_639 = arith.constant 0 : i32
      %dma_wait3A_640 = arith.constant 0 : i32
      %dma_wait3A_641 = tpu.memref_slice %arg4[%dma_wait3A_639, %dma_wait3A_640] : memref<10000x128xf32, #tpu.memory_space<hbm>> -> memref<10000x128xf32, #tpu.memory_space<hbm>>
      tpu.wait_indirect_dma semaphore(%arg16 : memref<!tpu.dma_semaphore, #tpu.memory_space<semaphore_mem>>) src(%dma_wait3A_641 : memref<10000x128xf32, #tpu.memory_space<hbm>>) dst(%arg11 : memref<64x128xf32, #tpu.memory_space<vmem>>)
      %dma_start3A_642 = arith.constant 0 : i32
      %dma_start3A_643 = tpu.memref_slice %arg7[%add3A_634, %dma_start3A_642] : memref<40x64xi32, #tpu.memory_space<vmem>> -> memref<1x64xi32, #tpu.memory_space<vmem>>
      %dma_start3A_644 = tpu.memref_squeeze %dma_start3A_643 : memref<1x64xi32, #tpu.memory_space<vmem>> -> memref<64xi32, #tpu.memory_space<vmem>>
      %dma_start3A_645 = arith.constant 0 : i32
      %dma_start3A_646 = arith.constant 0 : i32
      %dma_start3A_647 = tpu.memref_slice %arg12[%dma_start3A_645, %dma_start3A_646] : memref<10240x128xf32, #tpu.memory_space<vmem_shared>> -> memref<10240x128xf32, #tpu.memory_space<vmem_shared>>
      tpu.enqueue_indirect_dma source(%arg11 : memref<64x128xf32, #tpu.memory_space<vmem>>) target(%dma_start3A_647 : memref<10240x128xf32, #tpu.memory_space<vmem_shared>>) offsets(%dma_start3A_644 : memref<64xi32, #tpu.memory_space<vmem>>) semaphore(%arg20 : memref<!tpu.dma_semaphore, #tpu.memory_space<semaphore_mem>>) {add = true}
      %dma_wait3A_648 = arith.constant 0 : i32
      %dma_wait3A_649 = arith.constant 0 : i32
      %dma_wait3A_650 = tpu.memref_slice %arg7[%dma_wait3A_648, %dma_wait3A_649] : memref<40x64xi32, #tpu.memory_space<vmem>> -> memref<1x64xi32, #tpu.memory_space<vmem>>
      %dma_wait3A_651 = tpu.memref_squeeze %dma_wait3A_650 : memref<1x64xi32, #tpu.memory_space<vmem>> -> memref<64xi32, #tpu.memory_space<vmem>>
      %dma_wait3A_652 = arith.constant 0 : i32
      %dma_wait3A_653 = arith.constant 0 : i32
      %dma_wait3A_654 = tpu.memref_slice %arg12[%dma_wait3A_652, %dma_wait3A_653] : memref<10240x128xf32, #tpu.memory_space<vmem_shared>> -> memref<10240x128xf32, #tpu.memory_space<vmem_shared>>
      tpu.wait_indirect_dma semaphore(%arg20 : memref<!tpu.dma_semaphore, #tpu.memory_space<semaphore_mem>>) src(%arg11 : memref<64x128xf32, #tpu.memory_space<vmem>>) dst(%dma_wait3A_654 : memref<10240x128xf32, #tpu.memory_space<vmem_shared>>)
      %add3A_655 = arith.constant 4 : i32
      %add3A_656 = arith.addi %add3A_634, %add3A_655 : i32
      %dma_start3A_657 = arith.constant 0 : i32
      %dma_start3A_658 = tpu.memref_slice %arg6[%add3A_656, %dma_start3A_657] : memref<40x64xi32, #tpu.memory_space<vmem>> -> memref<1x64xi32, #tpu.memory_space<vmem>>
      %dma_start3A_659 = tpu.memref_squeeze %dma_start3A_658 : memref<1x64xi32, #tpu.memory_space<vmem>> -> memref<64xi32, #tpu.memory_space<vmem>>
      %dma_start3A_660 = arith.constant 0 : i32
      %dma_start3A_661 = arith.constant 0 : i32
      %dma_start3A_662 = tpu.memref_slice %arg4[%dma_start3A_660, %dma_start3A_661] : memref<10000x128xf32, #tpu.memory_space<hbm>> -> memref<10000x128xf32, #tpu.memory_space<hbm>>
      tpu.enqueue_indirect_dma source(%dma_start3A_662 : memref<10000x128xf32, #tpu.memory_space<hbm>>) target(%arg11 : memref<64x128xf32, #tpu.memory_space<vmem>>) offsets(%dma_start3A_659 : memref<64xi32, #tpu.memory_space<vmem>>) semaphore(%arg16 : memref<!tpu.dma_semaphore, #tpu.memory_space<semaphore_mem>>)
      %scan3A_663 = arith.constant 0 : i32
      scf.yield %scan3A_663 : i32
    }
    %scan3A_322 = arith.constant 9 : i32
    %dma_wait3A_323 = arith.constant 0 : i32
    %dma_wait3A_324 = arith.constant 0 : i32
    %dma_wait3A_325 = tpu.memref_slice %arg6[%dma_wait3A_323, %dma_wait3A_324] : memref<40x64xi32, #tpu.memory_space<vmem>> -> memref<1x64xi32, #tpu.memory_space<vmem>>
    %dma_wait3A_326 = tpu.memref_squeeze %dma_wait3A_325 : memref<1x64xi32, #tpu.memory_space<vmem>> -> memref<64xi32, #tpu.memory_space<vmem>>
    %dma_wait3A_327 = arith.constant 0 : i32
    %dma_wait3A_328 = arith.constant 0 : i32
    %dma_wait3A_329 = tpu.memref_slice %arg4[%dma_wait3A_327, %dma_wait3A_328] : memref<10000x128xf32, #tpu.memory_space<hbm>> -> memref<10000x128xf32, #tpu.memory_space<hbm>>
    tpu.wait_indirect_dma semaphore(%arg13 : memref<!tpu.dma_semaphore, #tpu.memory_space<semaphore_mem>>) src(%dma_wait3A_329 : memref<10000x128xf32, #tpu.memory_space<hbm>>) dst(%arg8 : memref<64x128xf32, #tpu.memory_space<vmem>>)
    %dma_start3A_330 = arith.constant 36 : i32
    %dma_start3A_331 = arith.constant 0 : i32
    %dma_start3A_332 = tpu.memref_slice %arg7[%dma_start3A_330, %dma_start3A_331] : memref<40x64xi32, #tpu.memory_space<vmem>> -> memref<1x64xi32, #tpu.memory_space<vmem>>
    %dma_start3A_333 = tpu.memref_squeeze %dma_start3A_332 : memref<1x64xi32, #tpu.memory_space<vmem>> -> memref<64xi32, #tpu.memory_space<vmem>>
    %dma_start3A_334 = arith.constant 0 : i32
    %dma_start3A_335 = arith.constant 0 : i32
    %dma_start3A_336 = tpu.memref_slice %arg12[%dma_start3A_334, %dma_start3A_335] : memref<10240x128xf32, #tpu.memory_space<vmem_shared>> -> memref<10240x128xf32, #tpu.memory_space<vmem_shared>>
    tpu.enqueue_indirect_dma source(%arg8 : memref<64x128xf32, #tpu.memory_space<vmem>>) target(%dma_start3A_336 : memref<10240x128xf32, #tpu.memory_space<vmem_shared>>) offsets(%dma_start3A_333 : memref<64xi32, #tpu.memory_space<vmem>>) semaphore(%arg17 : memref<!tpu.dma_semaphore, #tpu.memory_space<semaphore_mem>>) {add = true}
    %dma_wait3A_337 = arith.constant 0 : i32
    %dma_wait3A_338 = arith.constant 0 : i32
    %dma_wait3A_339 = tpu.memref_slice %arg6[%dma_wait3A_337, %dma_wait3A_338] : memref<40x64xi32, #tpu.memory_space<vmem>> -> memref<1x64xi32, #tpu.memory_space<vmem>>
    %dma_wait3A_340 = tpu.memref_squeeze %dma_wait3A_339 : memref<1x64xi32, #tpu.memory_space<vmem>> -> memref<64xi32, #tpu.memory_space<vmem>>
    %dma_wait3A_341 = arith.constant 0 : i32
    %dma_wait3A_342 = arith.constant 0 : i32
    %dma_wait3A_343 = tpu.memref_slice %arg4[%dma_wait3A_341, %dma_wait3A_342] : memref<10000x128xf32, #tpu.memory_space<hbm>> -> memref<10000x128xf32, #tpu.memory_space<hbm>>
    tpu.wait_indirect_dma semaphore(%arg14 : memref<!tpu.dma_semaphore, #tpu.memory_space<semaphore_mem>>) src(%dma_wait3A_343 : memref<10000x128xf32, #tpu.memory_space<hbm>>) dst(%arg9 : memref<64x128xf32, #tpu.memory_space<vmem>>)
    %dma_start3A_344 = arith.constant 37 : i32
    %dma_start3A_345 = arith.constant 0 : i32
    %dma_start3A_346 = tpu.memref_slice %arg7[%dma_start3A_344, %dma_start3A_345] : memref<40x64xi32, #tpu.memory_space<vmem>> -> memref<1x64xi32, #tpu.memory_space<vmem>>
    %dma_start3A_347 = tpu.memref_squeeze %dma_start3A_346 : memref<1x64xi32, #tpu.memory_space<vmem>> -> memref<64xi32, #tpu.memory_space<vmem>>
    %dma_start3A_348 = arith.constant 0 : i32
    %dma_start3A_349 = arith.constant 0 : i32
    %dma_start3A_350 = tpu.memref_slice %arg12[%dma_start3A_348, %dma_start3A_349] : memref<10240x128xf32, #tpu.memory_space<vmem_shared>> -> memref<10240x128xf32, #tpu.memory_space<vmem_shared>>
    tpu.enqueue_indirect_dma source(%arg9 : memref<64x128xf32, #tpu.memory_space<vmem>>) target(%dma_start3A_350 : memref<10240x128xf32, #tpu.memory_space<vmem_shared>>) offsets(%dma_start3A_347 : memref<64xi32, #tpu.memory_space<vmem>>) semaphore(%arg18 : memref<!tpu.dma_semaphore, #tpu.memory_space<semaphore_mem>>) {add = true}
    %dma_wait3A_351 = arith.constant 0 : i32
    %dma_wait3A_352 = arith.constant 0 : i32
    %dma_wait3A_353 = tpu.memref_slice %arg6[%dma_wait3A_351, %dma_wait3A_352] : memref<40x64xi32, #tpu.memory_space<vmem>> -> memref<1x64xi32, #tpu.memory_space<vmem>>
    %dma_wait3A_354 = tpu.memref_squeeze %dma_wait3A_353 : memref<1x64xi32, #tpu.memory_space<vmem>> -> memref<64xi32, #tpu.memory_space<vmem>>
    %dma_wait3A_355 = arith.constant 0 : i32
    %dma_wait3A_356 = arith.constant 0 : i32
    %dma_wait3A_357 = tpu.memref_slice %arg4[%dma_wait3A_355, %dma_wait3A_356] : memref<10000x128xf32, #tpu.memory_space<hbm>> -> memref<10000x128xf32, #tpu.memory_space<hbm>>
    tpu.wait_indirect_dma semaphore(%arg15 : memref<!tpu.dma_semaphore, #tpu.memory_space<semaphore_mem>>) src(%dma_wait3A_357 : memref<10000x128xf32, #tpu.memory_space<hbm>>) dst(%arg10 : memref<64x128xf32, #tpu.memory_space<vmem>>)
    %dma_start3A_358 = arith.constant 38 : i32
    %dma_start3A_359 = arith.constant 0 : i32
    %dma_start3A_360 = tpu.memref_slice %arg7[%dma_start3A_358, %dma_start3A_359] : memref<40x64xi32, #tpu.memory_space<vmem>> -> memref<1x64xi32, #tpu.memory_space<vmem>>
    %dma_start3A_361 = tpu.memref_squeeze %dma_start3A_360 : memref<1x64xi32, #tpu.memory_space<vmem>> -> memref<64xi32, #tpu.memory_space<vmem>>
    %dma_start3A_362 = arith.constant 0 : i32
    %dma_start3A_363 = arith.constant 0 : i32
    %dma_start3A_364 = tpu.memref_slice %arg12[%dma_start3A_362, %dma_start3A_363] : memref<10240x128xf32, #tpu.memory_space<vmem_shared>> -> memref<10240x128xf32, #tpu.memory_space<vmem_shared>>
    tpu.enqueue_indirect_dma source(%arg10 : memref<64x128xf32, #tpu.memory_space<vmem>>) target(%dma_start3A_364 : memref<10240x128xf32, #tpu.memory_space<vmem_shared>>) offsets(%dma_start3A_361 : memref<64xi32, #tpu.memory_space<vmem>>) semaphore(%arg19 : memref<!tpu.dma_semaphore, #tpu.memory_space<semaphore_mem>>) {add = true}
    %dma_wait3A_365 = arith.constant 0 : i32
    %dma_wait3A_366 = arith.constant 0 : i32
    %dma_wait3A_367 = tpu.memref_slice %arg6[%dma_wait3A_365, %dma_wait3A_366] : memref<40x64xi32, #tpu.memory_space<vmem>> -> memref<1x64xi32, #tpu.memory_space<vmem>>
    %dma_wait3A_368 = tpu.memref_squeeze %dma_wait3A_367 : memref<1x64xi32, #tpu.memory_space<vmem>> -> memref<64xi32, #tpu.memory_space<vmem>>
    %dma_wait3A_369 = arith.constant 0 : i32
    %dma_wait3A_370 = arith.constant 0 : i32
    %dma_wait3A_371 = tpu.memref_slice %arg4[%dma_wait3A_369, %dma_wait3A_370] : memref<10000x128xf32, #tpu.memory_space<hbm>> -> memref<10000x128xf32, #tpu.memory_space<hbm>>
    tpu.wait_indirect_dma semaphore(%arg16 : memref<!tpu.dma_semaphore, #tpu.memory_space<semaphore_mem>>) src(%dma_wait3A_371 : memref<10000x128xf32, #tpu.memory_space<hbm>>) dst(%arg11 : memref<64x128xf32, #tpu.memory_space<vmem>>)
    %dma_start3A_372 = arith.constant 39 : i32
    %dma_start3A_373 = arith.constant 0 : i32
    %dma_start3A_374 = tpu.memref_slice %arg7[%dma_start3A_372, %dma_start3A_373] : memref<40x64xi32, #tpu.memory_space<vmem>> -> memref<1x64xi32, #tpu.memory_space<vmem>>
    %dma_start3A_375 = tpu.memref_squeeze %dma_start3A_374 : memref<1x64xi32, #tpu.memory_space<vmem>> -> memref<64xi32, #tpu.memory_space<vmem>>
    %dma_start3A_376 = arith.constant 0 : i32
    %dma_start3A_377 = arith.constant 0 : i32
    %dma_start3A_378 = tpu.memref_slice %arg12[%dma_start3A_376, %dma_start3A_377] : memref<10240x128xf32, #tpu.memory_space<vmem_shared>> -> memref<10240x128xf32, #tpu.memory_space<vmem_shared>>
    tpu.enqueue_indirect_dma source(%arg11 : memref<64x128xf32, #tpu.memory_space<vmem>>) target(%dma_start3A_378 : memref<10240x128xf32, #tpu.memory_space<vmem_shared>>) offsets(%dma_start3A_375 : memref<64xi32, #tpu.memory_space<vmem>>) semaphore(%arg20 : memref<!tpu.dma_semaphore, #tpu.memory_space<semaphore_mem>>) {add = true}
    %dma_wait3A_379 = arith.constant 0 : i32
    %dma_wait3A_380 = arith.constant 0 : i32
    %dma_wait3A_381 = tpu.memref_slice %arg7[%dma_wait3A_379, %dma_wait3A_380] : memref<40x64xi32, #tpu.memory_space<vmem>> -> memref<1x64xi32, #tpu.memory_space<vmem>>
    %dma_wait3A_382 = tpu.memref_squeeze %dma_wait3A_381 : memref<1x64xi32, #tpu.memory_space<vmem>> -> memref<64xi32, #tpu.memory_space<vmem>>
    %dma_wait3A_383 = arith.constant 0 : i32
    %dma_wait3A_384 = arith.constant 0 : i32
    %dma_wait3A_385 = tpu.memref_slice %arg12[%dma_wait3A_383, %dma_wait3A_384] : memref<10240x128xf32, #tpu.memory_space<vmem_shared>> -> memref<10240x128xf32, #tpu.memory_space<vmem_shared>>
    tpu.wait_indirect_dma semaphore(%arg17 : memref<!tpu.dma_semaphore, #tpu.memory_space<semaphore_mem>>) src(%arg8 : memref<64x128xf32, #tpu.memory_space<vmem>>) dst(%dma_wait3A_385 : memref<10240x128xf32, #tpu.memory_space<vmem_shared>>)
    %dma_wait3A_386 = arith.constant 0 : i32
    %dma_wait3A_387 = arith.constant 0 : i32
    %dma_wait3A_388 = tpu.memref_slice %arg7[%dma_wait3A_386, %dma_wait3A_387] : memref<40x64xi32, #tpu.memory_space<vmem>> -> memref<1x64xi32, #tpu.memory_space<vmem>>
    %dma_wait3A_389 = tpu.memref_squeeze %dma_wait3A_388 : memref<1x64xi32, #tpu.memory_space<vmem>> -> memref<64xi32, #tpu.memory_space<vmem>>
    %dma_wait3A_390 = arith.constant 0 : i32
    %dma_wait3A_391 = arith.constant 0 : i32
    %dma_wait3A_392 = tpu.memref_slice %arg12[%dma_wait3A_390, %dma_wait3A_391] : memref<10240x128xf32, #tpu.memory_space<vmem_shared>> -> memref<10240x128xf32, #tpu.memory_space<vmem_shared>>
    tpu.wait_indirect_dma semaphore(%arg18 : memref<!tpu.dma_semaphore, #tpu.memory_space<semaphore_mem>>) src(%arg9 : memref<64x128xf32, #tpu.memory_space<vmem>>) dst(%dma_wait3A_392 : memref<10240x128xf32, #tpu.memory_space<vmem_shared>>)
    %dma_wait3A_393 = arith.constant 0 : i32
    %dma_wait3A_394 = arith.constant 0 : i32
    %dma_wait3A_395 = tpu.memref_slice %arg7[%dma_wait3A_393, %dma_wait3A_394] : memref<40x64xi32, #tpu.memory_space<vmem>> -> memref<1x64xi32, #tpu.memory_space<vmem>>
    %dma_wait3A_396 = tpu.memref_squeeze %dma_wait3A_395 : memref<1x64xi32, #tpu.memory_space<vmem>> -> memref<64xi32, #tpu.memory_space<vmem>>
    %dma_wait3A_397 = arith.constant 0 : i32
    %dma_wait3A_398 = arith.constant 0 : i32
    %dma_wait3A_399 = tpu.memref_slice %arg12[%dma_wait3A_397, %dma_wait3A_398] : memref<10240x128xf32, #tpu.memory_space<vmem_shared>> -> memref<10240x128xf32, #tpu.memory_space<vmem_shared>>
    tpu.wait_indirect_dma semaphore(%arg19 : memref<!tpu.dma_semaphore, #tpu.memory_space<semaphore_mem>>) src(%arg10 : memref<64x128xf32, #tpu.memory_space<vmem>>) dst(%dma_wait3A_399 : memref<10240x128xf32, #tpu.memory_space<vmem_shared>>)
    %dma_wait3A_400 = arith.constant 0 : i32
    %dma_wait3A_401 = arith.constant 0 : i32
    %dma_wait3A_402 = tpu.memref_slice %arg7[%dma_wait3A_400, %dma_wait3A_401] : memref<40x64xi32, #tpu.memory_space<vmem>> -> memref<1x64xi32, #tpu.memory_space<vmem>>
    %dma_wait3A_403 = tpu.memref_squeeze %dma_wait3A_402 : memref<1x64xi32, #tpu.memory_space<vmem>> -> memref<64xi32, #tpu.memory_space<vmem>>
    %dma_wait3A_404 = arith.constant 0 : i32
    %dma_wait3A_405 = arith.constant 0 : i32
    %dma_wait3A_406 = tpu.memref_slice %arg12[%dma_wait3A_404, %dma_wait3A_405] : memref<10240x128xf32, #tpu.memory_space<vmem_shared>> -> memref<10240x128xf32, #tpu.memory_space<vmem_shared>>
    tpu.wait_indirect_dma semaphore(%arg20 : memref<!tpu.dma_semaphore, #tpu.memory_space<semaphore_mem>>) src(%arg11 : memref<64x128xf32, #tpu.memory_space<vmem>>) dst(%dma_wait3A_406 : memref<10240x128xf32, #tpu.memory_space<vmem_shared>>)
    %run_scoped3A_407 = arith.constant 3 : i32
    "tpu.region"() ({
      %run_scoped3A_533 = tpu.sem_alloc : memref<!tpu.dma_semaphore, #tpu.memory_space<semaphore_mem>>
      %dma_start3A_534 = arith.constant 0 : i32
      %dma_start3A_535 = arith.constant 0 : i32
      %dma_start3A_536 = tpu.memref_slice %arg2[%add3A, %run_scoped3A_407, %dma_start3A_534, %dma_start3A_535] : memref<32x4x40x64xi32, #tpu.memory_space<hbm>> -> memref<1x1x40x64xi32, #tpu.memory_space<hbm>>
      %dma_start3A_537 = tpu.memref_squeeze %dma_start3A_536 : memref<1x1x40x64xi32, #tpu.memory_space<hbm>> -> memref<40x64xi32, #tpu.memory_space<hbm>>
      %dma_start3A_538 = arith.constant 0 : i32
      %dma_start3A_539 = arith.constant 0 : i32
      %dma_start3A_540 = tpu.memref_slice %arg2[%add3A, %run_scoped3A_407, %dma_start3A_538, %dma_start3A_539] : memref<32x4x40x64xi32, #tpu.memory_space<hbm>> -> memref<1x1x40x64xi32, #tpu.memory_space<hbm>>
      %dma_start3A_541 = tpu.memref_squeeze %dma_start3A_540 : memref<1x1x40x64xi32, #tpu.memory_space<hbm>> -> memref<40x64xi32, #tpu.memory_space<hbm>>
      tpu.enqueue_dma source(%dma_start3A_541 : memref<40x64xi32, #tpu.memory_space<hbm>>) target(%arg6 : memref<40x64xi32, #tpu.memory_space<vmem>>) target_semaphore(%run_scoped3A_533 : memref<!tpu.dma_semaphore, #tpu.memory_space<semaphore_mem>>)
      %dma_wait3A_542 = arith.constant 0 : i32
      %dma_wait3A_543 = arith.constant 0 : i32
      %dma_wait3A_544 = tpu.memref_slice %arg2[%add3A, %run_scoped3A_407, %dma_wait3A_542, %dma_wait3A_543] : memref<32x4x40x64xi32, #tpu.memory_space<hbm>> -> memref<1x1x40x64xi32, #tpu.memory_space<hbm>>
      %dma_wait3A_545 = tpu.memref_squeeze %dma_wait3A_544 : memref<1x1x40x64xi32, #tpu.memory_space<hbm>> -> memref<40x64xi32, #tpu.memory_space<hbm>>
      %dma_wait3A_546 = arith.constant 0 : i32
      %dma_wait3A_547 = arith.constant 0 : i32
      %dma_wait3A_548 = tpu.memref_slice %arg2[%add3A, %run_scoped3A_407, %dma_wait3A_546, %dma_wait3A_547] : memref<32x4x40x64xi32, #tpu.memory_space<hbm>> -> memref<1x1x40x64xi32, #tpu.memory_space<hbm>>
      %dma_wait3A_549 = tpu.memref_squeeze %dma_wait3A_548 : memref<1x1x40x64xi32, #tpu.memory_space<hbm>> -> memref<40x64xi32, #tpu.memory_space<hbm>>
      tpu.wait_dma2 semaphore(%run_scoped3A_533 : memref<!tpu.dma_semaphore, #tpu.memory_space<semaphore_mem>>) src(%dma_wait3A_549 : memref<40x64xi32, #tpu.memory_space<hbm>>) dst(%arg6 : memref<40x64xi32, #tpu.memory_space<vmem>>)
      tpu.yield
    }) : () -> ()
    %run_scoped3A_408 = arith.constant 3 : i32
    "tpu.region"() ({
      %run_scoped3A_533 = tpu.sem_alloc : memref<!tpu.dma_semaphore, #tpu.memory_space<semaphore_mem>>
      %dma_start3A_534 = arith.constant 0 : i32
      %dma_start3A_535 = arith.constant 0 : i32
      %dma_start3A_536 = tpu.memref_slice %arg3[%add3A, %run_scoped3A_408, %dma_start3A_534, %dma_start3A_535] : memref<32x4x40x64xi32, #tpu.memory_space<hbm>> -> memref<1x1x40x64xi32, #tpu.memory_space<hbm>>
      %dma_start3A_537 = tpu.memref_squeeze %dma_start3A_536 : memref<1x1x40x64xi32, #tpu.memory_space<hbm>> -> memref<40x64xi32, #tpu.memory_space<hbm>>
      %dma_start3A_538 = arith.constant 0 : i32
      %dma_start3A_539 = arith.constant 0 : i32
      %dma_start3A_540 = tpu.memref_slice %arg3[%add3A, %run_scoped3A_408, %dma_start3A_538, %dma_start3A_539] : memref<32x4x40x64xi32, #tpu.memory_space<hbm>> -> memref<1x1x40x64xi32, #tpu.memory_space<hbm>>
      %dma_start3A_541 = tpu.memref_squeeze %dma_start3A_540 : memref<1x1x40x64xi32, #tpu.memory_space<hbm>> -> memref<40x64xi32, #tpu.memory_space<hbm>>
      tpu.enqueue_dma source(%dma_start3A_541 : memref<40x64xi32, #tpu.memory_space<hbm>>) target(%arg7 : memref<40x64xi32, #tpu.memory_space<vmem>>) target_semaphore(%run_scoped3A_533 : memref<!tpu.dma_semaphore, #tpu.memory_space<semaphore_mem>>)
      %dma_wait3A_542 = arith.constant 0 : i32
      %dma_wait3A_543 = arith.constant 0 : i32
      %dma_wait3A_544 = tpu.memref_slice %arg3[%add3A, %run_scoped3A_408, %dma_wait3A_542, %dma_wait3A_543] : memref<32x4x40x64xi32, #tpu.memory_space<hbm>> -> memref<1x1x40x64xi32, #tpu.memory_space<hbm>>
      %dma_wait3A_545 = tpu.memref_squeeze %dma_wait3A_544 : memref<1x1x40x64xi32, #tpu.memory_space<hbm>> -> memref<40x64xi32, #tpu.memory_space<hbm>>
      %dma_wait3A_546 = arith.constant 0 : i32
      %dma_wait3A_547 = arith.constant 0 : i32
      %dma_wait3A_548 = tpu.memref_slice %arg3[%add3A, %run_scoped3A_408, %dma_wait3A_546, %dma_wait3A_547] : memref<32x4x40x64xi32, #tpu.memory_space<hbm>> -> memref<1x1x40x64xi32, #tpu.memory_space<hbm>>
      %dma_wait3A_549 = tpu.memref_squeeze %dma_wait3A_548 : memref<1x1x40x64xi32, #tpu.memory_space<hbm>> -> memref<40x64xi32, #tpu.memory_space<hbm>>
      tpu.wait_dma2 semaphore(%run_scoped3A_533 : memref<!tpu.dma_semaphore, #tpu.memory_space<semaphore_mem>>) src(%dma_wait3A_549 : memref<40x64xi32, #tpu.memory_space<hbm>>) dst(%arg7 : memref<40x64xi32, #tpu.memory_space<vmem>>)
      tpu.yield
    }) : () -> ()
    %dma_start3A_409 = arith.constant 0 : i32
    %dma_start3A_410 = arith.constant 0 : i32
    %dma_start3A_411 = tpu.memref_slice %arg6[%dma_start3A_409, %dma_start3A_410] : memref<40x64xi32, #tpu.memory_space<vmem>> -> memref<1x64xi32, #tpu.memory_space<vmem>>
    %dma_start3A_412 = tpu.memref_squeeze %dma_start3A_411 : memref<1x64xi32, #tpu.memory_space<vmem>> -> memref<64xi32, #tpu.memory_space<vmem>>
    %dma_start3A_413 = arith.constant 0 : i32
    %dma_start3A_414 = arith.constant 0 : i32
    %dma_start3A_415 = tpu.memref_slice %arg4[%dma_start3A_413, %dma_start3A_414] : memref<10000x128xf32, #tpu.memory_space<hbm>> -> memref<10000x128xf32, #tpu.memory_space<hbm>>
    tpu.enqueue_indirect_dma source(%dma_start3A_415 : memref<10000x128xf32, #tpu.memory_space<hbm>>) target(%arg8 : memref<64x128xf32, #tpu.memory_space<vmem>>) offsets(%dma_start3A_412 : memref<64xi32, #tpu.memory_space<vmem>>) semaphore(%arg13 : memref<!tpu.dma_semaphore, #tpu.memory_space<semaphore_mem>>)
    %dma_start3A_416 = arith.constant 1 : i32
    %dma_start3A_417 = arith.constant 0 : i32
    %dma_start3A_418 = tpu.memref_slice %arg6[%dma_start3A_416, %dma_start3A_417] : memref<40x64xi32, #tpu.memory_space<vmem>> -> memref<1x64xi32, #tpu.memory_space<vmem>>
    %dma_start3A_419 = tpu.memref_squeeze %dma_start3A_418 : memref<1x64xi32, #tpu.memory_space<vmem>> -> memref<64xi32, #tpu.memory_space<vmem>>
    %dma_start3A_420 = arith.constant 0 : i32
    %dma_start3A_421 = arith.constant 0 : i32
    %dma_start3A_422 = tpu.memref_slice %arg4[%dma_start3A_420, %dma_start3A_421] : memref<10000x128xf32, #tpu.memory_space<hbm>> -> memref<10000x128xf32, #tpu.memory_space<hbm>>
    tpu.enqueue_indirect_dma source(%dma_start3A_422 : memref<10000x128xf32, #tpu.memory_space<hbm>>) target(%arg9 : memref<64x128xf32, #tpu.memory_space<vmem>>) offsets(%dma_start3A_419 : memref<64xi32, #tpu.memory_space<vmem>>) semaphore(%arg14 : memref<!tpu.dma_semaphore, #tpu.memory_space<semaphore_mem>>)
    %dma_start3A_423 = arith.constant 2 : i32
    %dma_start3A_424 = arith.constant 0 : i32
    %dma_start3A_425 = tpu.memref_slice %arg6[%dma_start3A_423, %dma_start3A_424] : memref<40x64xi32, #tpu.memory_space<vmem>> -> memref<1x64xi32, #tpu.memory_space<vmem>>
    %dma_start3A_426 = tpu.memref_squeeze %dma_start3A_425 : memref<1x64xi32, #tpu.memory_space<vmem>> -> memref<64xi32, #tpu.memory_space<vmem>>
    %dma_start3A_427 = arith.constant 0 : i32
    %dma_start3A_428 = arith.constant 0 : i32
    %dma_start3A_429 = tpu.memref_slice %arg4[%dma_start3A_427, %dma_start3A_428] : memref<10000x128xf32, #tpu.memory_space<hbm>> -> memref<10000x128xf32, #tpu.memory_space<hbm>>
    tpu.enqueue_indirect_dma source(%dma_start3A_429 : memref<10000x128xf32, #tpu.memory_space<hbm>>) target(%arg10 : memref<64x128xf32, #tpu.memory_space<vmem>>) offsets(%dma_start3A_426 : memref<64xi32, #tpu.memory_space<vmem>>) semaphore(%arg15 : memref<!tpu.dma_semaphore, #tpu.memory_space<semaphore_mem>>)
    %dma_start3A_430 = arith.constant 3 : i32
    %dma_start3A_431 = arith.constant 0 : i32
    %dma_start3A_432 = tpu.memref_slice %arg6[%dma_start3A_430, %dma_start3A_431] : memref<40x64xi32, #tpu.memory_space<vmem>> -> memref<1x64xi32, #tpu.memory_space<vmem>>
    %dma_start3A_433 = tpu.memref_squeeze %dma_start3A_432 : memref<1x64xi32, #tpu.memory_space<vmem>> -> memref<64xi32, #tpu.memory_space<vmem>>
    %dma_start3A_434 = arith.constant 0 : i32
    %dma_start3A_435 = arith.constant 0 : i32
    %dma_start3A_436 = tpu.memref_slice %arg4[%dma_start3A_434, %dma_start3A_435] : memref<10000x128xf32, #tpu.memory_space<hbm>> -> memref<10000x128xf32, #tpu.memory_space<hbm>>
    tpu.enqueue_indirect_dma source(%dma_start3A_436 : memref<10000x128xf32, #tpu.memory_space<hbm>>) target(%arg11 : memref<64x128xf32, #tpu.memory_space<vmem>>) offsets(%dma_start3A_433 : memref<64xi32, #tpu.memory_space<vmem>>) semaphore(%arg16 : memref<!tpu.dma_semaphore, #tpu.memory_space<semaphore_mem>>)
    %scan3A_437 = arith.constant 0 : i32
    %scan3A_438 = arith.constant 0 : i32
    %scan3A_439 = arith.constant 9 : i32
    %scan3A_440 = arith.addi %scan3A_438, %scan3A_439 : i32
    %scan3A_441 = arith.constant 1 : i32
    %scan3A_442 = scf.for %scan3A_533 = %scan3A_438 to %scan3A_440 step %scan3A_441 iter_args(%scan3A_534 = %scan3A_437) -> (i32)  : i32 {
      %mul3A_535 = arith.constant 4 : i32
      %mul3A_536 = arith.muli %mul3A_535, %scan3A_533 : i32
      %add3A_537 = arith.constant 0 : i32
      %add3A_538 = arith.addi %mul3A_536, %add3A_537 : i32
      %dma_wait3A_539 = arith.constant 0 : i32
      %dma_wait3A_540 = arith.constant 0 : i32
      %dma_wait3A_541 = tpu.memref_slice %arg6[%dma_wait3A_539, %dma_wait3A_540] : memref<40x64xi32, #tpu.memory_space<vmem>> -> memref<1x64xi32, #tpu.memory_space<vmem>>
      %dma_wait3A_542 = tpu.memref_squeeze %dma_wait3A_541 : memref<1x64xi32, #tpu.memory_space<vmem>> -> memref<64xi32, #tpu.memory_space<vmem>>
      %dma_wait3A_543 = arith.constant 0 : i32
      %dma_wait3A_544 = arith.constant 0 : i32
      %dma_wait3A_545 = tpu.memref_slice %arg4[%dma_wait3A_543, %dma_wait3A_544] : memref<10000x128xf32, #tpu.memory_space<hbm>> -> memref<10000x128xf32, #tpu.memory_space<hbm>>
      tpu.wait_indirect_dma semaphore(%arg13 : memref<!tpu.dma_semaphore, #tpu.memory_space<semaphore_mem>>) src(%dma_wait3A_545 : memref<10000x128xf32, #tpu.memory_space<hbm>>) dst(%arg8 : memref<64x128xf32, #tpu.memory_space<vmem>>)
      %dma_start3A_546 = arith.constant 0 : i32
      %dma_start3A_547 = tpu.memref_slice %arg7[%add3A_538, %dma_start3A_546] : memref<40x64xi32, #tpu.memory_space<vmem>> -> memref<1x64xi32, #tpu.memory_space<vmem>>
      %dma_start3A_548 = tpu.memref_squeeze %dma_start3A_547 : memref<1x64xi32, #tpu.memory_space<vmem>> -> memref<64xi32, #tpu.memory_space<vmem>>
      %dma_start3A_549 = arith.constant 0 : i32
      %dma_start3A_550 = arith.constant 0 : i32
      %dma_start3A_551 = tpu.memref_slice %arg12[%dma_start3A_549, %dma_start3A_550] : memref<10240x128xf32, #tpu.memory_space<vmem_shared>> -> memref<10240x128xf32, #tpu.memory_space<vmem_shared>>
      tpu.enqueue_indirect_dma source(%arg8 : memref<64x128xf32, #tpu.memory_space<vmem>>) target(%dma_start3A_551 : memref<10240x128xf32, #tpu.memory_space<vmem_shared>>) offsets(%dma_start3A_548 : memref<64xi32, #tpu.memory_space<vmem>>) semaphore(%arg17 : memref<!tpu.dma_semaphore, #tpu.memory_space<semaphore_mem>>) {add = true}
      %dma_wait3A_552 = arith.constant 0 : i32
      %dma_wait3A_553 = arith.constant 0 : i32
      %dma_wait3A_554 = tpu.memref_slice %arg7[%dma_wait3A_552, %dma_wait3A_553] : memref<40x64xi32, #tpu.memory_space<vmem>> -> memref<1x64xi32, #tpu.memory_space<vmem>>
      %dma_wait3A_555 = tpu.memref_squeeze %dma_wait3A_554 : memref<1x64xi32, #tpu.memory_space<vmem>> -> memref<64xi32, #tpu.memory_space<vmem>>
      %dma_wait3A_556 = arith.constant 0 : i32
      %dma_wait3A_557 = arith.constant 0 : i32
      %dma_wait3A_558 = tpu.memref_slice %arg12[%dma_wait3A_556, %dma_wait3A_557] : memref<10240x128xf32, #tpu.memory_space<vmem_shared>> -> memref<10240x128xf32, #tpu.memory_space<vmem_shared>>
      tpu.wait_indirect_dma semaphore(%arg17 : memref<!tpu.dma_semaphore, #tpu.memory_space<semaphore_mem>>) src(%arg8 : memref<64x128xf32, #tpu.memory_space<vmem>>) dst(%dma_wait3A_558 : memref<10240x128xf32, #tpu.memory_space<vmem_shared>>)
      %add3A_559 = arith.constant 4 : i32
      %add3A_560 = arith.addi %add3A_538, %add3A_559 : i32
      %dma_start3A_561 = arith.constant 0 : i32
      %dma_start3A_562 = tpu.memref_slice %arg6[%add3A_560, %dma_start3A_561] : memref<40x64xi32, #tpu.memory_space<vmem>> -> memref<1x64xi32, #tpu.memory_space<vmem>>
      %dma_start3A_563 = tpu.memref_squeeze %dma_start3A_562 : memref<1x64xi32, #tpu.memory_space<vmem>> -> memref<64xi32, #tpu.memory_space<vmem>>
      %dma_start3A_564 = arith.constant 0 : i32
      %dma_start3A_565 = arith.constant 0 : i32
      %dma_start3A_566 = tpu.memref_slice %arg4[%dma_start3A_564, %dma_start3A_565] : memref<10000x128xf32, #tpu.memory_space<hbm>> -> memref<10000x128xf32, #tpu.memory_space<hbm>>
      tpu.enqueue_indirect_dma source(%dma_start3A_566 : memref<10000x128xf32, #tpu.memory_space<hbm>>) target(%arg8 : memref<64x128xf32, #tpu.memory_space<vmem>>) offsets(%dma_start3A_563 : memref<64xi32, #tpu.memory_space<vmem>>) semaphore(%arg13 : memref<!tpu.dma_semaphore, #tpu.memory_space<semaphore_mem>>)
      %mul3A_567 = arith.constant 4 : i32
      %mul3A_568 = arith.muli %mul3A_567, %scan3A_533 : i32
      %add3A_569 = arith.constant 1 : i32
      %add3A_570 = arith.addi %mul3A_568, %add3A_569 : i32
      %dma_wait3A_571 = arith.constant 0 : i32
      %dma_wait3A_572 = arith.constant 0 : i32
      %dma_wait3A_573 = tpu.memref_slice %arg6[%dma_wait3A_571, %dma_wait3A_572] : memref<40x64xi32, #tpu.memory_space<vmem>> -> memref<1x64xi32, #tpu.memory_space<vmem>>
      %dma_wait3A_574 = tpu.memref_squeeze %dma_wait3A_573 : memref<1x64xi32, #tpu.memory_space<vmem>> -> memref<64xi32, #tpu.memory_space<vmem>>
      %dma_wait3A_575 = arith.constant 0 : i32
      %dma_wait3A_576 = arith.constant 0 : i32
      %dma_wait3A_577 = tpu.memref_slice %arg4[%dma_wait3A_575, %dma_wait3A_576] : memref<10000x128xf32, #tpu.memory_space<hbm>> -> memref<10000x128xf32, #tpu.memory_space<hbm>>
      tpu.wait_indirect_dma semaphore(%arg14 : memref<!tpu.dma_semaphore, #tpu.memory_space<semaphore_mem>>) src(%dma_wait3A_577 : memref<10000x128xf32, #tpu.memory_space<hbm>>) dst(%arg9 : memref<64x128xf32, #tpu.memory_space<vmem>>)
      %dma_start3A_578 = arith.constant 0 : i32
      %dma_start3A_579 = tpu.memref_slice %arg7[%add3A_570, %dma_start3A_578] : memref<40x64xi32, #tpu.memory_space<vmem>> -> memref<1x64xi32, #tpu.memory_space<vmem>>
      %dma_start3A_580 = tpu.memref_squeeze %dma_start3A_579 : memref<1x64xi32, #tpu.memory_space<vmem>> -> memref<64xi32, #tpu.memory_space<vmem>>
      %dma_start3A_581 = arith.constant 0 : i32
      %dma_start3A_582 = arith.constant 0 : i32
      %dma_start3A_583 = tpu.memref_slice %arg12[%dma_start3A_581, %dma_start3A_582] : memref<10240x128xf32, #tpu.memory_space<vmem_shared>> -> memref<10240x128xf32, #tpu.memory_space<vmem_shared>>
      tpu.enqueue_indirect_dma source(%arg9 : memref<64x128xf32, #tpu.memory_space<vmem>>) target(%dma_start3A_583 : memref<10240x128xf32, #tpu.memory_space<vmem_shared>>) offsets(%dma_start3A_580 : memref<64xi32, #tpu.memory_space<vmem>>) semaphore(%arg18 : memref<!tpu.dma_semaphore, #tpu.memory_space<semaphore_mem>>) {add = true}
      %dma_wait3A_584 = arith.constant 0 : i32
      %dma_wait3A_585 = arith.constant 0 : i32
      %dma_wait3A_586 = tpu.memref_slice %arg7[%dma_wait3A_584, %dma_wait3A_585] : memref<40x64xi32, #tpu.memory_space<vmem>> -> memref<1x64xi32, #tpu.memory_space<vmem>>
      %dma_wait3A_587 = tpu.memref_squeeze %dma_wait3A_586 : memref<1x64xi32, #tpu.memory_space<vmem>> -> memref<64xi32, #tpu.memory_space<vmem>>
      %dma_wait3A_588 = arith.constant 0 : i32
      %dma_wait3A_589 = arith.constant 0 : i32
      %dma_wait3A_590 = tpu.memref_slice %arg12[%dma_wait3A_588, %dma_wait3A_589] : memref<10240x128xf32, #tpu.memory_space<vmem_shared>> -> memref<10240x128xf32, #tpu.memory_space<vmem_shared>>
      tpu.wait_indirect_dma semaphore(%arg18 : memref<!tpu.dma_semaphore, #tpu.memory_space<semaphore_mem>>) src(%arg9 : memref<64x128xf32, #tpu.memory_space<vmem>>) dst(%dma_wait3A_590 : memref<10240x128xf32, #tpu.memory_space<vmem_shared>>)
      %add3A_591 = arith.constant 4 : i32
      %add3A_592 = arith.addi %add3A_570, %add3A_591 : i32
      %dma_start3A_593 = arith.constant 0 : i32
      %dma_start3A_594 = tpu.memref_slice %arg6[%add3A_592, %dma_start3A_593] : memref<40x64xi32, #tpu.memory_space<vmem>> -> memref<1x64xi32, #tpu.memory_space<vmem>>
      %dma_start3A_595 = tpu.memref_squeeze %dma_start3A_594 : memref<1x64xi32, #tpu.memory_space<vmem>> -> memref<64xi32, #tpu.memory_space<vmem>>
      %dma_start3A_596 = arith.constant 0 : i32
      %dma_start3A_597 = arith.constant 0 : i32
      %dma_start3A_598 = tpu.memref_slice %arg4[%dma_start3A_596, %dma_start3A_597] : memref<10000x128xf32, #tpu.memory_space<hbm>> -> memref<10000x128xf32, #tpu.memory_space<hbm>>
      tpu.enqueue_indirect_dma source(%dma_start3A_598 : memref<10000x128xf32, #tpu.memory_space<hbm>>) target(%arg9 : memref<64x128xf32, #tpu.memory_space<vmem>>) offsets(%dma_start3A_595 : memref<64xi32, #tpu.memory_space<vmem>>) semaphore(%arg14 : memref<!tpu.dma_semaphore, #tpu.memory_space<semaphore_mem>>)
      %mul3A_599 = arith.constant 4 : i32
      %mul3A_600 = arith.muli %mul3A_599, %scan3A_533 : i32
      %add3A_601 = arith.constant 2 : i32
      %add3A_602 = arith.addi %mul3A_600, %add3A_601 : i32
      %dma_wait3A_603 = arith.constant 0 : i32
      %dma_wait3A_604 = arith.constant 0 : i32
      %dma_wait3A_605 = tpu.memref_slice %arg6[%dma_wait3A_603, %dma_wait3A_604] : memref<40x64xi32, #tpu.memory_space<vmem>> -> memref<1x64xi32, #tpu.memory_space<vmem>>
      %dma_wait3A_606 = tpu.memref_squeeze %dma_wait3A_605 : memref<1x64xi32, #tpu.memory_space<vmem>> -> memref<64xi32, #tpu.memory_space<vmem>>
      %dma_wait3A_607 = arith.constant 0 : i32
      %dma_wait3A_608 = arith.constant 0 : i32
      %dma_wait3A_609 = tpu.memref_slice %arg4[%dma_wait3A_607, %dma_wait3A_608] : memref<10000x128xf32, #tpu.memory_space<hbm>> -> memref<10000x128xf32, #tpu.memory_space<hbm>>
      tpu.wait_indirect_dma semaphore(%arg15 : memref<!tpu.dma_semaphore, #tpu.memory_space<semaphore_mem>>) src(%dma_wait3A_609 : memref<10000x128xf32, #tpu.memory_space<hbm>>) dst(%arg10 : memref<64x128xf32, #tpu.memory_space<vmem>>)
      %dma_start3A_610 = arith.constant 0 : i32
      %dma_start3A_611 = tpu.memref_slice %arg7[%add3A_602, %dma_start3A_610] : memref<40x64xi32, #tpu.memory_space<vmem>> -> memref<1x64xi32, #tpu.memory_space<vmem>>
      %dma_start3A_612 = tpu.memref_squeeze %dma_start3A_611 : memref<1x64xi32, #tpu.memory_space<vmem>> -> memref<64xi32, #tpu.memory_space<vmem>>
      %dma_start3A_613 = arith.constant 0 : i32
      %dma_start3A_614 = arith.constant 0 : i32
      %dma_start3A_615 = tpu.memref_slice %arg12[%dma_start3A_613, %dma_start3A_614] : memref<10240x128xf32, #tpu.memory_space<vmem_shared>> -> memref<10240x128xf32, #tpu.memory_space<vmem_shared>>
      tpu.enqueue_indirect_dma source(%arg10 : memref<64x128xf32, #tpu.memory_space<vmem>>) target(%dma_start3A_615 : memref<10240x128xf32, #tpu.memory_space<vmem_shared>>) offsets(%dma_start3A_612 : memref<64xi32, #tpu.memory_space<vmem>>) semaphore(%arg19 : memref<!tpu.dma_semaphore, #tpu.memory_space<semaphore_mem>>) {add = true}
      %dma_wait3A_616 = arith.constant 0 : i32
      %dma_wait3A_617 = arith.constant 0 : i32
      %dma_wait3A_618 = tpu.memref_slice %arg7[%dma_wait3A_616, %dma_wait3A_617] : memref<40x64xi32, #tpu.memory_space<vmem>> -> memref<1x64xi32, #tpu.memory_space<vmem>>
      %dma_wait3A_619 = tpu.memref_squeeze %dma_wait3A_618 : memref<1x64xi32, #tpu.memory_space<vmem>> -> memref<64xi32, #tpu.memory_space<vmem>>
      %dma_wait3A_620 = arith.constant 0 : i32
      %dma_wait3A_621 = arith.constant 0 : i32
      %dma_wait3A_622 = tpu.memref_slice %arg12[%dma_wait3A_620, %dma_wait3A_621] : memref<10240x128xf32, #tpu.memory_space<vmem_shared>> -> memref<10240x128xf32, #tpu.memory_space<vmem_shared>>
      tpu.wait_indirect_dma semaphore(%arg19 : memref<!tpu.dma_semaphore, #tpu.memory_space<semaphore_mem>>) src(%arg10 : memref<64x128xf32, #tpu.memory_space<vmem>>) dst(%dma_wait3A_622 : memref<10240x128xf32, #tpu.memory_space<vmem_shared>>)
      %add3A_623 = arith.constant 4 : i32
      %add3A_624 = arith.addi %add3A_602, %add3A_623 : i32
      %dma_start3A_625 = arith.constant 0 : i32
      %dma_start3A_626 = tpu.memref_slice %arg6[%add3A_624, %dma_start3A_625] : memref<40x64xi32, #tpu.memory_space<vmem>> -> memref<1x64xi32, #tpu.memory_space<vmem>>
      %dma_start3A_627 = tpu.memref_squeeze %dma_start3A_626 : memref<1x64xi32, #tpu.memory_space<vmem>> -> memref<64xi32, #tpu.memory_space<vmem>>
      %dma_start3A_628 = arith.constant 0 : i32
      %dma_start3A_629 = arith.constant 0 : i32
      %dma_start3A_630 = tpu.memref_slice %arg4[%dma_start3A_628, %dma_start3A_629] : memref<10000x128xf32, #tpu.memory_space<hbm>> -> memref<10000x128xf32, #tpu.memory_space<hbm>>
      tpu.enqueue_indirect_dma source(%dma_start3A_630 : memref<10000x128xf32, #tpu.memory_space<hbm>>) target(%arg10 : memref<64x128xf32, #tpu.memory_space<vmem>>) offsets(%dma_start3A_627 : memref<64xi32, #tpu.memory_space<vmem>>) semaphore(%arg15 : memref<!tpu.dma_semaphore, #tpu.memory_space<semaphore_mem>>)
      %mul3A_631 = arith.constant 4 : i32
      %mul3A_632 = arith.muli %mul3A_631, %scan3A_533 : i32
      %add3A_633 = arith.constant 3 : i32
      %add3A_634 = arith.addi %mul3A_632, %add3A_633 : i32
      %dma_wait3A_635 = arith.constant 0 : i32
      %dma_wait3A_636 = arith.constant 0 : i32
      %dma_wait3A_637 = tpu.memref_slice %arg6[%dma_wait3A_635, %dma_wait3A_636] : memref<40x64xi32, #tpu.memory_space<vmem>> -> memref<1x64xi32, #tpu.memory_space<vmem>>
      %dma_wait3A_638 = tpu.memref_squeeze %dma_wait3A_637 : memref<1x64xi32, #tpu.memory_space<vmem>> -> memref<64xi32, #tpu.memory_space<vmem>>
      %dma_wait3A_639 = arith.constant 0 : i32
      %dma_wait3A_640 = arith.constant 0 : i32
      %dma_wait3A_641 = tpu.memref_slice %arg4[%dma_wait3A_639, %dma_wait3A_640] : memref<10000x128xf32, #tpu.memory_space<hbm>> -> memref<10000x128xf32, #tpu.memory_space<hbm>>
      tpu.wait_indirect_dma semaphore(%arg16 : memref<!tpu.dma_semaphore, #tpu.memory_space<semaphore_mem>>) src(%dma_wait3A_641 : memref<10000x128xf32, #tpu.memory_space<hbm>>) dst(%arg11 : memref<64x128xf32, #tpu.memory_space<vmem>>)
      %dma_start3A_642 = arith.constant 0 : i32
      %dma_start3A_643 = tpu.memref_slice %arg7[%add3A_634, %dma_start3A_642] : memref<40x64xi32, #tpu.memory_space<vmem>> -> memref<1x64xi32, #tpu.memory_space<vmem>>
      %dma_start3A_644 = tpu.memref_squeeze %dma_start3A_643 : memref<1x64xi32, #tpu.memory_space<vmem>> -> memref<64xi32, #tpu.memory_space<vmem>>
      %dma_start3A_645 = arith.constant 0 : i32
      %dma_start3A_646 = arith.constant 0 : i32
      %dma_start3A_647 = tpu.memref_slice %arg12[%dma_start3A_645, %dma_start3A_646] : memref<10240x128xf32, #tpu.memory_space<vmem_shared>> -> memref<10240x128xf32, #tpu.memory_space<vmem_shared>>
      tpu.enqueue_indirect_dma source(%arg11 : memref<64x128xf32, #tpu.memory_space<vmem>>) target(%dma_start3A_647 : memref<10240x128xf32, #tpu.memory_space<vmem_shared>>) offsets(%dma_start3A_644 : memref<64xi32, #tpu.memory_space<vmem>>) semaphore(%arg20 : memref<!tpu.dma_semaphore, #tpu.memory_space<semaphore_mem>>) {add = true}
      %dma_wait3A_648 = arith.constant 0 : i32
      %dma_wait3A_649 = arith.constant 0 : i32
      %dma_wait3A_650 = tpu.memref_slice %arg7[%dma_wait3A_648, %dma_wait3A_649] : memref<40x64xi32, #tpu.memory_space<vmem>> -> memref<1x64xi32, #tpu.memory_space<vmem>>
      %dma_wait3A_651 = tpu.memref_squeeze %dma_wait3A_650 : memref<1x64xi32, #tpu.memory_space<vmem>> -> memref<64xi32, #tpu.memory_space<vmem>>
      %dma_wait3A_652 = arith.constant 0 : i32
      %dma_wait3A_653 = arith.constant 0 : i32
      %dma_wait3A_654 = tpu.memref_slice %arg12[%dma_wait3A_652, %dma_wait3A_653] : memref<10240x128xf32, #tpu.memory_space<vmem_shared>> -> memref<10240x128xf32, #tpu.memory_space<vmem_shared>>
      tpu.wait_indirect_dma semaphore(%arg20 : memref<!tpu.dma_semaphore, #tpu.memory_space<semaphore_mem>>) src(%arg11 : memref<64x128xf32, #tpu.memory_space<vmem>>) dst(%dma_wait3A_654 : memref<10240x128xf32, #tpu.memory_space<vmem_shared>>)
      %add3A_655 = arith.constant 4 : i32
      %add3A_656 = arith.addi %add3A_634, %add3A_655 : i32
      %dma_start3A_657 = arith.constant 0 : i32
      %dma_start3A_658 = tpu.memref_slice %arg6[%add3A_656, %dma_start3A_657] : memref<40x64xi32, #tpu.memory_space<vmem>> -> memref<1x64xi32, #tpu.memory_space<vmem>>
      %dma_start3A_659 = tpu.memref_squeeze %dma_start3A_658 : memref<1x64xi32, #tpu.memory_space<vmem>> -> memref<64xi32, #tpu.memory_space<vmem>>
      %dma_start3A_660 = arith.constant 0 : i32
      %dma_start3A_661 = arith.constant 0 : i32
      %dma_start3A_662 = tpu.memref_slice %arg4[%dma_start3A_660, %dma_start3A_661] : memref<10000x128xf32, #tpu.memory_space<hbm>> -> memref<10000x128xf32, #tpu.memory_space<hbm>>
      tpu.enqueue_indirect_dma source(%dma_start3A_662 : memref<10000x128xf32, #tpu.memory_space<hbm>>) target(%arg11 : memref<64x128xf32, #tpu.memory_space<vmem>>) offsets(%dma_start3A_659 : memref<64xi32, #tpu.memory_space<vmem>>) semaphore(%arg16 : memref<!tpu.dma_semaphore, #tpu.memory_space<semaphore_mem>>)
      %scan3A_663 = arith.constant 0 : i32
      scf.yield %scan3A_663 : i32
    }
    %scan3A_443 = arith.constant 9 : i32
    %dma_wait3A_444 = arith.constant 0 : i32
    %dma_wait3A_445 = arith.constant 0 : i32
    %dma_wait3A_446 = tpu.memref_slice %arg6[%dma_wait3A_444, %dma_wait3A_445] : memref<40x64xi32, #tpu.memory_space<vmem>> -> memref<1x64xi32, #tpu.memory_space<vmem>>
    %dma_wait3A_447 = tpu.memref_squeeze %dma_wait3A_446 : memref<1x64xi32, #tpu.memory_space<vmem>> -> memref<64xi32, #tpu.memory_space<vmem>>
    %dma_wait3A_448 = arith.constant 0 : i32
    %dma_wait3A_449 = arith.constant 0 : i32
    %dma_wait3A_450 = tpu.memref_slice %arg4[%dma_wait3A_448, %dma_wait3A_449] : memref<10000x128xf32, #tpu.memory_space<hbm>> -> memref<10000x128xf32, #tpu.memory_space<hbm>>
    tpu.wait_indirect_dma semaphore(%arg13 : memref<!tpu.dma_semaphore, #tpu.memory_space<semaphore_mem>>) src(%dma_wait3A_450 : memref<10000x128xf32, #tpu.memory_space<hbm>>) dst(%arg8 : memref<64x128xf32, #tpu.memory_space<vmem>>)
    %dma_start3A_451 = arith.constant 36 : i32
    %dma_start3A_452 = arith.constant 0 : i32
    %dma_start3A_453 = tpu.memref_slice %arg7[%dma_start3A_451, %dma_start3A_452] : memref<40x64xi32, #tpu.memory_space<vmem>> -> memref<1x64xi32, #tpu.memory_space<vmem>>
    %dma_start3A_454 = tpu.memref_squeeze %dma_start3A_453 : memref<1x64xi32, #tpu.memory_space<vmem>> -> memref<64xi32, #tpu.memory_space<vmem>>
    %dma_start3A_455 = arith.constant 0 : i32
    %dma_start3A_456 = arith.constant 0 : i32
    %dma_start3A_457 = tpu.memref_slice %arg12[%dma_start3A_455, %dma_start3A_456] : memref<10240x128xf32, #tpu.memory_space<vmem_shared>> -> memref<10240x128xf32, #tpu.memory_space<vmem_shared>>
    tpu.enqueue_indirect_dma source(%arg8 : memref<64x128xf32, #tpu.memory_space<vmem>>) target(%dma_start3A_457 : memref<10240x128xf32, #tpu.memory_space<vmem_shared>>) offsets(%dma_start3A_454 : memref<64xi32, #tpu.memory_space<vmem>>) semaphore(%arg17 : memref<!tpu.dma_semaphore, #tpu.memory_space<semaphore_mem>>) {add = true}
    %dma_wait3A_458 = arith.constant 0 : i32
    %dma_wait3A_459 = arith.constant 0 : i32
    %dma_wait3A_460 = tpu.memref_slice %arg6[%dma_wait3A_458, %dma_wait3A_459] : memref<40x64xi32, #tpu.memory_space<vmem>> -> memref<1x64xi32, #tpu.memory_space<vmem>>
    %dma_wait3A_461 = tpu.memref_squeeze %dma_wait3A_460 : memref<1x64xi32, #tpu.memory_space<vmem>> -> memref<64xi32, #tpu.memory_space<vmem>>
    %dma_wait3A_462 = arith.constant 0 : i32
    %dma_wait3A_463 = arith.constant 0 : i32
    %dma_wait3A_464 = tpu.memref_slice %arg4[%dma_wait3A_462, %dma_wait3A_463] : memref<10000x128xf32, #tpu.memory_space<hbm>> -> memref<10000x128xf32, #tpu.memory_space<hbm>>
    tpu.wait_indirect_dma semaphore(%arg14 : memref<!tpu.dma_semaphore, #tpu.memory_space<semaphore_mem>>) src(%dma_wait3A_464 : memref<10000x128xf32, #tpu.memory_space<hbm>>) dst(%arg9 : memref<64x128xf32, #tpu.memory_space<vmem>>)
    %dma_start3A_465 = arith.constant 37 : i32
    %dma_start3A_466 = arith.constant 0 : i32
    %dma_start3A_467 = tpu.memref_slice %arg7[%dma_start3A_465, %dma_start3A_466] : memref<40x64xi32, #tpu.memory_space<vmem>> -> memref<1x64xi32, #tpu.memory_space<vmem>>
    %dma_start3A_468 = tpu.memref_squeeze %dma_start3A_467 : memref<1x64xi32, #tpu.memory_space<vmem>> -> memref<64xi32, #tpu.memory_space<vmem>>
    %dma_start3A_469 = arith.constant 0 : i32
    %dma_start3A_470 = arith.constant 0 : i32
    %dma_start3A_471 = tpu.memref_slice %arg12[%dma_start3A_469, %dma_start3A_470] : memref<10240x128xf32, #tpu.memory_space<vmem_shared>> -> memref<10240x128xf32, #tpu.memory_space<vmem_shared>>
    tpu.enqueue_indirect_dma source(%arg9 : memref<64x128xf32, #tpu.memory_space<vmem>>) target(%dma_start3A_471 : memref<10240x128xf32, #tpu.memory_space<vmem_shared>>) offsets(%dma_start3A_468 : memref<64xi32, #tpu.memory_space<vmem>>) semaphore(%arg18 : memref<!tpu.dma_semaphore, #tpu.memory_space<semaphore_mem>>) {add = true}
    %dma_wait3A_472 = arith.constant 0 : i32
    %dma_wait3A_473 = arith.constant 0 : i32
    %dma_wait3A_474 = tpu.memref_slice %arg6[%dma_wait3A_472, %dma_wait3A_473] : memref<40x64xi32, #tpu.memory_space<vmem>> -> memref<1x64xi32, #tpu.memory_space<vmem>>
    %dma_wait3A_475 = tpu.memref_squeeze %dma_wait3A_474 : memref<1x64xi32, #tpu.memory_space<vmem>> -> memref<64xi32, #tpu.memory_space<vmem>>
    %dma_wait3A_476 = arith.constant 0 : i32
    %dma_wait3A_477 = arith.constant 0 : i32
    %dma_wait3A_478 = tpu.memref_slice %arg4[%dma_wait3A_476, %dma_wait3A_477] : memref<10000x128xf32, #tpu.memory_space<hbm>> -> memref<10000x128xf32, #tpu.memory_space<hbm>>
    tpu.wait_indirect_dma semaphore(%arg15 : memref<!tpu.dma_semaphore, #tpu.memory_space<semaphore_mem>>) src(%dma_wait3A_478 : memref<10000x128xf32, #tpu.memory_space<hbm>>) dst(%arg10 : memref<64x128xf32, #tpu.memory_space<vmem>>)
    %dma_start3A_479 = arith.constant 38 : i32
    %dma_start3A_480 = arith.constant 0 : i32
    %dma_start3A_481 = tpu.memref_slice %arg7[%dma_start3A_479, %dma_start3A_480] : memref<40x64xi32, #tpu.memory_space<vmem>> -> memref<1x64xi32, #tpu.memory_space<vmem>>
    %dma_start3A_482 = tpu.memref_squeeze %dma_start3A_481 : memref<1x64xi32, #tpu.memory_space<vmem>> -> memref<64xi32, #tpu.memory_space<vmem>>
    %dma_start3A_483 = arith.constant 0 : i32
    %dma_start3A_484 = arith.constant 0 : i32
    %dma_start3A_485 = tpu.memref_slice %arg12[%dma_start3A_483, %dma_start3A_484] : memref<10240x128xf32, #tpu.memory_space<vmem_shared>> -> memref<10240x128xf32, #tpu.memory_space<vmem_shared>>
    tpu.enqueue_indirect_dma source(%arg10 : memref<64x128xf32, #tpu.memory_space<vmem>>) target(%dma_start3A_485 : memref<10240x128xf32, #tpu.memory_space<vmem_shared>>) offsets(%dma_start3A_482 : memref<64xi32, #tpu.memory_space<vmem>>) semaphore(%arg19 : memref<!tpu.dma_semaphore, #tpu.memory_space<semaphore_mem>>) {add = true}
    %dma_wait3A_486 = arith.constant 0 : i32
    %dma_wait3A_487 = arith.constant 0 : i32
    %dma_wait3A_488 = tpu.memref_slice %arg6[%dma_wait3A_486, %dma_wait3A_487] : memref<40x64xi32, #tpu.memory_space<vmem>> -> memref<1x64xi32, #tpu.memory_space<vmem>>
    %dma_wait3A_489 = tpu.memref_squeeze %dma_wait3A_488 : memref<1x64xi32, #tpu.memory_space<vmem>> -> memref<64xi32, #tpu.memory_space<vmem>>
    %dma_wait3A_490 = arith.constant 0 : i32
    %dma_wait3A_491 = arith.constant 0 : i32
    %dma_wait3A_492 = tpu.memref_slice %arg4[%dma_wait3A_490, %dma_wait3A_491] : memref<10000x128xf32, #tpu.memory_space<hbm>> -> memref<10000x128xf32, #tpu.memory_space<hbm>>
    tpu.wait_indirect_dma semaphore(%arg16 : memref<!tpu.dma_semaphore, #tpu.memory_space<semaphore_mem>>) src(%dma_wait3A_492 : memref<10000x128xf32, #tpu.memory_space<hbm>>) dst(%arg11 : memref<64x128xf32, #tpu.memory_space<vmem>>)
    %dma_start3A_493 = arith.constant 39 : i32
    %dma_start3A_494 = arith.constant 0 : i32
    %dma_start3A_495 = tpu.memref_slice %arg7[%dma_start3A_493, %dma_start3A_494] : memref<40x64xi32, #tpu.memory_space<vmem>> -> memref<1x64xi32, #tpu.memory_space<vmem>>
    %dma_start3A_496 = tpu.memref_squeeze %dma_start3A_495 : memref<1x64xi32, #tpu.memory_space<vmem>> -> memref<64xi32, #tpu.memory_space<vmem>>
    %dma_start3A_497 = arith.constant 0 : i32
    %dma_start3A_498 = arith.constant 0 : i32
    %dma_start3A_499 = tpu.memref_slice %arg12[%dma_start3A_497, %dma_start3A_498] : memref<10240x128xf32, #tpu.memory_space<vmem_shared>> -> memref<10240x128xf32, #tpu.memory_space<vmem_shared>>
    tpu.enqueue_indirect_dma source(%arg11 : memref<64x128xf32, #tpu.memory_space<vmem>>) target(%dma_start3A_499 : memref<10240x128xf32, #tpu.memory_space<vmem_shared>>) offsets(%dma_start3A_496 : memref<64xi32, #tpu.memory_space<vmem>>) semaphore(%arg20 : memref<!tpu.dma_semaphore, #tpu.memory_space<semaphore_mem>>) {add = true}
    %dma_wait3A_500 = arith.constant 0 : i32
    %dma_wait3A_501 = arith.constant 0 : i32
    %dma_wait3A_502 = tpu.memref_slice %arg7[%dma_wait3A_500, %dma_wait3A_501] : memref<40x64xi32, #tpu.memory_space<vmem>> -> memref<1x64xi32, #tpu.memory_space<vmem>>
    %dma_wait3A_503 = tpu.memref_squeeze %dma_wait3A_502 : memref<1x64xi32, #tpu.memory_space<vmem>> -> memref<64xi32, #tpu.memory_space<vmem>>
    %dma_wait3A_504 = arith.constant 0 : i32
    %dma_wait3A_505 = arith.constant 0 : i32
    %dma_wait3A_506 = tpu.memref_slice %arg12[%dma_wait3A_504, %dma_wait3A_505] : memref<10240x128xf32, #tpu.memory_space<vmem_shared>> -> memref<10240x128xf32, #tpu.memory_space<vmem_shared>>
    tpu.wait_indirect_dma semaphore(%arg17 : memref<!tpu.dma_semaphore, #tpu.memory_space<semaphore_mem>>) src(%arg8 : memref<64x128xf32, #tpu.memory_space<vmem>>) dst(%dma_wait3A_506 : memref<10240x128xf32, #tpu.memory_space<vmem_shared>>)
    %dma_wait3A_507 = arith.constant 0 : i32
    %dma_wait3A_508 = arith.constant 0 : i32
    %dma_wait3A_509 = tpu.memref_slice %arg7[%dma_wait3A_507, %dma_wait3A_508] : memref<40x64xi32, #tpu.memory_space<vmem>> -> memref<1x64xi32, #tpu.memory_space<vmem>>
    %dma_wait3A_510 = tpu.memref_squeeze %dma_wait3A_509 : memref<1x64xi32, #tpu.memory_space<vmem>> -> memref<64xi32, #tpu.memory_space<vmem>>
    %dma_wait3A_511 = arith.constant 0 : i32
    %dma_wait3A_512 = arith.constant 0 : i32
    %dma_wait3A_513 = tpu.memref_slice %arg12[%dma_wait3A_511, %dma_wait3A_512] : memref<10240x128xf32, #tpu.memory_space<vmem_shared>> -> memref<10240x128xf32, #tpu.memory_space<vmem_shared>>
    tpu.wait_indirect_dma semaphore(%arg18 : memref<!tpu.dma_semaphore, #tpu.memory_space<semaphore_mem>>) src(%arg9 : memref<64x128xf32, #tpu.memory_space<vmem>>) dst(%dma_wait3A_513 : memref<10240x128xf32, #tpu.memory_space<vmem_shared>>)
    %dma_wait3A_514 = arith.constant 0 : i32
    %dma_wait3A_515 = arith.constant 0 : i32
    %dma_wait3A_516 = tpu.memref_slice %arg7[%dma_wait3A_514, %dma_wait3A_515] : memref<40x64xi32, #tpu.memory_space<vmem>> -> memref<1x64xi32, #tpu.memory_space<vmem>>
    %dma_wait3A_517 = tpu.memref_squeeze %dma_wait3A_516 : memref<1x64xi32, #tpu.memory_space<vmem>> -> memref<64xi32, #tpu.memory_space<vmem>>
    %dma_wait3A_518 = arith.constant 0 : i32
    %dma_wait3A_519 = arith.constant 0 : i32
    %dma_wait3A_520 = tpu.memref_slice %arg12[%dma_wait3A_518, %dma_wait3A_519] : memref<10240x128xf32, #tpu.memory_space<vmem_shared>> -> memref<10240x128xf32, #tpu.memory_space<vmem_shared>>
    tpu.wait_indirect_dma semaphore(%arg19 : memref<!tpu.dma_semaphore, #tpu.memory_space<semaphore_mem>>) src(%arg10 : memref<64x128xf32, #tpu.memory_space<vmem>>) dst(%dma_wait3A_520 : memref<10240x128xf32, #tpu.memory_space<vmem_shared>>)
    %dma_wait3A_521 = arith.constant 0 : i32
    %dma_wait3A_522 = arith.constant 0 : i32
    %dma_wait3A_523 = tpu.memref_slice %arg7[%dma_wait3A_521, %dma_wait3A_522] : memref<40x64xi32, #tpu.memory_space<vmem>> -> memref<1x64xi32, #tpu.memory_space<vmem>>
    %dma_wait3A_524 = tpu.memref_squeeze %dma_wait3A_523 : memref<1x64xi32, #tpu.memory_space<vmem>> -> memref<64xi32, #tpu.memory_space<vmem>>
    %dma_wait3A_525 = arith.constant 0 : i32
    %dma_wait3A_526 = arith.constant 0 : i32
    %dma_wait3A_527 = tpu.memref_slice %arg12[%dma_wait3A_525, %dma_wait3A_526] : memref<10240x128xf32, #tpu.memory_space<vmem_shared>> -> memref<10240x128xf32, #tpu.memory_space<vmem_shared>>
    tpu.wait_indirect_dma semaphore(%arg20 : memref<!tpu.dma_semaphore, #tpu.memory_space<semaphore_mem>>) src(%arg11 : memref<64x128xf32, #tpu.memory_space<vmem>>) dst(%dma_wait3A_527 : memref<10240x128xf32, #tpu.memory_space<vmem_shared>>)
    %barrier3A_528 = arith.constant 0 : index
    tpu.barrier barrier_id(%barrier3A_528)
    %mul3A_529 = arith.constant 640 : i32
    %mul3A_530 = arith.muli %arg1, %mul3A_529 : i32
    %mul3A_531 = arith.constant 640 : i32
    %mul3A_532 = arith.muli %arg1, %mul3A_531 : i32
    "tpu.region"() ({
      %run_scoped3A_533 = tpu.sem_alloc : memref<!tpu.dma_semaphore, #tpu.memory_space<semaphore_mem>>
      %dma_start3A_534 = arith.constant 0 : i32
      %dma_start3A_535 = tpu.memref_slice %arg5[%arg0, %mul3A_532, %dma_start3A_534] : memref<2x10240x128xf32, #tpu.memory_space<hbm>> -> memref<1x640x128xf32, #tpu.memory_space<hbm>>
      %dma_start3A_536 = tpu.memref_squeeze %dma_start3A_535 : memref<1x640x128xf32, #tpu.memory_space<hbm>> -> memref<640x128xf32, #tpu.memory_space<hbm>>
      %dma_start3A_537 = arith.constant 0 : i32
      %dma_start3A_538 = tpu.memref_slice %arg12[%mul3A_530, %dma_start3A_537] : memref<10240x128xf32, #tpu.memory_space<vmem_shared>> -> memref<640x128xf32, #tpu.memory_space<vmem_shared>>
      tpu.enqueue_dma source(%dma_start3A_538 : memref<640x128xf32, #tpu.memory_space<vmem_shared>>) target(%dma_start3A_536 : memref<640x128xf32, #tpu.memory_space<hbm>>) target_semaphore(%run_scoped3A_533 : memref<!tpu.dma_semaphore, #tpu.memory_space<semaphore_mem>>)
      %dma_wait3A_539 = arith.constant 0 : i32
      %dma_wait3A_540 = tpu.memref_slice %arg5[%arg0, %mul3A_532, %dma_wait3A_539] : memref<2x10240x128xf32, #tpu.memory_space<hbm>> -> memref<1x640x128xf32, #tpu.memory_space<hbm>>
      %dma_wait3A_541 = tpu.memref_squeeze %dma_wait3A_540 : memref<1x640x128xf32, #tpu.memory_space<hbm>> -> memref<640x128xf32, #tpu.memory_space<hbm>>
      %dma_wait3A_542 = arith.constant 0 : i32
      %dma_wait3A_543 = tpu.memref_slice %arg12[%mul3A_530, %dma_wait3A_542] : memref<10240x128xf32, #tpu.memory_space<vmem_shared>> -> memref<640x128xf32, #tpu.memory_space<vmem_shared>>
      tpu.wait_dma2 semaphore(%run_scoped3A_533 : memref<!tpu.dma_semaphore, #tpu.memory_space<semaphore_mem>>) src(%dma_wait3A_543 : memref<640x128xf32, #tpu.memory_space<vmem_shared>>) dst(%dma_wait3A_541 : memref<640x128xf32, #tpu.memory_space<hbm>>)
      tpu.yield
    }) : () -> ()
    return
  }
}

module attributes {stable_mosaic.version = 14 : i64} {
  func.func @_prescale_body(%arg0: i32, %arg1: memref<2x2000x1xf32, #tpu.memory_space<vmem>>, %arg2: memref<2000x128xf32, #tpu.memory_space<vmem>>, %arg3: memref<1x1xf32, #tpu.memory_space<vmem>>, %arg4: memref<2000x128xf32, #tpu.memory_space<vmem>>, %arg5: memref<2000x1xf32, #tpu.memory_space<vmem>>) attributes {dimension_semantics = [#tpu.dimension_semantics<arbitrary>], iteration_bounds = array<i64: 5>, scalar_prefetch = 0 : i64, scratch_operands = 0 : i64, tpu.core_type = #tpu.core_type<tc>, window_params = [{transform_indices = @transform_0, window_bounds = array<i64: 2, 2000, 1>}, {transform_indices = @transform_1, window_bounds = array<i64: 2000, 128>}, {pipeline_mode = #tpu.pipeline_mode<synchronous>, transform_indices = @transform_2, window_bounds = array<i64: 1, 1>}, {transform_indices = @transform_3, window_bounds = array<i64: 2000, 128>}, {transform_indices = @transform_4, window_bounds = array<i64: 2000, 1>}]} {
    %get3A = arith.constant 0 : index
    %get3A_0 = arith.constant 0 : index
    %get3A_1 = arith.constant 0 : index
    %get3A_2 = vector.load %arg1[%get3A, %get3A_0, %get3A_1] : memref<2x2000x1xf32, #tpu.memory_space<vmem>>, vector<1x2000x1xf32>
    %get3A_3 = vector.shape_cast %get3A_2 : vector<1x2000x1xf32> to vector<2000x1xf32>
    %get3A_4 = arith.constant 1 : index
    %get3A_5 = arith.constant 0 : index
    %get3A_6 = arith.constant 0 : index
    %get3A_7 = vector.load %arg1[%get3A_4, %get3A_5, %get3A_6] : memref<2x2000x1xf32, #tpu.memory_space<vmem>>, vector<1x2000x1xf32>
    %get3A_8 = vector.shape_cast %get3A_7 : vector<1x2000x1xf32> to vector<2000x1xf32>
    %add3A = arith.addf %get3A_3, %get3A_8 : vector<2000x1xf32>
    %add3A_9 = arith.constant 1.000000e+00 : f32
    %add3A_10 = vector.broadcast %add3A_9 : f32 to vector<2000x1xf32>
    %add3A_11 = arith.addf %add3A, %add3A_10 : vector<2000x1xf32>
    %get3A_12 = arith.constant 0 : index
    %get3A_13 = arith.constant 0 : index
    %get3A_14 = vector.load %arg3[%get3A_12, %get3A_13] : memref<1x1xf32, #tpu.memory_space<vmem>>, vector<1x1xf32>
    %get3A_15 = vector.extract %get3A_14[0, 0] : f32 from vector<1x1xf32>
    %add3A_16 = vector.broadcast %get3A_15 : f32 to vector<2000x1xf32>
    %add3A_17 = arith.addf %add3A_11, %add3A_16 : vector<2000x1xf32>
    %rsqrt3A = math.rsqrt %add3A_17 : vector<2000x1xf32>
    %swap3A = arith.constant 0 : index
    %swap3A_18 = arith.constant 0 : index
    %swap3A_19 = vector.load %arg5[%swap3A, %swap3A_18] : memref<2000x1xf32, #tpu.memory_space<vmem>>, vector<2000x1xf32>
    tpu.vector_store %arg5[%swap3A, %swap3A_18], %rsqrt3A {strides = array<i32>} : memref<2000x1xf32, #tpu.memory_space<vmem>>, vector<2000x1xf32>,
    %get3A_20 = arith.constant 0 : index
    %get3A_21 = arith.constant 0 : index
    %get3A_22 = vector.load %arg2[%get3A_20, %get3A_21] : memref<2000x128xf32, #tpu.memory_space<vmem>>, vector<2000x128xf32>
    %mul3A = vector.broadcast %rsqrt3A : vector<2000x1xf32> to vector<2000x128xf32>
    %mul3A_23 = arith.mulf %get3A_22, %mul3A : vector<2000x128xf32>
    %swap3A_24 = arith.constant 0 : index
    %swap3A_25 = arith.constant 0 : index
    %swap3A_26 = vector.load %arg4[%swap3A_24, %swap3A_25] : memref<2000x128xf32, #tpu.memory_space<vmem>>, vector<2000x128xf32>
    tpu.vector_store %arg4[%swap3A_24, %swap3A_25], %mul3A_23 {strides = array<i32>} : memref<2000x128xf32, #tpu.memory_space<vmem>>, vector<2000x128xf32>,
    return
  }
  func.func @transform_0(%arg0: i32) -> (i32, i32, i32) {
    %c0_i32 = arith.constant 0 : i32
    %c0_i32_0 = arith.constant 0 : i32
    %c0_i32_1 = arith.constant 0 : i32
    return %c0_i32, %arg0, %c0_i32_0 : i32, i32, i32
  }
  func.func @transform_1(%arg0: i32) -> (i32, i32) {
    %c0_i32 = arith.constant 0 : i32
    %c0_i32_0 = arith.constant 0 : i32
    return %arg0, %c0_i32 : i32, i32
  }
  func.func @transform_2(%arg0: i32) -> (i32, i32) {
    %c0_i32 = arith.constant 0 : i32
    %c0_i32_0 = arith.constant 0 : i32
    %c0_i32_1 = arith.constant 0 : i32
    return %c0_i32, %c0_i32_0 : i32, i32
  }
  func.func @transform_3(%arg0: i32) -> (i32, i32) {
    %c0_i32 = arith.constant 0 : i32
    %c0_i32_0 = arith.constant 0 : i32
    return %arg0, %c0_i32 : i32, i32
  }
  func.func @transform_4(%arg0: i32) -> (i32, i32) {
    %c0_i32 = arith.constant 0 : i32
    %c0_i32_0 = arith.constant 0 : i32
    return %arg0, %c0_i32 : i32, i32
  }
}

module attributes {stable_mosaic.version = 14 : i64} {
  func.func @_combine_body(%arg0: i32, %arg1: memref<2x5000x128xf32, #tpu.memory_space<vmem>>, %arg2: memref<5000x128xf32, #tpu.memory_space<vmem>>, %arg3: memref<5000x1xf32, #tpu.memory_space<vmem>>, %arg4: memref<128x128xf32, #tpu.memory_space<vmem>>, %arg5: memref<5000x128xf32, #tpu.memory_space<vmem>>) attributes {dimension_semantics = [#tpu.dimension_semantics<arbitrary>], iteration_bounds = array<i64: 2>, scalar_prefetch = 0 : i64, scratch_operands = 0 : i64, tpu.core_type = #tpu.core_type<tc>, window_params = [{transform_indices = @transform_0, window_bounds = array<i64: 2, 5000, 128>}, {transform_indices = @transform_1, window_bounds = array<i64: 5000, 128>}, {transform_indices = @transform_2, window_bounds = array<i64: 5000, 1>}, {pipeline_mode = #tpu.pipeline_mode<synchronous>, transform_indices = @transform_3, window_bounds = array<i64: 128, 128>}, {transform_indices = @transform_4, window_bounds = array<i64: 5000, 128>}]} {
    %get3A = arith.constant 0 : index
    %get3A_0 = arith.constant 0 : index
    %get3A_1 = arith.constant 0 : index
    %get3A_2 = vector.load %arg1[%get3A, %get3A_0, %get3A_1] : memref<2x5000x128xf32, #tpu.memory_space<vmem>>, vector<1x5000x128xf32>
    %get3A_3 = vector.shape_cast %get3A_2 : vector<1x5000x128xf32> to vector<5000x128xf32>
    %get3A_4 = arith.constant 1 : index
    %get3A_5 = arith.constant 0 : index
    %get3A_6 = arith.constant 0 : index
    %get3A_7 = vector.load %arg1[%get3A_4, %get3A_5, %get3A_6] : memref<2x5000x128xf32, #tpu.memory_space<vmem>>, vector<1x5000x128xf32>
    %get3A_8 = vector.shape_cast %get3A_7 : vector<1x5000x128xf32> to vector<5000x128xf32>
    %add3A = arith.addf %get3A_3, %get3A_8 : vector<5000x128xf32>
    %get3A_9 = arith.constant 0 : index
    %get3A_10 = arith.constant 0 : index
    %get3A_11 = vector.load %arg2[%get3A_9, %get3A_10] : memref<5000x128xf32, #tpu.memory_space<vmem>>, vector<5000x128xf32>
    %add3A_12 = arith.addf %add3A, %get3A_11 : vector<5000x128xf32>
    %get3A_13 = arith.constant 0 : index
    %get3A_14 = arith.constant 0 : index
    %get3A_15 = vector.load %arg3[%get3A_13, %get3A_14] : memref<5000x1xf32, #tpu.memory_space<vmem>>, vector<5000x1xf32>
    %mul3A = vector.broadcast %get3A_15 : vector<5000x1xf32> to vector<5000x128xf32>
    %mul3A_16 = arith.mulf %add3A_12, %mul3A : vector<5000x128xf32>
    %get3A_17 = arith.constant 0 : index
    %get3A_18 = arith.constant 0 : index
    %get3A_19 = vector.load %arg4[%get3A_17, %get3A_18] : memref<128x128xf32, #tpu.memory_space<vmem>>, vector<128x128xf32>
    %dot_general3A = arith.constant dense<0.000000e+00> : vector<5000x128xf32>
    %dot_general3A_20 = tpu.matmul %mul3A_16, %get3A_19, %dot_general3A {dimension_numbers = #tpu.dot_dimension_numbers<[1], [0], [0], [1], [0, 0, 1, 1], [], []>, transpose_lhs_hint = false} : vector<5000x128xf32>, vector<128x128xf32>, vector<5000x128xf32> -> vector<5000x128xf32>
    %swap3A = arith.constant 0 : index
    %swap3A_21 = arith.constant 0 : index
    %swap3A_22 = vector.load %arg5[%swap3A, %swap3A_21] : memref<5000x128xf32, #tpu.memory_space<vmem>>, vector<5000x128xf32>
    tpu.vector_store %arg5[%swap3A, %swap3A_21], %dot_general3A_20 {strides = array<i32>} : memref<5000x128xf32, #tpu.memory_space<vmem>>, vector<5000x128xf32>,
    return
  }
  func.func @transform_0(%arg0: i32) -> (i32, i32, i32) {
    %c0_i32 = arith.constant 0 : i32
    %c0_i32_0 = arith.constant 0 : i32
    %c0_i32_1 = arith.constant 0 : i32
    return %c0_i32, %arg0, %c0_i32_0 : i32, i32, i32
  }
  func.func @transform_1(%arg0: i32) -> (i32, i32) {
    %c0_i32 = arith.constant 0 : i32
    %c0_i32_0 = arith.constant 0 : i32
    return %arg0, %c0_i32 : i32, i32
  }
  func.func @transform_2(%arg0: i32) -> (i32, i32) {
    %c0_i32 = arith.constant 0 : i32
    %c0_i32_0 = arith.constant 0 : i32
    return %arg0, %c0_i32 : i32, i32
  }
  func.func @transform_3(%arg0: i32) -> (i32, i32) {
    %c0_i32 = arith.constant 0 : i32
    %c0_i32_0 = arith.constant 0 : i32
    %c0_i32_1 = arith.constant 0 : i32
    return %c0_i32, %c0_i32_0 : i32, i32
  }
  func.func @transform_4(%arg0: i32) -> (i32, i32) {
    %c0_i32 = arith.constant 0 : i32
    %c0_i32_0 = arith.constant 0 : i32
    return %arg0, %c0_i32 : i32, i32
  }
}

</mosaic_0001>

<sc_bundles>
// kernel: kernel.6.cloned.1.call-start
scs
__scs_entry_jumppad:
0x0: {  	(pc) =	sbr.rel $0x88, $3  }
0x1: {  	(tag) =	ssettag $0x0;
	lr =	simm.s32 $0x1  }
0x2: {  	[smem:$0x3F9D] =	sst lr;
	_ =	strace $0xD0000000  }
0x3: {  	_ = 	snop  }
0x4: {  	_ = 	snop  }
0x5: {  	_ = 	snop  }
0x6: {  	_ = 	snop  }
0x7: {  	_ = 	snop  }
__scs_overlays_trampoline_lowered:
0x8: {  	[smem:$0x3FAC] =	sst s0  }
0x9: {  	[smem:$0x3FAD] =	sst s1  }
0xa: {  	[smem:$0x3FAE] =	sst s2  }
0xb: {  	[smem:$0x3FAF] =	sst s3  }
0xc: {  	[smem:$0x3FB0] =	sst s4  }
0xd: {  	[smem:$0x3FB1] =	sst s5  }
0xe: {  	[smem:$0x3FB2] =	sst s6  }
0xf: {  	[smem:$0x3FB3] =	sst s7  }
0x10: {  	[smem:$0x3FB4] =	sst s8  }
0x11: {  	[smem:$0x3FB5] =	sst s9;
	s0 =	simm.s32 @!p0 $0x0  }
0x12: {  	s1 =	sld [smem:$0x3F9B];
	s0 =	simm.s32 @p0 $0x1  }
0x13: {  	[smem:$0x3FB6] =	sst s0;
	s0 =	simm.s32 @!p1 $0x0  }
0x14: {  	s2 =	sld [smem:$0x3F9A];
	s0 =	simm.s32 @p1 $0x1  }
0x15: {  	[smem:$0x3FB7] =	sst s0;
	s0 =	simm.s32 @!p2 $0x0  }
0x16: {  	s3 =	sld [smem:$0x3FDB];
	s0 =	simm.s32 @p2 $0x1  }
0x17: {  	s4 =	simm.s32 $0x1BF5;
	[smem:$0x3FB9] =	sst s0  }
0x18: {  	s0 =	sld [smem:$0x3F9C];
	_ =	swait.ge [sflag:s4], $0x0  }
0x19: {  	s7 =	sld [smem:$0x3F9D]  }
0x1a: {  	s8 =	sadd.s32 $0xFFFFE003, lr  }
0x1b: {  	s9 =	sadd.s32 $0xFFFFFEF7, lr;
	s5 =	simm.s32 $0xFFFFFFFF;
	p2 =	slt.u32 s8, $0xFFFFF086  }
0x1c: {  	p1 =	slt.u32 s9, $0xF7A;
	s5 =	simm.s32 @!p2 $0x0  }
0x1d: {  	s5 =	simm.s32 @p1 $0x1;
	p0 =	seq.s32 s7, s2  }
0x1e: {  	s7 =	smul.u32 @!p0 $0xF7A, s2;
	p2 =	seq.s32 @!p0 s5, $0x0  }
0x1f: {  	s9 =	smul.u32 $0xF7A, s1;
	s8 =	simm.s32 @!p0 $0x1BF5;
	p2 =	por !p2, p0  }
0x20: {  	[sflag:s8] =	ssyncset.s32 @!p0 $0xFFFFF086;
	s6 =	sadd.s32 @!p0 s3, s7;
	s7 =	simm.s32 @!p0 $0x108  }
0x21: {  	s3 =	sadd.s32 s3, s9;
	s6 =	sadd.s32 @!p0 $0x88, s6;
	s7 =	simm.s32 @p2 $0x1082  }
0x22: {  	[simem:s7], [sflag:s8] =	dma.local @!p0 [hbm:s6], $0xF7A  }
0x23: {  	s9 =	sor.u32 $0xD0000000, s2;
	s6 =	simm.s32 $0x108;
	_ =	swait.ge @!p0 [sflag:s8], $0x0  }
0x24: {  	s3 =	sadd.s32 $0x88, s3;
	s6 =	simm.s32 @!p1 $0x1082;
	[sflag:s4] =	ssyncset.s32 $0xFFFFF086  }
0x25: {  	[simem:s6], [sflag:s4] =	dma.local [hbm:s3], $0xF7A  }
0x26: {  	[smem:$0x3F9D] =	sst s1;
	(tag) =	ssettag s2;
	_ =	strace s9  }
0x27: {  	s1 =	sld [smem:$0x3FAD]  }
0x28: {  	s2 =	sld [smem:$0x3FAE]  }
0x29: {  	s4 =	sld [smem:$0x3FB0]  }
0x2a: {  	p0 =	seq.s32 s5, $0x0;
	s5 =	sld [smem:$0x3FB1]  }
0x2b: {  	s6 =	sld [smem:$0x3FB2]  }
0x2c: {  	s7 =	sld [smem:$0x3FB3]  }
0x2d: {  	s3 =	simm.s32 $0x108;
	s8 =	sld [smem:$0x3FB4]  }
0x2e: {  	s3 =	simm.s32 @!p0 $0x1082;
	s9 =	sld [smem:$0x3FB5]  }
0x2f: {  	lr =	sadd.s32 s0, s3;
	s0 =	sld [smem:$0x3FAC]  }
0x30: {  	s3 =	sld [smem:$0x3FAF]  }
0x31: {  	[smem:$0x3FB8] =	sst s10  }
0x32: {  	s10 =	sld [smem:$0x3FB6];
	_ =	sdelay $0x3  }
0x33: {  	p0 =	seq.s32 s10, $0x1;
	s10 =	sld [smem:$0x3FB8];
	_ =	sdelay $0x3  }
0x34: {  	[smem:$0x3FB8] =	sst s10  }
0x35: {  	s10 =	sld [smem:$0x3FB7];
	_ =	sdelay $0x3  }
0x36: {  	p1 =	seq.s32 s10, $0x1;
	s10 =	sld [smem:$0x3FB8];
	_ =	sdelay $0x3  }
0x37: {  	[smem:$0x3FB8] =	sst s10  }
0x38: {  	s10 =	sld [smem:$0x3FB9]  }
0x39: {  	_ = 	snop;
	(pc) =	sbr.ind lr, $3  }
0x3a: {  	_ = 	snop  }
0x3b: {  	_ = 	snop  }
0x3c: {  	p2 =	seq.s32 s10, $0x1;
	s10 =	sld [smem:$0x3FB8]  }
0x3d: {  	_ =	shalt  }
0x3e: {  	_ =	shalt  }
0x3f: {  	_ =	shalt  }
0x40: {  	_ =	shalt  }
0x41: {  	_ =	shalt  }
0x42: {  	_ =	shalt  }
0x43: {  	_ =	shalt  }
0x44: {  	_ =	shalt  }
0x45: {  	_ =	shalt  }
0x46: {  	_ =	shalt  }
0x47: {  	_ =	shalt  }
0x48: {  	_ =	shalt  }
0x49: {  	_ =	shalt  }
0x4a: {  	_ =	shalt  }
0x4b: {  	_ =	shalt  }
0x4c: {  	_ =	shalt  }
0x4d: {  	_ =	shalt  }
0x4e: {  	_ =	shalt  }
0x4f: {  	_ =	shalt  }
0x50: {  	_ =	shalt  }
0x51: {  	_ =	shalt  }
0x52: {  	_ =	shalt  }
0x53: {  	_ =	shalt  }
0x54: {  	_ =	shalt  }
0x55: {  	_ =	shalt  }
0x56: {  	_ =	shalt  }
0x57: {  	_ =	shalt  }
0x58: {  	_ =	shalt  }
0x59: {  	_ =	shalt  }
0x5a: {  	_ =	shalt  }
0x5b: {  	_ =	shalt  }
0x5c: {  	_ =	shalt  }
0x5d: {  	_ =	shalt  }
0x5e: {  	_ =	shalt  }
0x5f: {  	_ =	shalt  }
0x60: {  	_ =	shalt  }
0x61: {  	_ =	shalt  }
0x62: {  	_ =	shalt  }
0x63: {  	_ =	shalt  }
0x64: {  	_ =	shalt  }
0x65: {  	_ =	shalt  }
0x66: {  	_ =	shalt  }
0x67: {  	_ =	shalt  }
0x68: {  	_ =	shalt  }
0x69: {  	_ =	shalt  }
0x6a: {  	_ =	shalt  }
0x6b: {  	_ =	shalt  }
0x6c: {  	_ =	shalt  }
0x6d: {  	_ =	shalt  }
0x6e: {  	_ =	shalt  }
0x6f: {  	_ =	shalt  }
0x70: {  	_ =	shalt  }
0x71: {  	_ =	shalt  }
0x72: {  	_ =	shalt  }
0x73: {  	_ =	shalt  }
0x74: {  	_ =	shalt  }
0x75: {  	_ =	shalt  }
0x76: {  	_ =	shalt  }
0x77: {  	_ =	shalt  }
0x78: {  	_ =	shalt  }
0x79: {  	_ =	shalt  }
0x7a: {  	_ =	shalt  }
0x7b: {  	_ =	shalt  }
0x7c: {  	_ =	shalt  }
0x7d: {  	_ =	shalt  }
0x7e: {  	_ =	shalt  }
0x7f: {  	_ =	shalt  }
0x80: {  	_ =	shalt  }
0x81: {  	_ =	shalt  }
0x82: {  	_ =	shalt  }
0x83: {  	_ =	shalt  }
0x84: {  	_ =	shalt  }
0x85: {  	_ =	shalt  }
0x86: {  	_ =	shalt  }
0x87: {  	_ =	shalt  }
.Lfunc_end0:
.L_simem_size_0:
called_computation_lowered:
.L_overlay_start_0:
0x88: {  	s2 =	sld [smem:$0x3FD9]  }
0x89: {  	s3 =	sld [smem:$0x3FFE];
	_ =	sdelay $0x1  }
0x8a: {  	s1 =	srdreg.scid  }
0x8b: {  	s0 =	sand.u32 $0x1, s1  }
0x8c: {  	s17 =	sshll.u32 s0, $0xA;
	s2 =	sadd.s32 s3, s2  }
0x8d: {  	s2 =	sadd.s32 s2, s17  }
0x8e: {  	[smem:$0x3FC4] =	sst s2  }
0x8f: {  	_ = 	snop  }
0x90: {  	s2 =	sld [smem:$0x3FD0];
	(tm) =	ssettm $0x1  }
0x91: {  	s18 =	sld [smem:$0x3FFB];
	_ =	sdelay $0x3  }
0x92: {  	_ =	strace s18  }
0x93: {  	s3 =	sld [smem:$0x3FFC];
	_ =	sdelay $0x3  }
0x94: {  	_ =	strace s3  }
0x95: {  	s3 =	sld [smem:$0x3FFD];
	_ =	sdelay $0x3  }
0x96: {  	_ =	strace s3  }
0x97: {  	_ =	strace $0x8FFFFFFF  }
0x98: {  	s19 =	sld [smem:$0x3FDB];
	_ =	sdelay $0x1  }
0x99: {  	s4 =	simm.s32 $_scs_section_size  }
0x9a: {  	s5 =	simm.s32 $_size__tile_overlayer_lowered;
	s6 =	simm.s32 $_tile_overlayer_lowered  }
0x9b: {  	s22 =	simm.s32 $0x1BFF;
	s21 =	sshll.u32 s6, $0x1;
	s3 =	sadd.s32 s4, s19  }
0x9c: {  	s7 =	simm.s32 $0x0;
	s20 =	sshll.u32 s5, $0x1;
	s5 =	sadd.s32 s21, s3  }
0x9d: {  	[timem:s7], [sflag:s22] =	dma.local [hbm:s5], s20  }
0x9e: {  	_ =	swait.ge [sflag:s22], s20  }
0x9f: {  	s4 =	ssub.s32 $0x0, s20;
	[sflag:s22] =	ssyncset.done $0x0  }
0xa0: {  	[sflag:s22] =	ssyncadd.s32 s4;
	_ =	sdelay $0x1  }
0xa1: {  	s23 =	simm.s32 $0x1B8B  }
0xa2: {  	_ =	swait.ge [sflag:s23], $0x1  }
0xa3: {  	[sflag:s23] =	ssyncset.done $0x0  }
0xa4: {  	s25 =	simm.s32 $0x1B8E;
	s24 =	sld [smem:$0x3FFE];
	[sflag:s23] =	ssyncadd.s32 $0xFFFFFFFF  }
0xa5: {  	s26 =	simm.s32 $execute0_lowered;
	[smem:$0x3FD2] =	sst s25  }
0xa6: {  	s5 =	sshll.u32 s26, $0x1;
	_ =	strace $0x80000046;
	[dreg:$0x1] =	wrdreg $0xFFFFFFFF  }
0xa7: {  	s28 =	simm.s32 $_size_execute0_lowered;
	s3 =	sadd.s32 s3, s5;
	[dreg:$0x0] =	wrdreg $0x0  }
0xa8: {  	s5 =	sshll.u32 s28, $0x1;
	[dreg:$0x2] =	wrdreg s3  }
0xa9: {  	[dreg:$0x3] =	wrdreg s5  }
0xaa: {  	[dreg:$0x4] =	wrdreg $0xC0  }
0xab: {  	_ =	task [dreg:s7], $0x5FFFF  }
0xac: {  	[dreg:$0x1] =	wrdreg $0xFFFFFFFF  }
0xad: {  	[dreg:$0x0] =	wrdreg $0x60  }
0xae: {  	[dreg:$0x2] =	wrdreg s24  }
0xaf: {  	[dreg:$0x3] =	wrdreg s2  }
0xb0: {  	[dreg:$0x4] =	wrdreg $0x28800  }
0xb1: {  	[dreg:$0x5] =	wrdreg $0x9  }
0xb2: {  	_ =	task.clear_ibuf [dreg:s7], $0x6FFFF;
	_ =	strace $0x90000046  }
0xb3: {  	s29 =	simm.s32 $0x9;
	_ =	strace $0x80000048  }
0xb4: {  	_ =	swait.ge [sflag:s29], $0x1  }
0xb5: {  	[sflag:s29] =	ssyncadd.s32 $0xFFFFFFFF  }
0xb6: {  	_ =	strace $0x90000048  }
0xb7: {  	_ =	sfence  }
0xb8: {  	s30 =	sld [smem:$0x0];
	_ =	sdelay $0x2  }
0xb9: {  	s31 =	sshll.u32 s1, $0xD;
	s1 =	sshrl.u32 s1, $0x2  }
0xba: {  	s3 =	sand.u32 $0x4000, s31;
	s1 =	sadd.s32 s1, s30  }
0xbb: {  	s0 =	sor.u32 s3, s0;
	s1 =	sshll.u32 s1, $0x11  }
0xbc: {  	s0 =	sor.u32 s1, s0  }
0xbd: {  	s0 =	sadd.s32 $0x8F2B, s0  }
0xbe: {  	[sflag:s0] =	ssyncadd.remote.s32 $0x1  }
0xbf: {  	_ =	sfence.sel $0xFFFF  }
0xc0: {  	[dreg:$0x0] =	wrdreg $0xFFFFFFFF;
	(pc) =	sbr.abs _section_cstart, $3  }
0xc1: {  	[dreg:$0x1] =	wrdreg $0xFFFFFFFF  }
0xc2: {  	_ =	task.clear_ibuf [dreg:s7], $0x2FFFF;
	_ =	strace $0x9FFFFFFF  }
0xc3: {  	(tm) =	ssettm $0x7FFFFFFF  }
tec
execute0_lowered:
.L_overlay_start_1:
0x0: {  	(tag) =	ssettag $0x1  }
0x1: {  	s0 =	rddreg [dreg:$0x0]  }
0x2: {  	s1 =	rddreg [dreg:$0x1];
	s3 =	srdreg.scid  }
0x3: {  	s2 =	rddreg [dreg:$0x2];
	s10 =	stileid.u32;
	s28 =	simm.s32 $0x2780  }
0x4: {  	s29 =	simm.s32 $0x1;
	s30 =	simm.s32 $0x2;
	s31 =	simm.s32 $0x0  }
0x5: {  	s5 =	sand.u32 $0x1, s3;
	s3 =	simm.s32 $0x0;
	s6 =	smul.u32 $0xA00, s10  }
0x6: {  	s18 =	smul.u32 $0x500, s10;
	s4 =	sshll.u32 s5, $0x4;
	[smem:$0x7FF] =	sst s3  }
0x7: {  	s7 =	ssub.s32 $0x2, s5;
	s5 =	sshll.u32 s5, $0x7;
	s4 =	sor.u32 s10, s4  }
0x8: {  	_ =	strace $0x80000047;
	s6 =	sshrl.u32 s6, $0x2;
	s9 =	sshrl.u32 s7, $0x1  }
0x9: {  	s5 =	sor.u32 s5, s18;
	s10 =	simm.s32 $0x2080;
	s18 =	simm.s32 $0x2580  }
0xa: {  	s4 =	smul.u32 $0x5000, s4;
	s11 =	ssub.s32 s7, s9;
	s5 =	sshrl.u32 s5, $0x3  }
0xb: {  	s9 =	simm.s32 $0x1400;
	s25 =	sadd.s32 s1, s5;
	s26 =	smax.u32 s11, $0x1  }
0xc: {  	s8 =	sshrl.u32 s4, $0x3;
	s4 =	sadd.s32 s6, s2;
	[dreg:$0x11] =	wrdreg s25  }
0xd: {  	s7 =	simm.s32 $0x1F80;
	[dreg:$0x12] =	wrdreg s26;
	s12 =	sadd.s32 $0x40, s4  }
0xe: {  	s1 =	simm.s32 $0x80;
	s13 =	sadd.s32 $0x80, s4;
	[dreg:$0x4] =	wrdreg s12  }
0xf: {  	s5 =	simm.s32 $0x100;
	s14 =	sadd.s32 $0xC0, s4;
	[dreg:$0x5] =	wrdreg s13  }
0x10: {  	s11 =	simm.s32 $0x2100;
	s15 =	sadd.s32 $0x100, s4;
	[dreg:$0x6] =	wrdreg s14  }
0x11: {  	s6 =	simm.s32 $0x1F00;
	s16 =	sadd.s32 $0x140, s4;
	[dreg:$0x7] =	wrdreg s15  }
0x12: {  	s25 =	simm.s32 $0x2600;
	s17 =	sadd.s32 $0x180, s4;
	[dreg:$0x8] =	wrdreg s16  }
0x13: {  	s26 =	simm.s32 $0x2700;
	s19 =	sadd.s32 $0x1C0, s4;
	[dreg:$0x9] =	wrdreg s17  }
0x14: {  	s0 =	sadd.s32 s8, s0;
	s20 =	sadd.s32 $0x200, s4;
	[dreg:$0xa] =	wrdreg s19  }
0x15: {  	s21 =	sadd.s32 $0x240, s4;
	s8 =	simm.s32 $0x2000;
	[dreg:$0xb] =	wrdreg s20  }
0x16: {  	[dreg:$0xc] =	wrdreg s21;
	s22 =	sadd.s32 $0x1A00, s0;
	s23 =	sadd.s32 $0x1C80, s0  }
0x17: {  	s24 =	sadd.s32 $0x1F00, s0;
	s0 =	sadd.s32 $0x2180, s0;
	s20 =	simm.s32 $0x2800  }
0x18: {  	s21 =	simm.s32 $0x3;
	s12 =	simm.s32 $0x2180;
	[dreg:$0xd] =	wrdreg s22  }
0x19: {  	s13 =	simm.s32 $0x2200;
	s14 =	simm.s32 $0x2280;
	[dreg:$0xe] =	wrdreg s23  }
0x1a: {  	s15 =	simm.s32 $0x2300;
	s16 =	simm.s32 $0x2380;
	[dreg:$0xf] =	wrdreg s24  }
0x1b: {  	s17 =	simm.s32 $0x2480;
	s19 =	simm.s32 $0x2680;
	[dreg:$0x10] =	wrdreg s0  }
0x1c: {  	v0 =	vimm.f32 $0.0e+00;
	v1 =	vimm.f32 $1.000000000e+00;
	s22 =	simm.s32 $0x40;
	s23 =	simm.s32 $0x2400;
	s24 =	simm.s32 $0x2500  }
.LBB2_1:
0x1d: {  	[tilespmem:$0x2800] =	vst v0  }
0x1e: {  	[tilespmem:$0x2810] =	vst v0  }
0x1f: {  	[tilespmem:$0x2820] =	vst v0  }
0x20: {  	[tilespmem:$0x2830] =	vst v0  }
0x21: {  	[spmem:s4] =	stream.linear.scatter [tilespmem:s20], [sflag:$0x3], $0x40, $0x38;
	[tilespmem:$0x2B00] =	vst v63  }
0x22: {  	_ =	swait.ge [sflag:s21], $0x40  }
0x23: {  	[sflag:s21] =	ssyncset.done $0x0  }
0x24: {  	s0 =	rddreg [dreg:$0x4];
	[sflag:s21] =	ssyncadd.s32 $0xFFFFFFC0  }
0x25: {  	[spmem:s0] =	stream.linear.scatter [tilespmem:s20], [sflag:$0x3], $0x40, $0x38;
	[tilespmem:$0x2B00] =	vst v63  }
0x26: {  	_ =	swait.ge [sflag:s21], $0x40  }
0x27: {  	[sflag:s21] =	ssyncset.done $0x0  }
0x28: {  	s0 =	rddreg [dreg:$0x5];
	[sflag:s21] =	ssyncadd.s32 $0xFFFFFFC0  }
0x29: {  	[spmem:s0] =	stream.linear.scatter [tilespmem:s20], [sflag:$0x3], $0x40, $0x38;
	[tilespmem:$0x2B00] =	vst v63  }
0x2a: {  	_ =	swait.ge [sflag:s21], $0x40  }
0x2b: {  	[sflag:s21] =	ssyncset.done $0x0  }
0x2c: {  	s0 =	rddreg [dreg:$0x6];
	[sflag:s21] =	ssyncadd.s32 $0xFFFFFFC0  }
0x2d: {  	[spmem:s0] =	stream.linear.scatter [tilespmem:s20], [sflag:$0x3], $0x40, $0x38;
	[tilespmem:$0x2B00] =	vst v63  }
0x2e: {  	_ =	swait.ge [sflag:s21], $0x40  }
0x2f: {  	[sflag:s21] =	ssyncset.done $0x0  }
0x30: {  	s0 =	rddreg [dreg:$0x7];
	[sflag:s21] =	ssyncadd.s32 $0xFFFFFFC0  }
0x31: {  	[spmem:s0] =	stream.linear.scatter [tilespmem:s20], [sflag:$0x3], $0x40, $0x38;
	[tilespmem:$0x2B00] =	vst v63  }
0x32: {  	_ =	swait.ge [sflag:s21], $0x40  }
0x33: {  	[sflag:s21] =	ssyncset.done $0x0  }
0x34: {  	s0 =	rddreg [dreg:$0x8];
	[sflag:s21] =	ssyncadd.s32 $0xFFFFFFC0  }
0x35: {  	[spmem:s0] =	stream.linear.scatter [tilespmem:s20], [sflag:$0x3], $0x40, $0x38;
	[tilespmem:$0x2B00] =	vst v63  }
0x36: {  	_ =	swait.ge [sflag:s21], $0x40  }
0x37: {  	[sflag:s21] =	ssyncset.done $0x0  }
0x38: {  	s0 =	rddreg [dreg:$0x9];
	[sflag:s21] =	ssyncadd.s32 $0xFFFFFFC0  }
0x39: {  	[spmem:s0] =	stream.linear.scatter [tilespmem:s20], [sflag:$0x3], $0x40, $0x38;
	[tilespmem:$0x2B00] =	vst v63  }
0x3a: {  	_ =	swait.ge [sflag:s21], $0x40  }
0x3b: {  	[sflag:s21] =	ssyncset.done $0x0  }
0x3c: {  	s0 =	rddreg [dreg:$0xa];
	[sflag:s21] =	ssyncadd.s32 $0xFFFFFFC0  }
0x3d: {  	[spmem:s0] =	stream.linear.scatter [tilespmem:s20], [sflag:$0x3], $0x40, $0x38;
	[tilespmem:$0x2B00] =	vst v63  }
0x3e: {  	_ =	swait.ge [sflag:s21], $0x40  }
0x3f: {  	[sflag:s21] =	ssyncset.done $0x0  }
0x40: {  	s0 =	rddreg [dreg:$0xb];
	[sflag:s21] =	ssyncadd.s32 $0xFFFFFFC0  }
0x41: {  	[spmem:s0] =	stream.linear.scatter [tilespmem:s20], [sflag:$0x3], $0x40, $0x38;
	[tilespmem:$0x2B00] =	vst v63  }
0x42: {  	_ =	swait.ge [sflag:s21], $0x40  }
0x43: {  	[sflag:s21] =	ssyncset.done $0x0  }
0x44: {  	s0 =	rddreg [dreg:$0xc];
	[sflag:s21] =	ssyncadd.s32 $0xFFFFFFC0  }
0x45: {  	[spmem:s0] =	stream.linear.scatter [tilespmem:s20], [sflag:$0x3], $0x40, $0x38;
	[tilespmem:$0x2B00] =	vst v63  }
0x46: {  	_ =	swait.ge [sflag:s21], $0x40  }
0x47: {  	[sflag:s21] =	ssyncset.done $0x0  }
0x48: {  	[sflag:s21] =	ssyncadd.s32 $0xFFFFFFC0  }
0x49: {  	[bflag:$0x0] =	sbarrier.arrive $0xFFFF  }
0x4a: {  	[tilespmem:$0x2800] =	vst v1  }
0x4b: {  	[tilespmem:$0x2810] =	vst v1  }
0x4c: {  	[tilespmem:$0x2820] =	vst v1  }
0x4d: {  	[tilespmem:$0x2830] =	vst v1;
	s0 =	rddreg [dreg:$0xd]  }
0x4e: {  	[tilespmem:s3], [sflag:$0x3] =	stream.linear.gather [hbm4b:s0+s3], $0x1400, $0x38;
	[tilespmem:$0x2B00] =	vst v63  }
0x4f: {  	_ =	swait.ge [sflag:s21], $0x1400  }
0x50: {  	[sflag:s21] =	ssyncset.done $0x0  }
0x51: {  	[sflag:s21] =	ssyncadd.s32 $0xFFFFEC00  }
0x52: {  	[spmem:s2] =	stream.indirect.scatter.add.f32 [tilespmem:s20], [sflag:$0x1], $0x1, s3, s22, $0xb8;
	[tilespmem:$0x2B00] =	vst v63  }
0x53: {  	_ = 	snop  }
0x54: {  	[spmem:s2] =	stream.indirect.scatter.add.f32 [tilespmem:s20], [sflag:$0x1], $0x1, s1, s22, $0xb8;
	[tilespmem:$0x2B00] =	vst v63  }
0x55: {  	_ = 	snop  }
0x56: {  	[spmem:s2] =	stream.indirect.scatter.add.f32 [tilespmem:s20], [sflag:$0x1], $0x1, s5, s22, $0xb8;
	[tilespmem:$0x2B00] =	vst v63  }
0x57: {  	s0 =	simm.s32 $0x180  }
0x58: {  	[spmem:s2] =	stream.indirect.scatter.add.f32 [tilespmem:s20], [sflag:$0x1], $0x1, s0, s22, $0xb8;
	[tilespmem:$0x2B00] =	vst v63  }
0x59: {  	s0 =	simm.s32 $0x200  }
0x5a: {  	[spmem:s2] =	stream.indirect.scatter.add.f32 [tilespmem:s20], [sflag:$0x1], $0x1, s0, s22, $0xb8;
	[tilespmem:$0x2B00] =	vst v63  }
0x5b: {  	s0 =	simm.s32 $0x280  }
0x5c: {  	[spmem:s2] =	stream.indirect.scatter.add.f32 [tilespmem:s20], [sflag:$0x1], $0x1, s0, s22, $0xb8;
	[tilespmem:$0x2B00] =	vst v63  }
0x5d: {  	s0 =	simm.s32 $0x300  }
0x5e: {  	[spmem:s2] =	stream.indirect.scatter.add.f32 [tilespmem:s20], [sflag:$0x1], $0x1, s0, s22, $0xb8;
	[tilespmem:$0x2B00] =	vst v63  }
0x5f: {  	s0 =	simm.s32 $0x380  }
0x60: {  	[spmem:s2] =	stream.indirect.scatter.add.f32 [tilespmem:s20], [sflag:$0x1], $0x1, s0, s22, $0xb8;
	[tilespmem:$0x2B00] =	vst v63  }
0x61: {  	s0 =	simm.s32 $0x400  }
0x62: {  	[spmem:s2] =	stream.indirect.scatter.add.f32 [tilespmem:s20], [sflag:$0x1], $0x1, s0, s22, $0xb8;
	[tilespmem:$0x2B00] =	vst v63  }
0x63: {  	s0 =	simm.s32 $0x480  }
0x64: {  	[spmem:s2] =	stream.indirect.scatter.add.f32 [tilespmem:s20], [sflag:$0x1], $0x1, s0, s22, $0xb8;
	[tilespmem:$0x2B00] =	vst v63  }
0x65: {  	s0 =	simm.s32 $0x500  }
0x66: {  	[spmem:s2] =	stream.indirect.scatter.add.f32 [tilespmem:s20], [sflag:$0x1], $0x1, s0, s22, $0xb8;
	[tilespmem:$0x2B00] =	vst v63  }
0x67: {  	s0 =	simm.s32 $0x580  }
0x68: {  	[spmem:s2] =	stream.indirect.scatter.add.f32 [tilespmem:s20], [sflag:$0x1], $0x1, s0, s22, $0xb8;
	[tilespmem:$0x2B00] =	vst v63  }
0x69: {  	s0 =	simm.s32 $0x600  }
0x6a: {  	[spmem:s2] =	stream.indirect.scatter.add.f32 [tilespmem:s20], [sflag:$0x1], $0x1, s0, s22, $0xb8;
	[tilespmem:$0x2B00] =	vst v63  }
0x6b: {  	s0 =	simm.s32 $0x680  }
0x6c: {  	[spmem:s2] =	stream.indirect.scatter.add.f32 [tilespmem:s20], [sflag:$0x1], $0x1, s0, s22, $0xb8;
	[tilespmem:$0x2B00] =	vst v63  }
0x6d: {  	s0 =	simm.s32 $0x700  }
0x6e: {  	[spmem:s2] =	stream.indirect.scatter.add.f32 [tilespmem:s20], [sflag:$0x1], $0x1, s0, s22, $0xb8;
	[tilespmem:$0x2B00] =	vst v63  }
0x6f: {  	s0 =	simm.s32 $0x780  }
0x70: {  	[spmem:s2] =	stream.indirect.scatter.add.f32 [tilespmem:s20], [sflag:$0x1], $0x1, s0, s22, $0xb8;
	[tilespmem:$0x2B00] =	vst v63  }
0x71: {  	s0 =	simm.s32 $0x800  }
0x72: {  	[spmem:s2] =	stream.indirect.scatter.add.f32 [tilespmem:s20], [sflag:$0x1], $0x1, s0, s22, $0xb8;
	[tilespmem:$0x2B00] =	vst v63  }
0x73: {  	s0 =	simm.s32 $0x880  }
0x74: {  	[spmem:s2] =	stream.indirect.scatter.add.f32 [tilespmem:s20], [sflag:$0x1], $0x1, s0, s22, $0xb8;
	[tilespmem:$0x2B00] =	vst v63  }
0x75: {  	s0 =	simm.s32 $0x900  }
0x76: {  	[spmem:s2] =	stream.indirect.scatter.add.f32 [tilespmem:s20], [sflag:$0x1], $0x1, s0, s22, $0xb8;
	[tilespmem:$0x2B00] =	vst v63  }
0x77: {  	s0 =	simm.s32 $0x980  }
0x78: {  	[spmem:s2] =	stream.indirect.scatter.add.f32 [tilespmem:s20], [sflag:$0x1], $0x1, s0, s22, $0xb8;
	[tilespmem:$0x2B00] =	vst v63  }
0x79: {  	s0 =	simm.s32 $0xA00  }
0x7a: {  	[spmem:s2] =	stream.indirect.scatter.add.f32 [tilespmem:s20], [sflag:$0x1], $0x1, s0, s22, $0xb8;
	[tilespmem:$0x2B00] =	vst v63  }
0x7b: {  	s0 =	simm.s32 $0xA80  }
0x7c: {  	[spmem:s2] =	stream.indirect.scatter.add.f32 [tilespmem:s20], [sflag:$0x1], $0x1, s0, s22, $0xb8;
	[tilespmem:$0x2B00] =	vst v63  }
0x7d: {  	s0 =	simm.s32 $0xB00  }
0x7e: {  	[spmem:s2] =	stream.indirect.scatter.add.f32 [tilespmem:s20], [sflag:$0x1], $0x1, s0, s22, $0xb8;
	[tilespmem:$0x2B00] =	vst v63  }
0x7f: {  	s0 =	simm.s32 $0xB80  }
0x80: {  	[spmem:s2] =	stream.indirect.scatter.add.f32 [tilespmem:s20], [sflag:$0x1], $0x1, s0, s22, $0xb8;
	[tilespmem:$0x2B00] =	vst v63  }
0x81: {  	s0 =	simm.s32 $0xC00  }
0x82: {  	[spmem:s2] =	stream.indirect.scatter.add.f32 [tilespmem:s20], [sflag:$0x1], $0x1, s0, s22, $0xb8;
	[tilespmem:$0x2B00] =	vst v63  }
0x83: {  	s0 =	simm.s32 $0xC80  }
0x84: {  	[spmem:s2] =	stream.indirect.scatter.add.f32 [tilespmem:s20], [sflag:$0x1], $0x1, s0, s22, $0xb8;
	[tilespmem:$0x2B00] =	vst v63  }
0x85: {  	s0 =	simm.s32 $0xD00  }
0x86: {  	[spmem:s2] =	stream.indirect.scatter.add.f32 [tilespmem:s20], [sflag:$0x1], $0x1, s0, s22, $0xb8;
	[tilespmem:$0x2B00] =	vst v63  }
0x87: {  	s0 =	simm.s32 $0xD80  }
0x88: {  	[spmem:s2] =	stream.indirect.scatter.add.f32 [tilespmem:s20], [sflag:$0x1], $0x1, s0, s22, $0xb8;
	[tilespmem:$0x2B00] =	vst v63  }
0x89: {  	s0 =	simm.s32 $0xE00  }
0x8a: {  	[spmem:s2] =	stream.indirect.scatter.add.f32 [tilespmem:s20], [sflag:$0x1], $0x1, s0, s22, $0xb8;
	[tilespmem:$0x2B00] =	vst v63  }
0x8b: {  	s0 =	simm.s32 $0xE80  }
0x8c: {  	[spmem:s2] =	stream.indirect.scatter.add.f32 [tilespmem:s20], [sflag:$0x1], $0x1, s0, s22, $0xb8;
	[tilespmem:$0x2B00] =	vst v63  }
0x8d: {  	s0 =	simm.s32 $0xF00  }
0x8e: {  	[spmem:s2] =	stream.indirect.scatter.add.f32 [tilespmem:s20], [sflag:$0x1], $0x1, s0, s22, $0xb8;
	[tilespmem:$0x2B00] =	vst v63  }
0x8f: {  	s0 =	simm.s32 $0xF80  }
0x90: {  	[spmem:s2] =	stream.indirect.scatter.add.f32 [tilespmem:s20], [sflag:$0x1], $0x1, s0, s22, $0xb8;
	[tilespmem:$0x2B00] =	vst v63  }
0x91: {  	s0 =	simm.s32 $0x1000  }
0x92: {  	[spmem:s2] =	stream.indirect.scatter.add.f32 [tilespmem:s20], [sflag:$0x1], $0x1, s0, s22, $0xb8;
	[tilespmem:$0x2B00] =	vst v63  }
0x93: {  	s0 =	simm.s32 $0x1080  }
0x94: {  	[spmem:s2] =	stream.indirect.scatter.add.f32 [tilespmem:s20], [sflag:$0x1], $0x1, s0, s22, $0xb8;
	[tilespmem:$0x2B00] =	vst v63  }
0x95: {  	s0 =	simm.s32 $0x1100  }
0x96: {  	[spmem:s2] =	stream.indirect.scatter.add.f32 [tilespmem:s20], [sflag:$0x1], $0x1, s0, s22, $0xb8;
	[tilespmem:$0x2B00] =	vst v63  }
0x97: {  	s0 =	simm.s32 $0x1180  }
0x98: {  	[spmem:s2] =	stream.indirect.scatter.add.f32 [tilespmem:s20], [sflag:$0x1], $0x1, s0, s22, $0xb8;
	[tilespmem:$0x2B00] =	vst v63  }
0x99: {  	s0 =	simm.s32 $0x1200  }
0x9a: {  	[spmem:s2] =	stream.indirect.scatter.add.f32 [tilespmem:s20], [sflag:$0x1], $0x1, s0, s22, $0xb8;
	[tilespmem:$0x2B00] =	vst v63  }
0x9b: {  	s0 =	simm.s32 $0x1280  }
0x9c: {  	[spmem:s2] =	stream.indirect.scatter.add.f32 [tilespmem:s20], [sflag:$0x1], $0x1, s0, s22, $0xb8;
	[tilespmem:$0x2B00] =	vst v63  }
0x9d: {  	s0 =	simm.s32 $0x1300  }
0x9e: {  	[spmem:s2] =	stream.indirect.scatter.add.f32 [tilespmem:s20], [sflag:$0x1], $0x1, s0, s22, $0xb8;
	[tilespmem:$0x2B00] =	vst v63  }
0x9f: {  	s0 =	simm.s32 $0x1380  }
0xa0: {  	[spmem:s2] =	stream.indirect.scatter.add.f32 [tilespmem:s20], [sflag:$0x1], $0x1, s0, s22, $0xb8;
	[tilespmem:$0x2B00] =	vst v63  }
0xa1: {  	s0 =	rddreg [dreg:$0xe]  }
0xa2: {  	[tilespmem:s9], [sflag:$0x3] =	stream.linear.gather [hbm4b:s0+s3], $0x1400, $0x38;
	[tilespmem:$0x2B00] =	vst v63  }
0xa3: {  	_ =	swait.ge [sflag:s21], $0x1400  }
0xa4: {  	[sflag:s21] =	ssyncset.done $0x0  }
0xa5: {  	[sflag:s21] =	ssyncadd.s32 $0xFFFFEC00  }
0xa6: {  	[spmem:s2] =	stream.indirect.scatter.add.f32 [tilespmem:s20], [sflag:$0x2], $0x1, s9, s22, $0xb8;
	[tilespmem:$0x2B00] =	vst v63  }
0xa7: {  	s0 =	simm.s32 $0x1480  }
0xa8: {  	[spmem:s2] =	stream.indirect.scatter.add.f32 [tilespmem:s20], [sflag:$0x2], $0x1, s0, s22, $0xb8;
	[tilespmem:$0x2B00] =	vst v63  }
0xa9: {  	s0 =	simm.s32 $0x1500  }
0xaa: {  	[spmem:s2] =	stream.indirect.scatter.add.f32 [tilespmem:s20], [sflag:$0x2], $0x1, s0, s22, $0xb8;
	[tilespmem:$0x2B00] =	vst v63  }
0xab: {  	s0 =	simm.s32 $0x1580  }
0xac: {  	[spmem:s2] =	stream.indirect.scatter.add.f32 [tilespmem:s20], [sflag:$0x2], $0x1, s0, s22, $0xb8;
	[tilespmem:$0x2B00] =	vst v63  }
0xad: {  	s0 =	simm.s32 $0x1600  }
0xae: {  	[spmem:s2] =	stream.indirect.scatter.add.f32 [tilespmem:s20], [sflag:$0x2], $0x1, s0, s22, $0xb8;
	[tilespmem:$0x2B00] =	vst v63  }
0xaf: {  	s0 =	simm.s32 $0x1680  }
0xb0: {  	[spmem:s2] =	stream.indirect.scatter.add.f32 [tilespmem:s20], [sflag:$0x2], $0x1, s0, s22, $0xb8;
	[tilespmem:$0x2B00] =	vst v63  }
0xb1: {  	s0 =	simm.s32 $0x1700  }
0xb2: {  	[spmem:s2] =	stream.indirect.scatter.add.f32 [tilespmem:s20], [sflag:$0x2], $0x1, s0, s22, $0xb8;
	[tilespmem:$0x2B00] =	vst v63  }
0xb3: {  	s0 =	simm.s32 $0x1780  }
0xb4: {  	[spmem:s2] =	stream.indirect.scatter.add.f32 [tilespmem:s20], [sflag:$0x2], $0x1, s0, s22, $0xb8;
	[tilespmem:$0x2B00] =	vst v63  }
0xb5: {  	s0 =	simm.s32 $0x1800  }
0xb6: {  	[spmem:s2] =	stream.indirect.scatter.add.f32 [tilespmem:s20], [sflag:$0x2], $0x1, s0, s22, $0xb8;
	[tilespmem:$0x2B00] =	vst v63  }
0xb7: {  	s0 =	simm.s32 $0x1880  }
0xb8: {  	[spmem:s2] =	stream.indirect.scatter.add.f32 [tilespmem:s20], [sflag:$0x2], $0x1, s0, s22, $0xb8;
	[tilespmem:$0x2B00] =	vst v63  }
0xb9: {  	s0 =	simm.s32 $0x1900  }
0xba: {  	[spmem:s2] =	stream.indirect.scatter.add.f32 [tilespmem:s20], [sflag:$0x2], $0x1, s0, s22, $0xb8;
	[tilespmem:$0x2B00] =	vst v63  }
0xbb: {  	s0 =	simm.s32 $0x1980  }
0xbc: {  	[spmem:s2] =	stream.indirect.scatter.add.f32 [tilespmem:s20], [sflag:$0x2], $0x1, s0, s22, $0xb8;
	[tilespmem:$0x2B00] =	vst v63  }
0xbd: {  	s0 =	simm.s32 $0x1A00  }
0xbe: {  	[spmem:s2] =	stream.indirect.scatter.add.f32 [tilespmem:s20], [sflag:$0x2], $0x1, s0, s22, $0xb8;
	[tilespmem:$0x2B00] =	vst v63  }
0xbf: {  	s0 =	simm.s32 $0x1A80  }
0xc0: {  	[spmem:s2] =	stream.indirect.scatter.add.f32 [tilespmem:s20], [sflag:$0x2], $0x1, s0, s22, $0xb8;
	[tilespmem:$0x2B00] =	vst v63  }
0xc1: {  	s0 =	simm.s32 $0x1B00  }
0xc2: {  	[spmem:s2] =	stream.indirect.scatter.add.f32 [tilespmem:s20], [sflag:$0x2], $0x1, s0, s22, $0xb8;
	[tilespmem:$0x2B00] =	vst v63  }
0xc3: {  	s0 =	simm.s32 $0x1B80  }
0xc4: {  	[spmem:s2] =	stream.indirect.scatter.add.f32 [tilespmem:s20], [sflag:$0x2], $0x1, s0, s22, $0xb8;
	[tilespmem:$0x2B00] =	vst v63  }
0xc5: {  	s0 =	simm.s32 $0x1C00  }
0xc6: {  	[spmem:s2] =	stream.indirect.scatter.add.f32 [tilespmem:s20], [sflag:$0x2], $0x1, s0, s22, $0xb8;
	[tilespmem:$0x2B00] =	vst v63  }
0xc7: {  	s0 =	simm.s32 $0x1C80  }
0xc8: {  	[spmem:s2] =	stream.indirect.scatter.add.f32 [tilespmem:s20], [sflag:$0x2], $0x1, s0, s22, $0xb8;
	[tilespmem:$0x2B00] =	vst v63  }
0xc9: {  	s0 =	simm.s32 $0x1D00  }
0xca: {  	[spmem:s2] =	stream.indirect.scatter.add.f32 [tilespmem:s20], [sflag:$0x2], $0x1, s0, s22, $0xb8;
	[tilespmem:$0x2B00] =	vst v63  }
0xcb: {  	s0 =	simm.s32 $0x1D80  }
0xcc: {  	[spmem:s2] =	stream.indirect.scatter.add.f32 [tilespmem:s20], [sflag:$0x2], $0x1, s0, s22, $0xb8;
	[tilespmem:$0x2B00] =	vst v63  }
0xcd: {  	s0 =	simm.s32 $0x1E00  }
0xce: {  	[spmem:s2] =	stream.indirect.scatter.add.f32 [tilespmem:s20], [sflag:$0x2], $0x1, s0, s22, $0xb8;
	[tilespmem:$0x2B00] =	vst v63  }
0xcf: {  	s0 =	simm.s32 $0x1E80  }
0xd0: {  	[spmem:s2] =	stream.indirect.scatter.add.f32 [tilespmem:s20], [sflag:$0x2], $0x1, s0, s22, $0xb8;
	[tilespmem:$0x2B00] =	vst v63  }
0xd1: {  	_ = 	snop  }
0xd2: {  	[spmem:s2] =	stream.indirect.scatter.add.f32 [tilespmem:s20], [sflag:$0x2], $0x1, s6, s22, $0xb8;
	[tilespmem:$0x2B00] =	vst v63  }
0xd3: {  	_ = 	snop  }
0xd4: {  	[spmem:s2] =	stream.indirect.scatter.add.f32 [tilespmem:s20], [sflag:$0x2], $0x1, s7, s22, $0xb8;
	[tilespmem:$0x2B00] =	vst v63  }
0xd5: {  	_ = 	snop  }
0xd6: {  	[spmem:s2] =	stream.indirect.scatter.add.f32 [tilespmem:s20], [sflag:$0x2], $0x1, s8, s22, $0xb8;
	[tilespmem:$0x2B00] =	vst v63  }
0xd7: {  	_ = 	snop  }
0xd8: {  	[spmem:s2] =	stream.indirect.scatter.add.f32 [tilespmem:s20], [sflag:$0x2], $0x1, s10, s22, $0xb8;
	[tilespmem:$0x2B00] =	vst v63  }
0xd9: {  	_ = 	snop  }
0xda: {  	[spmem:s2] =	stream.indirect.scatter.add.f32 [tilespmem:s20], [sflag:$0x2], $0x1, s11, s22, $0xb8;
	[tilespmem:$0x2B00] =	vst v63  }
0xdb: {  	_ = 	snop  }
0xdc: {  	[spmem:s2] =	stream.indirect.scatter.add.f32 [tilespmem:s20], [sflag:$0x2], $0x1, s12, s22, $0xb8;
	[tilespmem:$0x2B00] =	vst v63  }
0xdd: {  	_ = 	snop  }
0xde: {  	[spmem:s2] =	stream.indirect.scatter.add.f32 [tilespmem:s20], [sflag:$0x2], $0x1, s13, s22, $0xb8;
	[tilespmem:$0x2B00] =	vst v63  }
0xdf: {  	_ = 	snop  }
0xe0: {  	[spmem:s2] =	stream.indirect.scatter.add.f32 [tilespmem:s20], [sflag:$0x2], $0x1, s14, s22, $0xb8;
	[tilespmem:$0x2B00] =	vst v63  }
0xe1: {  	_ = 	snop  }
0xe2: {  	[spmem:s2] =	stream.indirect.scatter.add.f32 [tilespmem:s20], [sflag:$0x2], $0x1, s15, s22, $0xb8;
	[tilespmem:$0x2B00] =	vst v63  }
0xe3: {  	_ = 	snop  }
0xe4: {  	[spmem:s2] =	stream.indirect.scatter.add.f32 [tilespmem:s20], [sflag:$0x2], $0x1, s16, s22, $0xb8;
	[tilespmem:$0x2B00] =	vst v63  }
0xe5: {  	_ = 	snop  }
0xe6: {  	[spmem:s2] =	stream.indirect.scatter.add.f32 [tilespmem:s20], [sflag:$0x2], $0x1, s23, s22, $0xb8;
	[tilespmem:$0x2B00] =	vst v63  }
0xe7: {  	_ = 	snop  }
0xe8: {  	[spmem:s2] =	stream.indirect.scatter.add.f32 [tilespmem:s20], [sflag:$0x2], $0x1, s17, s22, $0xb8;
	[tilespmem:$0x2B00] =	vst v63  }
0xe9: {  	_ = 	snop  }
0xea: {  	[spmem:s2] =	stream.indirect.scatter.add.f32 [tilespmem:s20], [sflag:$0x2], $0x1, s24, s22, $0xb8;
	[tilespmem:$0x2B00] =	vst v63  }
0xeb: {  	_ = 	snop  }
0xec: {  	[spmem:s2] =	stream.indirect.scatter.add.f32 [tilespmem:s20], [sflag:$0x2], $0x1, s18, s22, $0xb8;
	[tilespmem:$0x2B00] =	vst v63  }
0xed: {  	_ = 	snop  }
0xee: {  	[spmem:s2] =	stream.indirect.scatter.add.f32 [tilespmem:s20], [sflag:$0x2], $0x1, s25, s22, $0xb8;
	[tilespmem:$0x2B00] =	vst v63  }
0xef: {  	_ = 	snop  }
0xf0: {  	[spmem:s2] =	stream.indirect.scatter.add.f32 [tilespmem:s20], [sflag:$0x2], $0x1, s19, s22, $0xb8;
	[tilespmem:$0x2B00] =	vst v63  }
0xf1: {  	_ = 	snop  }
0xf2: {  	[spmem:s2] =	stream.indirect.scatter.add.f32 [tilespmem:s20], [sflag:$0x2], $0x1, s26, s22, $0xb8;
	[tilespmem:$0x2B00] =	vst v63  }
0xf3: {  	_ = 	snop  }
0xf4: {  	[spmem:s2] =	stream.indirect.scatter.add.f32 [tilespmem:s20], [sflag:$0x2], $0x1, s28, s22, $0xb8;
	[tilespmem:$0x2B00] =	vst v63  }
0xf5: {  	_ =	swait.ge [sflag:s29], $0x40  }
0xf6: {  	s0 =	simm.s32 $0x27;
	[sflag:s29] =	ssyncset.done $0x0  }
.LBB2_2:
0xf7: {  	p0 =	sne.s32 s0, $0x1;
	s0 =	sadd.s32 $0xFFFFFFFF, s0;
	[sflag:s29] =	ssyncadd.s32 $0xFFFFFFC0  }
.Ltmp0:
0xf8: {  	(pc) =	sbr.rel @p0 .LBB2_2-.Ltmp0, $3  }
0xf9: {  	_ =	sdelay $0x1  }
0xfa: {  	_ =	swait.ge [sflag:s29], $0x40  }
0xfb: {  	[sflag:s29] =	ssyncset.done $0x0  }
0xfc: {  	[sflag:s29] =	ssyncadd.s32 $0xFFFFFFC0;
	s0 =	rddreg [dreg:$0xf]  }
0xfd: {  	[tilespmem:s3], [sflag:$0x3] =	stream.linear.gather [hbm4b:s0+s3], $0x1400, $0x38;
	[tilespmem:$0x2B00] =	vst v63  }
0xfe: {  	_ =	swait.ge [sflag:s21], $0x1400  }
0xff: {  	[sflag:s21] =	ssyncset.done $0x0  }
0x100: {  	[sflag:s21] =	ssyncadd.s32 $0xFFFFEC00  }
0x101: {  	[spmem:s2] =	stream.indirect.scatter.add.f32 [tilespmem:s20], [sflag:$0x1], $0x1, s3, s22, $0xb8;
	[tilespmem:$0x2B00] =	vst v63  }
0x102: {  	_ = 	snop  }
0x103: {  	[spmem:s2] =	stream.indirect.scatter.add.f32 [tilespmem:s20], [sflag:$0x1], $0x1, s1, s22, $0xb8;
	[tilespmem:$0x2B00] =	vst v63  }
0x104: {  	_ = 	snop  }
0x105: {  	[spmem:s2] =	stream.indirect.scatter.add.f32 [tilespmem:s20], [sflag:$0x1], $0x1, s5, s22, $0xb8;
	[tilespmem:$0x2B00] =	vst v63  }
0x106: {  	s5 =	simm.s32 $0x180  }
0x107: {  	[spmem:s2] =	stream.indirect.scatter.add.f32 [tilespmem:s20], [sflag:$0x1], $0x1, s5, s22, $0xb8;
	[tilespmem:$0x2B00] =	vst v63  }
0x108: {  	s1 =	simm.s32 $0x200  }
0x109: {  	[spmem:s2] =	stream.indirect.scatter.add.f32 [tilespmem:s20], [sflag:$0x1], $0x1, s1, s22, $0xb8;
	[tilespmem:$0x2B00] =	vst v63  }
0x10a: {  	s5 =	simm.s32 $0x280  }
0x10b: {  	[spmem:s2] =	stream.indirect.scatter.add.f32 [tilespmem:s20], [sflag:$0x1], $0x1, s5, s22, $0xb8;
	[tilespmem:$0x2B00] =	vst v63  }
0x10c: {  	s1 =	simm.s32 $0x300  }
0x10d: {  	[spmem:s2] =	stream.indirect.scatter.add.f32 [tilespmem:s20], [sflag:$0x1], $0x1, s1, s22, $0xb8;
	[tilespmem:$0x2B00] =	vst v63  }
0x10e: {  	s5 =	simm.s32 $0x380  }
0x10f: {  	[spmem:s2] =	stream.indirect.scatter.add.f32 [tilespmem:s20], [sflag:$0x1], $0x1, s5, s22, $0xb8;
	[tilespmem:$0x2B00] =	vst v63  }
0x110: {  	s1 =	simm.s32 $0x400  }
0x111: {  	[spmem:s2] =	stream.indirect.scatter.add.f32 [tilespmem:s20], [sflag:$0x1], $0x1, s1, s22, $0xb8;
	[tilespmem:$0x2B00] =	vst v63  }
0x112: {  	s5 =	simm.s32 $0x480  }
0x113: {  	[spmem:s2] =	stream.indirect.scatter.add.f32 [tilespmem:s20], [sflag:$0x1], $0x1, s5, s22, $0xb8;
	[tilespmem:$0x2B00] =	vst v63  }
0x114: {  	s1 =	simm.s32 $0x500  }
0x115: {  	[spmem:s2] =	stream.indirect.scatter.add.f32 [tilespmem:s20], [sflag:$0x1], $0x1, s1, s22, $0xb8;
	[tilespmem:$0x2B00] =	vst v63  }
0x116: {  	s5 =	simm.s32 $0x580  }
0x117: {  	[spmem:s2] =	stream.indirect.scatter.add.f32 [tilespmem:s20], [sflag:$0x1], $0x1, s5, s22, $0xb8;
	[tilespmem:$0x2B00] =	vst v63  }
0x118: {  	s1 =	simm.s32 $0x600  }
0x119: {  	[spmem:s2] =	stream.indirect.scatter.add.f32 [tilespmem:s20], [sflag:$0x1], $0x1, s1, s22, $0xb8;
	[tilespmem:$0x2B00] =	vst v63  }
0x11a: {  	s5 =	simm.s32 $0x680  }
0x11b: {  	[spmem:s2] =	stream.indirect.scatter.add.f32 [tilespmem:s20], [sflag:$0x1], $0x1, s5, s22, $0xb8;
	[tilespmem:$0x2B00] =	vst v63  }
0x11c: {  	s1 =	simm.s32 $0x700  }
0x11d: {  	[spmem:s2] =	stream.indirect.scatter.add.f32 [tilespmem:s20], [sflag:$0x1], $0x1, s1, s22, $0xb8;
	[tilespmem:$0x2B00] =	vst v63  }
0x11e: {  	s5 =	simm.s32 $0x780  }
0x11f: {  	[spmem:s2] =	stream.indirect.scatter.add.f32 [tilespmem:s20], [sflag:$0x1], $0x1, s5, s22, $0xb8;
	[tilespmem:$0x2B00] =	vst v63  }
0x120: {  	s1 =	simm.s32 $0x800  }
0x121: {  	[spmem:s2] =	stream.indirect.scatter.add.f32 [tilespmem:s20], [sflag:$0x1], $0x1, s1, s22, $0xb8;
	[tilespmem:$0x2B00] =	vst v63  }
0x122: {  	s5 =	simm.s32 $0x880  }
0x123: {  	[spmem:s2] =	stream.indirect.scatter.add.f32 [tilespmem:s20], [sflag:$0x1], $0x1, s5, s22, $0xb8;
	[tilespmem:$0x2B00] =	vst v63  }
0x124: {  	s1 =	simm.s32 $0x900  }
0x125: {  	[spmem:s2] =	stream.indirect.scatter.add.f32 [tilespmem:s20], [sflag:$0x1], $0x1, s1, s22, $0xb8;
	[tilespmem:$0x2B00] =	vst v63  }
0x126: {  	s5 =	simm.s32 $0x980  }
0x127: {  	[spmem:s2] =	stream.indirect.scatter.add.f32 [tilespmem:s20], [sflag:$0x1], $0x1, s5, s22, $0xb8;
	[tilespmem:$0x2B00] =	vst v63  }
0x128: {  	s1 =	simm.s32 $0xA00  }
0x129: {  	[spmem:s2] =	stream.indirect.scatter.add.f32 [tilespmem:s20], [sflag:$0x1], $0x1, s1, s22, $0xb8;
	[tilespmem:$0x2B00] =	vst v63  }
0x12a: {  	s5 =	simm.s32 $0xA80  }
0x12b: {  	[spmem:s2] =	stream.indirect.scatter.add.f32 [tilespmem:s20], [sflag:$0x1], $0x1, s5, s22, $0xb8;
	[tilespmem:$0x2B00] =	vst v63  }
0x12c: {  	s1 =	simm.s32 $0xB00  }
0x12d: {  	[spmem:s2] =	stream.indirect.scatter.add.f32 [tilespmem:s20], [sflag:$0x1], $0x1, s1, s22, $0xb8;
	[tilespmem:$0x2B00] =	vst v63  }
0x12e: {  	s5 =	simm.s32 $0xB80  }
0x12f: {  	[spmem:s2] =	stream.indirect.scatter.add.f32 [tilespmem:s20], [sflag:$0x1], $0x1, s5, s22, $0xb8;
	[tilespmem:$0x2B00] =	vst v63  }
0x130: {  	s1 =	simm.s32 $0xC00  }
0x131: {  	[spmem:s2] =	stream.indirect.scatter.add.f32 [tilespmem:s20], [sflag:$0x1], $0x1, s1, s22, $0xb8;
	[tilespmem:$0x2B00] =	vst v63  }
0x132: {  	s5 =	simm.s32 $0xC80  }
0x133: {  	[spmem:s2] =	stream.indirect.scatter.add.f32 [tilespmem:s20], [sflag:$0x1], $0x1, s5, s22, $0xb8;
	[tilespmem:$0x2B00] =	vst v63  }
0x134: {  	s1 =	simm.s32 $0xD00  }
0x135: {  	[spmem:s2] =	stream.indirect.scatter.add.f32 [tilespmem:s20], [sflag:$0x1], $0x1, s1, s22, $0xb8;
	[tilespmem:$0x2B00] =	vst v63  }
0x136: {  	s5 =	simm.s32 $0xD80  }
0x137: {  	[spmem:s2] =	stream.indirect.scatter.add.f32 [tilespmem:s20], [sflag:$0x1], $0x1, s5, s22, $0xb8;
	[tilespmem:$0x2B00] =	vst v63  }
0x138: {  	s1 =	simm.s32 $0xE00  }
0x139: {  	[spmem:s2] =	stream.indirect.scatter.add.f32 [tilespmem:s20], [sflag:$0x1], $0x1, s1, s22, $0xb8;
	[tilespmem:$0x2B00] =	vst v63  }
0x13a: {  	s5 =	simm.s32 $0xE80  }
0x13b: {  	[spmem:s2] =	stream.indirect.scatter.add.f32 [tilespmem:s20], [sflag:$0x1], $0x1, s5, s22, $0xb8;
	[tilespmem:$0x2B00] =	vst v63  }
0x13c: {  	s1 =	simm.s32 $0xF00  }
0x13d: {  	[spmem:s2] =	stream.indirect.scatter.add.f32 [tilespmem:s20], [sflag:$0x1], $0x1, s1, s22, $0xb8;
	[tilespmem:$0x2B00] =	vst v63  }
0x13e: {  	s5 =	simm.s32 $0xF80  }
0x13f: {  	[spmem:s2] =	stream.indirect.scatter.add.f32 [tilespmem:s20], [sflag:$0x1], $0x1, s5, s22, $0xb8;
	[tilespmem:$0x2B00] =	vst v63  }
0x140: {  	s1 =	simm.s32 $0x1000  }
0x141: {  	[spmem:s2] =	stream.indirect.scatter.add.f32 [tilespmem:s20], [sflag:$0x1], $0x1, s1, s22, $0xb8;
	[tilespmem:$0x2B00] =	vst v63  }
0x142: {  	s5 =	simm.s32 $0x1080  }
0x143: {  	[spmem:s2] =	stream.indirect.scatter.add.f32 [tilespmem:s20], [sflag:$0x1], $0x1, s5, s22, $0xb8;
	[tilespmem:$0x2B00] =	vst v63  }
0x144: {  	s1 =	simm.s32 $0x1100  }
0x145: {  	[spmem:s2] =	stream.indirect.scatter.add.f32 [tilespmem:s20], [sflag:$0x1], $0x1, s1, s22, $0xb8;
	[tilespmem:$0x2B00] =	vst v63  }
0x146: {  	s5 =	simm.s32 $0x1180  }
0x147: {  	[spmem:s2] =	stream.indirect.scatter.add.f32 [tilespmem:s20], [sflag:$0x1], $0x1, s5, s22, $0xb8;
	[tilespmem:$0x2B00] =	vst v63  }
0x148: {  	s1 =	simm.s32 $0x1200  }
0x149: {  	[spmem:s2] =	stream.indirect.scatter.add.f32 [tilespmem:s20], [sflag:$0x1], $0x1, s1, s22, $0xb8;
	[tilespmem:$0x2B00] =	vst v63  }
0x14a: {  	s5 =	simm.s32 $0x1280  }
0x14b: {  	[spmem:s2] =	stream.indirect.scatter.add.f32 [tilespmem:s20], [sflag:$0x1], $0x1, s5, s22, $0xb8;
	[tilespmem:$0x2B00] =	vst v63  }
0x14c: {  	s1 =	simm.s32 $0x1300  }
0x14d: {  	[spmem:s2] =	stream.indirect.scatter.add.f32 [tilespmem:s20], [sflag:$0x1], $0x1, s1, s22, $0xb8;
	[tilespmem:$0x2B00] =	vst v63  }
0x14e: {  	s5 =	simm.s32 $0x1380  }
0x14f: {  	[spmem:s2] =	stream.indirect.scatter.add.f32 [tilespmem:s20], [sflag:$0x1], $0x1, s5, s22, $0xb8;
	[tilespmem:$0x2B00] =	vst v63  }
0x150: {  	_ =	swait.ge [sflag:s30], $0x40  }
0x151: {  	s0 =	simm.s32 $0x27;
	[sflag:s30] =	ssyncset.done $0x0  }
.LBB2_4:
0x152: {  	p0 =	sne.s32 s0, $0x1;
	s0 =	sadd.s32 $0xFFFFFFFF, s0;
	[sflag:s30] =	ssyncadd.s32 $0xFFFFFFC0  }
.Ltmp1:
0x153: {  	(pc) =	sbr.rel @p0 .LBB2_4-.Ltmp1, $3  }
0x154: {  	_ =	sdelay $0x1  }
0x155: {  	_ =	swait.ge [sflag:s30], $0x40  }
0x156: {  	[sflag:s30] =	ssyncset.done $0x0  }
0x157: {  	[sflag:s30] =	ssyncadd.s32 $0xFFFFFFC0;
	s0 =	rddreg [dreg:$0x10]  }
0x158: {  	[tilespmem:s9], [sflag:$0x3] =	stream.linear.gather [hbm4b:s0+s3], $0x1400, $0x38;
	[tilespmem:$0x2B00] =	vst v63  }
0x159: {  	_ =	swait.ge [sflag:s21], $0x1400  }
0x15a: {  	[sflag:s21] =	ssyncset.done $0x0  }
0x15b: {  	[sflag:s21] =	ssyncadd.s32 $0xFFFFEC00  }
0x15c: {  	[spmem:s2] =	stream.indirect.scatter.add.f32 [tilespmem:s20], [sflag:$0x2], $0x1, s9, s22, $0xb8;
	[tilespmem:$0x2B00] =	vst v63  }
0x15d: {  	s5 =	simm.s32 $0x1480  }
0x15e: {  	[spmem:s2] =	stream.indirect.scatter.add.f32 [tilespmem:s20], [sflag:$0x2], $0x1, s5, s22, $0xb8;
	[tilespmem:$0x2B00] =	vst v63  }
0x15f: {  	s1 =	simm.s32 $0x1500  }
0x160: {  	[spmem:s2] =	stream.indirect.scatter.add.f32 [tilespmem:s20], [sflag:$0x2], $0x1, s1, s22, $0xb8;
	[tilespmem:$0x2B00] =	vst v63  }
0x161: {  	s5 =	simm.s32 $0x1580  }
0x162: {  	[spmem:s2] =	stream.indirect.scatter.add.f32 [tilespmem:s20], [sflag:$0x2], $0x1, s5, s22, $0xb8;
	[tilespmem:$0x2B00] =	vst v63  }
0x163: {  	s1 =	simm.s32 $0x1600  }
0x164: {  	[spmem:s2] =	stream.indirect.scatter.add.f32 [tilespmem:s20], [sflag:$0x2], $0x1, s1, s22, $0xb8;
	[tilespmem:$0x2B00] =	vst v63  }
0x165: {  	s5 =	simm.s32 $0x1680  }
0x166: {  	[spmem:s2] =	stream.indirect.scatter.add.f32 [tilespmem:s20], [sflag:$0x2], $0x1, s5, s22, $0xb8;
	[tilespmem:$0x2B00] =	vst v63  }
0x167: {  	s1 =	simm.s32 $0x1700  }
0x168: {  	[spmem:s2] =	stream.indirect.scatter.add.f32 [tilespmem:s20], [sflag:$0x2], $0x1, s1, s22, $0xb8;
	[tilespmem:$0x2B00] =	vst v63  }
0x169: {  	s5 =	simm.s32 $0x1780  }
0x16a: {  	[spmem:s2] =	stream.indirect.scatter.add.f32 [tilespmem:s20], [sflag:$0x2], $0x1, s5, s22, $0xb8;
	[tilespmem:$0x2B00] =	vst v63  }
0x16b: {  	s1 =	simm.s32 $0x1800  }
0x16c: {  	[spmem:s2] =	stream.indirect.scatter.add.f32 [tilespmem:s20], [sflag:$0x2], $0x1, s1, s22, $0xb8;
	[tilespmem:$0x2B00] =	vst v63  }
0x16d: {  	s5 =	simm.s32 $0x1880  }
0x16e: {  	[spmem:s2] =	stream.indirect.scatter.add.f32 [tilespmem:s20], [sflag:$0x2], $0x1, s5, s22, $0xb8;
	[tilespmem:$0x2B00] =	vst v63  }
0x16f: {  	s1 =	simm.s32 $0x1900  }
0x170: {  	[spmem:s2] =	stream.indirect.scatter.add.f32 [tilespmem:s20], [sflag:$0x2], $0x1, s1, s22, $0xb8;
	[tilespmem:$0x2B00] =	vst v63  }
0x171: {  	s5 =	simm.s32 $0x1980  }
0x172: {  	[spmem:s2] =	stream.indirect.scatter.add.f32 [tilespmem:s20], [sflag:$0x2], $0x1, s5, s22, $0xb8;
	[tilespmem:$0x2B00] =	vst v63  }
0x173: {  	s1 =	simm.s32 $0x1A00  }
0x174: {  	[spmem:s2] =	stream.indirect.scatter.add.f32 [tilespmem:s20], [sflag:$0x2], $0x1, s1, s22, $0xb8;
	[tilespmem:$0x2B00] =	vst v63  }
0x175: {  	s5 =	simm.s32 $0x1A80  }
0x176: {  	[spmem:s2] =	stream.indirect.scatter.add.f32 [tilespmem:s20], [sflag:$0x2], $0x1, s5, s22, $0xb8;
	[tilespmem:$0x2B00] =	vst v63  }
0x177: {  	s1 =	simm.s32 $0x1B00  }
0x178: {  	[spmem:s2] =	stream.indirect.scatter.add.f32 [tilespmem:s20], [sflag:$0x2], $0x1, s1, s22, $0xb8;
	[tilespmem:$0x2B00] =	vst v63  }
0x179: {  	s5 =	simm.s32 $0x1B80  }
0x17a: {  	[spmem:s2] =	stream.indirect.scatter.add.f32 [tilespmem:s20], [sflag:$0x2], $0x1, s5, s22, $0xb8;
	[tilespmem:$0x2B00] =	vst v63  }
0x17b: {  	s1 =	simm.s32 $0x1C00  }
0x17c: {  	[spmem:s2] =	stream.indirect.scatter.add.f32 [tilespmem:s20], [sflag:$0x2], $0x1, s1, s22, $0xb8;
	[tilespmem:$0x2B00] =	vst v63  }
0x17d: {  	s5 =	simm.s32 $0x1C80  }
0x17e: {  	[spmem:s2] =	stream.indirect.scatter.add.f32 [tilespmem:s20], [sflag:$0x2], $0x1, s5, s22, $0xb8;
	[tilespmem:$0x2B00] =	vst v63  }
0x17f: {  	s1 =	simm.s32 $0x1D00  }
0x180: {  	[spmem:s2] =	stream.indirect.scatter.add.f32 [tilespmem:s20], [sflag:$0x2], $0x1, s1, s22, $0xb8;
	[tilespmem:$0x2B00] =	vst v63  }
0x181: {  	s5 =	simm.s32 $0x1D80  }
0x182: {  	[spmem:s2] =	stream.indirect.scatter.add.f32 [tilespmem:s20], [sflag:$0x2], $0x1, s5, s22, $0xb8;
	[tilespmem:$0x2B00] =	vst v63  }
0x183: {  	s1 =	simm.s32 $0x1E00  }
0x184: {  	[spmem:s2] =	stream.indirect.scatter.add.f32 [tilespmem:s20], [sflag:$0x2], $0x1, s1, s22, $0xb8;
	[tilespmem:$0x2B00] =	vst v63  }
0x185: {  	s5 =	simm.s32 $0x1E80  }
0x186: {  	[spmem:s2] =	stream.indirect.scatter.add.f32 [tilespmem:s20], [sflag:$0x2], $0x1, s5, s22, $0xb8;
	[tilespmem:$0x2B00] =	vst v63  }
0x187: {  	_ = 	snop  }
0x188: {  	[spmem:s2] =	stream.indirect.scatter.add.f32 [tilespmem:s20], [sflag:$0x2], $0x1, s6, s22, $0xb8;
	[tilespmem:$0x2B00] =	vst v63  }
0x189: {  	_ = 	snop  }
0x18a: {  	[spmem:s2] =	stream.indirect.scatter.add.f32 [tilespmem:s20], [sflag:$0x2], $0x1, s7, s22, $0xb8;
	[tilespmem:$0x2B00] =	vst v63  }
0x18b: {  	_ = 	snop  }
0x18c: {  	[spmem:s2] =	stream.indirect.scatter.add.f32 [tilespmem:s20], [sflag:$0x2], $0x1, s8, s22, $0xb8;
	[tilespmem:$0x2B00] =	vst v63  }
0x18d: {  	_ = 	snop  }
0x18e: {  	[spmem:s2] =	stream.indirect.scatter.add.f32 [tilespmem:s20], [sflag:$0x2], $0x1, s10, s22, $0xb8;
	[tilespmem:$0x2B00] =	vst v63  }
0x18f: {  	_ = 	snop  }
0x190: {  	[spmem:s2] =	stream.indirect.scatter.add.f32 [tilespmem:s20], [sflag:$0x2], $0x1, s11, s22, $0xb8;
	[tilespmem:$0x2B00] =	vst v63  }
0x191: {  	_ = 	snop  }
0x192: {  	[spmem:s2] =	stream.indirect.scatter.add.f32 [tilespmem:s20], [sflag:$0x2], $0x1, s12, s22, $0xb8;
	[tilespmem:$0x2B00] =	vst v63  }
0x193: {  	_ = 	snop  }
0x194: {  	[spmem:s2] =	stream.indirect.scatter.add.f32 [tilespmem:s20], [sflag:$0x2], $0x1, s13, s22, $0xb8;
	[tilespmem:$0x2B00] =	vst v63  }
0x195: {  	_ = 	snop  }
0x196: {  	[spmem:s2] =	stream.indirect.scatter.add.f32 [tilespmem:s20], [sflag:$0x2], $0x1, s14, s22, $0xb8;
	[tilespmem:$0x2B00] =	vst v63  }
0x197: {  	_ = 	snop  }
0x198: {  	[spmem:s2] =	stream.indirect.scatter.add.f32 [tilespmem:s20], [sflag:$0x2], $0x1, s15, s22, $0xb8;
	[tilespmem:$0x2B00] =	vst v63  }
0x199: {  	_ = 	snop  }
0x19a: {  	[spmem:s2] =	stream.indirect.scatter.add.f32 [tilespmem:s20], [sflag:$0x2], $0x1, s16, s22, $0xb8;
	[tilespmem:$0x2B00] =	vst v63  }
0x19b: {  	_ = 	snop  }
0x19c: {  	[spmem:s2] =	stream.indirect.scatter.add.f32 [tilespmem:s20], [sflag:$0x2], $0x1, s23, s22, $0xb8;
	[tilespmem:$0x2B00] =	vst v63  }
0x19d: {  	_ = 	snop  }
0x19e: {  	[spmem:s2] =	stream.indirect.scatter.add.f32 [tilespmem:s20], [sflag:$0x2], $0x1, s17, s22, $0xb8;
	[tilespmem:$0x2B00] =	vst v63  }
0x19f: {  	_ = 	snop  }
0x1a0: {  	[spmem:s2] =	stream.indirect.scatter.add.f32 [tilespmem:s20], [sflag:$0x2], $0x1, s24, s22, $0xb8;
	[tilespmem:$0x2B00] =	vst v63  }
0x1a1: {  	_ = 	snop  }
0x1a2: {  	[spmem:s2] =	stream.indirect.scatter.add.f32 [tilespmem:s20], [sflag:$0x2], $0x1, s18, s22, $0xb8;
	[tilespmem:$0x2B00] =	vst v63  }
0x1a3: {  	_ = 	snop  }
0x1a4: {  	[spmem:s2] =	stream.indirect.scatter.add.f32 [tilespmem:s20], [sflag:$0x2], $0x1, s25, s22, $0xb8;
	[tilespmem:$0x2B00] =	vst v63  }
0x1a5: {  	_ = 	snop  }
0x1a6: {  	[spmem:s2] =	stream.indirect.scatter.add.f32 [tilespmem:s20], [sflag:$0x2], $0x1, s19, s22, $0xb8;
	[tilespmem:$0x2B00] =	vst v63  }
0x1a7: {  	_ = 	snop  }
0x1a8: {  	[spmem:s2] =	stream.indirect.scatter.add.f32 [tilespmem:s20], [sflag:$0x2], $0x1, s26, s22, $0xb8;
	[tilespmem:$0x2B00] =	vst v63  }
0x1a9: {  	_ = 	snop  }
0x1aa: {  	[spmem:s2] =	stream.indirect.scatter.add.f32 [tilespmem:s20], [sflag:$0x2], $0x1, s28, s22, $0xb8;
	[tilespmem:$0x2B00] =	vst v63  }
0x1ab: {  	_ =	swait.ge [sflag:s29], $0x40  }
0x1ac: {  	s0 =	simm.s32 $0x27;
	[sflag:s29] =	ssyncset.done $0x0  }
.LBB2_6:
0x1ad: {  	p0 =	sne.s32 s0, $0x1;
	s0 =	sadd.s32 $0xFFFFFFFF, s0;
	[sflag:s29] =	ssyncadd.s32 $0xFFFFFFC0  }
.Ltmp2:
0x1ae: {  	(pc) =	sbr.rel @p0 .LBB2_6-.Ltmp2, $3  }
0x1af: {  	_ =	sdelay $0x1  }
0x1b0: {  	_ =	swait.ge [sflag:s29], $0x40  }
0x1b1: {  	[sflag:s29] =	ssyncset.done $0x0  }
0x1b2: {  	[sflag:s29] =	ssyncadd.s32 $0xFFFFFFC0  }
0x1b3: {  	_ =	swait.ge [sflag:s30], $0x40  }
0x1b4: {  	s0 =	simm.s32 $0x27;
	[sflag:s30] =	ssyncset.done $0x0  }
.LBB2_8:
0x1b5: {  	p0 =	sne.s32 s0, $0x1;
	s0 =	sadd.s32 $0xFFFFFFFF, s0;
	[sflag:s30] =	ssyncadd.s32 $0xFFFFFFC0  }
.Ltmp3:
0x1b6: {  	(pc) =	sbr.rel @p0 .LBB2_8-.Ltmp3, $3  }
0x1b7: {  	_ =	sdelay $0x1  }
0x1b8: {  	_ =	swait.ge [sflag:s30], $0x40  }
0x1b9: {  	[sflag:s30] =	ssyncset.done $0x0  }
0x1ba: {  	[sflag:s30] =	ssyncadd.s32 $0xFFFFFFC0;
	s0 =	stileid.u32;
	s1 =	sshrl.u32 s4, $0x3  }
0x1bb: {  	s6 =	simm.s32 $0x20;
	s0 =	sshll.u32 s0, $0x6;
	[bflag:$0x0] =	sbarrier.arrive $0xFFFF  }
0x1bc: {  	s7 =	simm.s32 $0x10;
	s0 =	sor.u32 $0x1C03, s0;
	s5 =	rddreg [dreg:$0x11]  }
0x1bd: {  	[hbm:s5@s6], [sflag:s0] =	dma.strided [spmem:s1@s7], $0x50, s29, $0x10   }
0x1be: {  	_ =	swait.ge [sflag:s21], $0x50  }
0x1bf: {  	s31 =	sadd.s32 $0x1, s31;
	s7 =	rddreg [dreg:$0x12]  }
0x1c0: {  	p0 =	sne.s32 s31, s7  }
.Ltmp4:
0x1c1: {  	_ = 	snop;
	(pc) =	sbr.rel @p0 .LBB2_1-.Ltmp4, $3  }
0x1c2: {  	_ =	sdelay $0x1  }
0x1c3: {  	s1 =	simm.s32 $0x80;
	s5 =	simm.s32 $0x100;
	[sflag:s21] =	ssyncset.done $0x0  }
0x1c4: {  	s6 =	simm.s32 $0x1F00;
	[sflag:s21] =	ssyncadd.s32 $0xFFFFFFB0;
	s7 =	simm.s32 $0x1F80  }
0x1c5: {  	_ =	sfence.sel $0x180000  }
0x1c6: {  	[bflag:$0x0] =	sbarrier.arrive $0xFFFF  }
0x1c7: {  	_ =	strace $0x90000047  }
0x1c8: {  	s0 =	stileid.u32;
	[bflag:$0x2] =	sbarrier.arrive $0xFFFF  }
0x1c9: {  	p0 =	sne.s32 s0, $0x0;
	s0 =	rddreg [dreg:$0x3]  }
0x1ca: {  	s0 =	sadd.s32 @!p0 $0x100000, s0  }
0x1cb: {  	[sflag:s0] =	ssyncadd.tile.s32 @!p0 $0x1;
	_ =	shalt  }
.Lfunc_end2:
_tile_overlayer_lowered:
.L_overlay_start_2:
0x1cc: {  	(tag) =	ssettag $0x2  }
0x1cd: {  	s0 =	rddreg [dreg:$0x0];
	s2 =	stileid.u32  }
0x1ce: {  	s1 =	rddreg [dreg:$0x1];
	p0 =	sne.s32 s2, $0x0  }
0x1cf: {  	s3 =	rddreg [dreg:$0x2];
	[bflag:$0x3] =	sbarrier.arrive $0xFFFF;
	s2 =	simm.s32 @!p0 $0x1C03  }
0x1d0: {  	[timem:s3], [sflag:s2] =	dma.local @!p0 [hbm:s0], s1  }
0x1d1: {  	s0 =	simm.s32 @!p0 $0x3  }
0x1d2: {  	_ =	swait.ge @!p0 [sflag:s0], s1  }
0x1d3: {  	s1 =	ssub.s32 @!p0 $0x0, s1;
	[sflag:s0] =	ssyncset.done @!p0 $0x0  }
0x1d4: {  	[sflag:s0] =	ssyncadd.s32 @!p0 s1  }
0x1d5: {  	[bflag:$0x3] =	sbarrier.arrive $0xFFFF  }
0x1d6: {  	_ =	shalt  }

// kernel: kernel.9.cloned.1.call-start
scs
__scs_entry_jumppad:
0x0: {  	(pc) =	sbr.rel $0x88, $3  }
0x1: {  	(tag) =	ssettag $0x0;
	lr =	simm.s32 $0x1  }
0x2: {  	[smem:$0x3F9D] =	sst lr;
	_ =	strace $0xD0000000  }
0x3: {  	_ = 	snop  }
0x4: {  	_ = 	snop  }
0x5: {  	_ = 	snop  }
0x6: {  	_ = 	snop  }
0x7: {  	_ = 	snop  }
__scs_overlays_trampoline_lowered:
0x8: {  	[smem:$0x3FAC] =	sst s0  }
0x9: {  	[smem:$0x3FAD] =	sst s1  }
0xa: {  	[smem:$0x3FAE] =	sst s2  }
0xb: {  	[smem:$0x3FAF] =	sst s3  }
0xc: {  	[smem:$0x3FB0] =	sst s4  }
0xd: {  	[smem:$0x3FB1] =	sst s5  }
0xe: {  	[smem:$0x3FB2] =	sst s6  }
0xf: {  	[smem:$0x3FB3] =	sst s7  }
0x10: {  	[smem:$0x3FB4] =	sst s8  }
0x11: {  	[smem:$0x3FB5] =	sst s9;
	s0 =	simm.s32 @!p0 $0x0  }
0x12: {  	s1 =	sld [smem:$0x3F9B];
	s0 =	simm.s32 @p0 $0x1  }
0x13: {  	[smem:$0x3FB6] =	sst s0;
	s0 =	simm.s32 @!p1 $0x0  }
0x14: {  	s2 =	sld [smem:$0x3F9A];
	s0 =	simm.s32 @p1 $0x1  }
0x15: {  	[smem:$0x3FB7] =	sst s0;
	s0 =	simm.s32 @!p2 $0x0  }
0x16: {  	s3 =	sld [smem:$0x3FDB];
	s0 =	simm.s32 @p2 $0x1  }
0x17: {  	s4 =	simm.s32 $0x1BF5;
	[smem:$0x3FB9] =	sst s0  }
0x18: {  	s0 =	sld [smem:$0x3F9C];
	_ =	swait.ge [sflag:s4], $0x0  }
0x19: {  	s7 =	sld [smem:$0x3F9D]  }
0x1a: {  	s8 =	sadd.s32 $0xFFFFE003, lr  }
0x1b: {  	s9 =	sadd.s32 $0xFFFFFEF7, lr;
	s5 =	simm.s32 $0xFFFFFFFF;
	p2 =	slt.u32 s8, $0xFFFFF086  }
0x1c: {  	p1 =	slt.u32 s9, $0xF7A;
	s5 =	simm.s32 @!p2 $0x0  }
0x1d: {  	s5 =	simm.s32 @p1 $0x1;
	p0 =	seq.s32 s7, s2  }
0x1e: {  	s7 =	smul.u32 @!p0 $0xF7A, s2;
	p2 =	seq.s32 @!p0 s5, $0x0  }
0x1f: {  	s9 =	smul.u32 $0xF7A, s1;
	s8 =	simm.s32 @!p0 $0x1BF5;
	p2 =	por !p2, p0  }
0x20: {  	[sflag:s8] =	ssyncset.s32 @!p0 $0xFFFFF086;
	s6 =	sadd.s32 @!p0 s3, s7;
	s7 =	simm.s32 @!p0 $0x108  }
0x21: {  	s3 =	sadd.s32 s3, s9;
	s6 =	sadd.s32 @!p0 $0x88, s6;
	s7 =	simm.s32 @p2 $0x1082  }
0x22: {  	[simem:s7], [sflag:s8] =	dma.local @!p0 [hbm:s6], $0xF7A  }
0x23: {  	s9 =	sor.u32 $0xD0000000, s2;
	s6 =	simm.s32 $0x108;
	_ =	swait.ge @!p0 [sflag:s8], $0x0  }
0x24: {  	s3 =	sadd.s32 $0x88, s3;
	s6 =	simm.s32 @!p1 $0x1082;
	[sflag:s4] =	ssyncset.s32 $0xFFFFF086  }
0x25: {  	[simem:s6], [sflag:s4] =	dma.local [hbm:s3], $0xF7A  }
0x26: {  	[smem:$0x3F9D] =	sst s1;
	(tag) =	ssettag s2;
	_ =	strace s9  }
0x27: {  	s1 =	sld [smem:$0x3FAD]  }
0x28: {  	s2 =	sld [smem:$0x3FAE]  }
0x29: {  	s4 =	sld [smem:$0x3FB0]  }
0x2a: {  	p0 =	seq.s32 s5, $0x0;
	s5 =	sld [smem:$0x3FB1]  }
0x2b: {  	s6 =	sld [smem:$0x3FB2]  }
0x2c: {  	s7 =	sld [smem:$0x3FB3]  }
0x2d: {  	s3 =	simm.s32 $0x108;
	s8 =	sld [smem:$0x3FB4]  }
0x2e: {  	s3 =	simm.s32 @!p0 $0x1082;
	s9 =	sld [smem:$0x3FB5]  }
0x2f: {  	lr =	sadd.s32 s0, s3;
	s0 =	sld [smem:$0x3FAC]  }
0x30: {  	s3 =	sld [smem:$0x3FAF]  }
0x31: {  	[smem:$0x3FB8] =	sst s10  }
0x32: {  	s10 =	sld [smem:$0x3FB6];
	_ =	sdelay $0x3  }
0x33: {  	p0 =	seq.s32 s10, $0x1;
	s10 =	sld [smem:$0x3FB8];
	_ =	sdelay $0x3  }
0x34: {  	[smem:$0x3FB8] =	sst s10  }
0x35: {  	s10 =	sld [smem:$0x3FB7];
	_ =	sdelay $0x3  }
0x36: {  	p1 =	seq.s32 s10, $0x1;
	s10 =	sld [smem:$0x3FB8];
	_ =	sdelay $0x3  }
0x37: {  	[smem:$0x3FB8] =	sst s10  }
0x38: {  	s10 =	sld [smem:$0x3FB9]  }
0x39: {  	_ = 	snop;
	(pc) =	sbr.ind lr, $3  }
0x3a: {  	_ = 	snop  }
0x3b: {  	_ = 	snop  }
0x3c: {  	p2 =	seq.s32 s10, $0x1;
	s10 =	sld [smem:$0x3FB8]  }
0x3d: {  	_ =	shalt  }
0x3e: {  	_ =	shalt  }
0x3f: {  	_ =	shalt  }
0x40: {  	_ =	shalt  }
0x41: {  	_ =	shalt  }
0x42: {  	_ =	shalt  }
0x43: {  	_ =	shalt  }
0x44: {  	_ =	shalt  }
0x45: {  	_ =	shalt  }
0x46: {  	_ =	shalt  }
0x47: {  	_ =	shalt  }
0x48: {  	_ =	shalt  }
0x49: {  	_ =	shalt  }
0x4a: {  	_ =	shalt  }
0x4b: {  	_ =	shalt  }
0x4c: {  	_ =	shalt  }
0x4d: {  	_ =	shalt  }
0x4e: {  	_ =	shalt  }
0x4f: {  	_ =	shalt  }
0x50: {  	_ =	shalt  }
0x51: {  	_ =	shalt  }
0x52: {  	_ =	shalt  }
0x53: {  	_ =	shalt  }
0x54: {  	_ =	shalt  }
0x55: {  	_ =	shalt  }
0x56: {  	_ =	shalt  }
0x57: {  	_ =	shalt  }
0x58: {  	_ =	shalt  }
0x59: {  	_ =	shalt  }
0x5a: {  	_ =	shalt  }
0x5b: {  	_ =	shalt  }
0x5c: {  	_ =	shalt  }
0x5d: {  	_ =	shalt  }
0x5e: {  	_ =	shalt  }
0x5f: {  	_ =	shalt  }
0x60: {  	_ =	shalt  }
0x61: {  	_ =	shalt  }
0x62: {  	_ =	shalt  }
0x63: {  	_ =	shalt  }
0x64: {  	_ =	shalt  }
0x65: {  	_ =	shalt  }
0x66: {  	_ =	shalt  }
0x67: {  	_ =	shalt  }
0x68: {  	_ =	shalt  }
0x69: {  	_ =	shalt  }
0x6a: {  	_ =	shalt  }
0x6b: {  	_ =	shalt  }
0x6c: {  	_ =	shalt  }
0x6d: {  	_ =	shalt  }
0x6e: {  	_ =	shalt  }
0x6f: {  	_ =	shalt  }
0x70: {  	_ =	shalt  }
0x71: {  	_ =	shalt  }
0x72: {  	_ =	shalt  }
0x73: {  	_ =	shalt  }
0x74: {  	_ =	shalt  }
0x75: {  	_ =	shalt  }
0x76: {  	_ =	shalt  }
0x77: {  	_ =	shalt  }
0x78: {  	_ =	shalt  }
0x79: {  	_ =	shalt  }
0x7a: {  	_ =	shalt  }
0x7b: {  	_ =	shalt  }
0x7c: {  	_ =	shalt  }
0x7d: {  	_ =	shalt  }
0x7e: {  	_ =	shalt  }
0x7f: {  	_ =	shalt  }
0x80: {  	_ =	shalt  }
0x81: {  	_ =	shalt  }
0x82: {  	_ =	shalt  }
0x83: {  	_ =	shalt  }
0x84: {  	_ =	shalt  }
0x85: {  	_ =	shalt  }
0x86: {  	_ =	shalt  }
0x87: {  	_ =	shalt  }
.Lfunc_end0:
.L_simem_size_0:
called_computation.1_lowered:
.L_overlay_start_0:
0x88: {  	s2 =	sld [smem:$0x3FD9]  }
0x89: {  	s3 =	sld [smem:$0x3FFE];
	_ =	sdelay $0x1  }
0x8a: {  	s1 =	srdreg.scid  }
0x8b: {  	s0 =	sand.u32 $0x1, s1  }
0x8c: {  	s17 =	sshll.u32 s0, $0xA;
	s2 =	sadd.s32 s3, s2  }
0x8d: {  	s2 =	sadd.s32 s2, s17  }
0x8e: {  	[smem:$0x3FC4] =	sst s2  }
0x8f: {  	_ = 	snop  }
0x90: {  	s2 =	sld [smem:$0x3FD0];
	(tm) =	ssettm $0x1  }
0x91: {  	s18 =	sld [smem:$0x3FFB];
	_ =	sdelay $0x3  }
0x92: {  	_ =	strace s18  }
0x93: {  	s3 =	sld [smem:$0x3FFC];
	_ =	sdelay $0x3  }
0x94: {  	_ =	strace s3  }
0x95: {  	s3 =	sld [smem:$0x3FFD];
	_ =	sdelay $0x3  }
0x96: {  	_ =	strace s3  }
0x97: {  	_ =	strace $0x8FFFFFFF  }
0x98: {  	s19 =	sld [smem:$0x3FDB];
	_ =	sdelay $0x1  }
0x99: {  	s4 =	simm.s32 $_scs_section_size  }
0x9a: {  	s5 =	simm.s32 $_size__tile_overlayer_lowered;
	s6 =	simm.s32 $_tile_overlayer_lowered  }
0x9b: {  	s22 =	simm.s32 $0x1BFF;
	s21 =	sshll.u32 s6, $0x1;
	s3 =	sadd.s32 s4, s19  }
0x9c: {  	s7 =	simm.s32 $0x0;
	s20 =	sshll.u32 s5, $0x1;
	s5 =	sadd.s32 s21, s3  }
0x9d: {  	[timem:s7], [sflag:s22] =	dma.local [hbm:s5], s20  }
0x9e: {  	_ =	swait.ge [sflag:s22], s20  }
0x9f: {  	s4 =	ssub.s32 $0x0, s20;
	[sflag:s22] =	ssyncset.done $0x0  }
0xa0: {  	[sflag:s22] =	ssyncadd.s32 s4;
	_ =	sdelay $0x1  }
0xa1: {  	s23 =	simm.s32 $0x1B8B  }
0xa2: {  	_ =	swait.ge [sflag:s23], $0x1  }
0xa3: {  	[sflag:s23] =	ssyncset.done $0x0  }
0xa4: {  	s25 =	simm.s32 $0x1B8E;
	s24 =	sld [smem:$0x3FFE];
	[sflag:s23] =	ssyncadd.s32 $0xFFFFFFFF  }
0xa5: {  	s26 =	simm.s32 $execute0_lowered;
	[smem:$0x3FD2] =	sst s25  }
0xa6: {  	s5 =	sshll.u32 s26, $0x1;
	_ =	strace $0x80000049;
	[dreg:$0x1] =	wrdreg $0xFFFFFFFF  }
0xa7: {  	s28 =	simm.s32 $_size_execute0_lowered;
	s3 =	sadd.s32 s3, s5;
	[dreg:$0x0] =	wrdreg $0x0  }
0xa8: {  	s5 =	sshll.u32 s28, $0x1;
	[dreg:$0x2] =	wrdreg s3  }
0xa9: {  	[dreg:$0x3] =	wrdreg s5  }
0xaa: {  	[dreg:$0x4] =	wrdreg $0xC0  }
0xab: {  	_ =	task [dreg:s7], $0x5FFFF  }
0xac: {  	[dreg:$0x1] =	wrdreg $0xFFFFFFFF  }
0xad: {  	[dreg:$0x0] =	wrdreg $0x60  }
0xae: {  	[dreg:$0x2] =	wrdreg s24  }
0xaf: {  	[dreg:$0x3] =	wrdreg s2  }
0xb0: {  	[dreg:$0x4] =	wrdreg $0xA8000  }
0xb1: {  	[dreg:$0x5] =	wrdreg $0x9  }
0xb2: {  	_ =	task.clear_ibuf [dreg:s7], $0x6FFFF;
	_ =	strace $0x90000049  }
0xb3: {  	s29 =	simm.s32 $0x9;
	_ =	strace $0x8000004B  }
0xb4: {  	_ =	swait.ge [sflag:s29], $0x1  }
0xb5: {  	[sflag:s29] =	ssyncadd.s32 $0xFFFFFFFF  }
0xb6: {  	_ =	strace $0x9000004B  }
0xb7: {  	_ =	sfence  }
0xb8: {  	s30 =	sld [smem:$0x0];
	_ =	sdelay $0x2  }
0xb9: {  	s31 =	sshll.u32 s1, $0xD;
	s1 =	sshrl.u32 s1, $0x2  }
0xba: {  	s3 =	sand.u32 $0x4000, s31;
	s1 =	sadd.s32 s1, s30  }
0xbb: {  	s0 =	sor.u32 s3, s0;
	s1 =	sshll.u32 s1, $0x11  }
0xbc: {  	s0 =	sor.u32 s1, s0  }
0xbd: {  	s0 =	sadd.s32 $0x8F2B, s0  }
0xbe: {  	[sflag:s0] =	ssyncadd.remote.s32 $0x1  }
0xbf: {  	_ =	sfence.sel $0xFFFF  }
0xc0: {  	[dreg:$0x0] =	wrdreg $0xFFFFFFFF;
	(pc) =	sbr.abs _section_cstart, $3  }
0xc1: {  	[dreg:$0x1] =	wrdreg $0xFFFFFFFF  }
0xc2: {  	_ =	task.clear_ibuf [dreg:s7], $0x2FFFF;
	_ =	strace $0x9FFFFFFF  }
0xc3: {  	(tm) =	ssettm $0x7FFFFFFF  }
tec
execute0_lowered:
.L_overlay_start_1:
0x0: {  	(tag) =	ssettag $0x1  }
0x1: {  	s0 =	rddreg [dreg:$0x0]  }
0x2: {  	s1 =	srdreg.scid;
	s10 =	stileid.u32  }
0x3: {  	s2 =	rddreg [dreg:$0x1];
	s1 =	sand.u32 $0x1, s1;
	s6 =	smul.u32 $0x14000, s10  }
0x4: {  	s3 =	rddreg [dreg:$0x2];
	s4 =	simm.s32 $0x0;
	s5 =	smul.u32 $0x140000, s1  }
0x5: {  	s28 =	simm.s32 $0x1400;
	s29 =	simm.s32 $0x40;
	s24 =	smul.u32 $0x50000, s10  }
0x6: {  	s30 =	simm.s32 $0x80;
	[smem:$0x7FF] =	sst s4;
	s5 =	sadd.s32 s6, s5  }
0x7: {  	s7 =	sadd.s32 $0x15A00, s0;
	s25 =	sshrl.u32 s24, $0x2;
	s5 =	sshrl.u32 s5, $0x3  }
0x8: {  	s8 =	sadd.s32 $0x1A00, s0;
	s0 =	sadd.s32 s5, s0;
	s5 =	sadd.s32 s25, s3  }
0x9: {  	s31 =	simm.s32 $0x4800;
	_ =	strace $0x8000004A;
	s11 =	sadd.s32 $0x2000, s5  }
0xa: {  	s9 =	ssub.s32 $0x2, s1;
	s12 =	sadd.s32 $0x4000, s5;
	[dreg:$0x4] =	wrdreg s11  }
0xb: {  	s1 =	sshll.u32 s1, $0x4;
	s13 =	sadd.s32 $0x6000, s5;
	[dreg:$0x5] =	wrdreg s12  }
0xc: {  	s26 =	sshrl.u32 s9, $0x1;
	s14 =	sadd.s32 $0x8000, s5;
	[dreg:$0x6] =	wrdreg s13  }
0xd: {  	s1 =	sor.u32 s10, s1;
	s15 =	sadd.s32 $0xA000, s5;
	[dreg:$0x7] =	wrdreg s14  }
0xe: {  	s10 =	simm.s32 $0x2;
	s16 =	sadd.s32 $0xC000, s5;
	[dreg:$0x8] =	wrdreg s15  }
0xf: {  	s1 =	smul.u32 $0x5000, s1;
	s17 =	sadd.s32 $0xE000, s5;
	[dreg:$0x9] =	wrdreg s16  }
0x10: {  	s6 =	ssub.s32 s9, s26;
	s18 =	sadd.s32 $0x10000, s5;
	[dreg:$0xa] =	wrdreg s17  }
0x11: {  	s1 =	sshrl.u32 s1, $0x3;
	s19 =	sadd.s32 $0x12000, s5;
	[dreg:$0xb] =	wrdreg s18  }
0x12: {  	s20 =	sadd.s32 s7, s1;
	s21 =	sadd.s32 $0x280, s1;
	[dreg:$0xc] =	wrdreg s19  }
0x13: {  	s22 =	sadd.s32 s8, s1;
	s24 =	sadd.s32 $0x500, s1;
	[dreg:$0xd] =	wrdreg s20  }
0x14: {  	s1 =	sadd.s32 $0x780, s1;
	[dreg:$0xe] =	wrdreg s22;
	s23 =	sadd.s32 s7, s21  }
0x15: {  	s9 =	sadd.s32 s8, s21;
	s25 =	sadd.s32 s7, s24;
	s26 =	sadd.s32 s8, s24  }
0x16: {  	s7 =	sadd.s32 s7, s1;
	s1 =	sadd.s32 s8, s1;
	s24 =	smax.u32 s6, $0x1  }
0x17: {  	s6 =	simm.s32 $0x180;
	s8 =	simm.s32 $0x1;
	[dreg:$0xf] =	wrdreg s23  }
0x18: {  	s11 =	simm.s32 $0x6;
	s12 =	simm.s32 $0x3;
	[dreg:$0x10] =	wrdreg s9  }
0x19: {  	s13 =	simm.s32 $0x7;
	s14 =	simm.s32 $0x4;
	[dreg:$0x11] =	wrdreg s25  }
0x1a: {  	s15 =	simm.s32 $0x8;
	s16 =	simm.s32 $0x2600;
	[dreg:$0x12] =	wrdreg s26  }
0x1b: {  	s17 =	simm.s32 $0x2680;
	s18 =	simm.s32 $0x2700;
	[dreg:$0x13] =	wrdreg s7  }
0x1c: {  	s19 =	simm.s32 $0x2780;
	[dreg:$0x14] =	wrdreg s1;
	s23 =	sadd.s32 $0x29A00, s0  }
0x1d: {  	s25 =	simm.s32 $0x2800;
	s26 =	simm.s32 $0x9;
	s0 =	simm.s32 $0x100  }
0x1e: {  	v0 =	vimm.f32 $0.0e+00;
	s1 =	simm.s32 $0x6800;
	s7 =	simm.s32 $0x8800;
	s9 =	simm.s32 $0x5  }
.LBB2_1:
0x1f: {  	s20 =	simm.s32 $0x0;
	s21 =	simm.s32 $0x200  }
.LBB2_2:
0x20: {  	p0 =	sne.s32 s21, $0x7E00;
	[tilespmem:s20+$0x2870] =	vst v0  }
0x21: {  	[tilespmem:s20+$0x2800] =	vst v0  }
0x22: {  	[tilespmem:s20+$0x2810] =	vst v0  }
.Ltmp0:
0x23: {  	[tilespmem:s20+$0x2820] =	vst v0;
	(pc) =	sbr.rel @p0 .LBB2_2-.Ltmp0, $4  }
0x24: {  	[tilespmem:s20+$0x2830] =	vst v0  }
0x25: {  	[tilespmem:s20+$0x2840] =	vst v0  }
0x26: {  	[tilespmem:s20+$0x2850] =	vst v0  }
0x27: {  	[tilespmem:s20+$0x2860] =	vst v0;
	s20 =	sshra.s32 s21, $0x2;
	s21 =	sadd.s32 $0x200, s21  }
0x28: {  	[tilespmem:s20+$0x2870] =	vst v0  }
0x29: {  	[tilespmem:s20+$0x2800] =	vst v0  }
0x2a: {  	[tilespmem:s20+$0x2810] =	vst v0  }
0x2b: {  	[tilespmem:s20+$0x2820] =	vst v0  }
0x2c: {  	[tilespmem:s20+$0x2830] =	vst v0  }
0x2d: {  	[tilespmem:s20+$0x2840] =	vst v0  }
0x2e: {  	[tilespmem:s20+$0x2850] =	vst v0  }
0x2f: {  	[tilespmem:s20+$0x2860] =	vst v0  }
0x30: {  	[spmem:s5] =	stream.linear.scatter [tilespmem:s25], [sflag:$0x9], $0x2000, $0x38;
	[tilespmem:$0x1E800] =	vst v63  }
0x31: {  	_ =	swait.ge [sflag:s26], $0x2000  }
0x32: {  	[sflag:s26] =	ssyncset.done $0x0  }
0x33: {  	s21 =	rddreg [dreg:$0x4];
	[sflag:s26] =	ssyncadd.s32 $0xFFFFE000  }
0x34: {  	[spmem:s21] =	stream.linear.scatter [tilespmem:s25], [sflag:$0x9], $0x2000, $0x38;
	[tilespmem:$0x1E800] =	vst v63  }
0x35: {  	_ =	swait.ge [sflag:s26], $0x2000  }
0x36: {  	[sflag:s26] =	ssyncset.done $0x0  }
0x37: {  	s22 =	rddreg [dreg:$0x5];
	[sflag:s26] =	ssyncadd.s32 $0xFFFFE000  }
0x38: {  	[spmem:s22] =	stream.linear.scatter [tilespmem:s25], [sflag:$0x9], $0x2000, $0x38;
	[tilespmem:$0x1E800] =	vst v63  }
0x39: {  	_ =	swait.ge [sflag:s26], $0x2000  }
0x3a: {  	[sflag:s26] =	ssyncset.done $0x0  }
0x3b: {  	s21 =	rddreg [dreg:$0x6];
	[sflag:s26] =	ssyncadd.s32 $0xFFFFE000  }
0x3c: {  	[spmem:s21] =	stream.linear.scatter [tilespmem:s25], [sflag:$0x9], $0x2000, $0x38;
	[tilespmem:$0x1E800] =	vst v63  }
0x3d: {  	_ =	swait.ge [sflag:s26], $0x2000  }
0x3e: {  	[sflag:s26] =	ssyncset.done $0x0  }
0x3f: {  	s22 =	rddreg [dreg:$0x7];
	[sflag:s26] =	ssyncadd.s32 $0xFFFFE000  }
0x40: {  	[spmem:s22] =	stream.linear.scatter [tilespmem:s25], [sflag:$0x9], $0x2000, $0x38;
	[tilespmem:$0x1E800] =	vst v63  }
0x41: {  	_ =	swait.ge [sflag:s26], $0x2000  }
0x42: {  	[sflag:s26] =	ssyncset.done $0x0  }
0x43: {  	s21 =	rddreg [dreg:$0x8];
	[sflag:s26] =	ssyncadd.s32 $0xFFFFE000  }
0x44: {  	[spmem:s21] =	stream.linear.scatter [tilespmem:s25], [sflag:$0x9], $0x2000, $0x38;
	[tilespmem:$0x1E800] =	vst v63  }
0x45: {  	_ =	swait.ge [sflag:s26], $0x2000  }
0x46: {  	[sflag:s26] =	ssyncset.done $0x0  }
0x47: {  	s22 =	rddreg [dreg:$0x9];
	[sflag:s26] =	ssyncadd.s32 $0xFFFFE000  }
0x48: {  	[spmem:s22] =	stream.linear.scatter [tilespmem:s25], [sflag:$0x9], $0x2000, $0x38;
	[tilespmem:$0x1E800] =	vst v63  }
0x49: {  	_ =	swait.ge [sflag:s26], $0x2000  }
0x4a: {  	[sflag:s26] =	ssyncset.done $0x0  }
0x4b: {  	s21 =	rddreg [dreg:$0xa];
	[sflag:s26] =	ssyncadd.s32 $0xFFFFE000  }
0x4c: {  	[spmem:s21] =	stream.linear.scatter [tilespmem:s25], [sflag:$0x9], $0x2000, $0x38;
	[tilespmem:$0x1E800] =	vst v63  }
0x4d: {  	_ =	swait.ge [sflag:s26], $0x2000  }
0x4e: {  	[sflag:s26] =	ssyncset.done $0x0  }
0x4f: {  	s22 =	rddreg [dreg:$0xb];
	[sflag:s26] =	ssyncadd.s32 $0xFFFFE000  }
0x50: {  	[spmem:s22] =	stream.linear.scatter [tilespmem:s25], [sflag:$0x9], $0x2000, $0x38;
	[tilespmem:$0x1E800] =	vst v63  }
0x51: {  	_ =	swait.ge [sflag:s26], $0x2000  }
0x52: {  	[sflag:s26] =	ssyncset.done $0x0  }
0x53: {  	s21 =	rddreg [dreg:$0xc];
	[sflag:s26] =	ssyncadd.s32 $0xFFFFE000  }
0x54: {  	[spmem:s21] =	stream.linear.scatter [tilespmem:s25], [sflag:$0x9], $0x2000, $0x38;
	[tilespmem:$0x1E800] =	vst v63  }
0x55: {  	_ =	swait.ge [sflag:s26], $0x2000  }
0x56: {  	[sflag:s26] =	ssyncset.done $0x0  }
0x57: {  	[sflag:s26] =	ssyncadd.s32 $0xFFFFE000  }
0x58: {  	[bflag:$0x0] =	sbarrier.arrive $0xFFFF  }
0x59: {  	s20 =	simm.s32 $0x0;
	s21 =	rddreg [dreg:$0xd]  }
0x5a: {  	[tilespmem:s20], [sflag:$0x9] =	stream.linear.gather [hbm4b:s21+s20], $0x1400, $0x38;
	[tilespmem:$0x1E800] =	vst v63  }
0x5b: {  	_ =	swait.ge [sflag:s26], $0x1400  }
0x5c: {  	[sflag:s26] =	ssyncset.done $0x0  }
0x5d: {  	s22 =	rddreg [dreg:$0xe];
	[sflag:s26] =	ssyncadd.s32 $0xFFFFEC00  }
0x5e: {  	[tilespmem:s28], [sflag:$0x9] =	stream.linear.gather [hbm4b:s22+s20], $0x1400, $0x38;
	[tilespmem:$0x1E800] =	vst v63  }
0x5f: {  	_ =	swait.ge [sflag:s26], $0x1400  }
0x60: {  	[sflag:s26] =	ssyncset.done $0x0  }
0x61: {  	[sflag:s26] =	ssyncadd.s32 $0xFFFFEC00  }
0x62: {  	[tilespmem:s25], [sflag:$0x1] =	stream.indirect.gather [hbm4b:s2+s29], $0x80, s20, s29, $0xb8;
	[tilespmem:$0x1E800] =	vst v63  }
0x63: {  	_ = 	snop  }
0x64: {  	[tilespmem:s31], [sflag:$0x2] =	stream.indirect.gather [hbm4b:s2+s29], $0x80, s30, s29, $0xb8;
	[tilespmem:$0x1E800] =	vst v63  }
0x65: {  	_ = 	snop  }
0x66: {  	[tilespmem:s1], [sflag:$0x3] =	stream.indirect.gather [hbm4b:s2+s29], $0x80, s0, s29, $0xb8;
	[tilespmem:$0x1E800] =	vst v63  }
0x67: {  	_ = 	snop  }
0x68: {  	[tilespmem:s7], [sflag:$0x4] =	stream.indirect.gather [hbm4b:s2+s29], $0x80, s6, s29, $0xb8;
	[tilespmem:$0x1E800] =	vst v63  }
0x69: {  	_ =	swait.ge [sflag:s8], $0x2000  }
0x6a: {  	[sflag:s8] =	ssyncset.done $0x0  }
0x6b: {  	s22 =	simm.s32 $0x1400;
	[sflag:s8] =	ssyncadd.s32 $0xFFFFE000  }
0x6c: {  	[spmem:s3] =	stream.indirect.scatter.add.f32 [tilespmem:s25], [sflag:$0x5], $0x80, s22, s29, $0xb8;
	[tilespmem:$0x1E800] =	vst v63  }
0x6d: {  	_ =	swait.ge [sflag:s9], $0x2000  }
0x6e: {  	[sflag:s9] =	ssyncset.done $0x0  }
0x6f: {  	s21 =	simm.s32 $0x200;
	[sflag:s9] =	ssyncadd.s32 $0xFFFFE000  }
0x70: {  	[tilespmem:s25], [sflag:$0x1] =	stream.indirect.gather [hbm4b:s2+s29], $0x80, s21, s29, $0xb8;
	[tilespmem:$0x1E800] =	vst v63  }
0x71: {  	_ =	swait.ge [sflag:s10], $0x2000  }
0x72: {  	[sflag:s10] =	ssyncset.done $0x0  }
0x73: {  	s22 =	simm.s32 $0x1480;
	[sflag:s10] =	ssyncadd.s32 $0xFFFFE000  }
0x74: {  	[spmem:s3] =	stream.indirect.scatter.add.f32 [tilespmem:s31], [sflag:$0x6], $0x80, s22, s29, $0xb8;
	[tilespmem:$0x1E800] =	vst v63  }
0x75: {  	_ =	swait.ge [sflag:s11], $0x2000  }
0x76: {  	[sflag:s11] =	ssyncset.done $0x0  }
0x77: {  	s21 =	simm.s32 $0x280;
	[sflag:s11] =	ssyncadd.s32 $0xFFFFE000  }
0x78: {  	[tilespmem:s31], [sflag:$0x2] =	stream.indirect.gather [hbm4b:s2+s29], $0x80, s21, s29, $0xb8;
	[tilespmem:$0x1E800] =	vst v63  }
0x79: {  	_ =	swait.ge [sflag:s12], $0x2000  }
0x7a: {  	[sflag:s12] =	ssyncset.done $0x0  }
0x7b: {  	s22 =	simm.s32 $0x1500;
	[sflag:s12] =	ssyncadd.s32 $0xFFFFE000  }
0x7c: {  	[spmem:s3] =	stream.indirect.scatter.add.f32 [tilespmem:s1], [sflag:$0x7], $0x80, s22, s29, $0xb8;
	[tilespmem:$0x1E800] =	vst v63  }
0x7d: {  	_ =	swait.ge [sflag:s13], $0x2000  }
0x7e: {  	[sflag:s13] =	ssyncset.done $0x0  }
0x7f: {  	s21 =	simm.s32 $0x300;
	[sflag:s13] =	ssyncadd.s32 $0xFFFFE000  }
0x80: {  	[tilespmem:s1], [sflag:$0x3] =	stream.indirect.gather [hbm4b:s2+s29], $0x80, s21, s29, $0xb8;
	[tilespmem:$0x1E800] =	vst v63  }
0x81: {  	_ =	swait.ge [sflag:s14], $0x2000  }
0x82: {  	[sflag:s14] =	ssyncset.done $0x0  }
0x83: {  	s22 =	simm.s32 $0x1580;
	[sflag:s14] =	ssyncadd.s32 $0xFFFFE000  }
0x84: {  	[spmem:s3] =	stream.indirect.scatter.add.f32 [tilespmem:s7], [sflag:$0x8], $0x80, s22, s29, $0xb8;
	[tilespmem:$0x1E800] =	vst v63  }
0x85: {  	_ =	swait.ge [sflag:s15], $0x2000  }
0x86: {  	[sflag:s15] =	ssyncset.done $0x0  }
0x87: {  	s20 =	simm.s32 $0x800;
	s21 =	simm.s32 $0x380;
	[sflag:s15] =	ssyncadd.s32 $0xFFFFE000  }
.LBB2_4:
0x88: {  	[tilespmem:s7], [sflag:$0x4] =	stream.indirect.gather [hbm4b:s2+s29], $0x80, s21, s29, $0xb8;
	[tilespmem:$0x1E800] =	vst v63  }
0x89: {  	s21 =	smov.u32 s20  }
0x8a: {  	p0 =	sne.s32 s20, $0x4000;
	s20 =	sadd.s32 $0x800, s20;
	_ =	swait.ge [sflag:s8], $0x2000  }
0x8b: {  	s21 =	sshra.s32 s21, $0x2;
	[sflag:s8] =	ssyncset.done $0x0  }
0x8c: {  	s22 =	sadd.s32 $0x1400, s21;
	[sflag:s8] =	ssyncadd.s32 $0xFFFFE000  }
0x8d: {  	[spmem:s3] =	stream.indirect.scatter.add.f32 [tilespmem:s25], [sflag:$0x5], $0x80, s22, s29, $0xb8;
	[tilespmem:$0x1E800] =	vst v63  }
0x8e: {  	_ =	swait.ge [sflag:s9], $0x2000  }
0x8f: {  	[sflag:s9] =	ssyncset.done $0x0  }
0x90: {  	s22 =	sadd.s32 $0x200, s21;
	[sflag:s9] =	ssyncadd.s32 $0xFFFFE000  }
0x91: {  	[tilespmem:s25], [sflag:$0x1] =	stream.indirect.gather [hbm4b:s2+s29], $0x80, s22, s29, $0xb8;
	[tilespmem:$0x1E800] =	vst v63  }
0x92: {  	_ =	swait.ge [sflag:s10], $0x2000  }
0x93: {  	[sflag:s10] =	ssyncset.done $0x0  }
0x94: {  	s22 =	sadd.s32 $0x1480, s21;
	[sflag:s10] =	ssyncadd.s32 $0xFFFFE000  }
0x95: {  	[spmem:s3] =	stream.indirect.scatter.add.f32 [tilespmem:s31], [sflag:$0x6], $0x80, s22, s29, $0xb8;
	[tilespmem:$0x1E800] =	vst v63  }
0x96: {  	_ =	swait.ge [sflag:s11], $0x2000  }
0x97: {  	[sflag:s11] =	ssyncset.done $0x0  }
0x98: {  	s22 =	sadd.s32 $0x280, s21;
	[sflag:s11] =	ssyncadd.s32 $0xFFFFE000  }
0x99: {  	[tilespmem:s31], [sflag:$0x2] =	stream.indirect.gather [hbm4b:s2+s29], $0x80, s22, s29, $0xb8;
	[tilespmem:$0x1E800] =	vst v63  }
0x9a: {  	_ =	swait.ge [sflag:s12], $0x2000  }
0x9b: {  	[sflag:s12] =	ssyncset.done $0x0  }
0x9c: {  	s22 =	sadd.s32 $0x1500, s21;
	[sflag:s12] =	ssyncadd.s32 $0xFFFFE000  }
0x9d: {  	[spmem:s3] =	stream.indirect.scatter.add.f32 [tilespmem:s1], [sflag:$0x7], $0x80, s22, s29, $0xb8;
	[tilespmem:$0x1E800] =	vst v63  }
0x9e: {  	_ =	swait.ge [sflag:s13], $0x2000  }
0x9f: {  	[sflag:s13] =	ssyncset.done $0x0  }
0xa0: {  	s22 =	sadd.s32 $0x300, s21;
	[sflag:s13] =	ssyncadd.s32 $0xFFFFE000  }
0xa1: {  	[tilespmem:s1], [sflag:$0x3] =	stream.indirect.gather [hbm4b:s2+s29], $0x80, s22, s29, $0xb8;
	[tilespmem:$0x1E800] =	vst v63  }
0xa2: {  	_ =	swait.ge [sflag:s14], $0x2000  }
0xa3: {  	[sflag:s14] =	ssyncset.done $0x0  }
.Ltmp1:
0xa4: {  	s22 =	sadd.s32 $0x1580, s21;
	[sflag:s14] =	ssyncadd.s32 $0xFFFFE000;
	(pc) =	sbr.rel @p0 .LBB2_4-.Ltmp1, $4  }
0xa5: {  	[spmem:s3] =	stream.indirect.scatter.add.f32 [tilespmem:s7], [sflag:$0x8], $0x80, s22, s29, $0xb8;
	[tilespmem:$0x1E800] =	vst v63  }
0xa6: {  	_ =	swait.ge [sflag:s15], $0x2000  }
0xa7: {  	[sflag:s15] =	ssyncset.done $0x0  }
0xa8: {  	s21 =	sadd.s32 $0x380, s21;
	[sflag:s15] =	ssyncadd.s32 $0xFFFFE000  }
0xa9: {  	[tilespmem:s7], [sflag:$0x4] =	stream.indirect.gather [hbm4b:s2+s29], $0x80, s21, s29, $0xb8;
	[tilespmem:$0x1E800] =	vst v63  }
0xaa: {  	_ =	swait.ge [sflag:s8], $0x2000  }
0xab: {  	[sflag:s8] =	ssyncset.done $0x0  }
0xac: {  	[sflag:s8] =	ssyncadd.s32 $0xFFFFE000  }
0xad: {  	[spmem:s3] =	stream.indirect.scatter.add.f32 [tilespmem:s25], [sflag:$0x5], $0x80, s16, s29, $0xb8;
	[tilespmem:$0x1E800] =	vst v63  }
0xae: {  	_ =	swait.ge [sflag:s10], $0x2000  }
0xaf: {  	[sflag:s10] =	ssyncset.done $0x0  }
0xb0: {  	[sflag:s10] =	ssyncadd.s32 $0xFFFFE000  }
0xb1: {  	[spmem:s3] =	stream.indirect.scatter.add.f32 [tilespmem:s31], [sflag:$0x6], $0x80, s17, s29, $0xb8;
	[tilespmem:$0x1E800] =	vst v63  }
0xb2: {  	_ =	swait.ge [sflag:s12], $0x2000  }
0xb3: {  	[sflag:s12] =	ssyncset.done $0x0  }
0xb4: {  	[sflag:s12] =	ssyncadd.s32 $0xFFFFE000  }
0xb5: {  	[spmem:s3] =	stream.indirect.scatter.add.f32 [tilespmem:s1], [sflag:$0x7], $0x80, s18, s29, $0xb8;
	[tilespmem:$0x1E800] =	vst v63  }
0xb6: {  	_ =	swait.ge [sflag:s14], $0x2000  }
0xb7: {  	[sflag:s14] =	ssyncset.done $0x0  }
0xb8: {  	[sflag:s14] =	ssyncadd.s32 $0xFFFFE000  }
0xb9: {  	[spmem:s3] =	stream.indirect.scatter.add.f32 [tilespmem:s7], [sflag:$0x8], $0x80, s19, s29, $0xb8;
	[tilespmem:$0x1E800] =	vst v63  }
0xba: {  	_ =	swait.ge [sflag:s9], $0x2000  }
0xbb: {  	[sflag:s9] =	ssyncset.done $0x0  }
0xbc: {  	[sflag:s9] =	ssyncadd.s32 $0xFFFFE000  }
0xbd: {  	_ =	swait.ge [sflag:s11], $0x2000  }
0xbe: {  	[sflag:s11] =	ssyncset.done $0x0  }
0xbf: {  	[sflag:s11] =	ssyncadd.s32 $0xFFFFE000  }
0xc0: {  	_ =	swait.ge [sflag:s13], $0x2000  }
0xc1: {  	[sflag:s13] =	ssyncset.done $0x0  }
0xc2: {  	[sflag:s13] =	ssyncadd.s32 $0xFFFFE000  }
0xc3: {  	_ =	swait.ge [sflag:s15], $0x2000  }
0xc4: {  	[sflag:s15] =	ssyncset.done $0x0  }
0xc5: {  	s20 =	simm.s32 $0x0;
	s22 =	rddreg [dreg:$0xf];
	[sflag:s15] =	ssyncadd.s32 $0xFFFFE000  }
0xc6: {  	[tilespmem:s20], [sflag:$0x9] =	stream.linear.gather [hbm4b:s22+s20], $0x1400, $0x38;
	[tilespmem:$0x1E800] =	vst v63  }
0xc7: {  	_ =	swait.ge [sflag:s26], $0x1400  }
0xc8: {  	[sflag:s26] =	ssyncset.done $0x0  }
0xc9: {  	s22 =	rddreg [dreg:$0x10];
	[sflag:s26] =	ssyncadd.s32 $0xFFFFEC00  }
0xca: {  	[tilespmem:s28], [sflag:$0x9] =	stream.linear.gather [hbm4b:s22+s20], $0x1400, $0x38;
	[tilespmem:$0x1E800] =	vst v63  }
0xcb: {  	_ =	swait.ge [sflag:s26], $0x1400  }
0xcc: {  	[sflag:s26] =	ssyncset.done $0x0  }
0xcd: {  	[sflag:s26] =	ssyncadd.s32 $0xFFFFEC00  }
0xce: {  	[tilespmem:s25], [sflag:$0x1] =	stream.indirect.gather [hbm4b:s2+s29], $0x80, s20, s29, $0xb8;
	[tilespmem:$0x1E800] =	vst v63  }
0xcf: {  	_ = 	snop  }
0xd0: {  	[tilespmem:s31], [sflag:$0x2] =	stream.indirect.gather [hbm4b:s2+s29], $0x80, s30, s29, $0xb8;
	[tilespmem:$0x1E800] =	vst v63  }
0xd1: {  	_ = 	snop  }
0xd2: {  	[tilespmem:s1], [sflag:$0x3] =	stream.indirect.gather [hbm4b:s2+s29], $0x80, s0, s29, $0xb8;
	[tilespmem:$0x1E800] =	vst v63  }
0xd3: {  	_ = 	snop  }
0xd4: {  	[tilespmem:s7], [sflag:$0x4] =	stream.indirect.gather [hbm4b:s2+s29], $0x80, s6, s29, $0xb8;
	[tilespmem:$0x1E800] =	vst v63  }
0xd5: {  	_ =	swait.ge [sflag:s8], $0x2000  }
0xd6: {  	[sflag:s8] =	ssyncset.done $0x0  }
0xd7: {  	s22 =	simm.s32 $0x1400;
	[sflag:s8] =	ssyncadd.s32 $0xFFFFE000  }
0xd8: {  	[spmem:s3] =	stream.indirect.scatter.add.f32 [tilespmem:s25], [sflag:$0x5], $0x80, s22, s29, $0xb8;
	[tilespmem:$0x1E800] =	vst v63  }
0xd9: {  	_ =	swait.ge [sflag:s9], $0x2000  }
0xda: {  	[sflag:s9] =	ssyncset.done $0x0  }
0xdb: {  	s21 =	simm.s32 $0x200;
	[sflag:s9] =	ssyncadd.s32 $0xFFFFE000  }
0xdc: {  	[tilespmem:s25], [sflag:$0x1] =	stream.indirect.gather [hbm4b:s2+s29], $0x80, s21, s29, $0xb8;
	[tilespmem:$0x1E800] =	vst v63  }
0xdd: {  	_ =	swait.ge [sflag:s10], $0x2000  }
0xde: {  	[sflag:s10] =	ssyncset.done $0x0  }
0xdf: {  	s22 =	simm.s32 $0x1480;
	[sflag:s10] =	ssyncadd.s32 $0xFFFFE000  }
0xe0: {  	[spmem:s3] =	stream.indirect.scatter.add.f32 [tilespmem:s31], [sflag:$0x6], $0x80, s22, s29, $0xb8;
	[tilespmem:$0x1E800] =	vst v63  }
0xe1: {  	_ =	swait.ge [sflag:s11], $0x2000  }
0xe2: {  	[sflag:s11] =	ssyncset.done $0x0  }
0xe3: {  	s21 =	simm.s32 $0x280;
	[sflag:s11] =	ssyncadd.s32 $0xFFFFE000  }
0xe4: {  	[tilespmem:s31], [sflag:$0x2] =	stream.indirect.gather [hbm4b:s2+s29], $0x80, s21, s29, $0xb8;
	[tilespmem:$0x1E800] =	vst v63  }
0xe5: {  	_ =	swait.ge [sflag:s12], $0x2000  }
0xe6: {  	[sflag:s12] =	ssyncset.done $0x0  }
0xe7: {  	s22 =	simm.s32 $0x1500;
	[sflag:s12] =	ssyncadd.s32 $0xFFFFE000  }
0xe8: {  	[spmem:s3] =	stream.indirect.scatter.add.f32 [tilespmem:s1], [sflag:$0x7], $0x80, s22, s29, $0xb8;
	[tilespmem:$0x1E800] =	vst v63  }
0xe9: {  	_ =	swait.ge [sflag:s13], $0x2000  }
0xea: {  	[sflag:s13] =	ssyncset.done $0x0  }
0xeb: {  	s21 =	simm.s32 $0x300;
	[sflag:s13] =	ssyncadd.s32 $0xFFFFE000  }
0xec: {  	[tilespmem:s1], [sflag:$0x3] =	stream.indirect.gather [hbm4b:s2+s29], $0x80, s21, s29, $0xb8;
	[tilespmem:$0x1E800] =	vst v63  }
0xed: {  	_ =	swait.ge [sflag:s14], $0x2000  }
0xee: {  	[sflag:s14] =	ssyncset.done $0x0  }
0xef: {  	s22 =	simm.s32 $0x1580;
	[sflag:s14] =	ssyncadd.s32 $0xFFFFE000  }
0xf0: {  	[spmem:s3] =	stream.indirect.scatter.add.f32 [tilespmem:s7], [sflag:$0x8], $0x80, s22, s29, $0xb8;
	[tilespmem:$0x1E800] =	vst v63  }
0xf1: {  	_ =	swait.ge [sflag:s15], $0x2000  }
0xf2: {  	[sflag:s15] =	ssyncset.done $0x0  }
0xf3: {  	s20 =	simm.s32 $0x800;
	s21 =	simm.s32 $0x380;
	[sflag:s15] =	ssyncadd.s32 $0xFFFFE000  }
.LBB2_6:
0xf4: {  	[tilespmem:s7], [sflag:$0x4] =	stream.indirect.gather [hbm4b:s2+s29], $0x80, s21, s29, $0xb8;
	[tilespmem:$0x1E800] =	vst v63  }
0xf5: {  	s21 =	smov.u32 s20  }
0xf6: {  	p0 =	sne.s32 s20, $0x4000;
	s20 =	sadd.s32 $0x800, s20;
	_ =	swait.ge [sflag:s8], $0x2000  }
0xf7: {  	s21 =	sshra.s32 s21, $0x2;
	[sflag:s8] =	ssyncset.done $0x0  }
0xf8: {  	s22 =	sadd.s32 $0x1400, s21;
	[sflag:s8] =	ssyncadd.s32 $0xFFFFE000  }
0xf9: {  	[spmem:s3] =	stream.indirect.scatter.add.f32 [tilespmem:s25], [sflag:$0x5], $0x80, s22, s29, $0xb8;
	[tilespmem:$0x1E800] =	vst v63  }
0xfa: {  	_ =	swait.ge [sflag:s9], $0x2000  }
0xfb: {  	[sflag:s9] =	ssyncset.done $0x0  }
0xfc: {  	s22 =	sadd.s32 $0x200, s21;
	[sflag:s9] =	ssyncadd.s32 $0xFFFFE000  }
0xfd: {  	[tilespmem:s25], [sflag:$0x1] =	stream.indirect.gather [hbm4b:s2+s29], $0x80, s22, s29, $0xb8;
	[tilespmem:$0x1E800] =	vst v63  }
0xfe: {  	_ =	swait.ge [sflag:s10], $0x2000  }
0xff: {  	[sflag:s10] =	ssyncset.done $0x0  }
0x100: {  	s22 =	sadd.s32 $0x1480, s21;
	[sflag:s10] =	ssyncadd.s32 $0xFFFFE000  }
0x101: {  	[spmem:s3] =	stream.indirect.scatter.add.f32 [tilespmem:s31], [sflag:$0x6], $0x80, s22, s29, $0xb8;
	[tilespmem:$0x1E800] =	vst v63  }
0x102: {  	_ =	swait.ge [sflag:s11], $0x2000  }
0x103: {  	[sflag:s11] =	ssyncset.done $0x0  }
0x104: {  	s22 =	sadd.s32 $0x280, s21;
	[sflag:s11] =	ssyncadd.s32 $0xFFFFE000  }
0x105: {  	[tilespmem:s31], [sflag:$0x2] =	stream.indirect.gather [hbm4b:s2+s29], $0x80, s22, s29, $0xb8;
	[tilespmem:$0x1E800] =	vst v63  }
0x106: {  	_ =	swait.ge [sflag:s12], $0x2000  }
0x107: {  	[sflag:s12] =	ssyncset.done $0x0  }
0x108: {  	s22 =	sadd.s32 $0x1500, s21;
	[sflag:s12] =	ssyncadd.s32 $0xFFFFE000  }
0x109: {  	[spmem:s3] =	stream.indirect.scatter.add.f32 [tilespmem:s1], [sflag:$0x7], $0x80, s22, s29, $0xb8;
	[tilespmem:$0x1E800] =	vst v63  }
0x10a: {  	_ =	swait.ge [sflag:s13], $0x2000  }
0x10b: {  	[sflag:s13] =	ssyncset.done $0x0  }
0x10c: {  	s22 =	sadd.s32 $0x300, s21;
	[sflag:s13] =	ssyncadd.s32 $0xFFFFE000  }
0x10d: {  	[tilespmem:s1], [sflag:$0x3] =	stream.indirect.gather [hbm4b:s2+s29], $0x80, s22, s29, $0xb8;
	[tilespmem:$0x1E800] =	vst v63  }
0x10e: {  	_ =	swait.ge [sflag:s14], $0x2000  }
0x10f: {  	[sflag:s14] =	ssyncset.done $0x0  }
.Ltmp2:
0x110: {  	s22 =	sadd.s32 $0x1580, s21;
	[sflag:s14] =	ssyncadd.s32 $0xFFFFE000;
	(pc) =	sbr.rel @p0 .LBB2_6-.Ltmp2, $4  }
0x111: {  	[spmem:s3] =	stream.indirect.scatter.add.f32 [tilespmem:s7], [sflag:$0x8], $0x80, s22, s29, $0xb8;
	[tilespmem:$0x1E800] =	vst v63  }
0x112: {  	_ =	swait.ge [sflag:s15], $0x2000  }
0x113: {  	[sflag:s15] =	ssyncset.done $0x0  }
0x114: {  	s21 =	sadd.s32 $0x380, s21;
	[sflag:s15] =	ssyncadd.s32 $0xFFFFE000  }
0x115: {  	[tilespmem:s7], [sflag:$0x4] =	stream.indirect.gather [hbm4b:s2+s29], $0x80, s21, s29, $0xb8;
	[tilespmem:$0x1E800] =	vst v63  }
0x116: {  	_ =	swait.ge [sflag:s8], $0x2000  }
0x117: {  	[sflag:s8] =	ssyncset.done $0x0  }
0x118: {  	[sflag:s8] =	ssyncadd.s32 $0xFFFFE000  }
0x119: {  	[spmem:s3] =	stream.indirect.scatter.add.f32 [tilespmem:s25], [sflag:$0x5], $0x80, s16, s29, $0xb8;
	[tilespmem:$0x1E800] =	vst v63  }
0x11a: {  	_ =	swait.ge [sflag:s10], $0x2000  }
0x11b: {  	[sflag:s10] =	ssyncset.done $0x0  }
0x11c: {  	[sflag:s10] =	ssyncadd.s32 $0xFFFFE000  }
0x11d: {  	[spmem:s3] =	stream.indirect.scatter.add.f32 [tilespmem:s31], [sflag:$0x6], $0x80, s17, s29, $0xb8;
	[tilespmem:$0x1E800] =	vst v63  }
0x11e: {  	_ =	swait.ge [sflag:s12], $0x2000  }
0x11f: {  	[sflag:s12] =	ssyncset.done $0x0  }
0x120: {  	[sflag:s12] =	ssyncadd.s32 $0xFFFFE000  }
0x121: {  	[spmem:s3] =	stream.indirect.scatter.add.f32 [tilespmem:s1], [sflag:$0x7], $0x80, s18, s29, $0xb8;
	[tilespmem:$0x1E800] =	vst v63  }
0x122: {  	_ =	swait.ge [sflag:s14], $0x2000  }
0x123: {  	[sflag:s14] =	ssyncset.done $0x0  }
0x124: {  	[sflag:s14] =	ssyncadd.s32 $0xFFFFE000  }
0x125: {  	[spmem:s3] =	stream.indirect.scatter.add.f32 [tilespmem:s7], [sflag:$0x8], $0x80, s19, s29, $0xb8;
	[tilespmem:$0x1E800] =	vst v63  }
0x126: {  	_ =	swait.ge [sflag:s9], $0x2000  }
0x127: {  	[sflag:s9] =	ssyncset.done $0x0  }
0x128: {  	[sflag:s9] =	ssyncadd.s32 $0xFFFFE000  }
0x129: {  	_ =	swait.ge [sflag:s11], $0x2000  }
0x12a: {  	[sflag:s11] =	ssyncset.done $0x0  }
0x12b: {  	[sflag:s11] =	ssyncadd.s32 $0xFFFFE000  }
0x12c: {  	_ =	swait.ge [sflag:s13], $0x2000  }
0x12d: {  	[sflag:s13] =	ssyncset.done $0x0  }
0x12e: {  	[sflag:s13] =	ssyncadd.s32 $0xFFFFE000  }
0x12f: {  	_ =	swait.ge [sflag:s15], $0x2000  }
0x130: {  	[sflag:s15] =	ssyncset.done $0x0  }
0x131: {  	s20 =	simm.s32 $0x0;
	s22 =	rddreg [dreg:$0x11];
	[sflag:s15] =	ssyncadd.s32 $0xFFFFE000  }
0x132: {  	[tilespmem:s20], [sflag:$0x9] =	stream.linear.gather [hbm4b:s22+s20], $0x1400, $0x38;
	[tilespmem:$0x1E800] =	vst v63  }
0x133: {  	_ =	swait.ge [sflag:s26], $0x1400  }
0x134: {  	[sflag:s26] =	ssyncset.done $0x0  }
0x135: {  	s22 =	rddreg [dreg:$0x12];
	[sflag:s26] =	ssyncadd.s32 $0xFFFFEC00  }
0x136: {  	[tilespmem:s28], [sflag:$0x9] =	stream.linear.gather [hbm4b:s22+s20], $0x1400, $0x38;
	[tilespmem:$0x1E800] =	vst v63  }
0x137: {  	_ =	swait.ge [sflag:s26], $0x1400  }
0x138: {  	[sflag:s26] =	ssyncset.done $0x0  }
0x139: {  	[sflag:s26] =	ssyncadd.s32 $0xFFFFEC00  }
0x13a: {  	[tilespmem:s25], [sflag:$0x1] =	stream.indirect.gather [hbm4b:s2+s29], $0x80, s20, s29, $0xb8;
	[tilespmem:$0x1E800] =	vst v63  }
0x13b: {  	_ = 	snop  }
0x13c: {  	[tilespmem:s31], [sflag:$0x2] =	stream.indirect.gather [hbm4b:s2+s29], $0x80, s30, s29, $0xb8;
	[tilespmem:$0x1E800] =	vst v63  }
0x13d: {  	_ = 	snop  }
0x13e: {  	[tilespmem:s1], [sflag:$0x3] =	stream.indirect.gather [hbm4b:s2+s29], $0x80, s0, s29, $0xb8;
	[tilespmem:$0x1E800] =	vst v63  }
0x13f: {  	_ = 	snop  }
0x140: {  	[tilespmem:s7], [sflag:$0x4] =	stream.indirect.gather [hbm4b:s2+s29], $0x80, s6, s29, $0xb8;
	[tilespmem:$0x1E800] =	vst v63  }
0x141: {  	_ =	swait.ge [sflag:s8], $0x2000  }
0x142: {  	[sflag:s8] =	ssyncset.done $0x0  }
0x143: {  	s22 =	simm.s32 $0x1400;
	[sflag:s8] =	ssyncadd.s32 $0xFFFFE000  }
0x144: {  	[spmem:s3] =	stream.indirect.scatter.add.f32 [tilespmem:s25], [sflag:$0x5], $0x80, s22, s29, $0xb8;
	[tilespmem:$0x1E800] =	vst v63  }
0x145: {  	_ =	swait.ge [sflag:s9], $0x2000  }
0x146: {  	[sflag:s9] =	ssyncset.done $0x0  }
0x147: {  	s21 =	simm.s32 $0x200;
	[sflag:s9] =	ssyncadd.s32 $0xFFFFE000  }
0x148: {  	[tilespmem:s25], [sflag:$0x1] =	stream.indirect.gather [hbm4b:s2+s29], $0x80, s21, s29, $0xb8;
	[tilespmem:$0x1E800] =	vst v63  }
0x149: {  	_ =	swait.ge [sflag:s10], $0x2000  }
0x14a: {  	[sflag:s10] =	ssyncset.done $0x0  }
0x14b: {  	s22 =	simm.s32 $0x1480;
	[sflag:s10] =	ssyncadd.s32 $0xFFFFE000  }
0x14c: {  	[spmem:s3] =	stream.indirect.scatter.add.f32 [tilespmem:s31], [sflag:$0x6], $0x80, s22, s29, $0xb8;
	[tilespmem:$0x1E800] =	vst v63  }
0x14d: {  	_ =	swait.ge [sflag:s11], $0x2000  }
0x14e: {  	[sflag:s11] =	ssyncset.done $0x0  }
0x14f: {  	s21 =	simm.s32 $0x280;
	[sflag:s11] =	ssyncadd.s32 $0xFFFFE000  }
0x150: {  	[tilespmem:s31], [sflag:$0x2] =	stream.indirect.gather [hbm4b:s2+s29], $0x80, s21, s29, $0xb8;
	[tilespmem:$0x1E800] =	vst v63  }
0x151: {  	_ =	swait.ge [sflag:s12], $0x2000  }
0x152: {  	[sflag:s12] =	ssyncset.done $0x0  }
0x153: {  	s22 =	simm.s32 $0x1500;
	[sflag:s12] =	ssyncadd.s32 $0xFFFFE000  }
0x154: {  	[spmem:s3] =	stream.indirect.scatter.add.f32 [tilespmem:s1], [sflag:$0x7], $0x80, s22, s29, $0xb8;
	[tilespmem:$0x1E800] =	vst v63  }
0x155: {  	_ =	swait.ge [sflag:s13], $0x2000  }
0x156: {  	[sflag:s13] =	ssyncset.done $0x0  }
0x157: {  	s21 =	simm.s32 $0x300;
	[sflag:s13] =	ssyncadd.s32 $0xFFFFE000  }
0x158: {  	[tilespmem:s1], [sflag:$0x3] =	stream.indirect.gather [hbm4b:s2+s29], $0x80, s21, s29, $0xb8;
	[tilespmem:$0x1E800] =	vst v63  }
0x159: {  	_ =	swait.ge [sflag:s14], $0x2000  }
0x15a: {  	[sflag:s14] =	ssyncset.done $0x0  }
0x15b: {  	s22 =	simm.s32 $0x1580;
	[sflag:s14] =	ssyncadd.s32 $0xFFFFE000  }
0x15c: {  	[spmem:s3] =	stream.indirect.scatter.add.f32 [tilespmem:s7], [sflag:$0x8], $0x80, s22, s29, $0xb8;
	[tilespmem:$0x1E800] =	vst v63  }
0x15d: {  	_ =	swait.ge [sflag:s15], $0x2000  }
0x15e: {  	[sflag:s15] =	ssyncset.done $0x0  }
0x15f: {  	s20 =	simm.s32 $0x800;
	s21 =	simm.s32 $0x380;
	[sflag:s15] =	ssyncadd.s32 $0xFFFFE000  }
.LBB2_8:
0x160: {  	[tilespmem:s7], [sflag:$0x4] =	stream.indirect.gather [hbm4b:s2+s29], $0x80, s21, s29, $0xb8;
	[tilespmem:$0x1E800] =	vst v63  }
0x161: {  	s21 =	smov.u32 s20  }
0x162: {  	p0 =	sne.s32 s20, $0x4000;
	s20 =	sadd.s32 $0x800, s20;
	_ =	swait.ge [sflag:s8], $0x2000  }
0x163: {  	s21 =	sshra.s32 s21, $0x2;
	[sflag:s8] =	ssyncset.done $0x0  }
0x164: {  	s22 =	sadd.s32 $0x1400, s21;
	[sflag:s8] =	ssyncadd.s32 $0xFFFFE000  }
0x165: {  	[spmem:s3] =	stream.indirect.scatter.add.f32 [tilespmem:s25], [sflag:$0x5], $0x80, s22, s29, $0xb8;
	[tilespmem:$0x1E800] =	vst v63  }
0x166: {  	_ =	swait.ge [sflag:s9], $0x2000  }
0x167: {  	[sflag:s9] =	ssyncset.done $0x0  }
0x168: {  	s22 =	sadd.s32 $0x200, s21;
	[sflag:s9] =	ssyncadd.s32 $0xFFFFE000  }
0x169: {  	[tilespmem:s25], [sflag:$0x1] =	stream.indirect.gather [hbm4b:s2+s29], $0x80, s22, s29, $0xb8;
	[tilespmem:$0x1E800] =	vst v63  }
0x16a: {  	_ =	swait.ge [sflag:s10], $0x2000  }
0x16b: {  	[sflag:s10] =	ssyncset.done $0x0  }
0x16c: {  	s22 =	sadd.s32 $0x1480, s21;
	[sflag:s10] =	ssyncadd.s32 $0xFFFFE000  }
0x16d: {  	[spmem:s3] =	stream.indirect.scatter.add.f32 [tilespmem:s31], [sflag:$0x6], $0x80, s22, s29, $0xb8;
	[tilespmem:$0x1E800] =	vst v63  }
0x16e: {  	_ =	swait.ge [sflag:s11], $0x2000  }
0x16f: {  	[sflag:s11] =	ssyncset.done $0x0  }
0x170: {  	s22 =	sadd.s32 $0x280, s21;
	[sflag:s11] =	ssyncadd.s32 $0xFFFFE000  }
0x171: {  	[tilespmem:s31], [sflag:$0x2] =	stream.indirect.gather [hbm4b:s2+s29], $0x80, s22, s29, $0xb8;
	[tilespmem:$0x1E800] =	vst v63  }
0x172: {  	_ =	swait.ge [sflag:s12], $0x2000  }
0x173: {  	[sflag:s12] =	ssyncset.done $0x0  }
0x174: {  	s22 =	sadd.s32 $0x1500, s21;
	[sflag:s12] =	ssyncadd.s32 $0xFFFFE000  }
0x175: {  	[spmem:s3] =	stream.indirect.scatter.add.f32 [tilespmem:s1], [sflag:$0x7], $0x80, s22, s29, $0xb8;
	[tilespmem:$0x1E800] =	vst v63  }
0x176: {  	_ =	swait.ge [sflag:s13], $0x2000  }
0x177: {  	[sflag:s13] =	ssyncset.done $0x0  }
0x178: {  	s22 =	sadd.s32 $0x300, s21;
	[sflag:s13] =	ssyncadd.s32 $0xFFFFE000  }
0x179: {  	[tilespmem:s1], [sflag:$0x3] =	stream.indirect.gather [hbm4b:s2+s29], $0x80, s22, s29, $0xb8;
	[tilespmem:$0x1E800] =	vst v63  }
0x17a: {  	_ =	swait.ge [sflag:s14], $0x2000  }
0x17b: {  	[sflag:s14] =	ssyncset.done $0x0  }
.Ltmp3:
0x17c: {  	s22 =	sadd.s32 $0x1580, s21;
	[sflag:s14] =	ssyncadd.s32 $0xFFFFE000;
	(pc) =	sbr.rel @p0 .LBB2_8-.Ltmp3, $4  }
0x17d: {  	[spmem:s3] =	stream.indirect.scatter.add.f32 [tilespmem:s7], [sflag:$0x8], $0x80, s22, s29, $0xb8;
	[tilespmem:$0x1E800] =	vst v63  }
0x17e: {  	_ =	swait.ge [sflag:s15], $0x2000  }
0x17f: {  	[sflag:s15] =	ssyncset.done $0x0  }
0x180: {  	s21 =	sadd.s32 $0x380, s21;
	[sflag:s15] =	ssyncadd.s32 $0xFFFFE000  }
0x181: {  	[tilespmem:s7], [sflag:$0x4] =	stream.indirect.gather [hbm4b:s2+s29], $0x80, s21, s29, $0xb8;
	[tilespmem:$0x1E800] =	vst v63  }
0x182: {  	_ =	swait.ge [sflag:s8], $0x2000  }
0x183: {  	[sflag:s8] =	ssyncset.done $0x0  }
0x184: {  	[sflag:s8] =	ssyncadd.s32 $0xFFFFE000  }
0x185: {  	[spmem:s3] =	stream.indirect.scatter.add.f32 [tilespmem:s25], [sflag:$0x5], $0x80, s16, s29, $0xb8;
	[tilespmem:$0x1E800] =	vst v63  }
0x186: {  	_ =	swait.ge [sflag:s10], $0x2000  }
0x187: {  	[sflag:s10] =	ssyncset.done $0x0  }
0x188: {  	[sflag:s10] =	ssyncadd.s32 $0xFFFFE000  }
0x189: {  	[spmem:s3] =	stream.indirect.scatter.add.f32 [tilespmem:s31], [sflag:$0x6], $0x80, s17, s29, $0xb8;
	[tilespmem:$0x1E800] =	vst v63  }
0x18a: {  	_ =	swait.ge [sflag:s12], $0x2000  }
0x18b: {  	[sflag:s12] =	ssyncset.done $0x0  }
0x18c: {  	[sflag:s12] =	ssyncadd.s32 $0xFFFFE000  }
0x18d: {  	[spmem:s3] =	stream.indirect.scatter.add.f32 [tilespmem:s1], [sflag:$0x7], $0x80, s18, s29, $0xb8;
	[tilespmem:$0x1E800] =	vst v63  }
0x18e: {  	_ =	swait.ge [sflag:s14], $0x2000  }
0x18f: {  	[sflag:s14] =	ssyncset.done $0x0  }
0x190: {  	[sflag:s14] =	ssyncadd.s32 $0xFFFFE000  }
0x191: {  	[spmem:s3] =	stream.indirect.scatter.add.f32 [tilespmem:s7], [sflag:$0x8], $0x80, s19, s29, $0xb8;
	[tilespmem:$0x1E800] =	vst v63  }
0x192: {  	_ =	swait.ge [sflag:s9], $0x2000  }
0x193: {  	[sflag:s9] =	ssyncset.done $0x0  }
0x194: {  	[sflag:s9] =	ssyncadd.s32 $0xFFFFE000  }
0x195: {  	_ =	swait.ge [sflag:s11], $0x2000  }
0x196: {  	[sflag:s11] =	ssyncset.done $0x0  }
0x197: {  	[sflag:s11] =	ssyncadd.s32 $0xFFFFE000  }
0x198: {  	_ =	swait.ge [sflag:s13], $0x2000  }
0x199: {  	[sflag:s13] =	ssyncset.done $0x0  }
0x19a: {  	[sflag:s13] =	ssyncadd.s32 $0xFFFFE000  }
0x19b: {  	_ =	swait.ge [sflag:s15], $0x2000  }
0x19c: {  	[sflag:s15] =	ssyncset.done $0x0  }
0x19d: {  	s20 =	simm.s32 $0x0;
	s22 =	rddreg [dreg:$0x13];
	[sflag:s15] =	ssyncadd.s32 $0xFFFFE000  }
0x19e: {  	[tilespmem:s20], [sflag:$0x9] =	stream.linear.gather [hbm4b:s22+s20], $0x1400, $0x38;
	[tilespmem:$0x1E800] =	vst v63  }
0x19f: {  	_ =	swait.ge [sflag:s26], $0x1400  }
0x1a0: {  	[sflag:s26] =	ssyncset.done $0x0  }
0x1a1: {  	s22 =	rddreg [dreg:$0x14];
	[sflag:s26] =	ssyncadd.s32 $0xFFFFEC00  }
0x1a2: {  	[tilespmem:s28], [sflag:$0x9] =	stream.linear.gather [hbm4b:s22+s20], $0x1400, $0x38;
	[tilespmem:$0x1E800] =	vst v63  }
0x1a3: {  	_ =	swait.ge [sflag:s26], $0x1400  }
0x1a4: {  	[sflag:s26] =	ssyncset.done $0x0  }
0x1a5: {  	[sflag:s26] =	ssyncadd.s32 $0xFFFFEC00  }
0x1a6: {  	[tilespmem:s25], [sflag:$0x1] =	stream.indirect.gather [hbm4b:s2+s29], $0x80, s20, s29, $0xb8;
	[tilespmem:$0x1E800] =	vst v63  }
0x1a7: {  	_ = 	snop  }
0x1a8: {  	[tilespmem:s31], [sflag:$0x2] =	stream.indirect.gather [hbm4b:s2+s29], $0x80, s30, s29, $0xb8;
	[tilespmem:$0x1E800] =	vst v63  }
0x1a9: {  	_ = 	snop  }
0x1aa: {  	[tilespmem:s1], [sflag:$0x3] =	stream.indirect.gather [hbm4b:s2+s29], $0x80, s0, s29, $0xb8;
	[tilespmem:$0x1E800] =	vst v63  }
0x1ab: {  	_ = 	snop  }
0x1ac: {  	[tilespmem:s7], [sflag:$0x4] =	stream.indirect.gather [hbm4b:s2+s29], $0x80, s6, s29, $0xb8;
	[tilespmem:$0x1E800] =	vst v63  }
0x1ad: {  	_ =	swait.ge [sflag:s8], $0x2000  }
0x1ae: {  	[sflag:s8] =	ssyncset.done $0x0  }
0x1af: {  	s22 =	simm.s32 $0x1400;
	[sflag:s8] =	ssyncadd.s32 $0xFFFFE000  }
0x1b0: {  	[spmem:s3] =	stream.indirect.scatter.add.f32 [tilespmem:s25], [sflag:$0x5], $0x80, s22, s29, $0xb8;
	[tilespmem:$0x1E800] =	vst v63  }
0x1b1: {  	_ =	swait.ge [sflag:s9], $0x2000  }
0x1b2: {  	[sflag:s9] =	ssyncset.done $0x0  }
0x1b3: {  	s21 =	simm.s32 $0x200;
	[sflag:s9] =	ssyncadd.s32 $0xFFFFE000  }
0x1b4: {  	[tilespmem:s25], [sflag:$0x1] =	stream.indirect.gather [hbm4b:s2+s29], $0x80, s21, s29, $0xb8;
	[tilespmem:$0x1E800] =	vst v63  }
0x1b5: {  	_ =	swait.ge [sflag:s10], $0x2000  }
0x1b6: {  	[sflag:s10] =	ssyncset.done $0x0  }
0x1b7: {  	s22 =	simm.s32 $0x1480;
	[sflag:s10] =	ssyncadd.s32 $0xFFFFE000  }
0x1b8: {  	[spmem:s3] =	stream.indirect.scatter.add.f32 [tilespmem:s31], [sflag:$0x6], $0x80, s22, s29, $0xb8;
	[tilespmem:$0x1E800] =	vst v63  }
0x1b9: {  	_ =	swait.ge [sflag:s11], $0x2000  }
0x1ba: {  	[sflag:s11] =	ssyncset.done $0x0  }
0x1bb: {  	s21 =	simm.s32 $0x280;
	[sflag:s11] =	ssyncadd.s32 $0xFFFFE000  }
0x1bc: {  	[tilespmem:s31], [sflag:$0x2] =	stream.indirect.gather [hbm4b:s2+s29], $0x80, s21, s29, $0xb8;
	[tilespmem:$0x1E800] =	vst v63  }
0x1bd: {  	_ =	swait.ge [sflag:s12], $0x2000  }
0x1be: {  	[sflag:s12] =	ssyncset.done $0x0  }
0x1bf: {  	s22 =	simm.s32 $0x1500;
	[sflag:s12] =	ssyncadd.s32 $0xFFFFE000  }
0x1c0: {  	[spmem:s3] =	stream.indirect.scatter.add.f32 [tilespmem:s1], [sflag:$0x7], $0x80, s22, s29, $0xb8;
	[tilespmem:$0x1E800] =	vst v63  }
0x1c1: {  	_ =	swait.ge [sflag:s13], $0x2000  }
0x1c2: {  	[sflag:s13] =	ssyncset.done $0x0  }
0x1c3: {  	s21 =	simm.s32 $0x300;
	[sflag:s13] =	ssyncadd.s32 $0xFFFFE000  }
0x1c4: {  	[tilespmem:s1], [sflag:$0x3] =	stream.indirect.gather [hbm4b:s2+s29], $0x80, s21, s29, $0xb8;
	[tilespmem:$0x1E800] =	vst v63  }
0x1c5: {  	_ =	swait.ge [sflag:s14], $0x2000  }
0x1c6: {  	[sflag:s14] =	ssyncset.done $0x0  }
0x1c7: {  	s22 =	simm.s32 $0x1580;
	[sflag:s14] =	ssyncadd.s32 $0xFFFFE000  }
0x1c8: {  	[spmem:s3] =	stream.indirect.scatter.add.f32 [tilespmem:s7], [sflag:$0x8], $0x80, s22, s29, $0xb8;
	[tilespmem:$0x1E800] =	vst v63  }
0x1c9: {  	_ =	swait.ge [sflag:s15], $0x2000  }
0x1ca: {  	[sflag:s15] =	ssyncset.done $0x0  }
0x1cb: {  	s20 =	simm.s32 $0x800;
	s21 =	simm.s32 $0x380;
	[sflag:s15] =	ssyncadd.s32 $0xFFFFE000  }
.LBB2_10:
0x1cc: {  	[tilespmem:s7], [sflag:$0x4] =	stream.indirect.gather [hbm4b:s2+s29], $0x80, s21, s29, $0xb8;
	[tilespmem:$0x1E800] =	vst v63  }
0x1cd: {  	s21 =	smov.u32 s20  }
0x1ce: {  	p0 =	sne.s32 s20, $0x4000;
	s20 =	sadd.s32 $0x800, s20;
	_ =	swait.ge [sflag:s8], $0x2000  }
0x1cf: {  	s21 =	sshra.s32 s21, $0x2;
	[sflag:s8] =	ssyncset.done $0x0  }
0x1d0: {  	s22 =	sadd.s32 $0x1400, s21;
	[sflag:s8] =	ssyncadd.s32 $0xFFFFE000  }
0x1d1: {  	[spmem:s3] =	stream.indirect.scatter.add.f32 [tilespmem:s25], [sflag:$0x5], $0x80, s22, s29, $0xb8;
	[tilespmem:$0x1E800] =	vst v63  }
0x1d2: {  	_ =	swait.ge [sflag:s9], $0x2000  }
0x1d3: {  	[sflag:s9] =	ssyncset.done $0x0  }
0x1d4: {  	s22 =	sadd.s32 $0x200, s21;
	[sflag:s9] =	ssyncadd.s32 $0xFFFFE000  }
0x1d5: {  	[tilespmem:s25], [sflag:$0x1] =	stream.indirect.gather [hbm4b:s2+s29], $0x80, s22, s29, $0xb8;
	[tilespmem:$0x1E800] =	vst v63  }
0x1d6: {  	_ =	swait.ge [sflag:s10], $0x2000  }
0x1d7: {  	[sflag:s10] =	ssyncset.done $0x0  }
0x1d8: {  	s22 =	sadd.s32 $0x1480, s21;
	[sflag:s10] =	ssyncadd.s32 $0xFFFFE000  }
0x1d9: {  	[spmem:s3] =	stream.indirect.scatter.add.f32 [tilespmem:s31], [sflag:$0x6], $0x80, s22, s29, $0xb8;
	[tilespmem:$0x1E800] =	vst v63  }
0x1da: {  	_ =	swait.ge [sflag:s11], $0x2000  }
0x1db: {  	[sflag:s11] =	ssyncset.done $0x0  }
0x1dc: {  	s22 =	sadd.s32 $0x280, s21;
	[sflag:s11] =	ssyncadd.s32 $0xFFFFE000  }
0x1dd: {  	[tilespmem:s31], [sflag:$0x2] =	stream.indirect.gather [hbm4b:s2+s29], $0x80, s22, s29, $0xb8;
	[tilespmem:$0x1E800] =	vst v63  }
0x1de: {  	_ =	swait.ge [sflag:s12], $0x2000  }
0x1df: {  	[sflag:s12] =	ssyncset.done $0x0  }
0x1e0: {  	s22 =	sadd.s32 $0x1500, s21;
	[sflag:s12] =	ssyncadd.s32 $0xFFFFE000  }
0x1e1: {  	[spmem:s3] =	stream.indirect.scatter.add.f32 [tilespmem:s1], [sflag:$0x7], $0x80, s22, s29, $0xb8;
	[tilespmem:$0x1E800] =	vst v63  }
0x1e2: {  	_ =	swait.ge [sflag:s13], $0x2000  }
0x1e3: {  	[sflag:s13] =	ssyncset.done $0x0  }
0x1e4: {  	s22 =	sadd.s32 $0x300, s21;
	[sflag:s13] =	ssyncadd.s32 $0xFFFFE000  }
0x1e5: {  	[tilespmem:s1], [sflag:$0x3] =	stream.indirect.gather [hbm4b:s2+s29], $0x80, s22, s29, $0xb8;
	[tilespmem:$0x1E800] =	vst v63  }
0x1e6: {  	_ =	swait.ge [sflag:s14], $0x2000  }
0x1e7: {  	[sflag:s14] =	ssyncset.done $0x0  }
.Ltmp4:
0x1e8: {  	s22 =	sadd.s32 $0x1580, s21;
	[sflag:s14] =	ssyncadd.s32 $0xFFFFE000;
	(pc) =	sbr.rel @p0 .LBB2_10-.Ltmp4, $4  }
0x1e9: {  	[spmem:s3] =	stream.indirect.scatter.add.f32 [tilespmem:s7], [sflag:$0x8], $0x80, s22, s29, $0xb8;
	[tilespmem:$0x1E800] =	vst v63  }
0x1ea: {  	_ =	swait.ge [sflag:s15], $0x2000  }
0x1eb: {  	[sflag:s15] =	ssyncset.done $0x0  }
0x1ec: {  	s21 =	sadd.s32 $0x380, s21;
	[sflag:s15] =	ssyncadd.s32 $0xFFFFE000  }
0x1ed: {  	[tilespmem:s7], [sflag:$0x4] =	stream.indirect.gather [hbm4b:s2+s29], $0x80, s21, s29, $0xb8;
	[tilespmem:$0x1E800] =	vst v63  }
0x1ee: {  	_ =	swait.ge [sflag:s8], $0x2000  }
0x1ef: {  	[sflag:s8] =	ssyncset.done $0x0  }
0x1f0: {  	[sflag:s8] =	ssyncadd.s32 $0xFFFFE000  }
0x1f1: {  	[spmem:s3] =	stream.indirect.scatter.add.f32 [tilespmem:s25], [sflag:$0x5], $0x80, s16, s29, $0xb8;
	[tilespmem:$0x1E800] =	vst v63  }
0x1f2: {  	_ =	swait.ge [sflag:s10], $0x2000  }
0x1f3: {  	[sflag:s10] =	ssyncset.done $0x0  }
0x1f4: {  	[sflag:s10] =	ssyncadd.s32 $0xFFFFE000  }
0x1f5: {  	[spmem:s3] =	stream.indirect.scatter.add.f32 [tilespmem:s31], [sflag:$0x6], $0x80, s17, s29, $0xb8;
	[tilespmem:$0x1E800] =	vst v63  }
0x1f6: {  	_ =	swait.ge [sflag:s12], $0x2000  }
0x1f7: {  	[sflag:s12] =	ssyncset.done $0x0  }
0x1f8: {  	[sflag:s12] =	ssyncadd.s32 $0xFFFFE000  }
0x1f9: {  	[spmem:s3] =	stream.indirect.scatter.add.f32 [tilespmem:s1], [sflag:$0x7], $0x80, s18, s29, $0xb8;
	[tilespmem:$0x1E800] =	vst v63  }
0x1fa: {  	_ =	swait.ge [sflag:s14], $0x2000  }
0x1fb: {  	[sflag:s14] =	ssyncset.done $0x0  }
0x1fc: {  	[sflag:s14] =	ssyncadd.s32 $0xFFFFE000  }
0x1fd: {  	[spmem:s3] =	stream.indirect.scatter.add.f32 [tilespmem:s7], [sflag:$0x8], $0x80, s19, s29, $0xb8;
	[tilespmem:$0x1E800] =	vst v63  }
0x1fe: {  	_ =	swait.ge [sflag:s9], $0x2000  }
0x1ff: {  	[sflag:s9] =	ssyncset.done $0x0  }
0x200: {  	[sflag:s9] =	ssyncadd.s32 $0xFFFFE000  }
0x201: {  	_ =	swait.ge [sflag:s11], $0x2000  }
0x202: {  	[sflag:s11] =	ssyncset.done $0x0  }
0x203: {  	[sflag:s11] =	ssyncadd.s32 $0xFFFFE000  }
0x204: {  	_ =	swait.ge [sflag:s13], $0x2000  }
0x205: {  	[sflag:s13] =	ssyncset.done $0x0  }
0x206: {  	[sflag:s13] =	ssyncadd.s32 $0xFFFFE000  }
0x207: {  	s20 =	stileid.u32;
	_ =	swait.ge [sflag:s15], $0x2000  }
0x208: {  	s22 =	sshrl.u32 s5, $0x3;
	s4 =	sadd.s32 $0x1, s4;
	[sflag:s15] =	ssyncset.done $0x0  }
0x209: {  	s20 =	sshll.u32 s20, $0x6;
	p0 =	sne.s32 s4, s24;
	[sflag:s15] =	ssyncadd.s32 $0xFFFFE000  }
.Ltmp5:
0x20a: {  	s20 =	sor.u32 $0x1C09, s20;
	[bflag:$0x0] =	sbarrier.arrive $0xFFFF;
	(pc) =	sbr.rel @p0 .LBB2_1-.Ltmp5, $4  }
0x20b: {  	[hbm:s23], [sflag:s20] =	dma.local [spmem:s22], $0x2800  }
0x20c: {  	_ =	swait.ge [sflag:s26], $0x2800  }
0x20d: {  	[sflag:s26] =	ssyncset.done $0x0  }
0x20e: {  	[sflag:s26] =	ssyncadd.s32 $0xFFFFD800  }
0x20f: {  	_ =	sfence.sel $0x180000  }
0x210: {  	[bflag:$0x0] =	sbarrier.arrive $0xFFFF  }
0x211: {  	_ =	strace $0x9000004A  }
0x212: {  	s0 =	stileid.u32;
	[bflag:$0x2] =	sbarrier.arrive $0xFFFF  }
0x213: {  	p0 =	sne.s32 s0, $0x0;
	s0 =	rddreg [dreg:$0x3]  }
0x214: {  	s0 =	sadd.s32 @!p0 $0x100000, s0  }
0x215: {  	[sflag:s0] =	ssyncadd.tile.s32 @!p0 $0x1;
	_ =	shalt  }
.Lfunc_end2:
_tile_overlayer_lowered:
.L_overlay_start_2:
0x216: {  	(tag) =	ssettag $0x2  }
0x217: {  	s0 =	rddreg [dreg:$0x0];
	s2 =	stileid.u32  }
0x218: {  	s1 =	rddreg [dreg:$0x1];
	p0 =	sne.s32 s2, $0x0  }
0x219: {  	s3 =	rddreg [dreg:$0x2];
	[bflag:$0x3] =	sbarrier.arrive $0xFFFF;
	s2 =	simm.s32 @!p0 $0x1C09  }
0x21a: {  	[timem:s3], [sflag:s2] =	dma.local @!p0 [hbm:s0], s1  }
0x21b: {  	s0 =	simm.s32 @!p0 $0x9  }
0x21c: {  	_ =	swait.ge @!p0 [sflag:s0], s1  }
0x21d: {  	s1 =	ssub.s32 @!p0 $0x0, s1;
	[sflag:s0] =	ssyncset.done @!p0 $0x0  }
0x21e: {  	[sflag:s0] =	ssyncadd.s32 @!p0 s1  }
0x21f: {  	[bflag:$0x3] =	sbarrier.arrive $0xFFFF  }
0x220: {  	_ =	shalt  }

</sc_bundles>
